<compile_context>
chip_gen: v7x
topology: tpu7x:2x2x1
jax: 0.10.2.dev20260603
libtpu: 0.0.44.dev20260713+nightly
codegen_flags: <defaults>
</compile_context>

<pallas_src>
import functools

import jax
import jax.numpy as jnp
import numpy as np
from jax import lax
from jax.experimental import pallas as pl
from jax.experimental.pallas import tpu as pltpu
from jax.experimental.pallas import tpu_sc as plsc

B, N = 128, 106
OUT_W = 512
UPSCALE = 4
STRIDE = 4
SIGMA = 2.0
RADIUS = int(SIGMA * 3)
KSIZE = 2 * RADIUS + 1

BL = 8
NH = N // 2
NL = 14
CHUNKS = (NH + NL - 1) // NL
NLAST = NH - NL * (CHUNKS - 1)

_GVALS = np.exp(-((np.arange(KSIZE) - RADIUS) ** 2.0) / (2.0 * SIGMA ** 2)).astype(np.float32)


def _sc_scatter_x(xpl, ypl):
    mesh = plsc.VectorSubcoreMesh(core_axis_name="c", subcore_axis_name="s")

    @functools.partial(
        pl.kernel,
        out_type=jax.ShapeDtypeStruct((N, B, OUT_W), jnp.float32),
        mesh=mesh,
        scratch_types=[
            pltpu.VMEM((2, NL, BL, OUT_W), jnp.float32),
            pltpu.VMEM((BL, N), jnp.float32),
            pltpu.VMEM((BL, N), jnp.float32),
            pltpu.SemaphoreType.DMA,
            pltpu.SemaphoreType.DMA,
        ],
        compiler_params=pltpu.CompilerParams(needs_layout_passes=False),
    )
    def k(x_hbm, y_hbm, out_x, buf, posv, othv, sem0, sem1):
        wid = lax.axis_index("s") * 2 + lax.axis_index("c")
        bg = lax.rem(wid, 16)
        b0 = bg * BL
        nbase = (wid // 16) * NH
        sems = (sem0, sem1)

        pltpu.sync_copy(x_hbm.at[pl.ds(b0, BL)], posv)
        pltpu.sync_copy(y_hbm.at[pl.ds(b0, BL)], othv)

        zeros16 = jnp.zeros((16,), jnp.float32)

        def zero_half(sl):
            def zbody(i, c):
                nl = i // BL
                bl = i - nl * BL
                for cc in range(OUT_W // 16):
                    buf[sl, nl, bl, pl.ds(cc * 16, 16)] = zeros16
                return c
            lax.fori_loop(0, NL * BL, zbody, 0)

        lanes = lax.iota(jnp.int32, 16)
        lane_hi = lanes >> 3
        lane_bl = lanes & 7
        gvecs = [jnp.full((16,), float(v), jnp.float32) for v in _GVALS]
        zvecs = [zeros16] * KSIZE

        def scatter_chunk(ci, slot, vals):
            nloc0 = ci * NL
            slotv = jnp.full((16,), slot, jnp.int32)

            def gbody(g, c):
                nlv = lane_hi + 2 * g
                nloc = nloc0 + nlv
                nv = nbase + nloc
                inb = nv < N
                p = plsc.load_gather(posv, [lane_bl, nv],
                                     mask=inb).astype(jnp.int32)
                o = plsc.load_gather(othv, [lane_bl, nv],
                                     mask=inb).astype(jnp.int32)
                ul = p - RADIUS
                br = p + RADIUS + 1
                ulo = o - RADIUS
                bro = o + RADIUS + 1
                in_ul = (ul >= 0) & (ul <= OUT_W) & (ulo >= 0) & (ulo <= OUT_W)
                in_br = (br >= 0) & (br <= OUT_W) & (bro >= 0) & (bro <= OUT_W)
                valid = (in_ul | in_br) & (nloc < NH)
                for j in range(KSIZE):
                    col = ul + j
                    m = valid & (col >= 0) & (col < OUT_W)
                    plsc.store_scatter(buf, [slotv, nlv, lane_bl, col],
                                       vals[j], mask=m)
                return c

            lax.fori_loop(0, NL * BL // 16, gbody, 0)

        def issue(ci, slot):
            n0 = nbase + ci * NL
            for sl in range(2):
                @pl.when((slot == sl) & (ci < CHUNKS - 1))
                def _d(sl=sl):
                    pltpu.async_copy(
                        buf.at[sl],
                        out_x.at[pl.ds(n0, NL), pl.ds(b0, BL)],
                        sems[sl])

            @pl.when(ci == CHUNKS - 1)
            def _dl():
                pltpu.async_copy(
                    buf.at[1, pl.ds(0, NLAST)],
                    out_x.at[pl.ds(n0, NLAST), pl.ds(b0, BL)],
                    sem1)

        zero_half(0)
        scatter_chunk(0, 0, gvecs)
        issue(0, 0)
        zero_half(1)

        def body(ci, c):
            slot = lax.rem(ci, 2)

            @pl.when(ci >= 2)
            def _drain_and_restore():
                for sl in range(2):
                    @pl.when(slot == sl)
                    def _w(sl=sl):
                        pltpu.make_async_copy(
                            buf.at[sl],
                            out_x.at[pl.ds(0, NL), pl.ds(0, BL)],
                            sems[sl]).wait()

                scatter_chunk(ci - 2, slot, zvecs)

            scatter_chunk(ci, slot, gvecs)
            issue(ci, slot)
            return c

        lax.fori_loop(1, CHUNKS, body, 0)

        pltpu.make_async_copy(
            buf.at[0], out_x.at[pl.ds(0, NL), pl.ds(0, BL)], sem0).wait()
        pltpu.make_async_copy(
            buf.at[1, pl.ds(0, NLAST)],
            out_x.at[pl.ds(0, NLAST), pl.ds(0, BL)], sem1).wait()

    return k(xpl, ypl)


def _tc_dense_y_body(x_ref, y_ref, o_ref):
    wio = lax.broadcasted_iota(jnp.int32, (8, OUT_W), 1).astype(jnp.float32)
    xi = x_ref[...].astype(jnp.int32)
    yi = y_ref[...].astype(jnp.int32)
    ulx = xi - RADIUS
    uly = yi - RADIUS
    brx = xi + RADIUS + 1
    bry = yi + RADIUS + 1
    in_ul = (ulx >= 0) & (ulx <= OUT_W) & (uly >= 0) & (uly <= OUT_W)
    in_br = (brx >= 0) & (brx <= OUT_W) & (bry >= 0) & (bry <= OUT_W)
    valid = in_ul | in_br
    centers = jnp.where(valid, yi, -30000).astype(jnp.float32)
    for nn in range(N):
        d = wio - centers[:, nn:nn + 1]
        t = d * d
        val = jnp.exp(t * (-1.0 / (2.0 * SIGMA ** 2)))
        o_ref[nn] = jnp.where(t <= float(RADIUS * RADIUS), val, 0.0)


def _tc_dense_y(xpl, ypl):
    return pl.pallas_call(
        _tc_dense_y_body,
        out_shape=jax.ShapeDtypeStruct((N, B, OUT_W), jnp.float32),
        grid=(B // 8,),
        in_specs=[
            pl.BlockSpec((8, N), lambda j: (j, 0)),
            pl.BlockSpec((8, N), lambda j: (j, 0)),
        ],
        out_specs=pl.BlockSpec((N, 8, OUT_W), lambda j: (0, j, 0)),
    )(xpl, ypl)


def kernel(lmks):
    lm_scaled = lmks * UPSCALE / STRIDE
    xpl = lm_scaled[..., 0]
    ypl = lm_scaled[..., 1]
    ox = _sc_scatter_x(xpl, ypl)
    oy = _tc_dense_y(xpl, ypl)
    return ox.transpose(1, 0, 2), oy.transpose(1, 0, 2)

# --- scband reference (transcript-rebuilt; emitter-appended) ---
"""Pipeline reference for scband-gaussian-vector-16020228014569 (READ-ONLY COPY).

The authoritative reference and input builder live on the scoring server;
editing this copy changes nothing except your own understanding.
"""

import jax, jax.numpy as jnp
import numpy as np

B, N = 128, 106
IN_H, IN_W = 512, 512
UPSCALE = 4
STRIDE = 4
OUT_H = int(IN_H * UPSCALE / STRIDE)
OUT_W = int(IN_W * UPSCALE / STRIDE)
SIGMA = 2.0
RADIUS = int(SIGMA * 3)
KSIZE = 2 * RADIUS + 1
CENTER = KSIZE // 2


def setup_inputs(seed: int = 0) -> dict:
    key = jax.random.key(seed)
    # landmark pixel coordinates in the input image, stored as float32
    lmks = jax.random.randint(key, (B, N, 2), 0, IN_W).astype(jnp.float32)
    return {"lmks": lmks}


def _gaussian_clip():
    g = jnp.exp(-((jnp.arange(KSIZE, dtype=jnp.float32) - CENTER) ** 2) / (2.0 * SIGMA ** 2))
    # heighten_peak = False, so no peak boost
    return g


def _forward(lmks):
    g = _gaussian_clip()
    # lmks -> output-grid integer coords (non-differentiable cast, as in original)
    l = jax.lax.stop_gradient(lmks * UPSCALE / STRIDE).astype(jnp.int32)
    x = l[..., 0]
    y = l[..., 1]
    ulx = x - RADIUS
    uly = y - RADIUS
    brx = x + RADIUS + 1
    bry = y + RADIUS + 1

    def in_img(px, py):
        # original is_point_in_img: inside iff 0 <= px <= W and 0 <= py <= H
        return jnp.logical_not((px < 0) | (px > OUT_W) | (py < 0) | (py > OUT_H))

    # original: if BOTH ul and br are out of image -> all zeros for this landmark
    valid = in_img(ulx, uly) | in_img(brx, bry)

    # scatter gaussian window into x-vector: vector_x[b,n,w] = g[w - ulx] for w in [max(0,ulx), min(W,brx))
    w_idx = jnp.arange(OUT_W)
    relx = w_idx[None, None, :] - ulx[..., None]            # [B, N, OUT_W]
    maskx = (relx >= 0) & (relx < KSIZE) & valid[..., None]
    vector_x = jnp.where(maskx, g[jnp.clip(relx, 0, KSIZE - 1)], 0.0)

    h_idx = jnp.arange(OUT_H)
    rely = h_idx[None, None, :] - uly[..., None]            # [B, N, OUT_H]
    masky = (rely >= 0) & (rely < KSIZE) & valid[..., None]
    vector_y = jnp.where(masky, g[jnp.clip(rely, 0, KSIZE - 1)], 0.0)

    return vector_x, vector_y


def reference(lmks):
    return _forward(lmks)

if __name__ == "__main__":
    import jax
    _d = setup_inputs()
    print(jax.jit(kernel)(*tuple(_d.values())))

</pallas_src>

<mosaic_0001>
#map = affine_map<(d0, d1) -> (0, 0)>
#map1 = affine_map<(d0, d1) -> (0, 0, 0)>
module attributes {stable_mosaic.version = 14 : i64} {
  func.func @k(%arg0: i32, %arg1: i32, %arg2: memref<128x106xf32, #tpu.memory_space<hbm>>, %arg3: memref<128x106xf32, #tpu.memory_space<hbm>>, %arg4: memref<106x128x512xf32, #tpu.memory_space<hbm>>, %arg5: memref<2x14x8x512xf32, #tpu.memory_space<vmem>>, %arg6: memref<8x106xf32, #tpu.memory_space<vmem>>, %arg7: memref<8x106xf32, #tpu.memory_space<vmem>>, %arg8: memref<!tpu.dma_semaphore, #tpu.memory_space<semaphore_mem>>, %arg9: memref<!tpu.dma_semaphore, #tpu.memory_space<semaphore_mem>>) attributes {dimension_semantics = [#tpu.dimension_semantics<core_parallel>, #tpu.dimension_semantics<subcore_parallel>], iteration_bounds = array<i64: 2, 16>, scalar_prefetch = 0 : i64, scratch_operands = 5 : i64, tpu.core_type = #tpu.core_type<sc_vector_subcore>, window_params = [{transform_indices = #map}, {transform_indices = #map}, {transform_indices = #map1}]} {
    %mul3A = arith.constant 2 : i32
    %mul3A_0 = arith.muli %arg1, %mul3A : i32
    %add3A = arith.addi %mul3A_0, %arg0 : i32
    %rem3A = arith.constant 16 : i32
    %rem3A_1 = arith.remsi %add3A, %rem3A : i32
    %mul3A_2 = arith.constant 8 : i32
    %mul3A_3 = arith.muli %rem3A_1, %mul3A_2 : i32
    %jit3A = arith.constant 16 : i32
    %div3A = arith.divsi %add3A, %jit3A : i32
    %sign3A = arith.constant 0 : i32
    %sign3A_4 = arith.cmpi sgt, %add3A, %sign3A : i32
    %sign3A_5 = arith.extui %sign3A_4 : i1 to i32
    %sign3A_6 = arith.constant 0 : i32
    %sign3A_7 = arith.cmpi slt, %add3A, %sign3A_6 : i32
    %sign3A_8 = arith.extui %sign3A_7 : i1 to i32
    %sign3A_9 = arith.subi %sign3A_5, %sign3A_8 : i32
    %sign3A_10 = arith.constant 0 : i32
    %sign3A_11 = arith.cmpi sgt, %jit3A, %sign3A_10 : i32
    %sign3A_12 = arith.extui %sign3A_11 : i1 to i32
    %sign3A_13 = arith.constant 0 : i32
    %sign3A_14 = arith.cmpi slt, %jit3A, %sign3A_13 : i32
    %sign3A_15 = arith.extui %sign3A_14 : i1 to i32
    %sign3A_16 = arith.subi %sign3A_12, %sign3A_15 : i32
    %ne3A = arith.cmpi ne, %sign3A_9, %sign3A_16 : i32
    %rem3A_17 = arith.remsi %add3A, %jit3A : i32
    %ne3A_18 = arith.constant 0 : i32
    %ne3A_19 = arith.cmpi ne, %rem3A_17, %ne3A_18 : i32
    %and3A = arith.andi %ne3A, %ne3A_19 : i1
    %sub3A = arith.constant 1 : i32
    %sub3A_20 = arith.subi %div3A, %sub3A : i32
    %select_n3A = arith.select %and3A, %sub3A_20, %div3A : i32
    %mul3A_21 = arith.constant 53 : i32
    %mul3A_22 = arith.muli %select_n3A, %mul3A_21 : i32
    "tpu.region"() ({
      %run_scoped3A = tpu.sem_alloc : memref<!tpu.dma_semaphore, #tpu.memory_space<semaphore_mem>>
      %dma_start3A_133 = arith.constant 0 : i32
      %dma_start3A_134 = tpu.memref_slice %arg2[%mul3A_3, %dma_start3A_133] : memref<128x106xf32, #tpu.memory_space<hbm>> -> memref<8x106xf32, #tpu.memory_space<hbm>>
      %dma_start3A_135 = arith.constant 0 : i32
      %dma_start3A_136 = tpu.memref_slice %arg2[%mul3A_3, %dma_start3A_135] : memref<128x106xf32, #tpu.memory_space<hbm>> -> memref<8x106xf32, #tpu.memory_space<hbm>>
      tpu.enqueue_dma source(%dma_start3A_136 : memref<8x106xf32, #tpu.memory_space<hbm>>) target(%arg6 : memref<8x106xf32, #tpu.memory_space<vmem>>) target_semaphore(%run_scoped3A : memref<!tpu.dma_semaphore, #tpu.memory_space<semaphore_mem>>)
      %dma_wait3A_137 = arith.constant 0 : i32
      %dma_wait3A_138 = tpu.memref_slice %arg2[%mul3A_3, %dma_wait3A_137] : memref<128x106xf32, #tpu.memory_space<hbm>> -> memref<8x106xf32, #tpu.memory_space<hbm>>
      %dma_wait3A_139 = arith.constant 0 : i32
      %dma_wait3A_140 = tpu.memref_slice %arg2[%mul3A_3, %dma_wait3A_139] : memref<128x106xf32, #tpu.memory_space<hbm>> -> memref<8x106xf32, #tpu.memory_space<hbm>>
      tpu.wait_dma2 semaphore(%run_scoped3A : memref<!tpu.dma_semaphore, #tpu.memory_space<semaphore_mem>>) src(%dma_wait3A_140 : memref<8x106xf32, #tpu.memory_space<hbm>>) dst(%arg6 : memref<8x106xf32, #tpu.memory_space<vmem>>)
      tpu.yield
    }) : () -> ()
    "tpu.region"() ({
      %run_scoped3A = tpu.sem_alloc : memref<!tpu.dma_semaphore, #tpu.memory_space<semaphore_mem>>
      %dma_start3A_133 = arith.constant 0 : i32
      %dma_start3A_134 = tpu.memref_slice %arg3[%mul3A_3, %dma_start3A_133] : memref<128x106xf32, #tpu.memory_space<hbm>> -> memref<8x106xf32, #tpu.memory_space<hbm>>
      %dma_start3A_135 = arith.constant 0 : i32
      %dma_start3A_136 = tpu.memref_slice %arg3[%mul3A_3, %dma_start3A_135] : memref<128x106xf32, #tpu.memory_space<hbm>> -> memref<8x106xf32, #tpu.memory_space<hbm>>
      tpu.enqueue_dma source(%dma_start3A_136 : memref<8x106xf32, #tpu.memory_space<hbm>>) target(%arg7 : memref<8x106xf32, #tpu.memory_space<vmem>>) target_semaphore(%run_scoped3A : memref<!tpu.dma_semaphore, #tpu.memory_space<semaphore_mem>>)
      %dma_wait3A_137 = arith.constant 0 : i32
      %dma_wait3A_138 = tpu.memref_slice %arg3[%mul3A_3, %dma_wait3A_137] : memref<128x106xf32, #tpu.memory_space<hbm>> -> memref<8x106xf32, #tpu.memory_space<hbm>>
      %dma_wait3A_139 = arith.constant 0 : i32
      %dma_wait3A_140 = tpu.memref_slice %arg3[%mul3A_3, %dma_wait3A_139] : memref<128x106xf32, #tpu.memory_space<hbm>> -> memref<8x106xf32, #tpu.memory_space<hbm>>
      tpu.wait_dma2 semaphore(%run_scoped3A : memref<!tpu.dma_semaphore, #tpu.memory_space<semaphore_mem>>) src(%dma_wait3A_140 : memref<8x106xf32, #tpu.memory_space<hbm>>) dst(%arg7 : memref<8x106xf32, #tpu.memory_space<vmem>>)
      tpu.yield
    }) : () -> ()
    %broadcast_in_dim3A = arith.constant 0.000000e+00 : f32
    %broadcast_in_dim3A_23 = vector.broadcast %broadcast_in_dim3A : f32 to vector<16xf32>
    %iota3A = tpu.iota {dimensions = array<i32: 0>} : vector<16xi32>
    %shift_right_arithmetic3A = arith.constant 3 : i32
    %shift_right_arithmetic3A_24 = vector.broadcast %shift_right_arithmetic3A : i32 to vector<16xi32>
    %shift_right_arithmetic3A_25 = arith.shrsi %iota3A, %shift_right_arithmetic3A_24 : vector<16xi32>
    %and3A_26 = arith.constant 7 : i32
    %and3A_27 = vector.broadcast %and3A_26 : i32 to vector<16xi32>
    %and3A_28 = arith.andi %iota3A, %and3A_27 : vector<16xi32>
    %broadcast_in_dim3A_29 = arith.constant 0.0111089963 : f32
    %broadcast_in_dim3A_30 = vector.broadcast %broadcast_in_dim3A_29 : f32 to vector<16xf32>
    %broadcast_in_dim3A_31 = arith.constant 0.0439369343 : f32
    %broadcast_in_dim3A_32 = vector.broadcast %broadcast_in_dim3A_31 : f32 to vector<16xf32>
    %broadcast_in_dim3A_33 = arith.constant 0.135335281 : f32
    %broadcast_in_dim3A_34 = vector.broadcast %broadcast_in_dim3A_33 : f32 to vector<16xf32>
    %broadcast_in_dim3A_35 = arith.constant 0.324652463 : f32
    %broadcast_in_dim3A_36 = vector.broadcast %broadcast_in_dim3A_35 : f32 to vector<16xf32>
    %broadcast_in_dim3A_37 = arith.constant 0.606530666 : f32
    %broadcast_in_dim3A_38 = vector.broadcast %broadcast_in_dim3A_37 : f32 to vector<16xf32>
    %broadcast_in_dim3A_39 = arith.constant 0.882496893 : f32
    %broadcast_in_dim3A_40 = vector.broadcast %broadcast_in_dim3A_39 : f32 to vector<16xf32>
    %broadcast_in_dim3A_41 = arith.constant 1.000000e+00 : f32
    %broadcast_in_dim3A_42 = vector.broadcast %broadcast_in_dim3A_41 : f32 to vector<16xf32>
    %broadcast_in_dim3A_43 = arith.constant 0.882496893 : f32
    %broadcast_in_dim3A_44 = vector.broadcast %broadcast_in_dim3A_43 : f32 to vector<16xf32>
    %broadcast_in_dim3A_45 = arith.constant 0.606530666 : f32
    %broadcast_in_dim3A_46 = vector.broadcast %broadcast_in_dim3A_45 : f32 to vector<16xf32>
    %broadcast_in_dim3A_47 = arith.constant 0.324652463 : f32
    %broadcast_in_dim3A_48 = vector.broadcast %broadcast_in_dim3A_47 : f32 to vector<16xf32>
    %broadcast_in_dim3A_49 = arith.constant 0.135335281 : f32
    %broadcast_in_dim3A_50 = vector.broadcast %broadcast_in_dim3A_49 : f32 to vector<16xf32>
    %broadcast_in_dim3A_51 = arith.constant 0.0439369343 : f32
    %broadcast_in_dim3A_52 = vector.broadcast %broadcast_in_dim3A_51 : f32 to vector<16xf32>
    %broadcast_in_dim3A_53 = arith.constant 0.0111089963 : f32
    %broadcast_in_dim3A_54 = vector.broadcast %broadcast_in_dim3A_53 : f32 to vector<16xf32>
    %scan3A = arith.constant 0 : i32
    %scan3A_55 = arith.constant 0 : i32
    %scan3A_56 = arith.constant 112 : i32
    %scan3A_57 = arith.addi %scan3A_55, %scan3A_56 : i32
    %scan3A_58 = arith.constant 1 : i32
    scf.for %scan3A_133 = %scan3A_55 to %scan3A_57 step %scan3A_58  : i32 {
      %jit3A_134 = arith.constant 8 : i32
      %div3A_135 = arith.divsi %scan3A_133, %jit3A_134 : i32
      %sign3A_136 = arith.constant 0 : i32
      %sign3A_137 = arith.cmpi sgt, %scan3A_133, %sign3A_136 : i32
      %sign3A_138 = arith.extui %sign3A_137 : i1 to i32
      %sign3A_139 = arith.constant 0 : i32
      %sign3A_140 = arith.cmpi slt, %scan3A_133, %sign3A_139 : i32
      %sign3A_141 = arith.extui %sign3A_140 : i1 to i32
      %sign3A_142 = arith.subi %sign3A_138, %sign3A_141 : i32
      %sign3A_143 = arith.constant 0 : i32
      %sign3A_144 = arith.cmpi sgt, %jit3A_134, %sign3A_143 : i32
      %sign3A_145 = arith.extui %sign3A_144 : i1 to i32
      %sign3A_146 = arith.constant 0 : i32
      %sign3A_147 = arith.cmpi slt, %jit3A_134, %sign3A_146 : i32
      %sign3A_148 = arith.extui %sign3A_147 : i1 to i32
      %sign3A_149 = arith.subi %sign3A_145, %sign3A_148 : i32
      %ne3A_150 = arith.cmpi ne, %sign3A_142, %sign3A_149 : i32
      %rem3A_151 = arith.remsi %scan3A_133, %jit3A_134 : i32
      %ne3A_152 = arith.constant 0 : i32
      %ne3A_153 = arith.cmpi ne, %rem3A_151, %ne3A_152 : i32
      %and3A_154 = arith.andi %ne3A_150, %ne3A_153 : i1
      %sub3A_155 = arith.constant 1 : i32
      %sub3A_156 = arith.subi %div3A_135, %sub3A_155 : i32
      %select_n3A_157 = arith.select %and3A_154, %sub3A_156, %div3A_135 : i32
      %mul3A_158 = arith.constant 8 : i32
      %mul3A_159 = arith.muli %select_n3A_157, %mul3A_158 : i32
      %sub3A_160 = arith.subi %scan3A_133, %mul3A_159 : i32
      %swap3A = arith.constant 0 : i32
      %swap3A_161 = arith.index_cast %swap3A : i32 to index
      %swap3A_162 = arith.index_cast %select_n3A_157 : i32 to index
      %swap3A_163 = arith.index_cast %sub3A_160 : i32 to index
      %swap3A_164 = arith.constant 0 : index
      %swap3A_165 = tpu.vector_load %arg5[%swap3A_161, %swap3A_162, %swap3A_163, %swap3A_164] {strides = array<i32>} : memref<2x14x8x512xf32, #tpu.memory_space<vmem>>, vector<16xf32>,
      tpu.vector_store %arg5[%swap3A_161, %swap3A_162, %swap3A_163, %swap3A_164], %broadcast_in_dim3A_23 {strides = array<i32>} : memref<2x14x8x512xf32, #tpu.memory_space<vmem>>, vector<16xf32>,
      %swap3A_166 = arith.constant 0 : i32
      %swap3A_167 = arith.index_cast %swap3A_166 : i32 to index
      %swap3A_168 = arith.index_cast %select_n3A_157 : i32 to index
      %swap3A_169 = arith.index_cast %sub3A_160 : i32 to index
      %swap3A_170 = arith.constant 16 : index
      %swap3A_171 = tpu.vector_load %arg5[%swap3A_167, %swap3A_168, %swap3A_169, %swap3A_170] {strides = array<i32>} : memref<2x14x8x512xf32, #tpu.memory_space<vmem>>, vector<16xf32>,
      tpu.vector_store %arg5[%swap3A_167, %swap3A_168, %swap3A_169, %swap3A_170], %broadcast_in_dim3A_23 {strides = array<i32>} : memref<2x14x8x512xf32, #tpu.memory_space<vmem>>, vector<16xf32>,
      %swap3A_172 = arith.constant 0 : i32
      %swap3A_173 = arith.index_cast %swap3A_172 : i32 to index
      %swap3A_174 = arith.index_cast %select_n3A_157 : i32 to index
      %swap3A_175 = arith.index_cast %sub3A_160 : i32 to index
      %swap3A_176 = arith.constant 32 : index
      %swap3A_177 = tpu.vector_load %arg5[%swap3A_173, %swap3A_174, %swap3A_175, %swap3A_176] {strides = array<i32>} : memref<2x14x8x512xf32, #tpu.memory_space<vmem>>, vector<16xf32>,
      tpu.vector_store %arg5[%swap3A_173, %swap3A_174, %swap3A_175, %swap3A_176], %broadcast_in_dim3A_23 {strides = array<i32>} : memref<2x14x8x512xf32, #tpu.memory_space<vmem>>, vector<16xf32>,
      %swap3A_178 = arith.constant 0 : i32
      %swap3A_179 = arith.index_cast %swap3A_178 : i32 to index
      %swap3A_180 = arith.index_cast %select_n3A_157 : i32 to index
      %swap3A_181 = arith.index_cast %sub3A_160 : i32 to index
      %swap3A_182 = arith.constant 48 : index
      %swap3A_183 = tpu.vector_load %arg5[%swap3A_179, %swap3A_180, %swap3A_181, %swap3A_182] {strides = array<i32>} : memref<2x14x8x512xf32, #tpu.memory_space<vmem>>, vector<16xf32>,
      tpu.vector_store %arg5[%swap3A_179, %swap3A_180, %swap3A_181, %swap3A_182], %broadcast_in_dim3A_23 {strides = array<i32>} : memref<2x14x8x512xf32, #tpu.memory_space<vmem>>, vector<16xf32>,
      %swap3A_184 = arith.constant 0 : i32
      %swap3A_185 = arith.index_cast %swap3A_184 : i32 to index
      %swap3A_186 = arith.index_cast %select_n3A_157 : i32 to index
      %swap3A_187 = arith.index_cast %sub3A_160 : i32 to index
      %swap3A_188 = arith.constant 64 : index
      %swap3A_189 = tpu.vector_load %arg5[%swap3A_185, %swap3A_186, %swap3A_187, %swap3A_188] {strides = array<i32>} : memref<2x14x8x512xf32, #tpu.memory_space<vmem>>, vector<16xf32>,
      tpu.vector_store %arg5[%swap3A_185, %swap3A_186, %swap3A_187, %swap3A_188], %broadcast_in_dim3A_23 {strides = array<i32>} : memref<2x14x8x512xf32, #tpu.memory_space<vmem>>, vector<16xf32>,
      %swap3A_190 = arith.constant 0 : i32
      %swap3A_191 = arith.index_cast %swap3A_190 : i32 to index
      %swap3A_192 = arith.index_cast %select_n3A_157 : i32 to index
      %swap3A_193 = arith.index_cast %sub3A_160 : i32 to index
      %swap3A_194 = arith.constant 80 : index
      %swap3A_195 = tpu.vector_load %arg5[%swap3A_191, %swap3A_192, %swap3A_193, %swap3A_194] {strides = array<i32>} : memref<2x14x8x512xf32, #tpu.memory_space<vmem>>, vector<16xf32>,
      tpu.vector_store %arg5[%swap3A_191, %swap3A_192, %swap3A_193, %swap3A_194], %broadcast_in_dim3A_23 {strides = array<i32>} : memref<2x14x8x512xf32, #tpu.memory_space<vmem>>, vector<16xf32>,
      %swap3A_196 = arith.constant 0 : i32
      %swap3A_197 = arith.index_cast %swap3A_196 : i32 to index
      %swap3A_198 = arith.index_cast %select_n3A_157 : i32 to index
      %swap3A_199 = arith.index_cast %sub3A_160 : i32 to index
      %swap3A_200 = arith.constant 96 : index
      %swap3A_201 = tpu.vector_load %arg5[%swap3A_197, %swap3A_198, %swap3A_199, %swap3A_200] {strides = array<i32>} : memref<2x14x8x512xf32, #tpu.memory_space<vmem>>, vector<16xf32>,
      tpu.vector_store %arg5[%swap3A_197, %swap3A_198, %swap3A_199, %swap3A_200], %broadcast_in_dim3A_23 {strides = array<i32>} : memref<2x14x8x512xf32, #tpu.memory_space<vmem>>, vector<16xf32>,
      %swap3A_202 = arith.constant 0 : i32
      %swap3A_203 = arith.index_cast %swap3A_202 : i32 to index
      %swap3A_204 = arith.index_cast %select_n3A_157 : i32 to index
      %swap3A_205 = arith.index_cast %sub3A_160 : i32 to index
      %swap3A_206 = arith.constant 112 : index
      %swap3A_207 = tpu.vector_load %arg5[%swap3A_203, %swap3A_204, %swap3A_205, %swap3A_206] {strides = array<i32>} : memref<2x14x8x512xf32, #tpu.memory_space<vmem>>, vector<16xf32>,
      tpu.vector_store %arg5[%swap3A_203, %swap3A_204, %swap3A_205, %swap3A_206], %broadcast_in_dim3A_23 {strides = array<i32>} : memref<2x14x8x512xf32, #tpu.memory_space<vmem>>, vector<16xf32>,
      %swap3A_208 = arith.constant 0 : i32
      %swap3A_209 = arith.index_cast %swap3A_208 : i32 to index
      %swap3A_210 = arith.index_cast %select_n3A_157 : i32 to index
      %swap3A_211 = arith.index_cast %sub3A_160 : i32 to index
      %swap3A_212 = arith.constant 128 : index
      %swap3A_213 = tpu.vector_load %arg5[%swap3A_209, %swap3A_210, %swap3A_211, %swap3A_212] {strides = array<i32>} : memref<2x14x8x512xf32, #tpu.memory_space<vmem>>, vector<16xf32>,
      tpu.vector_store %arg5[%swap3A_209, %swap3A_210, %swap3A_211, %swap3A_212], %broadcast_in_dim3A_23 {strides = array<i32>} : memref<2x14x8x512xf32, #tpu.memory_space<vmem>>, vector<16xf32>,
      %swap3A_214 = arith.constant 0 : i32
      %swap3A_215 = arith.index_cast %swap3A_214 : i32 to index
      %swap3A_216 = arith.index_cast %select_n3A_157 : i32 to index
      %swap3A_217 = arith.index_cast %sub3A_160 : i32 to index
      %swap3A_218 = arith.constant 144 : index
      %swap3A_219 = tpu.vector_load %arg5[%swap3A_215, %swap3A_216, %swap3A_217, %swap3A_218] {strides = array<i32>} : memref<2x14x8x512xf32, #tpu.memory_space<vmem>>, vector<16xf32>,
      tpu.vector_store %arg5[%swap3A_215, %swap3A_216, %swap3A_217, %swap3A_218], %broadcast_in_dim3A_23 {strides = array<i32>} : memref<2x14x8x512xf32, #tpu.memory_space<vmem>>, vector<16xf32>,
      %swap3A_220 = arith.constant 0 : i32
      %swap3A_221 = arith.index_cast %swap3A_220 : i32 to index
      %swap3A_222 = arith.index_cast %select_n3A_157 : i32 to index
      %swap3A_223 = arith.index_cast %sub3A_160 : i32 to index
      %swap3A_224 = arith.constant 160 : index
      %swap3A_225 = tpu.vector_load %arg5[%swap3A_221, %swap3A_222, %swap3A_223, %swap3A_224] {strides = array<i32>} : memref<2x14x8x512xf32, #tpu.memory_space<vmem>>, vector<16xf32>,
      tpu.vector_store %arg5[%swap3A_221, %swap3A_222, %swap3A_223, %swap3A_224], %broadcast_in_dim3A_23 {strides = array<i32>} : memref<2x14x8x512xf32, #tpu.memory_space<vmem>>, vector<16xf32>,
      %swap3A_226 = arith.constant 0 : i32
      %swap3A_227 = arith.index_cast %swap3A_226 : i32 to index
      %swap3A_228 = arith.index_cast %select_n3A_157 : i32 to index
      %swap3A_229 = arith.index_cast %sub3A_160 : i32 to index
      %swap3A_230 = arith.constant 176 : index
      %swap3A_231 = tpu.vector_load %arg5[%swap3A_227, %swap3A_228, %swap3A_229, %swap3A_230] {strides = array<i32>} : memref<2x14x8x512xf32, #tpu.memory_space<vmem>>, vector<16xf32>,
      tpu.vector_store %arg5[%swap3A_227, %swap3A_228, %swap3A_229, %swap3A_230], %broadcast_in_dim3A_23 {strides = array<i32>} : memref<2x14x8x512xf32, #tpu.memory_space<vmem>>, vector<16xf32>,
      %swap3A_232 = arith.constant 0 : i32
      %swap3A_233 = arith.index_cast %swap3A_232 : i32 to index
      %swap3A_234 = arith.index_cast %select_n3A_157 : i32 to index
      %swap3A_235 = arith.index_cast %sub3A_160 : i32 to index
      %swap3A_236 = arith.constant 192 : index
      %swap3A_237 = tpu.vector_load %arg5[%swap3A_233, %swap3A_234, %swap3A_235, %swap3A_236] {strides = array<i32>} : memref<2x14x8x512xf32, #tpu.memory_space<vmem>>, vector<16xf32>,
      tpu.vector_store %arg5[%swap3A_233, %swap3A_234, %swap3A_235, %swap3A_236], %broadcast_in_dim3A_23 {strides = array<i32>} : memref<2x14x8x512xf32, #tpu.memory_space<vmem>>, vector<16xf32>,
      %swap3A_238 = arith.constant 0 : i32
      %swap3A_239 = arith.index_cast %swap3A_238 : i32 to index
      %swap3A_240 = arith.index_cast %select_n3A_157 : i32 to index
      %swap3A_241 = arith.index_cast %sub3A_160 : i32 to index
      %swap3A_242 = arith.constant 208 : index
      %swap3A_243 = tpu.vector_load %arg5[%swap3A_239, %swap3A_240, %swap3A_241, %swap3A_242] {strides = array<i32>} : memref<2x14x8x512xf32, #tpu.memory_space<vmem>>, vector<16xf32>,
      tpu.vector_store %arg5[%swap3A_239, %swap3A_240, %swap3A_241, %swap3A_242], %broadcast_in_dim3A_23 {strides = array<i32>} : memref<2x14x8x512xf32, #tpu.memory_space<vmem>>, vector<16xf32>,
      %swap3A_244 = arith.constant 0 : i32
      %swap3A_245 = arith.index_cast %swap3A_244 : i32 to index
      %swap3A_246 = arith.index_cast %select_n3A_157 : i32 to index
      %swap3A_247 = arith.index_cast %sub3A_160 : i32 to index
      %swap3A_248 = arith.constant 224 : index
      %swap3A_249 = tpu.vector_load %arg5[%swap3A_245, %swap3A_246, %swap3A_247, %swap3A_248] {strides = array<i32>} : memref<2x14x8x512xf32, #tpu.memory_space<vmem>>, vector<16xf32>,
      tpu.vector_store %arg5[%swap3A_245, %swap3A_246, %swap3A_247, %swap3A_248], %broadcast_in_dim3A_23 {strides = array<i32>} : memref<2x14x8x512xf32, #tpu.memory_space<vmem>>, vector<16xf32>,
      %swap3A_250 = arith.constant 0 : i32
      %swap3A_251 = arith.index_cast %swap3A_250 : i32 to index
      %swap3A_252 = arith.index_cast %select_n3A_157 : i32 to index
      %swap3A_253 = arith.index_cast %sub3A_160 : i32 to index
      %swap3A_254 = arith.constant 240 : index
      %swap3A_255 = tpu.vector_load %arg5[%swap3A_251, %swap3A_252, %swap3A_253, %swap3A_254] {strides = array<i32>} : memref<2x14x8x512xf32, #tpu.memory_space<vmem>>, vector<16xf32>,
      tpu.vector_store %arg5[%swap3A_251, %swap3A_252, %swap3A_253, %swap3A_254], %broadcast_in_dim3A_23 {strides = array<i32>} : memref<2x14x8x512xf32, #tpu.memory_space<vmem>>, vector<16xf32>,
      %swap3A_256 = arith.constant 0 : i32
      %swap3A_257 = arith.index_cast %swap3A_256 : i32 to index
      %swap3A_258 = arith.index_cast %select_n3A_157 : i32 to index
      %swap3A_259 = arith.index_cast %sub3A_160 : i32 to index
      %swap3A_260 = arith.constant 256 : index
      %swap3A_261 = tpu.vector_load %arg5[%swap3A_257, %swap3A_258, %swap3A_259, %swap3A_260] {strides = array<i32>} : memref<2x14x8x512xf32, #tpu.memory_space<vmem>>, vector<16xf32>,
      tpu.vector_store %arg5[%swap3A_257, %swap3A_258, %swap3A_259, %swap3A_260], %broadcast_in_dim3A_23 {strides = array<i32>} : memref<2x14x8x512xf32, #tpu.memory_space<vmem>>, vector<16xf32>,
      %swap3A_262 = arith.constant 0 : i32
      %swap3A_263 = arith.index_cast %swap3A_262 : i32 to index
      %swap3A_264 = arith.index_cast %select_n3A_157 : i32 to index
      %swap3A_265 = arith.index_cast %sub3A_160 : i32 to index
      %swap3A_266 = arith.constant 272 : index
      %swap3A_267 = tpu.vector_load %arg5[%swap3A_263, %swap3A_264, %swap3A_265, %swap3A_266] {strides = array<i32>} : memref<2x14x8x512xf32, #tpu.memory_space<vmem>>, vector<16xf32>,
      tpu.vector_store %arg5[%swap3A_263, %swap3A_264, %swap3A_265, %swap3A_266], %broadcast_in_dim3A_23 {strides = array<i32>} : memref<2x14x8x512xf32, #tpu.memory_space<vmem>>, vector<16xf32>,
      %swap3A_268 = arith.constant 0 : i32
      %swap3A_269 = arith.index_cast %swap3A_268 : i32 to index
      %swap3A_270 = arith.index_cast %select_n3A_157 : i32 to index
      %swap3A_271 = arith.index_cast %sub3A_160 : i32 to index
      %swap3A_272 = arith.constant 288 : index
      %swap3A_273 = tpu.vector_load %arg5[%swap3A_269, %swap3A_270, %swap3A_271, %swap3A_272] {strides = array<i32>} : memref<2x14x8x512xf32, #tpu.memory_space<vmem>>, vector<16xf32>,
      tpu.vector_store %arg5[%swap3A_269, %swap3A_270, %swap3A_271, %swap3A_272], %broadcast_in_dim3A_23 {strides = array<i32>} : memref<2x14x8x512xf32, #tpu.memory_space<vmem>>, vector<16xf32>,
      %swap3A_274 = arith.constant 0 : i32
      %swap3A_275 = arith.index_cast %swap3A_274 : i32 to index
      %swap3A_276 = arith.index_cast %select_n3A_157 : i32 to index
      %swap3A_277 = arith.index_cast %sub3A_160 : i32 to index
      %swap3A_278 = arith.constant 304 : index
      %swap3A_279 = tpu.vector_load %arg5[%swap3A_275, %swap3A_276, %swap3A_277, %swap3A_278] {strides = array<i32>} : memref<2x14x8x512xf32, #tpu.memory_space<vmem>>, vector<16xf32>,
      tpu.vector_store %arg5[%swap3A_275, %swap3A_276, %swap3A_277, %swap3A_278], %broadcast_in_dim3A_23 {strides = array<i32>} : memref<2x14x8x512xf32, #tpu.memory_space<vmem>>, vector<16xf32>,
      %swap3A_280 = arith.constant 0 : i32
      %swap3A_281 = arith.index_cast %swap3A_280 : i32 to index
      %swap3A_282 = arith.index_cast %select_n3A_157 : i32 to index
      %swap3A_283 = arith.index_cast %sub3A_160 : i32 to index
      %swap3A_284 = arith.constant 320 : index
      %swap3A_285 = tpu.vector_load %arg5[%swap3A_281, %swap3A_282, %swap3A_283, %swap3A_284] {strides = array<i32>} : memref<2x14x8x512xf32, #tpu.memory_space<vmem>>, vector<16xf32>,
      tpu.vector_store %arg5[%swap3A_281, %swap3A_282, %swap3A_283, %swap3A_284], %broadcast_in_dim3A_23 {strides = array<i32>} : memref<2x14x8x512xf32, #tpu.memory_space<vmem>>, vector<16xf32>,
      %swap3A_286 = arith.constant 0 : i32
      %swap3A_287 = arith.index_cast %swap3A_286 : i32 to index
      %swap3A_288 = arith.index_cast %select_n3A_157 : i32 to index
      %swap3A_289 = arith.index_cast %sub3A_160 : i32 to index
      %swap3A_290 = arith.constant 336 : index
      %swap3A_291 = tpu.vector_load %arg5[%swap3A_287, %swap3A_288, %swap3A_289, %swap3A_290] {strides = array<i32>} : memref<2x14x8x512xf32, #tpu.memory_space<vmem>>, vector<16xf32>,
      tpu.vector_store %arg5[%swap3A_287, %swap3A_288, %swap3A_289, %swap3A_290], %broadcast_in_dim3A_23 {strides = array<i32>} : memref<2x14x8x512xf32, #tpu.memory_space<vmem>>, vector<16xf32>,
      %swap3A_292 = arith.constant 0 : i32
      %swap3A_293 = arith.index_cast %swap3A_292 : i32 to index
      %swap3A_294 = arith.index_cast %select_n3A_157 : i32 to index
      %swap3A_295 = arith.index_cast %sub3A_160 : i32 to index
      %swap3A_296 = arith.constant 352 : index
      %swap3A_297 = tpu.vector_load %arg5[%swap3A_293, %swap3A_294, %swap3A_295, %swap3A_296] {strides = array<i32>} : memref<2x14x8x512xf32, #tpu.memory_space<vmem>>, vector<16xf32>,
      tpu.vector_store %arg5[%swap3A_293, %swap3A_294, %swap3A_295, %swap3A_296], %broadcast_in_dim3A_23 {strides = array<i32>} : memref<2x14x8x512xf32, #tpu.memory_space<vmem>>, vector<16xf32>,
      %swap3A_298 = arith.constant 0 : i32
      %swap3A_299 = arith.index_cast %swap3A_298 : i32 to index
      %swap3A_300 = arith.index_cast %select_n3A_157 : i32 to index
      %swap3A_301 = arith.index_cast %sub3A_160 : i32 to index
      %swap3A_302 = arith.constant 368 : index
      %swap3A_303 = tpu.vector_load %arg5[%swap3A_299, %swap3A_300, %swap3A_301, %swap3A_302] {strides = array<i32>} : memref<2x14x8x512xf32, #tpu.memory_space<vmem>>, vector<16xf32>,
      tpu.vector_store %arg5[%swap3A_299, %swap3A_300, %swap3A_301, %swap3A_302], %broadcast_in_dim3A_23 {strides = array<i32>} : memref<2x14x8x512xf32, #tpu.memory_space<vmem>>, vector<16xf32>,
      %swap3A_304 = arith.constant 0 : i32
      %swap3A_305 = arith.index_cast %swap3A_304 : i32 to index
      %swap3A_306 = arith.index_cast %select_n3A_157 : i32 to index
      %swap3A_307 = arith.index_cast %sub3A_160 : i32 to index
      %swap3A_308 = arith.constant 384 : index
      %swap3A_309 = tpu.vector_load %arg5[%swap3A_305, %swap3A_306, %swap3A_307, %swap3A_308] {strides = array<i32>} : memref<2x14x8x512xf32, #tpu.memory_space<vmem>>, vector<16xf32>,
      tpu.vector_store %arg5[%swap3A_305, %swap3A_306, %swap3A_307, %swap3A_308], %broadcast_in_dim3A_23 {strides = array<i32>} : memref<2x14x8x512xf32, #tpu.memory_space<vmem>>, vector<16xf32>,
      %swap3A_310 = arith.constant 0 : i32
      %swap3A_311 = arith.index_cast %swap3A_310 : i32 to index
      %swap3A_312 = arith.index_cast %select_n3A_157 : i32 to index
      %swap3A_313 = arith.index_cast %sub3A_160 : i32 to index
      %swap3A_314 = arith.constant 400 : index
      %swap3A_315 = tpu.vector_load %arg5[%swap3A_311, %swap3A_312, %swap3A_313, %swap3A_314] {strides = array<i32>} : memref<2x14x8x512xf32, #tpu.memory_space<vmem>>, vector<16xf32>,
      tpu.vector_store %arg5[%swap3A_311, %swap3A_312, %swap3A_313, %swap3A_314], %broadcast_in_dim3A_23 {strides = array<i32>} : memref<2x14x8x512xf32, #tpu.memory_space<vmem>>, vector<16xf32>,
      %swap3A_316 = arith.constant 0 : i32
      %swap3A_317 = arith.index_cast %swap3A_316 : i32 to index
      %swap3A_318 = arith.index_cast %select_n3A_157 : i32 to index
      %swap3A_319 = arith.index_cast %sub3A_160 : i32 to index
      %swap3A_320 = arith.constant 416 : index
      %swap3A_321 = tpu.vector_load %arg5[%swap3A_317, %swap3A_318, %swap3A_319, %swap3A_320] {strides = array<i32>} : memref<2x14x8x512xf32, #tpu.memory_space<vmem>>, vector<16xf32>,
      tpu.vector_store %arg5[%swap3A_317, %swap3A_318, %swap3A_319, %swap3A_320], %broadcast_in_dim3A_23 {strides = array<i32>} : memref<2x14x8x512xf32, #tpu.memory_space<vmem>>, vector<16xf32>,
      %swap3A_322 = arith.constant 0 : i32
      %swap3A_323 = arith.index_cast %swap3A_322 : i32 to index
      %swap3A_324 = arith.index_cast %select_n3A_157 : i32 to index
      %swap3A_325 = arith.index_cast %sub3A_160 : i32 to index
      %swap3A_326 = arith.constant 432 : index
      %swap3A_327 = tpu.vector_load %arg5[%swap3A_323, %swap3A_324, %swap3A_325, %swap3A_326] {strides = array<i32>} : memref<2x14x8x512xf32, #tpu.memory_space<vmem>>, vector<16xf32>,
      tpu.vector_store %arg5[%swap3A_323, %swap3A_324, %swap3A_325, %swap3A_326], %broadcast_in_dim3A_23 {strides = array<i32>} : memref<2x14x8x512xf32, #tpu.memory_space<vmem>>, vector<16xf32>,
      %swap3A_328 = arith.constant 0 : i32
      %swap3A_329 = arith.index_cast %swap3A_328 : i32 to index
      %swap3A_330 = arith.index_cast %select_n3A_157 : i32 to index
      %swap3A_331 = arith.index_cast %sub3A_160 : i32 to index
      %swap3A_332 = arith.constant 448 : index
      %swap3A_333 = tpu.vector_load %arg5[%swap3A_329, %swap3A_330, %swap3A_331, %swap3A_332] {strides = array<i32>} : memref<2x14x8x512xf32, #tpu.memory_space<vmem>>, vector<16xf32>,
      tpu.vector_store %arg5[%swap3A_329, %swap3A_330, %swap3A_331, %swap3A_332], %broadcast_in_dim3A_23 {strides = array<i32>} : memref<2x14x8x512xf32, #tpu.memory_space<vmem>>, vector<16xf32>,
      %swap3A_334 = arith.constant 0 : i32
      %swap3A_335 = arith.index_cast %swap3A_334 : i32 to index
      %swap3A_336 = arith.index_cast %select_n3A_157 : i32 to index
      %swap3A_337 = arith.index_cast %sub3A_160 : i32 to index
      %swap3A_338 = arith.constant 464 : index
      %swap3A_339 = tpu.vector_load %arg5[%swap3A_335, %swap3A_336, %swap3A_337, %swap3A_338] {strides = array<i32>} : memref<2x14x8x512xf32, #tpu.memory_space<vmem>>, vector<16xf32>,
      tpu.vector_store %arg5[%swap3A_335, %swap3A_336, %swap3A_337, %swap3A_338], %broadcast_in_dim3A_23 {strides = array<i32>} : memref<2x14x8x512xf32, #tpu.memory_space<vmem>>, vector<16xf32>,
      %swap3A_340 = arith.constant 0 : i32
      %swap3A_341 = arith.index_cast %swap3A_340 : i32 to index
      %swap3A_342 = arith.index_cast %select_n3A_157 : i32 to index
      %swap3A_343 = arith.index_cast %sub3A_160 : i32 to index
      %swap3A_344 = arith.constant 480 : index
      %swap3A_345 = tpu.vector_load %arg5[%swap3A_341, %swap3A_342, %swap3A_343, %swap3A_344] {strides = array<i32>} : memref<2x14x8x512xf32, #tpu.memory_space<vmem>>, vector<16xf32>,
      tpu.vector_store %arg5[%swap3A_341, %swap3A_342, %swap3A_343, %swap3A_344], %broadcast_in_dim3A_23 {strides = array<i32>} : memref<2x14x8x512xf32, #tpu.memory_space<vmem>>, vector<16xf32>,
      %swap3A_346 = arith.constant 0 : i32
      %swap3A_347 = arith.index_cast %swap3A_346 : i32 to index
      %swap3A_348 = arith.index_cast %select_n3A_157 : i32 to index
      %swap3A_349 = arith.index_cast %sub3A_160 : i32 to index
      %swap3A_350 = arith.constant 496 : index
      %swap3A_351 = tpu.vector_load %arg5[%swap3A_347, %swap3A_348, %swap3A_349, %swap3A_350] {strides = array<i32>} : memref<2x14x8x512xf32, #tpu.memory_space<vmem>>, vector<16xf32>,
      tpu.vector_store %arg5[%swap3A_347, %swap3A_348, %swap3A_349, %swap3A_350], %broadcast_in_dim3A_23 {strides = array<i32>} : memref<2x14x8x512xf32, #tpu.memory_space<vmem>>, vector<16xf32>,
    }
    %scan3A_59 = arith.constant 112 : i32
    %broadcast_in_dim3A_60 = arith.constant 0 : i32
    %broadcast_in_dim3A_61 = vector.broadcast %broadcast_in_dim3A_60 : i32 to vector<16xi32>
    %scan3A_62 = arith.constant 0 : i32
    %scan3A_63 = arith.constant 0 : i32
    %scan3A_64 = arith.constant 7 : i32
    %scan3A_65 = arith.addi %scan3A_63, %scan3A_64 : i32
    %scan3A_66 = arith.constant 1 : i32
    scf.for %scan3A_133 = %scan3A_63 to %scan3A_65 step %scan3A_66  : i32 {
      %mul3A_134 = arith.constant 2 : i32
      %mul3A_135 = arith.muli %mul3A_134, %scan3A_133 : i32
      %add3A_136 = vector.broadcast %mul3A_135 : i32 to vector<16xi32>
      %add3A_137 = arith.addi %shift_right_arithmetic3A_25, %add3A_136 : vector<16xi32>
      %add3A_138 = arith.constant 0 : i32
      %add3A_139 = vector.broadcast %add3A_138 : i32 to vector<16xi32>
      %add3A_140 = arith.addi %add3A_139, %add3A_137 : vector<16xi32>
      %add3A_141 = vector.broadcast %mul3A_22 : i32 to vector<16xi32>
      %add3A_142 = arith.addi %add3A_141, %add3A_140 : vector<16xi32>
      %lt3A = arith.constant 106 : i32
      %lt3A_143 = vector.broadcast %lt3A : i32 to vector<16xi32>
      %lt3A_144 = arith.cmpi slt, %add3A_142, %lt3A_143 : vector<16xi32>
      %gather3A = tpu.vector_load_idx %arg6[%and3A_28, %add3A_142] masked %lt3A_144 : memref<8x106xf32, #tpu.memory_space<vmem>>[vector<16xi32>, vector<16xi32>], vector<16xf32>, vector<16xi1>
      %convert_element_type3A = arith.fptosi %gather3A : vector<16xf32> to vector<16xi32>
      %gather3A_145 = tpu.vector_load_idx %arg7[%and3A_28, %add3A_142] masked %lt3A_144 : memref<8x106xf32, #tpu.memory_space<vmem>>[vector<16xi32>, vector<16xi32>], vector<16xf32>, vector<16xi1>
      %convert_element_type3A_146 = arith.fptosi %gather3A_145 : vector<16xf32> to vector<16xi32>
      %sub3A_147 = arith.constant 6 : i32
      %sub3A_148 = vector.broadcast %sub3A_147 : i32 to vector<16xi32>
      %sub3A_149 = arith.subi %convert_element_type3A, %sub3A_148 : vector<16xi32>
      %add3A_150 = arith.constant 6 : i32
      %add3A_151 = vector.broadcast %add3A_150 : i32 to vector<16xi32>
      %add3A_152 = arith.addi %convert_element_type3A, %add3A_151 : vector<16xi32>
      %add3A_153 = arith.constant 1 : i32
      %add3A_154 = vector.broadcast %add3A_153 : i32 to vector<16xi32>
      %add3A_155 = arith.addi %add3A_152, %add3A_154 : vector<16xi32>
      %sub3A_156 = arith.constant 6 : i32
      %sub3A_157 = vector.broadcast %sub3A_156 : i32 to vector<16xi32>
      %sub3A_158 = arith.subi %convert_element_type3A_146, %sub3A_157 : vector<16xi32>
      %add3A_159 = arith.constant 6 : i32
      %add3A_160 = vector.broadcast %add3A_159 : i32 to vector<16xi32>
      %add3A_161 = arith.addi %convert_element_type3A_146, %add3A_160 : vector<16xi32>
      %add3A_162 = arith.constant 1 : i32
      %add3A_163 = vector.broadcast %add3A_162 : i32 to vector<16xi32>
      %add3A_164 = arith.addi %add3A_161, %add3A_163 : vector<16xi32>
      %ge3A = arith.constant 0 : i32
      %ge3A_165 = vector.broadcast %ge3A : i32 to vector<16xi32>
      %ge3A_166 = arith.cmpi sge, %sub3A_149, %ge3A_165 : vector<16xi32>
      %le3A = arith.constant 512 : i32
      %le3A_167 = vector.broadcast %le3A : i32 to vector<16xi32>
      %le3A_168 = arith.cmpi sle, %sub3A_149, %le3A_167 : vector<16xi32>
      %and3A_169 = arith.andi %ge3A_166, %le3A_168 : vector<16xi1>
      %ge3A_170 = arith.constant 0 : i32
      %ge3A_171 = vector.broadcast %ge3A_170 : i32 to vector<16xi32>
      %ge3A_172 = arith.cmpi sge, %sub3A_158, %ge3A_171 : vector<16xi32>
      %and3A_173 = arith.andi %and3A_169, %ge3A_172 : vector<16xi1>
      %le3A_174 = arith.constant 512 : i32
      %le3A_175 = vector.broadcast %le3A_174 : i32 to vector<16xi32>
      %le3A_176 = arith.cmpi sle, %sub3A_158, %le3A_175 : vector<16xi32>
      %and3A_177 = arith.andi %and3A_173, %le3A_176 : vector<16xi1>
      %ge3A_178 = arith.constant 0 : i32
      %ge3A_179 = vector.broadcast %ge3A_178 : i32 to vector<16xi32>
      %ge3A_180 = arith.cmpi sge, %add3A_155, %ge3A_179 : vector<16xi32>
      %le3A_181 = arith.constant 512 : i32
      %le3A_182 = vector.broadcast %le3A_181 : i32 to vector<16xi32>
      %le3A_183 = arith.cmpi sle, %add3A_155, %le3A_182 : vector<16xi32>
      %and3A_184 = arith.andi %ge3A_180, %le3A_183 : vector<16xi1>
      %ge3A_185 = arith.constant 0 : i32
      %ge3A_186 = vector.broadcast %ge3A_185 : i32 to vector<16xi32>
      %ge3A_187 = arith.cmpi sge, %add3A_164, %ge3A_186 : vector<16xi32>
      %and3A_188 = arith.andi %and3A_184, %ge3A_187 : vector<16xi1>
      %le3A_189 = arith.constant 512 : i32
      %le3A_190 = vector.broadcast %le3A_189 : i32 to vector<16xi32>
      %le3A_191 = arith.cmpi sle, %add3A_164, %le3A_190 : vector<16xi32>
      %and3A_192 = arith.andi %and3A_188, %le3A_191 : vector<16xi1>
      %or3A = arith.ori %and3A_177, %and3A_192 : vector<16xi1>
      %lt3A_193 = arith.constant 53 : i32
      %lt3A_194 = vector.broadcast %lt3A_193 : i32 to vector<16xi32>
      %lt3A_195 = arith.cmpi slt, %add3A_140, %lt3A_194 : vector<16xi32>
      %and3A_196 = arith.andi %or3A, %lt3A_195 : vector<16xi1>
      %add3A_197 = arith.constant 0 : i32
      %add3A_198 = vector.broadcast %add3A_197 : i32 to vector<16xi32>
      %add3A_199 = arith.addi %sub3A_149, %add3A_198 : vector<16xi32>
      %ge3A_200 = arith.constant 0 : i32
      %ge3A_201 = vector.broadcast %ge3A_200 : i32 to vector<16xi32>
      %ge3A_202 = arith.cmpi sge, %add3A_199, %ge3A_201 : vector<16xi32>
      %and3A_203 = arith.andi %and3A_196, %ge3A_202 : vector<16xi1>
      %lt3A_204 = arith.constant 512 : i32
      %lt3A_205 = vector.broadcast %lt3A_204 : i32 to vector<16xi32>
      %lt3A_206 = arith.cmpi slt, %add3A_199, %lt3A_205 : vector<16xi32>
      %and3A_207 = arith.andi %and3A_203, %lt3A_206 : vector<16xi1>
      tpu.vector_store_idx %arg5[%broadcast_in_dim3A_61, %add3A_137, %and3A_28, %add3A_199], %broadcast_in_dim3A_30 masked %and3A_207 : memref<2x14x8x512xf32, #tpu.memory_space<vmem>>[vector<16xi32>, vector<16xi32>, vector<16xi32>, vector<16xi32>], vector<16xf32>, vector<16xi1>
      %add3A_208 = arith.constant 1 : i32
      %add3A_209 = vector.broadcast %add3A_208 : i32 to vector<16xi32>
      %add3A_210 = arith.addi %sub3A_149, %add3A_209 : vector<16xi32>
      %ge3A_211 = arith.constant 0 : i32
      %ge3A_212 = vector.broadcast %ge3A_211 : i32 to vector<16xi32>
      %ge3A_213 = arith.cmpi sge, %add3A_210, %ge3A_212 : vector<16xi32>
      %and3A_214 = arith.andi %and3A_196, %ge3A_213 : vector<16xi1>
      %lt3A_215 = arith.constant 512 : i32
      %lt3A_216 = vector.broadcast %lt3A_215 : i32 to vector<16xi32>
      %lt3A_217 = arith.cmpi slt, %add3A_210, %lt3A_216 : vector<16xi32>
      %and3A_218 = arith.andi %and3A_214, %lt3A_217 : vector<16xi1>
      tpu.vector_store_idx %arg5[%broadcast_in_dim3A_61, %add3A_137, %and3A_28, %add3A_210], %broadcast_in_dim3A_32 masked %and3A_218 : memref<2x14x8x512xf32, #tpu.memory_space<vmem>>[vector<16xi32>, vector<16xi32>, vector<16xi32>, vector<16xi32>], vector<16xf32>, vector<16xi1>
      %add3A_219 = arith.constant 2 : i32
      %add3A_220 = vector.broadcast %add3A_219 : i32 to vector<16xi32>
      %add3A_221 = arith.addi %sub3A_149, %add3A_220 : vector<16xi32>
      %ge3A_222 = arith.constant 0 : i32
      %ge3A_223 = vector.broadcast %ge3A_222 : i32 to vector<16xi32>
      %ge3A_224 = arith.cmpi sge, %add3A_221, %ge3A_223 : vector<16xi32>
      %and3A_225 = arith.andi %and3A_196, %ge3A_224 : vector<16xi1>
      %lt3A_226 = arith.constant 512 : i32
      %lt3A_227 = vector.broadcast %lt3A_226 : i32 to vector<16xi32>
      %lt3A_228 = arith.cmpi slt, %add3A_221, %lt3A_227 : vector<16xi32>
      %and3A_229 = arith.andi %and3A_225, %lt3A_228 : vector<16xi1>
      tpu.vector_store_idx %arg5[%broadcast_in_dim3A_61, %add3A_137, %and3A_28, %add3A_221], %broadcast_in_dim3A_34 masked %and3A_229 : memref<2x14x8x512xf32, #tpu.memory_space<vmem>>[vector<16xi32>, vector<16xi32>, vector<16xi32>, vector<16xi32>], vector<16xf32>, vector<16xi1>
      %add3A_230 = arith.constant 3 : i32
      %add3A_231 = vector.broadcast %add3A_230 : i32 to vector<16xi32>
      %add3A_232 = arith.addi %sub3A_149, %add3A_231 : vector<16xi32>
      %ge3A_233 = arith.constant 0 : i32
      %ge3A_234 = vector.broadcast %ge3A_233 : i32 to vector<16xi32>
      %ge3A_235 = arith.cmpi sge, %add3A_232, %ge3A_234 : vector<16xi32>
      %and3A_236 = arith.andi %and3A_196, %ge3A_235 : vector<16xi1>
      %lt3A_237 = arith.constant 512 : i32
      %lt3A_238 = vector.broadcast %lt3A_237 : i32 to vector<16xi32>
      %lt3A_239 = arith.cmpi slt, %add3A_232, %lt3A_238 : vector<16xi32>
      %and3A_240 = arith.andi %and3A_236, %lt3A_239 : vector<16xi1>
      tpu.vector_store_idx %arg5[%broadcast_in_dim3A_61, %add3A_137, %and3A_28, %add3A_232], %broadcast_in_dim3A_36 masked %and3A_240 : memref<2x14x8x512xf32, #tpu.memory_space<vmem>>[vector<16xi32>, vector<16xi32>, vector<16xi32>, vector<16xi32>], vector<16xf32>, vector<16xi1>
      %add3A_241 = arith.constant 4 : i32
      %add3A_242 = vector.broadcast %add3A_241 : i32 to vector<16xi32>
      %add3A_243 = arith.addi %sub3A_149, %add3A_242 : vector<16xi32>
      %ge3A_244 = arith.constant 0 : i32
      %ge3A_245 = vector.broadcast %ge3A_244 : i32 to vector<16xi32>
      %ge3A_246 = arith.cmpi sge, %add3A_243, %ge3A_245 : vector<16xi32>
      %and3A_247 = arith.andi %and3A_196, %ge3A_246 : vector<16xi1>
      %lt3A_248 = arith.constant 512 : i32
      %lt3A_249 = vector.broadcast %lt3A_248 : i32 to vector<16xi32>
      %lt3A_250 = arith.cmpi slt, %add3A_243, %lt3A_249 : vector<16xi32>
      %and3A_251 = arith.andi %and3A_247, %lt3A_250 : vector<16xi1>
      tpu.vector_store_idx %arg5[%broadcast_in_dim3A_61, %add3A_137, %and3A_28, %add3A_243], %broadcast_in_dim3A_38 masked %and3A_251 : memref<2x14x8x512xf32, #tpu.memory_space<vmem>>[vector<16xi32>, vector<16xi32>, vector<16xi32>, vector<16xi32>], vector<16xf32>, vector<16xi1>
      %add3A_252 = arith.constant 5 : i32
      %add3A_253 = vector.broadcast %add3A_252 : i32 to vector<16xi32>
      %add3A_254 = arith.addi %sub3A_149, %add3A_253 : vector<16xi32>
      %ge3A_255 = arith.constant 0 : i32
      %ge3A_256 = vector.broadcast %ge3A_255 : i32 to vector<16xi32>
      %ge3A_257 = arith.cmpi sge, %add3A_254, %ge3A_256 : vector<16xi32>
      %and3A_258 = arith.andi %and3A_196, %ge3A_257 : vector<16xi1>
      %lt3A_259 = arith.constant 512 : i32
      %lt3A_260 = vector.broadcast %lt3A_259 : i32 to vector<16xi32>
      %lt3A_261 = arith.cmpi slt, %add3A_254, %lt3A_260 : vector<16xi32>
      %and3A_262 = arith.andi %and3A_258, %lt3A_261 : vector<16xi1>
      tpu.vector_store_idx %arg5[%broadcast_in_dim3A_61, %add3A_137, %and3A_28, %add3A_254], %broadcast_in_dim3A_40 masked %and3A_262 : memref<2x14x8x512xf32, #tpu.memory_space<vmem>>[vector<16xi32>, vector<16xi32>, vector<16xi32>, vector<16xi32>], vector<16xf32>, vector<16xi1>
      %add3A_263 = arith.constant 6 : i32
      %add3A_264 = vector.broadcast %add3A_263 : i32 to vector<16xi32>
      %add3A_265 = arith.addi %sub3A_149, %add3A_264 : vector<16xi32>
      %ge3A_266 = arith.constant 0 : i32
      %ge3A_267 = vector.broadcast %ge3A_266 : i32 to vector<16xi32>
      %ge3A_268 = arith.cmpi sge, %add3A_265, %ge3A_267 : vector<16xi32>
      %and3A_269 = arith.andi %and3A_196, %ge3A_268 : vector<16xi1>
      %lt3A_270 = arith.constant 512 : i32
      %lt3A_271 = vector.broadcast %lt3A_270 : i32 to vector<16xi32>
      %lt3A_272 = arith.cmpi slt, %add3A_265, %lt3A_271 : vector<16xi32>
      %and3A_273 = arith.andi %and3A_269, %lt3A_272 : vector<16xi1>
      tpu.vector_store_idx %arg5[%broadcast_in_dim3A_61, %add3A_137, %and3A_28, %add3A_265], %broadcast_in_dim3A_42 masked %and3A_273 : memref<2x14x8x512xf32, #tpu.memory_space<vmem>>[vector<16xi32>, vector<16xi32>, vector<16xi32>, vector<16xi32>], vector<16xf32>, vector<16xi1>
      %add3A_274 = arith.constant 7 : i32
      %add3A_275 = vector.broadcast %add3A_274 : i32 to vector<16xi32>
      %add3A_276 = arith.addi %sub3A_149, %add3A_275 : vector<16xi32>
      %ge3A_277 = arith.constant 0 : i32
      %ge3A_278 = vector.broadcast %ge3A_277 : i32 to vector<16xi32>
      %ge3A_279 = arith.cmpi sge, %add3A_276, %ge3A_278 : vector<16xi32>
      %and3A_280 = arith.andi %and3A_196, %ge3A_279 : vector<16xi1>
      %lt3A_281 = arith.constant 512 : i32
      %lt3A_282 = vector.broadcast %lt3A_281 : i32 to vector<16xi32>
      %lt3A_283 = arith.cmpi slt, %add3A_276, %lt3A_282 : vector<16xi32>
      %and3A_284 = arith.andi %and3A_280, %lt3A_283 : vector<16xi1>
      tpu.vector_store_idx %arg5[%broadcast_in_dim3A_61, %add3A_137, %and3A_28, %add3A_276], %broadcast_in_dim3A_44 masked %and3A_284 : memref<2x14x8x512xf32, #tpu.memory_space<vmem>>[vector<16xi32>, vector<16xi32>, vector<16xi32>, vector<16xi32>], vector<16xf32>, vector<16xi1>
      %add3A_285 = arith.constant 8 : i32
      %add3A_286 = vector.broadcast %add3A_285 : i32 to vector<16xi32>
      %add3A_287 = arith.addi %sub3A_149, %add3A_286 : vector<16xi32>
      %ge3A_288 = arith.constant 0 : i32
      %ge3A_289 = vector.broadcast %ge3A_288 : i32 to vector<16xi32>
      %ge3A_290 = arith.cmpi sge, %add3A_287, %ge3A_289 : vector<16xi32>
      %and3A_291 = arith.andi %and3A_196, %ge3A_290 : vector<16xi1>
      %lt3A_292 = arith.constant 512 : i32
      %lt3A_293 = vector.broadcast %lt3A_292 : i32 to vector<16xi32>
      %lt3A_294 = arith.cmpi slt, %add3A_287, %lt3A_293 : vector<16xi32>
      %and3A_295 = arith.andi %and3A_291, %lt3A_294 : vector<16xi1>
      tpu.vector_store_idx %arg5[%broadcast_in_dim3A_61, %add3A_137, %and3A_28, %add3A_287], %broadcast_in_dim3A_46 masked %and3A_295 : memref<2x14x8x512xf32, #tpu.memory_space<vmem>>[vector<16xi32>, vector<16xi32>, vector<16xi32>, vector<16xi32>], vector<16xf32>, vector<16xi1>
      %add3A_296 = arith.constant 9 : i32
      %add3A_297 = vector.broadcast %add3A_296 : i32 to vector<16xi32>
      %add3A_298 = arith.addi %sub3A_149, %add3A_297 : vector<16xi32>
      %ge3A_299 = arith.constant 0 : i32
      %ge3A_300 = vector.broadcast %ge3A_299 : i32 to vector<16xi32>
      %ge3A_301 = arith.cmpi sge, %add3A_298, %ge3A_300 : vector<16xi32>
      %and3A_302 = arith.andi %and3A_196, %ge3A_301 : vector<16xi1>
      %lt3A_303 = arith.constant 512 : i32
      %lt3A_304 = vector.broadcast %lt3A_303 : i32 to vector<16xi32>
      %lt3A_305 = arith.cmpi slt, %add3A_298, %lt3A_304 : vector<16xi32>
      %and3A_306 = arith.andi %and3A_302, %lt3A_305 : vector<16xi1>
      tpu.vector_store_idx %arg5[%broadcast_in_dim3A_61, %add3A_137, %and3A_28, %add3A_298], %broadcast_in_dim3A_48 masked %and3A_306 : memref<2x14x8x512xf32, #tpu.memory_space<vmem>>[vector<16xi32>, vector<16xi32>, vector<16xi32>, vector<16xi32>], vector<16xf32>, vector<16xi1>
      %add3A_307 = arith.constant 10 : i32
      %add3A_308 = vector.broadcast %add3A_307 : i32 to vector<16xi32>
      %add3A_309 = arith.addi %sub3A_149, %add3A_308 : vector<16xi32>
      %ge3A_310 = arith.constant 0 : i32
      %ge3A_311 = vector.broadcast %ge3A_310 : i32 to vector<16xi32>
      %ge3A_312 = arith.cmpi sge, %add3A_309, %ge3A_311 : vector<16xi32>
      %and3A_313 = arith.andi %and3A_196, %ge3A_312 : vector<16xi1>
      %lt3A_314 = arith.constant 512 : i32
      %lt3A_315 = vector.broadcast %lt3A_314 : i32 to vector<16xi32>
      %lt3A_316 = arith.cmpi slt, %add3A_309, %lt3A_315 : vector<16xi32>
      %and3A_317 = arith.andi %and3A_313, %lt3A_316 : vector<16xi1>
      tpu.vector_store_idx %arg5[%broadcast_in_dim3A_61, %add3A_137, %and3A_28, %add3A_309], %broadcast_in_dim3A_50 masked %and3A_317 : memref<2x14x8x512xf32, #tpu.memory_space<vmem>>[vector<16xi32>, vector<16xi32>, vector<16xi32>, vector<16xi32>], vector<16xf32>, vector<16xi1>
      %add3A_318 = arith.constant 11 : i32
      %add3A_319 = vector.broadcast %add3A_318 : i32 to vector<16xi32>
      %add3A_320 = arith.addi %sub3A_149, %add3A_319 : vector<16xi32>
      %ge3A_321 = arith.constant 0 : i32
      %ge3A_322 = vector.broadcast %ge3A_321 : i32 to vector<16xi32>
      %ge3A_323 = arith.cmpi sge, %add3A_320, %ge3A_322 : vector<16xi32>
      %and3A_324 = arith.andi %and3A_196, %ge3A_323 : vector<16xi1>
      %lt3A_325 = arith.constant 512 : i32
      %lt3A_326 = vector.broadcast %lt3A_325 : i32 to vector<16xi32>
      %lt3A_327 = arith.cmpi slt, %add3A_320, %lt3A_326 : vector<16xi32>
      %and3A_328 = arith.andi %and3A_324, %lt3A_327 : vector<16xi1>
      tpu.vector_store_idx %arg5[%broadcast_in_dim3A_61, %add3A_137, %and3A_28, %add3A_320], %broadcast_in_dim3A_52 masked %and3A_328 : memref<2x14x8x512xf32, #tpu.memory_space<vmem>>[vector<16xi32>, vector<16xi32>, vector<16xi32>, vector<16xi32>], vector<16xf32>, vector<16xi1>
      %add3A_329 = arith.constant 12 : i32
      %add3A_330 = vector.broadcast %add3A_329 : i32 to vector<16xi32>
      %add3A_331 = arith.addi %sub3A_149, %add3A_330 : vector<16xi32>
      %ge3A_332 = arith.constant 0 : i32
      %ge3A_333 = vector.broadcast %ge3A_332 : i32 to vector<16xi32>
      %ge3A_334 = arith.cmpi sge, %add3A_331, %ge3A_333 : vector<16xi32>
      %and3A_335 = arith.andi %and3A_196, %ge3A_334 : vector<16xi1>
      %lt3A_336 = arith.constant 512 : i32
      %lt3A_337 = vector.broadcast %lt3A_336 : i32 to vector<16xi32>
      %lt3A_338 = arith.cmpi slt, %add3A_331, %lt3A_337 : vector<16xi32>
      %and3A_339 = arith.andi %and3A_335, %lt3A_338 : vector<16xi1>
      tpu.vector_store_idx %arg5[%broadcast_in_dim3A_61, %add3A_137, %and3A_28, %add3A_331], %broadcast_in_dim3A_54 masked %and3A_339 : memref<2x14x8x512xf32, #tpu.memory_space<vmem>>[vector<16xi32>, vector<16xi32>, vector<16xi32>, vector<16xi32>], vector<16xf32>, vector<16xi1>
    }
    %scan3A_67 = arith.constant 7 : i32
    %add3A_68 = arith.constant 0 : i32
    %add3A_69 = arith.addi %mul3A_22, %add3A_68 : i32
    %dma_start3A = arith.constant 0 : i32
    %dma_start3A_70 = arith.constant 0 : i32
    %dma_start3A_71 = arith.constant 0 : i32
    %dma_start3A_72 = arith.constant 0 : i32
    %dma_start3A_73 = tpu.memref_slice %arg5[%dma_start3A, %dma_start3A_70, %dma_start3A_71, %dma_start3A_72] : memref<2x14x8x512xf32, #tpu.memory_space<vmem>> -> memref<1x14x8x512xf32, #tpu.memory_space<vmem>>
    %dma_start3A_74 = tpu.memref_squeeze %dma_start3A_73 : memref<1x14x8x512xf32, #tpu.memory_space<vmem>> -> memref<14x8x512xf32, #tpu.memory_space<vmem>>
    %dma_start3A_75 = arith.constant 0 : i32
    %dma_start3A_76 = tpu.memref_slice %arg4[%add3A_69, %mul3A_3, %dma_start3A_75] : memref<106x128x512xf32, #tpu.memory_space<hbm>> -> memref<14x8x512xf32, #tpu.memory_space<hbm>>
    %dma_start3A_77 = arith.constant 0 : i32
    %dma_start3A_78 = tpu.memref_slice %arg4[%add3A_69, %mul3A_3, %dma_start3A_77] : memref<106x128x512xf32, #tpu.memory_space<hbm>> -> memref<14x8x512xf32, #tpu.memory_space<hbm>>
    %dma_start3A_79 = arith.constant 0 : i32
    %dma_start3A_80 = arith.constant 0 : i32
    %dma_start3A_81 = arith.constant 0 : i32
    %dma_start3A_82 = tpu.memref_slice %arg5[%dma_start3A, %dma_start3A_79, %dma_start3A_80, %dma_start3A_81] : memref<2x14x8x512xf32, #tpu.memory_space<vmem>> -> memref<1x14x8x512xf32, #tpu.memory_space<vmem>>
    %dma_start3A_83 = tpu.memref_squeeze %dma_start3A_82 : memref<1x14x8x512xf32, #tpu.memory_space<vmem>> -> memref<14x8x512xf32, #tpu.memory_space<vmem>>
    tpu.enqueue_dma source(%dma_start3A_83 : memref<14x8x512xf32, #tpu.memory_space<vmem>>) target(%dma_start3A_78 : memref<14x8x512xf32, #tpu.memory_space<hbm>>) target_semaphore(%arg8 : memref<!tpu.dma_semaphore, #tpu.memory_space<semaphore_mem>>)
    %scan3A_84 = arith.constant 0 : i32
    %scan3A_85 = arith.constant 0 : i32
    %scan3A_86 = arith.constant 112 : i32
    %scan3A_87 = arith.addi %scan3A_85, %scan3A_86 : i32
    %scan3A_88 = arith.constant 1 : i32
    scf.for %scan3A_133 = %scan3A_85 to %scan3A_87 step %scan3A_88  : i32 {
      %jit3A_134 = arith.constant 8 : i32
      %div3A_135 = arith.divsi %scan3A_133, %jit3A_134 : i32
      %sign3A_136 = arith.constant 0 : i32
      %sign3A_137 = arith.cmpi sgt, %scan3A_133, %sign3A_136 : i32
      %sign3A_138 = arith.extui %sign3A_137 : i1 to i32
      %sign3A_139 = arith.constant 0 : i32
      %sign3A_140 = arith.cmpi slt, %scan3A_133, %sign3A_139 : i32
      %sign3A_141 = arith.extui %sign3A_140 : i1 to i32
      %sign3A_142 = arith.subi %sign3A_138, %sign3A_141 : i32
      %sign3A_143 = arith.constant 0 : i32
      %sign3A_144 = arith.cmpi sgt, %jit3A_134, %sign3A_143 : i32
      %sign3A_145 = arith.extui %sign3A_144 : i1 to i32
      %sign3A_146 = arith.constant 0 : i32
      %sign3A_147 = arith.cmpi slt, %jit3A_134, %sign3A_146 : i32
      %sign3A_148 = arith.extui %sign3A_147 : i1 to i32
      %sign3A_149 = arith.subi %sign3A_145, %sign3A_148 : i32
      %ne3A_150 = arith.cmpi ne, %sign3A_142, %sign3A_149 : i32
      %rem3A_151 = arith.remsi %scan3A_133, %jit3A_134 : i32
      %ne3A_152 = arith.constant 0 : i32
      %ne3A_153 = arith.cmpi ne, %rem3A_151, %ne3A_152 : i32
      %and3A_154 = arith.andi %ne3A_150, %ne3A_153 : i1
      %sub3A_155 = arith.constant 1 : i32
      %sub3A_156 = arith.subi %div3A_135, %sub3A_155 : i32
      %select_n3A_157 = arith.select %and3A_154, %sub3A_156, %div3A_135 : i32
      %mul3A_158 = arith.constant 8 : i32
      %mul3A_159 = arith.muli %select_n3A_157, %mul3A_158 : i32
      %sub3A_160 = arith.subi %scan3A_133, %mul3A_159 : i32
      %swap3A = arith.constant 1 : i32
      %swap3A_161 = arith.index_cast %swap3A : i32 to index
      %swap3A_162 = arith.index_cast %select_n3A_157 : i32 to index
      %swap3A_163 = arith.index_cast %sub3A_160 : i32 to index
      %swap3A_164 = arith.constant 0 : index
      %swap3A_165 = tpu.vector_load %arg5[%swap3A_161, %swap3A_162, %swap3A_163, %swap3A_164] {strides = array<i32>} : memref<2x14x8x512xf32, #tpu.memory_space<vmem>>, vector<16xf32>,
      tpu.vector_store %arg5[%swap3A_161, %swap3A_162, %swap3A_163, %swap3A_164], %broadcast_in_dim3A_23 {strides = array<i32>} : memref<2x14x8x512xf32, #tpu.memory_space<vmem>>, vector<16xf32>,
      %swap3A_166 = arith.constant 1 : i32
      %swap3A_167 = arith.index_cast %swap3A_166 : i32 to index
      %swap3A_168 = arith.index_cast %select_n3A_157 : i32 to index
      %swap3A_169 = arith.index_cast %sub3A_160 : i32 to index
      %swap3A_170 = arith.constant 16 : index
      %swap3A_171 = tpu.vector_load %arg5[%swap3A_167, %swap3A_168, %swap3A_169, %swap3A_170] {strides = array<i32>} : memref<2x14x8x512xf32, #tpu.memory_space<vmem>>, vector<16xf32>,
      tpu.vector_store %arg5[%swap3A_167, %swap3A_168, %swap3A_169, %swap3A_170], %broadcast_in_dim3A_23 {strides = array<i32>} : memref<2x14x8x512xf32, #tpu.memory_space<vmem>>, vector<16xf32>,
      %swap3A_172 = arith.constant 1 : i32
      %swap3A_173 = arith.index_cast %swap3A_172 : i32 to index
      %swap3A_174 = arith.index_cast %select_n3A_157 : i32 to index
      %swap3A_175 = arith.index_cast %sub3A_160 : i32 to index
      %swap3A_176 = arith.constant 32 : index
      %swap3A_177 = tpu.vector_load %arg5[%swap3A_173, %swap3A_174, %swap3A_175, %swap3A_176] {strides = array<i32>} : memref<2x14x8x512xf32, #tpu.memory_space<vmem>>, vector<16xf32>,
      tpu.vector_store %arg5[%swap3A_173, %swap3A_174, %swap3A_175, %swap3A_176], %broadcast_in_dim3A_23 {strides = array<i32>} : memref<2x14x8x512xf32, #tpu.memory_space<vmem>>, vector<16xf32>,
      %swap3A_178 = arith.constant 1 : i32
      %swap3A_179 = arith.index_cast %swap3A_178 : i32 to index
      %swap3A_180 = arith.index_cast %select_n3A_157 : i32 to index
      %swap3A_181 = arith.index_cast %sub3A_160 : i32 to index
      %swap3A_182 = arith.constant 48 : index
      %swap3A_183 = tpu.vector_load %arg5[%swap3A_179, %swap3A_180, %swap3A_181, %swap3A_182] {strides = array<i32>} : memref<2x14x8x512xf32, #tpu.memory_space<vmem>>, vector<16xf32>,
      tpu.vector_store %arg5[%swap3A_179, %swap3A_180, %swap3A_181, %swap3A_182], %broadcast_in_dim3A_23 {strides = array<i32>} : memref<2x14x8x512xf32, #tpu.memory_space<vmem>>, vector<16xf32>,
      %swap3A_184 = arith.constant 1 : i32
      %swap3A_185 = arith.index_cast %swap3A_184 : i32 to index
      %swap3A_186 = arith.index_cast %select_n3A_157 : i32 to index
      %swap3A_187 = arith.index_cast %sub3A_160 : i32 to index
      %swap3A_188 = arith.constant 64 : index
      %swap3A_189 = tpu.vector_load %arg5[%swap3A_185, %swap3A_186, %swap3A_187, %swap3A_188] {strides = array<i32>} : memref<2x14x8x512xf32, #tpu.memory_space<vmem>>, vector<16xf32>,
      tpu.vector_store %arg5[%swap3A_185, %swap3A_186, %swap3A_187, %swap3A_188], %broadcast_in_dim3A_23 {strides = array<i32>} : memref<2x14x8x512xf32, #tpu.memory_space<vmem>>, vector<16xf32>,
      %swap3A_190 = arith.constant 1 : i32
      %swap3A_191 = arith.index_cast %swap3A_190 : i32 to index
      %swap3A_192 = arith.index_cast %select_n3A_157 : i32 to index
      %swap3A_193 = arith.index_cast %sub3A_160 : i32 to index
      %swap3A_194 = arith.constant 80 : index
      %swap3A_195 = tpu.vector_load %arg5[%swap3A_191, %swap3A_192, %swap3A_193, %swap3A_194] {strides = array<i32>} : memref<2x14x8x512xf32, #tpu.memory_space<vmem>>, vector<16xf32>,
      tpu.vector_store %arg5[%swap3A_191, %swap3A_192, %swap3A_193, %swap3A_194], %broadcast_in_dim3A_23 {strides = array<i32>} : memref<2x14x8x512xf32, #tpu.memory_space<vmem>>, vector<16xf32>,
      %swap3A_196 = arith.constant 1 : i32
      %swap3A_197 = arith.index_cast %swap3A_196 : i32 to index
      %swap3A_198 = arith.index_cast %select_n3A_157 : i32 to index
      %swap3A_199 = arith.index_cast %sub3A_160 : i32 to index
      %swap3A_200 = arith.constant 96 : index
      %swap3A_201 = tpu.vector_load %arg5[%swap3A_197, %swap3A_198, %swap3A_199, %swap3A_200] {strides = array<i32>} : memref<2x14x8x512xf32, #tpu.memory_space<vmem>>, vector<16xf32>,
      tpu.vector_store %arg5[%swap3A_197, %swap3A_198, %swap3A_199, %swap3A_200], %broadcast_in_dim3A_23 {strides = array<i32>} : memref<2x14x8x512xf32, #tpu.memory_space<vmem>>, vector<16xf32>,
      %swap3A_202 = arith.constant 1 : i32
      %swap3A_203 = arith.index_cast %swap3A_202 : i32 to index
      %swap3A_204 = arith.index_cast %select_n3A_157 : i32 to index
      %swap3A_205 = arith.index_cast %sub3A_160 : i32 to index
      %swap3A_206 = arith.constant 112 : index
      %swap3A_207 = tpu.vector_load %arg5[%swap3A_203, %swap3A_204, %swap3A_205, %swap3A_206] {strides = array<i32>} : memref<2x14x8x512xf32, #tpu.memory_space<vmem>>, vector<16xf32>,
      tpu.vector_store %arg5[%swap3A_203, %swap3A_204, %swap3A_205, %swap3A_206], %broadcast_in_dim3A_23 {strides = array<i32>} : memref<2x14x8x512xf32, #tpu.memory_space<vmem>>, vector<16xf32>,
      %swap3A_208 = arith.constant 1 : i32
      %swap3A_209 = arith.index_cast %swap3A_208 : i32 to index
      %swap3A_210 = arith.index_cast %select_n3A_157 : i32 to index
      %swap3A_211 = arith.index_cast %sub3A_160 : i32 to index
      %swap3A_212 = arith.constant 128 : index
      %swap3A_213 = tpu.vector_load %arg5[%swap3A_209, %swap3A_210, %swap3A_211, %swap3A_212] {strides = array<i32>} : memref<2x14x8x512xf32, #tpu.memory_space<vmem>>, vector<16xf32>,
      tpu.vector_store %arg5[%swap3A_209, %swap3A_210, %swap3A_211, %swap3A_212], %broadcast_in_dim3A_23 {strides = array<i32>} : memref<2x14x8x512xf32, #tpu.memory_space<vmem>>, vector<16xf32>,
      %swap3A_214 = arith.constant 1 : i32
      %swap3A_215 = arith.index_cast %swap3A_214 : i32 to index
      %swap3A_216 = arith.index_cast %select_n3A_157 : i32 to index
      %swap3A_217 = arith.index_cast %sub3A_160 : i32 to index
      %swap3A_218 = arith.constant 144 : index
      %swap3A_219 = tpu.vector_load %arg5[%swap3A_215, %swap3A_216, %swap3A_217, %swap3A_218] {strides = array<i32>} : memref<2x14x8x512xf32, #tpu.memory_space<vmem>>, vector<16xf32>,
      tpu.vector_store %arg5[%swap3A_215, %swap3A_216, %swap3A_217, %swap3A_218], %broadcast_in_dim3A_23 {strides = array<i32>} : memref<2x14x8x512xf32, #tpu.memory_space<vmem>>, vector<16xf32>,
      %swap3A_220 = arith.constant 1 : i32
      %swap3A_221 = arith.index_cast %swap3A_220 : i32 to index
      %swap3A_222 = arith.index_cast %select_n3A_157 : i32 to index
      %swap3A_223 = arith.index_cast %sub3A_160 : i32 to index
      %swap3A_224 = arith.constant 160 : index
      %swap3A_225 = tpu.vector_load %arg5[%swap3A_221, %swap3A_222, %swap3A_223, %swap3A_224] {strides = array<i32>} : memref<2x14x8x512xf32, #tpu.memory_space<vmem>>, vector<16xf32>,
      tpu.vector_store %arg5[%swap3A_221, %swap3A_222, %swap3A_223, %swap3A_224], %broadcast_in_dim3A_23 {strides = array<i32>} : memref<2x14x8x512xf32, #tpu.memory_space<vmem>>, vector<16xf32>,
      %swap3A_226 = arith.constant 1 : i32
      %swap3A_227 = arith.index_cast %swap3A_226 : i32 to index
      %swap3A_228 = arith.index_cast %select_n3A_157 : i32 to index
      %swap3A_229 = arith.index_cast %sub3A_160 : i32 to index
      %swap3A_230 = arith.constant 176 : index
      %swap3A_231 = tpu.vector_load %arg5[%swap3A_227, %swap3A_228, %swap3A_229, %swap3A_230] {strides = array<i32>} : memref<2x14x8x512xf32, #tpu.memory_space<vmem>>, vector<16xf32>,
      tpu.vector_store %arg5[%swap3A_227, %swap3A_228, %swap3A_229, %swap3A_230], %broadcast_in_dim3A_23 {strides = array<i32>} : memref<2x14x8x512xf32, #tpu.memory_space<vmem>>, vector<16xf32>,
      %swap3A_232 = arith.constant 1 : i32
      %swap3A_233 = arith.index_cast %swap3A_232 : i32 to index
      %swap3A_234 = arith.index_cast %select_n3A_157 : i32 to index
      %swap3A_235 = arith.index_cast %sub3A_160 : i32 to index
      %swap3A_236 = arith.constant 192 : index
      %swap3A_237 = tpu.vector_load %arg5[%swap3A_233, %swap3A_234, %swap3A_235, %swap3A_236] {strides = array<i32>} : memref<2x14x8x512xf32, #tpu.memory_space<vmem>>, vector<16xf32>,
      tpu.vector_store %arg5[%swap3A_233, %swap3A_234, %swap3A_235, %swap3A_236], %broadcast_in_dim3A_23 {strides = array<i32>} : memref<2x14x8x512xf32, #tpu.memory_space<vmem>>, vector<16xf32>,
      %swap3A_238 = arith.constant 1 : i32
      %swap3A_239 = arith.index_cast %swap3A_238 : i32 to index
      %swap3A_240 = arith.index_cast %select_n3A_157 : i32 to index
      %swap3A_241 = arith.index_cast %sub3A_160 : i32 to index
      %swap3A_242 = arith.constant 208 : index
      %swap3A_243 = tpu.vector_load %arg5[%swap3A_239, %swap3A_240, %swap3A_241, %swap3A_242] {strides = array<i32>} : memref<2x14x8x512xf32, #tpu.memory_space<vmem>>, vector<16xf32>,
      tpu.vector_store %arg5[%swap3A_239, %swap3A_240, %swap3A_241, %swap3A_242], %broadcast_in_dim3A_23 {strides = array<i32>} : memref<2x14x8x512xf32, #tpu.memory_space<vmem>>, vector<16xf32>,
      %swap3A_244 = arith.constant 1 : i32
      %swap3A_245 = arith.index_cast %swap3A_244 : i32 to index
      %swap3A_246 = arith.index_cast %select_n3A_157 : i32 to index
      %swap3A_247 = arith.index_cast %sub3A_160 : i32 to index
      %swap3A_248 = arith.constant 224 : index
      %swap3A_249 = tpu.vector_load %arg5[%swap3A_245, %swap3A_246, %swap3A_247, %swap3A_248] {strides = array<i32>} : memref<2x14x8x512xf32, #tpu.memory_space<vmem>>, vector<16xf32>,
      tpu.vector_store %arg5[%swap3A_245, %swap3A_246, %swap3A_247, %swap3A_248], %broadcast_in_dim3A_23 {strides = array<i32>} : memref<2x14x8x512xf32, #tpu.memory_space<vmem>>, vector<16xf32>,
      %swap3A_250 = arith.constant 1 : i32
      %swap3A_251 = arith.index_cast %swap3A_250 : i32 to index
      %swap3A_252 = arith.index_cast %select_n3A_157 : i32 to index
      %swap3A_253 = arith.index_cast %sub3A_160 : i32 to index
      %swap3A_254 = arith.constant 240 : index
      %swap3A_255 = tpu.vector_load %arg5[%swap3A_251, %swap3A_252, %swap3A_253, %swap3A_254] {strides = array<i32>} : memref<2x14x8x512xf32, #tpu.memory_space<vmem>>, vector<16xf32>,
      tpu.vector_store %arg5[%swap3A_251, %swap3A_252, %swap3A_253, %swap3A_254], %broadcast_in_dim3A_23 {strides = array<i32>} : memref<2x14x8x512xf32, #tpu.memory_space<vmem>>, vector<16xf32>,
      %swap3A_256 = arith.constant 1 : i32
      %swap3A_257 = arith.index_cast %swap3A_256 : i32 to index
      %swap3A_258 = arith.index_cast %select_n3A_157 : i32 to index
      %swap3A_259 = arith.index_cast %sub3A_160 : i32 to index
      %swap3A_260 = arith.constant 256 : index
      %swap3A_261 = tpu.vector_load %arg5[%swap3A_257, %swap3A_258, %swap3A_259, %swap3A_260] {strides = array<i32>} : memref<2x14x8x512xf32, #tpu.memory_space<vmem>>, vector<16xf32>,
      tpu.vector_store %arg5[%swap3A_257, %swap3A_258, %swap3A_259, %swap3A_260], %broadcast_in_dim3A_23 {strides = array<i32>} : memref<2x14x8x512xf32, #tpu.memory_space<vmem>>, vector<16xf32>,
      %swap3A_262 = arith.constant 1 : i32
      %swap3A_263 = arith.index_cast %swap3A_262 : i32 to index
      %swap3A_264 = arith.index_cast %select_n3A_157 : i32 to index
      %swap3A_265 = arith.index_cast %sub3A_160 : i32 to index
      %swap3A_266 = arith.constant 272 : index
      %swap3A_267 = tpu.vector_load %arg5[%swap3A_263, %swap3A_264, %swap3A_265, %swap3A_266] {strides = array<i32>} : memref<2x14x8x512xf32, #tpu.memory_space<vmem>>, vector<16xf32>,
      tpu.vector_store %arg5[%swap3A_263, %swap3A_264, %swap3A_265, %swap3A_266], %broadcast_in_dim3A_23 {strides = array<i32>} : memref<2x14x8x512xf32, #tpu.memory_space<vmem>>, vector<16xf32>,
      %swap3A_268 = arith.constant 1 : i32
      %swap3A_269 = arith.index_cast %swap3A_268 : i32 to index
      %swap3A_270 = arith.index_cast %select_n3A_157 : i32 to index
      %swap3A_271 = arith.index_cast %sub3A_160 : i32 to index
      %swap3A_272 = arith.constant 288 : index
      %swap3A_273 = tpu.vector_load %arg5[%swap3A_269, %swap3A_270, %swap3A_271, %swap3A_272] {strides = array<i32>} : memref<2x14x8x512xf32, #tpu.memory_space<vmem>>, vector<16xf32>,
      tpu.vector_store %arg5[%swap3A_269, %swap3A_270, %swap3A_271, %swap3A_272], %broadcast_in_dim3A_23 {strides = array<i32>} : memref<2x14x8x512xf32, #tpu.memory_space<vmem>>, vector<16xf32>,
      %swap3A_274 = arith.constant 1 : i32
      %swap3A_275 = arith.index_cast %swap3A_274 : i32 to index
      %swap3A_276 = arith.index_cast %select_n3A_157 : i32 to index
      %swap3A_277 = arith.index_cast %sub3A_160 : i32 to index
      %swap3A_278 = arith.constant 304 : index
      %swap3A_279 = tpu.vector_load %arg5[%swap3A_275, %swap3A_276, %swap3A_277, %swap3A_278] {strides = array<i32>} : memref<2x14x8x512xf32, #tpu.memory_space<vmem>>, vector<16xf32>,
      tpu.vector_store %arg5[%swap3A_275, %swap3A_276, %swap3A_277, %swap3A_278], %broadcast_in_dim3A_23 {strides = array<i32>} : memref<2x14x8x512xf32, #tpu.memory_space<vmem>>, vector<16xf32>,
      %swap3A_280 = arith.constant 1 : i32
      %swap3A_281 = arith.index_cast %swap3A_280 : i32 to index
      %swap3A_282 = arith.index_cast %select_n3A_157 : i32 to index
      %swap3A_283 = arith.index_cast %sub3A_160 : i32 to index
      %swap3A_284 = arith.constant 320 : index
      %swap3A_285 = tpu.vector_load %arg5[%swap3A_281, %swap3A_282, %swap3A_283, %swap3A_284] {strides = array<i32>} : memref<2x14x8x512xf32, #tpu.memory_space<vmem>>, vector<16xf32>,
      tpu.vector_store %arg5[%swap3A_281, %swap3A_282, %swap3A_283, %swap3A_284], %broadcast_in_dim3A_23 {strides = array<i32>} : memref<2x14x8x512xf32, #tpu.memory_space<vmem>>, vector<16xf32>,
      %swap3A_286 = arith.constant 1 : i32
      %swap3A_287 = arith.index_cast %swap3A_286 : i32 to index
      %swap3A_288 = arith.index_cast %select_n3A_157 : i32 to index
      %swap3A_289 = arith.index_cast %sub3A_160 : i32 to index
      %swap3A_290 = arith.constant 336 : index
      %swap3A_291 = tpu.vector_load %arg5[%swap3A_287, %swap3A_288, %swap3A_289, %swap3A_290] {strides = array<i32>} : memref<2x14x8x512xf32, #tpu.memory_space<vmem>>, vector<16xf32>,
      tpu.vector_store %arg5[%swap3A_287, %swap3A_288, %swap3A_289, %swap3A_290], %broadcast_in_dim3A_23 {strides = array<i32>} : memref<2x14x8x512xf32, #tpu.memory_space<vmem>>, vector<16xf32>,
      %swap3A_292 = arith.constant 1 : i32
      %swap3A_293 = arith.index_cast %swap3A_292 : i32 to index
      %swap3A_294 = arith.index_cast %select_n3A_157 : i32 to index
      %swap3A_295 = arith.index_cast %sub3A_160 : i32 to index
      %swap3A_296 = arith.constant 352 : index
      %swap3A_297 = tpu.vector_load %arg5[%swap3A_293, %swap3A_294, %swap3A_295, %swap3A_296] {strides = array<i32>} : memref<2x14x8x512xf32, #tpu.memory_space<vmem>>, vector<16xf32>,
      tpu.vector_store %arg5[%swap3A_293, %swap3A_294, %swap3A_295, %swap3A_296], %broadcast_in_dim3A_23 {strides = array<i32>} : memref<2x14x8x512xf32, #tpu.memory_space<vmem>>, vector<16xf32>,
      %swap3A_298 = arith.constant 1 : i32
      %swap3A_299 = arith.index_cast %swap3A_298 : i32 to index
      %swap3A_300 = arith.index_cast %select_n3A_157 : i32 to index
      %swap3A_301 = arith.index_cast %sub3A_160 : i32 to index
      %swap3A_302 = arith.constant 368 : index
      %swap3A_303 = tpu.vector_load %arg5[%swap3A_299, %swap3A_300, %swap3A_301, %swap3A_302] {strides = array<i32>} : memref<2x14x8x512xf32, #tpu.memory_space<vmem>>, vector<16xf32>,
      tpu.vector_store %arg5[%swap3A_299, %swap3A_300, %swap3A_301, %swap3A_302], %broadcast_in_dim3A_23 {strides = array<i32>} : memref<2x14x8x512xf32, #tpu.memory_space<vmem>>, vector<16xf32>,
      %swap3A_304 = arith.constant 1 : i32
      %swap3A_305 = arith.index_cast %swap3A_304 : i32 to index
      %swap3A_306 = arith.index_cast %select_n3A_157 : i32 to index
      %swap3A_307 = arith.index_cast %sub3A_160 : i32 to index
      %swap3A_308 = arith.constant 384 : index
      %swap3A_309 = tpu.vector_load %arg5[%swap3A_305, %swap3A_306, %swap3A_307, %swap3A_308] {strides = array<i32>} : memref<2x14x8x512xf32, #tpu.memory_space<vmem>>, vector<16xf32>,
      tpu.vector_store %arg5[%swap3A_305, %swap3A_306, %swap3A_307, %swap3A_308], %broadcast_in_dim3A_23 {strides = array<i32>} : memref<2x14x8x512xf32, #tpu.memory_space<vmem>>, vector<16xf32>,
      %swap3A_310 = arith.constant 1 : i32
      %swap3A_311 = arith.index_cast %swap3A_310 : i32 to index
      %swap3A_312 = arith.index_cast %select_n3A_157 : i32 to index
      %swap3A_313 = arith.index_cast %sub3A_160 : i32 to index
      %swap3A_314 = arith.constant 400 : index
      %swap3A_315 = tpu.vector_load %arg5[%swap3A_311, %swap3A_312, %swap3A_313, %swap3A_314] {strides = array<i32>} : memref<2x14x8x512xf32, #tpu.memory_space<vmem>>, vector<16xf32>,
      tpu.vector_store %arg5[%swap3A_311, %swap3A_312, %swap3A_313, %swap3A_314], %broadcast_in_dim3A_23 {strides = array<i32>} : memref<2x14x8x512xf32, #tpu.memory_space<vmem>>, vector<16xf32>,
      %swap3A_316 = arith.constant 1 : i32
      %swap3A_317 = arith.index_cast %swap3A_316 : i32 to index
      %swap3A_318 = arith.index_cast %select_n3A_157 : i32 to index
      %swap3A_319 = arith.index_cast %sub3A_160 : i32 to index
      %swap3A_320 = arith.constant 416 : index
      %swap3A_321 = tpu.vector_load %arg5[%swap3A_317, %swap3A_318, %swap3A_319, %swap3A_320] {strides = array<i32>} : memref<2x14x8x512xf32, #tpu.memory_space<vmem>>, vector<16xf32>,
      tpu.vector_store %arg5[%swap3A_317, %swap3A_318, %swap3A_319, %swap3A_320], %broadcast_in_dim3A_23 {strides = array<i32>} : memref<2x14x8x512xf32, #tpu.memory_space<vmem>>, vector<16xf32>,
      %swap3A_322 = arith.constant 1 : i32
      %swap3A_323 = arith.index_cast %swap3A_322 : i32 to index
      %swap3A_324 = arith.index_cast %select_n3A_157 : i32 to index
      %swap3A_325 = arith.index_cast %sub3A_160 : i32 to index
      %swap3A_326 = arith.constant 432 : index
      %swap3A_327 = tpu.vector_load %arg5[%swap3A_323, %swap3A_324, %swap3A_325, %swap3A_326] {strides = array<i32>} : memref<2x14x8x512xf32, #tpu.memory_space<vmem>>, vector<16xf32>,
      tpu.vector_store %arg5[%swap3A_323, %swap3A_324, %swap3A_325, %swap3A_326], %broadcast_in_dim3A_23 {strides = array<i32>} : memref<2x14x8x512xf32, #tpu.memory_space<vmem>>, vector<16xf32>,
      %swap3A_328 = arith.constant 1 : i32
      %swap3A_329 = arith.index_cast %swap3A_328 : i32 to index
      %swap3A_330 = arith.index_cast %select_n3A_157 : i32 to index
      %swap3A_331 = arith.index_cast %sub3A_160 : i32 to index
      %swap3A_332 = arith.constant 448 : index
      %swap3A_333 = tpu.vector_load %arg5[%swap3A_329, %swap3A_330, %swap3A_331, %swap3A_332] {strides = array<i32>} : memref<2x14x8x512xf32, #tpu.memory_space<vmem>>, vector<16xf32>,
      tpu.vector_store %arg5[%swap3A_329, %swap3A_330, %swap3A_331, %swap3A_332], %broadcast_in_dim3A_23 {strides = array<i32>} : memref<2x14x8x512xf32, #tpu.memory_space<vmem>>, vector<16xf32>,
      %swap3A_334 = arith.constant 1 : i32
      %swap3A_335 = arith.index_cast %swap3A_334 : i32 to index
      %swap3A_336 = arith.index_cast %select_n3A_157 : i32 to index
      %swap3A_337 = arith.index_cast %sub3A_160 : i32 to index
      %swap3A_338 = arith.constant 464 : index
      %swap3A_339 = tpu.vector_load %arg5[%swap3A_335, %swap3A_336, %swap3A_337, %swap3A_338] {strides = array<i32>} : memref<2x14x8x512xf32, #tpu.memory_space<vmem>>, vector<16xf32>,
      tpu.vector_store %arg5[%swap3A_335, %swap3A_336, %swap3A_337, %swap3A_338], %broadcast_in_dim3A_23 {strides = array<i32>} : memref<2x14x8x512xf32, #tpu.memory_space<vmem>>, vector<16xf32>,
      %swap3A_340 = arith.constant 1 : i32
      %swap3A_341 = arith.index_cast %swap3A_340 : i32 to index
      %swap3A_342 = arith.index_cast %select_n3A_157 : i32 to index
      %swap3A_343 = arith.index_cast %sub3A_160 : i32 to index
      %swap3A_344 = arith.constant 480 : index
      %swap3A_345 = tpu.vector_load %arg5[%swap3A_341, %swap3A_342, %swap3A_343, %swap3A_344] {strides = array<i32>} : memref<2x14x8x512xf32, #tpu.memory_space<vmem>>, vector<16xf32>,
      tpu.vector_store %arg5[%swap3A_341, %swap3A_342, %swap3A_343, %swap3A_344], %broadcast_in_dim3A_23 {strides = array<i32>} : memref<2x14x8x512xf32, #tpu.memory_space<vmem>>, vector<16xf32>,
      %swap3A_346 = arith.constant 1 : i32
      %swap3A_347 = arith.index_cast %swap3A_346 : i32 to index
      %swap3A_348 = arith.index_cast %select_n3A_157 : i32 to index
      %swap3A_349 = arith.index_cast %sub3A_160 : i32 to index
      %swap3A_350 = arith.constant 496 : index
      %swap3A_351 = tpu.vector_load %arg5[%swap3A_347, %swap3A_348, %swap3A_349, %swap3A_350] {strides = array<i32>} : memref<2x14x8x512xf32, #tpu.memory_space<vmem>>, vector<16xf32>,
      tpu.vector_store %arg5[%swap3A_347, %swap3A_348, %swap3A_349, %swap3A_350], %broadcast_in_dim3A_23 {strides = array<i32>} : memref<2x14x8x512xf32, #tpu.memory_space<vmem>>, vector<16xf32>,
    }
    %scan3A_89 = arith.constant 112 : i32
    %scan3A_90 = arith.constant 0 : i32
    %scan3A_91 = arith.constant 1 : i32
    %scan3A_92 = arith.constant 3 : i32
    %scan3A_93 = arith.addi %scan3A_91, %scan3A_92 : i32
    %scan3A_94 = arith.constant 1 : i32
    scf.for %scan3A_133 = %scan3A_91 to %scan3A_93 step %scan3A_94  : i32 {
      %rem3A_134 = arith.constant 2 : i32
      %rem3A_135 = arith.remsi %scan3A_133, %rem3A_134 : i32
      %ge3A = arith.constant 2 : i32
      %ge3A_136 = arith.cmpi sge, %scan3A_133, %ge3A : i32
      %convert_element_type3A = arith.extui %ge3A_136 : i1 to i32
      %cond3A = arith.constant 0 : i32
      %cond3A_137 = arith.cmpi ne, %convert_element_type3A, %cond3A : i32
      scf.if %cond3A_137 {
        %eq3A_169 = arith.constant 0 : i32
        %eq3A_170 = arith.cmpi eq, %rem3A_135, %eq3A_169 : i32
        %convert_element_type3A_171 = arith.extui %eq3A_170 : i1 to i32
        %cond3A_172 = arith.constant 0 : i32
        %cond3A_173 = arith.cmpi ne, %convert_element_type3A_171, %cond3A_172 : i32
        scf.if %cond3A_173 {
          %dma_wait3A_190 = arith.constant 0 : i32
          %dma_wait3A_191 = arith.constant 0 : i32
          %dma_wait3A_192 = arith.constant 0 : i32
          %dma_wait3A_193 = arith.constant 0 : i32
          %dma_wait3A_194 = tpu.memref_slice %arg5[%dma_wait3A_190, %dma_wait3A_191, %dma_wait3A_192, %dma_wait3A_193] : memref<2x14x8x512xf32, #tpu.memory_space<vmem>> -> memref<1x14x8x512xf32, #tpu.memory_space<vmem>>
          %dma_wait3A_195 = tpu.memref_squeeze %dma_wait3A_194 : memref<1x14x8x512xf32, #tpu.memory_space<vmem>> -> memref<14x8x512xf32, #tpu.memory_space<vmem>>
          %dma_wait3A_196 = arith.constant 0 : i32
          %dma_wait3A_197 = arith.constant 0 : i32
          %dma_wait3A_198 = arith.constant 0 : i32
          %dma_wait3A_199 = tpu.memref_slice %arg4[%dma_wait3A_196, %dma_wait3A_197, %dma_wait3A_198] : memref<106x128x512xf32, #tpu.memory_space<hbm>> -> memref<14x8x512xf32, #tpu.memory_space<hbm>>
          %dma_wait3A_200 = arith.constant 0 : i32
          %dma_wait3A_201 = arith.constant 0 : i32
          %dma_wait3A_202 = arith.constant 0 : i32
          %dma_wait3A_203 = tpu.memref_slice %arg4[%dma_wait3A_200, %dma_wait3A_201, %dma_wait3A_202] : memref<106x128x512xf32, #tpu.memory_space<hbm>> -> memref<14x8x512xf32, #tpu.memory_space<hbm>>
          %dma_wait3A_204 = arith.constant 0 : i32
          %dma_wait3A_205 = arith.constant 0 : i32
          %dma_wait3A_206 = arith.constant 0 : i32
          %dma_wait3A_207 = tpu.memref_slice %arg5[%dma_wait3A_190, %dma_wait3A_204, %dma_wait3A_205, %dma_wait3A_206] : memref<2x14x8x512xf32, #tpu.memory_space<vmem>> -> memref<1x14x8x512xf32, #tpu.memory_space<vmem>>
          %dma_wait3A_208 = tpu.memref_squeeze %dma_wait3A_207 : memref<1x14x8x512xf32, #tpu.memory_space<vmem>> -> memref<14x8x512xf32, #tpu.memory_space<vmem>>
          tpu.wait_dma2 semaphore(%arg8 : memref<!tpu.dma_semaphore, #tpu.memory_space<semaphore_mem>>) src(%dma_wait3A_208 : memref<14x8x512xf32, #tpu.memory_space<vmem>>) dst(%dma_wait3A_203 : memref<14x8x512xf32, #tpu.memory_space<hbm>>)
        } else {
        }
        %eq3A_174 = arith.constant 1 : i32
        %eq3A_175 = arith.cmpi eq, %rem3A_135, %eq3A_174 : i32
        %convert_element_type3A_176 = arith.extui %eq3A_175 : i1 to i32
        %cond3A_177 = arith.constant 0 : i32
        %cond3A_178 = arith.cmpi ne, %convert_element_type3A_176, %cond3A_177 : i32
        scf.if %cond3A_178 {
          %dma_wait3A_190 = arith.constant 1 : i32
          %dma_wait3A_191 = arith.constant 0 : i32
          %dma_wait3A_192 = arith.constant 0 : i32
          %dma_wait3A_193 = arith.constant 0 : i32
          %dma_wait3A_194 = tpu.memref_slice %arg5[%dma_wait3A_190, %dma_wait3A_191, %dma_wait3A_192, %dma_wait3A_193] : memref<2x14x8x512xf32, #tpu.memory_space<vmem>> -> memref<1x14x8x512xf32, #tpu.memory_space<vmem>>
          %dma_wait3A_195 = tpu.memref_squeeze %dma_wait3A_194 : memref<1x14x8x512xf32, #tpu.memory_space<vmem>> -> memref<14x8x512xf32, #tpu.memory_space<vmem>>
          %dma_wait3A_196 = arith.constant 0 : i32
          %dma_wait3A_197 = arith.constant 0 : i32
          %dma_wait3A_198 = arith.constant 0 : i32
          %dma_wait3A_199 = tpu.memref_slice %arg4[%dma_wait3A_196, %dma_wait3A_197, %dma_wait3A_198] : memref<106x128x512xf32, #tpu.memory_space<hbm>> -> memref<14x8x512xf32, #tpu.memory_space<hbm>>
          %dma_wait3A_200 = arith.constant 0 : i32
          %dma_wait3A_201 = arith.constant 0 : i32
          %dma_wait3A_202 = arith.constant 0 : i32
          %dma_wait3A_203 = tpu.memref_slice %arg4[%dma_wait3A_200, %dma_wait3A_201, %dma_wait3A_202] : memref<106x128x512xf32, #tpu.memory_space<hbm>> -> memref<14x8x512xf32, #tpu.memory_space<hbm>>
          %dma_wait3A_204 = arith.constant 0 : i32
          %dma_wait3A_205 = arith.constant 0 : i32
          %dma_wait3A_206 = arith.constant 0 : i32
          %dma_wait3A_207 = tpu.memref_slice %arg5[%dma_wait3A_190, %dma_wait3A_204, %dma_wait3A_205, %dma_wait3A_206] : memref<2x14x8x512xf32, #tpu.memory_space<vmem>> -> memref<1x14x8x512xf32, #tpu.memory_space<vmem>>
          %dma_wait3A_208 = tpu.memref_squeeze %dma_wait3A_207 : memref<1x14x8x512xf32, #tpu.memory_space<vmem>> -> memref<14x8x512xf32, #tpu.memory_space<vmem>>
          tpu.wait_dma2 semaphore(%arg9 : memref<!tpu.dma_semaphore, #tpu.memory_space<semaphore_mem>>) src(%dma_wait3A_208 : memref<14x8x512xf32, #tpu.memory_space<vmem>>) dst(%dma_wait3A_203 : memref<14x8x512xf32, #tpu.memory_space<hbm>>)
        } else {
        }
        %sub3A_179 = arith.constant 2 : i32
        %sub3A_180 = arith.subi %scan3A_133, %sub3A_179 : i32
        %mul3A_181 = arith.constant 14 : i32
        %mul3A_182 = arith.muli %sub3A_180, %mul3A_181 : i32
        %broadcast_in_dim3A_183 = vector.broadcast %rem3A_135 : i32 to vector<16xi32>
        %scan3A_184 = arith.constant 0 : i32
        %scan3A_185 = arith.constant 0 : i32
        %scan3A_186 = arith.constant 7 : i32
        %scan3A_187 = arith.addi %scan3A_185, %scan3A_186 : i32
        %scan3A_188 = arith.constant 1 : i32
        scf.for %scan3A_190 = %scan3A_185 to %scan3A_187 step %scan3A_188  : i32 {
          %mul3A_191 = arith.constant 2 : i32
          %mul3A_192 = arith.muli %mul3A_191, %scan3A_190 : i32
          %add3A_193 = vector.broadcast %mul3A_192 : i32 to vector<16xi32>
          %add3A_194 = arith.addi %shift_right_arithmetic3A_25, %add3A_193 : vector<16xi32>
          %add3A_195 = vector.broadcast %mul3A_182 : i32 to vector<16xi32>
          %add3A_196 = arith.addi %add3A_195, %add3A_194 : vector<16xi32>
          %add3A_197 = vector.broadcast %mul3A_22 : i32 to vector<16xi32>
          %add3A_198 = arith.addi %add3A_197, %add3A_196 : vector<16xi32>
          %lt3A_199 = arith.constant 106 : i32
          %lt3A_200 = vector.broadcast %lt3A_199 : i32 to vector<16xi32>
          %lt3A_201 = arith.cmpi slt, %add3A_198, %lt3A_200 : vector<16xi32>
          %gather3A = tpu.vector_load_idx %arg6[%and3A_28, %add3A_198] masked %lt3A_201 : memref<8x106xf32, #tpu.memory_space<vmem>>[vector<16xi32>, vector<16xi32>], vector<16xf32>, vector<16xi1>
          %convert_element_type3A_202 = arith.fptosi %gather3A : vector<16xf32> to vector<16xi32>
          %gather3A_203 = tpu.vector_load_idx %arg7[%and3A_28, %add3A_198] masked %lt3A_201 : memref<8x106xf32, #tpu.memory_space<vmem>>[vector<16xi32>, vector<16xi32>], vector<16xf32>, vector<16xi1>
          %convert_element_type3A_204 = arith.fptosi %gather3A_203 : vector<16xf32> to vector<16xi32>
          %sub3A_205 = arith.constant 6 : i32
          %sub3A_206 = vector.broadcast %sub3A_205 : i32 to vector<16xi32>
          %sub3A_207 = arith.subi %convert_element_type3A_202, %sub3A_206 : vector<16xi32>
          %add3A_208 = arith.constant 6 : i32
          %add3A_209 = vector.broadcast %add3A_208 : i32 to vector<16xi32>
          %add3A_210 = arith.addi %convert_element_type3A_202, %add3A_209 : vector<16xi32>
          %add3A_211 = arith.constant 1 : i32
          %add3A_212 = vector.broadcast %add3A_211 : i32 to vector<16xi32>
          %add3A_213 = arith.addi %add3A_210, %add3A_212 : vector<16xi32>
          %sub3A_214 = arith.constant 6 : i32
          %sub3A_215 = vector.broadcast %sub3A_214 : i32 to vector<16xi32>
          %sub3A_216 = arith.subi %convert_element_type3A_204, %sub3A_215 : vector<16xi32>
          %add3A_217 = arith.constant 6 : i32
          %add3A_218 = vector.broadcast %add3A_217 : i32 to vector<16xi32>
          %add3A_219 = arith.addi %convert_element_type3A_204, %add3A_218 : vector<16xi32>
          %add3A_220 = arith.constant 1 : i32
          %add3A_221 = vector.broadcast %add3A_220 : i32 to vector<16xi32>
          %add3A_222 = arith.addi %add3A_219, %add3A_221 : vector<16xi32>
          %ge3A_223 = arith.constant 0 : i32
          %ge3A_224 = vector.broadcast %ge3A_223 : i32 to vector<16xi32>
          %ge3A_225 = arith.cmpi sge, %sub3A_207, %ge3A_224 : vector<16xi32>
          %le3A = arith.constant 512 : i32
          %le3A_226 = vector.broadcast %le3A : i32 to vector<16xi32>
          %le3A_227 = arith.cmpi sle, %sub3A_207, %le3A_226 : vector<16xi32>
          %and3A_228 = arith.andi %ge3A_225, %le3A_227 : vector<16xi1>
          %ge3A_229 = arith.constant 0 : i32
          %ge3A_230 = vector.broadcast %ge3A_229 : i32 to vector<16xi32>
          %ge3A_231 = arith.cmpi sge, %sub3A_216, %ge3A_230 : vector<16xi32>
          %and3A_232 = arith.andi %and3A_228, %ge3A_231 : vector<16xi1>
          %le3A_233 = arith.constant 512 : i32
          %le3A_234 = vector.broadcast %le3A_233 : i32 to vector<16xi32>
          %le3A_235 = arith.cmpi sle, %sub3A_216, %le3A_234 : vector<16xi32>
          %and3A_236 = arith.andi %and3A_232, %le3A_235 : vector<16xi1>
          %ge3A_237 = arith.constant 0 : i32
          %ge3A_238 = vector.broadcast %ge3A_237 : i32 to vector<16xi32>
          %ge3A_239 = arith.cmpi sge, %add3A_213, %ge3A_238 : vector<16xi32>
          %le3A_240 = arith.constant 512 : i32
          %le3A_241 = vector.broadcast %le3A_240 : i32 to vector<16xi32>
          %le3A_242 = arith.cmpi sle, %add3A_213, %le3A_241 : vector<16xi32>
          %and3A_243 = arith.andi %ge3A_239, %le3A_242 : vector<16xi1>
          %ge3A_244 = arith.constant 0 : i32
          %ge3A_245 = vector.broadcast %ge3A_244 : i32 to vector<16xi32>
          %ge3A_246 = arith.cmpi sge, %add3A_222, %ge3A_245 : vector<16xi32>
          %and3A_247 = arith.andi %and3A_243, %ge3A_246 : vector<16xi1>
          %le3A_248 = arith.constant 512 : i32
          %le3A_249 = vector.broadcast %le3A_248 : i32 to vector<16xi32>
          %le3A_250 = arith.cmpi sle, %add3A_222, %le3A_249 : vector<16xi32>
          %and3A_251 = arith.andi %and3A_247, %le3A_250 : vector<16xi1>
          %or3A = arith.ori %and3A_236, %and3A_251 : vector<16xi1>
          %lt3A_252 = arith.constant 53 : i32
          %lt3A_253 = vector.broadcast %lt3A_252 : i32 to vector<16xi32>
          %lt3A_254 = arith.cmpi slt, %add3A_196, %lt3A_253 : vector<16xi32>
          %and3A_255 = arith.andi %or3A, %lt3A_254 : vector<16xi1>
          %add3A_256 = arith.constant 0 : i32
          %add3A_257 = vector.broadcast %add3A_256 : i32 to vector<16xi32>
          %add3A_258 = arith.addi %sub3A_207, %add3A_257 : vector<16xi32>
          %ge3A_259 = arith.constant 0 : i32
          %ge3A_260 = vector.broadcast %ge3A_259 : i32 to vector<16xi32>
          %ge3A_261 = arith.cmpi sge, %add3A_258, %ge3A_260 : vector<16xi32>
          %and3A_262 = arith.andi %and3A_255, %ge3A_261 : vector<16xi1>
          %lt3A_263 = arith.constant 512 : i32
          %lt3A_264 = vector.broadcast %lt3A_263 : i32 to vector<16xi32>
          %lt3A_265 = arith.cmpi slt, %add3A_258, %lt3A_264 : vector<16xi32>
          %and3A_266 = arith.andi %and3A_262, %lt3A_265 : vector<16xi1>
          tpu.vector_store_idx %arg5[%broadcast_in_dim3A_183, %add3A_194, %and3A_28, %add3A_258], %broadcast_in_dim3A_23 masked %and3A_266 : memref<2x14x8x512xf32, #tpu.memory_space<vmem>>[vector<16xi32>, vector<16xi32>, vector<16xi32>, vector<16xi32>], vector<16xf32>, vector<16xi1>
          %add3A_267 = arith.constant 1 : i32
          %add3A_268 = vector.broadcast %add3A_267 : i32 to vector<16xi32>
          %add3A_269 = arith.addi %sub3A_207, %add3A_268 : vector<16xi32>
          %ge3A_270 = arith.constant 0 : i32
          %ge3A_271 = vector.broadcast %ge3A_270 : i32 to vector<16xi32>
          %ge3A_272 = arith.cmpi sge, %add3A_269, %ge3A_271 : vector<16xi32>
          %and3A_273 = arith.andi %and3A_255, %ge3A_272 : vector<16xi1>
          %lt3A_274 = arith.constant 512 : i32
          %lt3A_275 = vector.broadcast %lt3A_274 : i32 to vector<16xi32>
          %lt3A_276 = arith.cmpi slt, %add3A_269, %lt3A_275 : vector<16xi32>
          %and3A_277 = arith.andi %and3A_273, %lt3A_276 : vector<16xi1>
          tpu.vector_store_idx %arg5[%broadcast_in_dim3A_183, %add3A_194, %and3A_28, %add3A_269], %broadcast_in_dim3A_23 masked %and3A_277 : memref<2x14x8x512xf32, #tpu.memory_space<vmem>>[vector<16xi32>, vector<16xi32>, vector<16xi32>, vector<16xi32>], vector<16xf32>, vector<16xi1>
          %add3A_278 = arith.constant 2 : i32
          %add3A_279 = vector.broadcast %add3A_278 : i32 to vector<16xi32>
          %add3A_280 = arith.addi %sub3A_207, %add3A_279 : vector<16xi32>
          %ge3A_281 = arith.constant 0 : i32
          %ge3A_282 = vector.broadcast %ge3A_281 : i32 to vector<16xi32>
          %ge3A_283 = arith.cmpi sge, %add3A_280, %ge3A_282 : vector<16xi32>
          %and3A_284 = arith.andi %and3A_255, %ge3A_283 : vector<16xi1>
          %lt3A_285 = arith.constant 512 : i32
          %lt3A_286 = vector.broadcast %lt3A_285 : i32 to vector<16xi32>
          %lt3A_287 = arith.cmpi slt, %add3A_280, %lt3A_286 : vector<16xi32>
          %and3A_288 = arith.andi %and3A_284, %lt3A_287 : vector<16xi1>
          tpu.vector_store_idx %arg5[%broadcast_in_dim3A_183, %add3A_194, %and3A_28, %add3A_280], %broadcast_in_dim3A_23 masked %and3A_288 : memref<2x14x8x512xf32, #tpu.memory_space<vmem>>[vector<16xi32>, vector<16xi32>, vector<16xi32>, vector<16xi32>], vector<16xf32>, vector<16xi1>
          %add3A_289 = arith.constant 3 : i32
          %add3A_290 = vector.broadcast %add3A_289 : i32 to vector<16xi32>
          %add3A_291 = arith.addi %sub3A_207, %add3A_290 : vector<16xi32>
          %ge3A_292 = arith.constant 0 : i32
          %ge3A_293 = vector.broadcast %ge3A_292 : i32 to vector<16xi32>
          %ge3A_294 = arith.cmpi sge, %add3A_291, %ge3A_293 : vector<16xi32>
          %and3A_295 = arith.andi %and3A_255, %ge3A_294 : vector<16xi1>
          %lt3A_296 = arith.constant 512 : i32
          %lt3A_297 = vector.broadcast %lt3A_296 : i32 to vector<16xi32>
          %lt3A_298 = arith.cmpi slt, %add3A_291, %lt3A_297 : vector<16xi32>
          %and3A_299 = arith.andi %and3A_295, %lt3A_298 : vector<16xi1>
          tpu.vector_store_idx %arg5[%broadcast_in_dim3A_183, %add3A_194, %and3A_28, %add3A_291], %broadcast_in_dim3A_23 masked %and3A_299 : memref<2x14x8x512xf32, #tpu.memory_space<vmem>>[vector<16xi32>, vector<16xi32>, vector<16xi32>, vector<16xi32>], vector<16xf32>, vector<16xi1>
          %add3A_300 = arith.constant 4 : i32
          %add3A_301 = vector.broadcast %add3A_300 : i32 to vector<16xi32>
          %add3A_302 = arith.addi %sub3A_207, %add3A_301 : vector<16xi32>
          %ge3A_303 = arith.constant 0 : i32
          %ge3A_304 = vector.broadcast %ge3A_303 : i32 to vector<16xi32>
          %ge3A_305 = arith.cmpi sge, %add3A_302, %ge3A_304 : vector<16xi32>
          %and3A_306 = arith.andi %and3A_255, %ge3A_305 : vector<16xi1>
          %lt3A_307 = arith.constant 512 : i32
          %lt3A_308 = vector.broadcast %lt3A_307 : i32 to vector<16xi32>
          %lt3A_309 = arith.cmpi slt, %add3A_302, %lt3A_308 : vector<16xi32>
          %and3A_310 = arith.andi %and3A_306, %lt3A_309 : vector<16xi1>
          tpu.vector_store_idx %arg5[%broadcast_in_dim3A_183, %add3A_194, %and3A_28, %add3A_302], %broadcast_in_dim3A_23 masked %and3A_310 : memref<2x14x8x512xf32, #tpu.memory_space<vmem>>[vector<16xi32>, vector<16xi32>, vector<16xi32>, vector<16xi32>], vector<16xf32>, vector<16xi1>
          %add3A_311 = arith.constant 5 : i32
          %add3A_312 = vector.broadcast %add3A_311 : i32 to vector<16xi32>
          %add3A_313 = arith.addi %sub3A_207, %add3A_312 : vector<16xi32>
          %ge3A_314 = arith.constant 0 : i32
          %ge3A_315 = vector.broadcast %ge3A_314 : i32 to vector<16xi32>
          %ge3A_316 = arith.cmpi sge, %add3A_313, %ge3A_315 : vector<16xi32>
          %and3A_317 = arith.andi %and3A_255, %ge3A_316 : vector<16xi1>
          %lt3A_318 = arith.constant 512 : i32
          %lt3A_319 = vector.broadcast %lt3A_318 : i32 to vector<16xi32>
          %lt3A_320 = arith.cmpi slt, %add3A_313, %lt3A_319 : vector<16xi32>
          %and3A_321 = arith.andi %and3A_317, %lt3A_320 : vector<16xi1>
          tpu.vector_store_idx %arg5[%broadcast_in_dim3A_183, %add3A_194, %and3A_28, %add3A_313], %broadcast_in_dim3A_23 masked %and3A_321 : memref<2x14x8x512xf32, #tpu.memory_space<vmem>>[vector<16xi32>, vector<16xi32>, vector<16xi32>, vector<16xi32>], vector<16xf32>, vector<16xi1>
          %add3A_322 = arith.constant 6 : i32
          %add3A_323 = vector.broadcast %add3A_322 : i32 to vector<16xi32>
          %add3A_324 = arith.addi %sub3A_207, %add3A_323 : vector<16xi32>
          %ge3A_325 = arith.constant 0 : i32
          %ge3A_326 = vector.broadcast %ge3A_325 : i32 to vector<16xi32>
          %ge3A_327 = arith.cmpi sge, %add3A_324, %ge3A_326 : vector<16xi32>
          %and3A_328 = arith.andi %and3A_255, %ge3A_327 : vector<16xi1>
          %lt3A_329 = arith.constant 512 : i32
          %lt3A_330 = vector.broadcast %lt3A_329 : i32 to vector<16xi32>
          %lt3A_331 = arith.cmpi slt, %add3A_324, %lt3A_330 : vector<16xi32>
          %and3A_332 = arith.andi %and3A_328, %lt3A_331 : vector<16xi1>
          tpu.vector_store_idx %arg5[%broadcast_in_dim3A_183, %add3A_194, %and3A_28, %add3A_324], %broadcast_in_dim3A_23 masked %and3A_332 : memref<2x14x8x512xf32, #tpu.memory_space<vmem>>[vector<16xi32>, vector<16xi32>, vector<16xi32>, vector<16xi32>], vector<16xf32>, vector<16xi1>
          %add3A_333 = arith.constant 7 : i32
          %add3A_334 = vector.broadcast %add3A_333 : i32 to vector<16xi32>
          %add3A_335 = arith.addi %sub3A_207, %add3A_334 : vector<16xi32>
          %ge3A_336 = arith.constant 0 : i32
          %ge3A_337 = vector.broadcast %ge3A_336 : i32 to vector<16xi32>
          %ge3A_338 = arith.cmpi sge, %add3A_335, %ge3A_337 : vector<16xi32>
          %and3A_339 = arith.andi %and3A_255, %ge3A_338 : vector<16xi1>
          %lt3A_340 = arith.constant 512 : i32
          %lt3A_341 = vector.broadcast %lt3A_340 : i32 to vector<16xi32>
          %lt3A_342 = arith.cmpi slt, %add3A_335, %lt3A_341 : vector<16xi32>
          %and3A_343 = arith.andi %and3A_339, %lt3A_342 : vector<16xi1>
          tpu.vector_store_idx %arg5[%broadcast_in_dim3A_183, %add3A_194, %and3A_28, %add3A_335], %broadcast_in_dim3A_23 masked %and3A_343 : memref<2x14x8x512xf32, #tpu.memory_space<vmem>>[vector<16xi32>, vector<16xi32>, vector<16xi32>, vector<16xi32>], vector<16xf32>, vector<16xi1>
          %add3A_344 = arith.constant 8 : i32
          %add3A_345 = vector.broadcast %add3A_344 : i32 to vector<16xi32>
          %add3A_346 = arith.addi %sub3A_207, %add3A_345 : vector<16xi32>
          %ge3A_347 = arith.constant 0 : i32
          %ge3A_348 = vector.broadcast %ge3A_347 : i32 to vector<16xi32>
          %ge3A_349 = arith.cmpi sge, %add3A_346, %ge3A_348 : vector<16xi32>
          %and3A_350 = arith.andi %and3A_255, %ge3A_349 : vector<16xi1>
          %lt3A_351 = arith.constant 512 : i32
          %lt3A_352 = vector.broadcast %lt3A_351 : i32 to vector<16xi32>
          %lt3A_353 = arith.cmpi slt, %add3A_346, %lt3A_352 : vector<16xi32>
          %and3A_354 = arith.andi %and3A_350, %lt3A_353 : vector<16xi1>
          tpu.vector_store_idx %arg5[%broadcast_in_dim3A_183, %add3A_194, %and3A_28, %add3A_346], %broadcast_in_dim3A_23 masked %and3A_354 : memref<2x14x8x512xf32, #tpu.memory_space<vmem>>[vector<16xi32>, vector<16xi32>, vector<16xi32>, vector<16xi32>], vector<16xf32>, vector<16xi1>
          %add3A_355 = arith.constant 9 : i32
          %add3A_356 = vector.broadcast %add3A_355 : i32 to vector<16xi32>
          %add3A_357 = arith.addi %sub3A_207, %add3A_356 : vector<16xi32>
          %ge3A_358 = arith.constant 0 : i32
          %ge3A_359 = vector.broadcast %ge3A_358 : i32 to vector<16xi32>
          %ge3A_360 = arith.cmpi sge, %add3A_357, %ge3A_359 : vector<16xi32>
          %and3A_361 = arith.andi %and3A_255, %ge3A_360 : vector<16xi1>
          %lt3A_362 = arith.constant 512 : i32
          %lt3A_363 = vector.broadcast %lt3A_362 : i32 to vector<16xi32>
          %lt3A_364 = arith.cmpi slt, %add3A_357, %lt3A_363 : vector<16xi32>
          %and3A_365 = arith.andi %and3A_361, %lt3A_364 : vector<16xi1>
          tpu.vector_store_idx %arg5[%broadcast_in_dim3A_183, %add3A_194, %and3A_28, %add3A_357], %broadcast_in_dim3A_23 masked %and3A_365 : memref<2x14x8x512xf32, #tpu.memory_space<vmem>>[vector<16xi32>, vector<16xi32>, vector<16xi32>, vector<16xi32>], vector<16xf32>, vector<16xi1>
          %add3A_366 = arith.constant 10 : i32
          %add3A_367 = vector.broadcast %add3A_366 : i32 to vector<16xi32>
          %add3A_368 = arith.addi %sub3A_207, %add3A_367 : vector<16xi32>
          %ge3A_369 = arith.constant 0 : i32
          %ge3A_370 = vector.broadcast %ge3A_369 : i32 to vector<16xi32>
          %ge3A_371 = arith.cmpi sge, %add3A_368, %ge3A_370 : vector<16xi32>
          %and3A_372 = arith.andi %and3A_255, %ge3A_371 : vector<16xi1>
          %lt3A_373 = arith.constant 512 : i32
          %lt3A_374 = vector.broadcast %lt3A_373 : i32 to vector<16xi32>
          %lt3A_375 = arith.cmpi slt, %add3A_368, %lt3A_374 : vector<16xi32>
          %and3A_376 = arith.andi %and3A_372, %lt3A_375 : vector<16xi1>
          tpu.vector_store_idx %arg5[%broadcast_in_dim3A_183, %add3A_194, %and3A_28, %add3A_368], %broadcast_in_dim3A_23 masked %and3A_376 : memref<2x14x8x512xf32, #tpu.memory_space<vmem>>[vector<16xi32>, vector<16xi32>, vector<16xi32>, vector<16xi32>], vector<16xf32>, vector<16xi1>
          %add3A_377 = arith.constant 11 : i32
          %add3A_378 = vector.broadcast %add3A_377 : i32 to vector<16xi32>
          %add3A_379 = arith.addi %sub3A_207, %add3A_378 : vector<16xi32>
          %ge3A_380 = arith.constant 0 : i32
          %ge3A_381 = vector.broadcast %ge3A_380 : i32 to vector<16xi32>
          %ge3A_382 = arith.cmpi sge, %add3A_379, %ge3A_381 : vector<16xi32>
          %and3A_383 = arith.andi %and3A_255, %ge3A_382 : vector<16xi1>
          %lt3A_384 = arith.constant 512 : i32
          %lt3A_385 = vector.broadcast %lt3A_384 : i32 to vector<16xi32>
          %lt3A_386 = arith.cmpi slt, %add3A_379, %lt3A_385 : vector<16xi32>
          %and3A_387 = arith.andi %and3A_383, %lt3A_386 : vector<16xi1>
          tpu.vector_store_idx %arg5[%broadcast_in_dim3A_183, %add3A_194, %and3A_28, %add3A_379], %broadcast_in_dim3A_23 masked %and3A_387 : memref<2x14x8x512xf32, #tpu.memory_space<vmem>>[vector<16xi32>, vector<16xi32>, vector<16xi32>, vector<16xi32>], vector<16xf32>, vector<16xi1>
          %add3A_388 = arith.constant 12 : i32
          %add3A_389 = vector.broadcast %add3A_388 : i32 to vector<16xi32>
          %add3A_390 = arith.addi %sub3A_207, %add3A_389 : vector<16xi32>
          %ge3A_391 = arith.constant 0 : i32
          %ge3A_392 = vector.broadcast %ge3A_391 : i32 to vector<16xi32>
          %ge3A_393 = arith.cmpi sge, %add3A_390, %ge3A_392 : vector<16xi32>
          %and3A_394 = arith.andi %and3A_255, %ge3A_393 : vector<16xi1>
          %lt3A_395 = arith.constant 512 : i32
          %lt3A_396 = vector.broadcast %lt3A_395 : i32 to vector<16xi32>
          %lt3A_397 = arith.cmpi slt, %add3A_390, %lt3A_396 : vector<16xi32>
          %and3A_398 = arith.andi %and3A_394, %lt3A_397 : vector<16xi1>
          tpu.vector_store_idx %arg5[%broadcast_in_dim3A_183, %add3A_194, %and3A_28, %add3A_390], %broadcast_in_dim3A_23 masked %and3A_398 : memref<2x14x8x512xf32, #tpu.memory_space<vmem>>[vector<16xi32>, vector<16xi32>, vector<16xi32>, vector<16xi32>], vector<16xf32>, vector<16xi1>
        }
        %scan3A_189 = arith.constant 7 : i32
      } else {
      }
      %mul3A_138 = arith.constant 14 : i32
      %mul3A_139 = arith.muli %scan3A_133, %mul3A_138 : i32
      %broadcast_in_dim3A_140 = vector.broadcast %rem3A_135 : i32 to vector<16xi32>
      %scan3A_141 = arith.constant 0 : i32
      %scan3A_142 = arith.constant 0 : i32
      %scan3A_143 = arith.constant 7 : i32
      %scan3A_144 = arith.addi %scan3A_142, %scan3A_143 : i32
      %scan3A_145 = arith.constant 1 : i32
      scf.for %scan3A_169 = %scan3A_142 to %scan3A_144 step %scan3A_145  : i32 {
        %mul3A_170 = arith.constant 2 : i32
        %mul3A_171 = arith.muli %mul3A_170, %scan3A_169 : i32
        %add3A_172 = vector.broadcast %mul3A_171 : i32 to vector<16xi32>
        %add3A_173 = arith.addi %shift_right_arithmetic3A_25, %add3A_172 : vector<16xi32>
        %add3A_174 = vector.broadcast %mul3A_139 : i32 to vector<16xi32>
        %add3A_175 = arith.addi %add3A_174, %add3A_173 : vector<16xi32>
        %add3A_176 = vector.broadcast %mul3A_22 : i32 to vector<16xi32>
        %add3A_177 = arith.addi %add3A_176, %add3A_175 : vector<16xi32>
        %lt3A_178 = arith.constant 106 : i32
        %lt3A_179 = vector.broadcast %lt3A_178 : i32 to vector<16xi32>
        %lt3A_180 = arith.cmpi slt, %add3A_177, %lt3A_179 : vector<16xi32>
        %gather3A = tpu.vector_load_idx %arg6[%and3A_28, %add3A_177] masked %lt3A_180 : memref<8x106xf32, #tpu.memory_space<vmem>>[vector<16xi32>, vector<16xi32>], vector<16xf32>, vector<16xi1>
        %convert_element_type3A_181 = arith.fptosi %gather3A : vector<16xf32> to vector<16xi32>
        %gather3A_182 = tpu.vector_load_idx %arg7[%and3A_28, %add3A_177] masked %lt3A_180 : memref<8x106xf32, #tpu.memory_space<vmem>>[vector<16xi32>, vector<16xi32>], vector<16xf32>, vector<16xi1>
        %convert_element_type3A_183 = arith.fptosi %gather3A_182 : vector<16xf32> to vector<16xi32>
        %sub3A_184 = arith.constant 6 : i32
        %sub3A_185 = vector.broadcast %sub3A_184 : i32 to vector<16xi32>
        %sub3A_186 = arith.subi %convert_element_type3A_181, %sub3A_185 : vector<16xi32>
        %add3A_187 = arith.constant 6 : i32
        %add3A_188 = vector.broadcast %add3A_187 : i32 to vector<16xi32>
        %add3A_189 = arith.addi %convert_element_type3A_181, %add3A_188 : vector<16xi32>
        %add3A_190 = arith.constant 1 : i32
        %add3A_191 = vector.broadcast %add3A_190 : i32 to vector<16xi32>
        %add3A_192 = arith.addi %add3A_189, %add3A_191 : vector<16xi32>
        %sub3A_193 = arith.constant 6 : i32
        %sub3A_194 = vector.broadcast %sub3A_193 : i32 to vector<16xi32>
        %sub3A_195 = arith.subi %convert_element_type3A_183, %sub3A_194 : vector<16xi32>
        %add3A_196 = arith.constant 6 : i32
        %add3A_197 = vector.broadcast %add3A_196 : i32 to vector<16xi32>
        %add3A_198 = arith.addi %convert_element_type3A_183, %add3A_197 : vector<16xi32>
        %add3A_199 = arith.constant 1 : i32
        %add3A_200 = vector.broadcast %add3A_199 : i32 to vector<16xi32>
        %add3A_201 = arith.addi %add3A_198, %add3A_200 : vector<16xi32>
        %ge3A_202 = arith.constant 0 : i32
        %ge3A_203 = vector.broadcast %ge3A_202 : i32 to vector<16xi32>
        %ge3A_204 = arith.cmpi sge, %sub3A_186, %ge3A_203 : vector<16xi32>
        %le3A = arith.constant 512 : i32
        %le3A_205 = vector.broadcast %le3A : i32 to vector<16xi32>
        %le3A_206 = arith.cmpi sle, %sub3A_186, %le3A_205 : vector<16xi32>
        %and3A_207 = arith.andi %ge3A_204, %le3A_206 : vector<16xi1>
        %ge3A_208 = arith.constant 0 : i32
        %ge3A_209 = vector.broadcast %ge3A_208 : i32 to vector<16xi32>
        %ge3A_210 = arith.cmpi sge, %sub3A_195, %ge3A_209 : vector<16xi32>
        %and3A_211 = arith.andi %and3A_207, %ge3A_210 : vector<16xi1>
        %le3A_212 = arith.constant 512 : i32
        %le3A_213 = vector.broadcast %le3A_212 : i32 to vector<16xi32>
        %le3A_214 = arith.cmpi sle, %sub3A_195, %le3A_213 : vector<16xi32>
        %and3A_215 = arith.andi %and3A_211, %le3A_214 : vector<16xi1>
        %ge3A_216 = arith.constant 0 : i32
        %ge3A_217 = vector.broadcast %ge3A_216 : i32 to vector<16xi32>
        %ge3A_218 = arith.cmpi sge, %add3A_192, %ge3A_217 : vector<16xi32>
        %le3A_219 = arith.constant 512 : i32
        %le3A_220 = vector.broadcast %le3A_219 : i32 to vector<16xi32>
        %le3A_221 = arith.cmpi sle, %add3A_192, %le3A_220 : vector<16xi32>
        %and3A_222 = arith.andi %ge3A_218, %le3A_221 : vector<16xi1>
        %ge3A_223 = arith.constant 0 : i32
        %ge3A_224 = vector.broadcast %ge3A_223 : i32 to vector<16xi32>
        %ge3A_225 = arith.cmpi sge, %add3A_201, %ge3A_224 : vector<16xi32>
        %and3A_226 = arith.andi %and3A_222, %ge3A_225 : vector<16xi1>
        %le3A_227 = arith.constant 512 : i32
        %le3A_228 = vector.broadcast %le3A_227 : i32 to vector<16xi32>
        %le3A_229 = arith.cmpi sle, %add3A_201, %le3A_228 : vector<16xi32>
        %and3A_230 = arith.andi %and3A_226, %le3A_229 : vector<16xi1>
        %or3A = arith.ori %and3A_215, %and3A_230 : vector<16xi1>
        %lt3A_231 = arith.constant 53 : i32
        %lt3A_232 = vector.broadcast %lt3A_231 : i32 to vector<16xi32>
        %lt3A_233 = arith.cmpi slt, %add3A_175, %lt3A_232 : vector<16xi32>
        %and3A_234 = arith.andi %or3A, %lt3A_233 : vector<16xi1>
        %add3A_235 = arith.constant 0 : i32
        %add3A_236 = vector.broadcast %add3A_235 : i32 to vector<16xi32>
        %add3A_237 = arith.addi %sub3A_186, %add3A_236 : vector<16xi32>
        %ge3A_238 = arith.constant 0 : i32
        %ge3A_239 = vector.broadcast %ge3A_238 : i32 to vector<16xi32>
        %ge3A_240 = arith.cmpi sge, %add3A_237, %ge3A_239 : vector<16xi32>
        %and3A_241 = arith.andi %and3A_234, %ge3A_240 : vector<16xi1>
        %lt3A_242 = arith.constant 512 : i32
        %lt3A_243 = vector.broadcast %lt3A_242 : i32 to vector<16xi32>
        %lt3A_244 = arith.cmpi slt, %add3A_237, %lt3A_243 : vector<16xi32>
        %and3A_245 = arith.andi %and3A_241, %lt3A_244 : vector<16xi1>
        tpu.vector_store_idx %arg5[%broadcast_in_dim3A_140, %add3A_173, %and3A_28, %add3A_237], %broadcast_in_dim3A_30 masked %and3A_245 : memref<2x14x8x512xf32, #tpu.memory_space<vmem>>[vector<16xi32>, vector<16xi32>, vector<16xi32>, vector<16xi32>], vector<16xf32>, vector<16xi1>
        %add3A_246 = arith.constant 1 : i32
        %add3A_247 = vector.broadcast %add3A_246 : i32 to vector<16xi32>
        %add3A_248 = arith.addi %sub3A_186, %add3A_247 : vector<16xi32>
        %ge3A_249 = arith.constant 0 : i32
        %ge3A_250 = vector.broadcast %ge3A_249 : i32 to vector<16xi32>
        %ge3A_251 = arith.cmpi sge, %add3A_248, %ge3A_250 : vector<16xi32>
        %and3A_252 = arith.andi %and3A_234, %ge3A_251 : vector<16xi1>
        %lt3A_253 = arith.constant 512 : i32
        %lt3A_254 = vector.broadcast %lt3A_253 : i32 to vector<16xi32>
        %lt3A_255 = arith.cmpi slt, %add3A_248, %lt3A_254 : vector<16xi32>
        %and3A_256 = arith.andi %and3A_252, %lt3A_255 : vector<16xi1>
        tpu.vector_store_idx %arg5[%broadcast_in_dim3A_140, %add3A_173, %and3A_28, %add3A_248], %broadcast_in_dim3A_32 masked %and3A_256 : memref<2x14x8x512xf32, #tpu.memory_space<vmem>>[vector<16xi32>, vector<16xi32>, vector<16xi32>, vector<16xi32>], vector<16xf32>, vector<16xi1>
        %add3A_257 = arith.constant 2 : i32
        %add3A_258 = vector.broadcast %add3A_257 : i32 to vector<16xi32>
        %add3A_259 = arith.addi %sub3A_186, %add3A_258 : vector<16xi32>
        %ge3A_260 = arith.constant 0 : i32
        %ge3A_261 = vector.broadcast %ge3A_260 : i32 to vector<16xi32>
        %ge3A_262 = arith.cmpi sge, %add3A_259, %ge3A_261 : vector<16xi32>
        %and3A_263 = arith.andi %and3A_234, %ge3A_262 : vector<16xi1>
        %lt3A_264 = arith.constant 512 : i32
        %lt3A_265 = vector.broadcast %lt3A_264 : i32 to vector<16xi32>
        %lt3A_266 = arith.cmpi slt, %add3A_259, %lt3A_265 : vector<16xi32>
        %and3A_267 = arith.andi %and3A_263, %lt3A_266 : vector<16xi1>
        tpu.vector_store_idx %arg5[%broadcast_in_dim3A_140, %add3A_173, %and3A_28, %add3A_259], %broadcast_in_dim3A_34 masked %and3A_267 : memref<2x14x8x512xf32, #tpu.memory_space<vmem>>[vector<16xi32>, vector<16xi32>, vector<16xi32>, vector<16xi32>], vector<16xf32>, vector<16xi1>
        %add3A_268 = arith.constant 3 : i32
        %add3A_269 = vector.broadcast %add3A_268 : i32 to vector<16xi32>
        %add3A_270 = arith.addi %sub3A_186, %add3A_269 : vector<16xi32>
        %ge3A_271 = arith.constant 0 : i32
        %ge3A_272 = vector.broadcast %ge3A_271 : i32 to vector<16xi32>
        %ge3A_273 = arith.cmpi sge, %add3A_270, %ge3A_272 : vector<16xi32>
        %and3A_274 = arith.andi %and3A_234, %ge3A_273 : vector<16xi1>
        %lt3A_275 = arith.constant 512 : i32
        %lt3A_276 = vector.broadcast %lt3A_275 : i32 to vector<16xi32>
        %lt3A_277 = arith.cmpi slt, %add3A_270, %lt3A_276 : vector<16xi32>
        %and3A_278 = arith.andi %and3A_274, %lt3A_277 : vector<16xi1>
        tpu.vector_store_idx %arg5[%broadcast_in_dim3A_140, %add3A_173, %and3A_28, %add3A_270], %broadcast_in_dim3A_36 masked %and3A_278 : memref<2x14x8x512xf32, #tpu.memory_space<vmem>>[vector<16xi32>, vector<16xi32>, vector<16xi32>, vector<16xi32>], vector<16xf32>, vector<16xi1>
        %add3A_279 = arith.constant 4 : i32
        %add3A_280 = vector.broadcast %add3A_279 : i32 to vector<16xi32>
        %add3A_281 = arith.addi %sub3A_186, %add3A_280 : vector<16xi32>
        %ge3A_282 = arith.constant 0 : i32
        %ge3A_283 = vector.broadcast %ge3A_282 : i32 to vector<16xi32>
        %ge3A_284 = arith.cmpi sge, %add3A_281, %ge3A_283 : vector<16xi32>
        %and3A_285 = arith.andi %and3A_234, %ge3A_284 : vector<16xi1>
        %lt3A_286 = arith.constant 512 : i32
        %lt3A_287 = vector.broadcast %lt3A_286 : i32 to vector<16xi32>
        %lt3A_288 = arith.cmpi slt, %add3A_281, %lt3A_287 : vector<16xi32>
        %and3A_289 = arith.andi %and3A_285, %lt3A_288 : vector<16xi1>
        tpu.vector_store_idx %arg5[%broadcast_in_dim3A_140, %add3A_173, %and3A_28, %add3A_281], %broadcast_in_dim3A_38 masked %and3A_289 : memref<2x14x8x512xf32, #tpu.memory_space<vmem>>[vector<16xi32>, vector<16xi32>, vector<16xi32>, vector<16xi32>], vector<16xf32>, vector<16xi1>
        %add3A_290 = arith.constant 5 : i32
        %add3A_291 = vector.broadcast %add3A_290 : i32 to vector<16xi32>
        %add3A_292 = arith.addi %sub3A_186, %add3A_291 : vector<16xi32>
        %ge3A_293 = arith.constant 0 : i32
        %ge3A_294 = vector.broadcast %ge3A_293 : i32 to vector<16xi32>
        %ge3A_295 = arith.cmpi sge, %add3A_292, %ge3A_294 : vector<16xi32>
        %and3A_296 = arith.andi %and3A_234, %ge3A_295 : vector<16xi1>
        %lt3A_297 = arith.constant 512 : i32
        %lt3A_298 = vector.broadcast %lt3A_297 : i32 to vector<16xi32>
        %lt3A_299 = arith.cmpi slt, %add3A_292, %lt3A_298 : vector<16xi32>
        %and3A_300 = arith.andi %and3A_296, %lt3A_299 : vector<16xi1>
        tpu.vector_store_idx %arg5[%broadcast_in_dim3A_140, %add3A_173, %and3A_28, %add3A_292], %broadcast_in_dim3A_40 masked %and3A_300 : memref<2x14x8x512xf32, #tpu.memory_space<vmem>>[vector<16xi32>, vector<16xi32>, vector<16xi32>, vector<16xi32>], vector<16xf32>, vector<16xi1>
        %add3A_301 = arith.constant 6 : i32
        %add3A_302 = vector.broadcast %add3A_301 : i32 to vector<16xi32>
        %add3A_303 = arith.addi %sub3A_186, %add3A_302 : vector<16xi32>
        %ge3A_304 = arith.constant 0 : i32
        %ge3A_305 = vector.broadcast %ge3A_304 : i32 to vector<16xi32>
        %ge3A_306 = arith.cmpi sge, %add3A_303, %ge3A_305 : vector<16xi32>
        %and3A_307 = arith.andi %and3A_234, %ge3A_306 : vector<16xi1>
        %lt3A_308 = arith.constant 512 : i32
        %lt3A_309 = vector.broadcast %lt3A_308 : i32 to vector<16xi32>
        %lt3A_310 = arith.cmpi slt, %add3A_303, %lt3A_309 : vector<16xi32>
        %and3A_311 = arith.andi %and3A_307, %lt3A_310 : vector<16xi1>
        tpu.vector_store_idx %arg5[%broadcast_in_dim3A_140, %add3A_173, %and3A_28, %add3A_303], %broadcast_in_dim3A_42 masked %and3A_311 : memref<2x14x8x512xf32, #tpu.memory_space<vmem>>[vector<16xi32>, vector<16xi32>, vector<16xi32>, vector<16xi32>], vector<16xf32>, vector<16xi1>
        %add3A_312 = arith.constant 7 : i32
        %add3A_313 = vector.broadcast %add3A_312 : i32 to vector<16xi32>
        %add3A_314 = arith.addi %sub3A_186, %add3A_313 : vector<16xi32>
        %ge3A_315 = arith.constant 0 : i32
        %ge3A_316 = vector.broadcast %ge3A_315 : i32 to vector<16xi32>
        %ge3A_317 = arith.cmpi sge, %add3A_314, %ge3A_316 : vector<16xi32>
        %and3A_318 = arith.andi %and3A_234, %ge3A_317 : vector<16xi1>
        %lt3A_319 = arith.constant 512 : i32
        %lt3A_320 = vector.broadcast %lt3A_319 : i32 to vector<16xi32>
        %lt3A_321 = arith.cmpi slt, %add3A_314, %lt3A_320 : vector<16xi32>
        %and3A_322 = arith.andi %and3A_318, %lt3A_321 : vector<16xi1>
        tpu.vector_store_idx %arg5[%broadcast_in_dim3A_140, %add3A_173, %and3A_28, %add3A_314], %broadcast_in_dim3A_44 masked %and3A_322 : memref<2x14x8x512xf32, #tpu.memory_space<vmem>>[vector<16xi32>, vector<16xi32>, vector<16xi32>, vector<16xi32>], vector<16xf32>, vector<16xi1>
        %add3A_323 = arith.constant 8 : i32
        %add3A_324 = vector.broadcast %add3A_323 : i32 to vector<16xi32>
        %add3A_325 = arith.addi %sub3A_186, %add3A_324 : vector<16xi32>
        %ge3A_326 = arith.constant 0 : i32
        %ge3A_327 = vector.broadcast %ge3A_326 : i32 to vector<16xi32>
        %ge3A_328 = arith.cmpi sge, %add3A_325, %ge3A_327 : vector<16xi32>
        %and3A_329 = arith.andi %and3A_234, %ge3A_328 : vector<16xi1>
        %lt3A_330 = arith.constant 512 : i32
        %lt3A_331 = vector.broadcast %lt3A_330 : i32 to vector<16xi32>
        %lt3A_332 = arith.cmpi slt, %add3A_325, %lt3A_331 : vector<16xi32>
        %and3A_333 = arith.andi %and3A_329, %lt3A_332 : vector<16xi1>
        tpu.vector_store_idx %arg5[%broadcast_in_dim3A_140, %add3A_173, %and3A_28, %add3A_325], %broadcast_in_dim3A_46 masked %and3A_333 : memref<2x14x8x512xf32, #tpu.memory_space<vmem>>[vector<16xi32>, vector<16xi32>, vector<16xi32>, vector<16xi32>], vector<16xf32>, vector<16xi1>
        %add3A_334 = arith.constant 9 : i32
        %add3A_335 = vector.broadcast %add3A_334 : i32 to vector<16xi32>
        %add3A_336 = arith.addi %sub3A_186, %add3A_335 : vector<16xi32>
        %ge3A_337 = arith.constant 0 : i32
        %ge3A_338 = vector.broadcast %ge3A_337 : i32 to vector<16xi32>
        %ge3A_339 = arith.cmpi sge, %add3A_336, %ge3A_338 : vector<16xi32>
        %and3A_340 = arith.andi %and3A_234, %ge3A_339 : vector<16xi1>
        %lt3A_341 = arith.constant 512 : i32
        %lt3A_342 = vector.broadcast %lt3A_341 : i32 to vector<16xi32>
        %lt3A_343 = arith.cmpi slt, %add3A_336, %lt3A_342 : vector<16xi32>
        %and3A_344 = arith.andi %and3A_340, %lt3A_343 : vector<16xi1>
        tpu.vector_store_idx %arg5[%broadcast_in_dim3A_140, %add3A_173, %and3A_28, %add3A_336], %broadcast_in_dim3A_48 masked %and3A_344 : memref<2x14x8x512xf32, #tpu.memory_space<vmem>>[vector<16xi32>, vector<16xi32>, vector<16xi32>, vector<16xi32>], vector<16xf32>, vector<16xi1>
        %add3A_345 = arith.constant 10 : i32
        %add3A_346 = vector.broadcast %add3A_345 : i32 to vector<16xi32>
        %add3A_347 = arith.addi %sub3A_186, %add3A_346 : vector<16xi32>
        %ge3A_348 = arith.constant 0 : i32
        %ge3A_349 = vector.broadcast %ge3A_348 : i32 to vector<16xi32>
        %ge3A_350 = arith.cmpi sge, %add3A_347, %ge3A_349 : vector<16xi32>
        %and3A_351 = arith.andi %and3A_234, %ge3A_350 : vector<16xi1>
        %lt3A_352 = arith.constant 512 : i32
        %lt3A_353 = vector.broadcast %lt3A_352 : i32 to vector<16xi32>
        %lt3A_354 = arith.cmpi slt, %add3A_347, %lt3A_353 : vector<16xi32>
        %and3A_355 = arith.andi %and3A_351, %lt3A_354 : vector<16xi1>
        tpu.vector_store_idx %arg5[%broadcast_in_dim3A_140, %add3A_173, %and3A_28, %add3A_347], %broadcast_in_dim3A_50 masked %and3A_355 : memref<2x14x8x512xf32, #tpu.memory_space<vmem>>[vector<16xi32>, vector<16xi32>, vector<16xi32>, vector<16xi32>], vector<16xf32>, vector<16xi1>
        %add3A_356 = arith.constant 11 : i32
        %add3A_357 = vector.broadcast %add3A_356 : i32 to vector<16xi32>
        %add3A_358 = arith.addi %sub3A_186, %add3A_357 : vector<16xi32>
        %ge3A_359 = arith.constant 0 : i32
        %ge3A_360 = vector.broadcast %ge3A_359 : i32 to vector<16xi32>
        %ge3A_361 = arith.cmpi sge, %add3A_358, %ge3A_360 : vector<16xi32>
        %and3A_362 = arith.andi %and3A_234, %ge3A_361 : vector<16xi1>
        %lt3A_363 = arith.constant 512 : i32
        %lt3A_364 = vector.broadcast %lt3A_363 : i32 to vector<16xi32>
        %lt3A_365 = arith.cmpi slt, %add3A_358, %lt3A_364 : vector<16xi32>
        %and3A_366 = arith.andi %and3A_362, %lt3A_365 : vector<16xi1>
        tpu.vector_store_idx %arg5[%broadcast_in_dim3A_140, %add3A_173, %and3A_28, %add3A_358], %broadcast_in_dim3A_52 masked %and3A_366 : memref<2x14x8x512xf32, #tpu.memory_space<vmem>>[vector<16xi32>, vector<16xi32>, vector<16xi32>, vector<16xi32>], vector<16xf32>, vector<16xi1>
        %add3A_367 = arith.constant 12 : i32
        %add3A_368 = vector.broadcast %add3A_367 : i32 to vector<16xi32>
        %add3A_369 = arith.addi %sub3A_186, %add3A_368 : vector<16xi32>
        %ge3A_370 = arith.constant 0 : i32
        %ge3A_371 = vector.broadcast %ge3A_370 : i32 to vector<16xi32>
        %ge3A_372 = arith.cmpi sge, %add3A_369, %ge3A_371 : vector<16xi32>
        %and3A_373 = arith.andi %and3A_234, %ge3A_372 : vector<16xi1>
        %lt3A_374 = arith.constant 512 : i32
        %lt3A_375 = vector.broadcast %lt3A_374 : i32 to vector<16xi32>
        %lt3A_376 = arith.cmpi slt, %add3A_369, %lt3A_375 : vector<16xi32>
        %and3A_377 = arith.andi %and3A_373, %lt3A_376 : vector<16xi1>
        tpu.vector_store_idx %arg5[%broadcast_in_dim3A_140, %add3A_173, %and3A_28, %add3A_369], %broadcast_in_dim3A_54 masked %and3A_377 : memref<2x14x8x512xf32, #tpu.memory_space<vmem>>[vector<16xi32>, vector<16xi32>, vector<16xi32>, vector<16xi32>], vector<16xf32>, vector<16xi1>
      }
      %scan3A_146 = arith.constant 7 : i32
      %mul3A_147 = arith.constant 14 : i32
      %mul3A_148 = arith.muli %scan3A_133, %mul3A_147 : i32
      %add3A_149 = arith.addi %mul3A_22, %mul3A_148 : i32
      %eq3A = arith.constant 0 : i32
      %eq3A_150 = arith.cmpi eq, %rem3A_135, %eq3A : i32
      %lt3A = arith.constant 3 : i32
      %lt3A_151 = arith.cmpi slt, %scan3A_133, %lt3A : i32
      %and3A_152 = arith.andi %eq3A_150, %lt3A_151 : i1
      %convert_element_type3A_153 = arith.extui %and3A_152 : i1 to i32
      %cond3A_154 = arith.constant 0 : i32
      %cond3A_155 = arith.cmpi ne, %convert_element_type3A_153, %cond3A_154 : i32
      scf.if %cond3A_155 {
        %dma_start3A_169 = arith.constant 0 : i32
        %dma_start3A_170 = arith.constant 0 : i32
        %dma_start3A_171 = arith.constant 0 : i32
        %dma_start3A_172 = arith.constant 0 : i32
        %dma_start3A_173 = tpu.memref_slice %arg5[%dma_start3A_169, %dma_start3A_170, %dma_start3A_171, %dma_start3A_172] : memref<2x14x8x512xf32, #tpu.memory_space<vmem>> -> memref<1x14x8x512xf32, #tpu.memory_space<vmem>>
        %dma_start3A_174 = tpu.memref_squeeze %dma_start3A_173 : memref<1x14x8x512xf32, #tpu.memory_space<vmem>> -> memref<14x8x512xf32, #tpu.memory_space<vmem>>
        %dma_start3A_175 = arith.constant 0 : i32
        %dma_start3A_176 = tpu.memref_slice %arg4[%add3A_149, %mul3A_3, %dma_start3A_175] : memref<106x128x512xf32, #tpu.memory_space<hbm>> -> memref<14x8x512xf32, #tpu.memory_space<hbm>>
        %dma_start3A_177 = arith.constant 0 : i32
        %dma_start3A_178 = tpu.memref_slice %arg4[%add3A_149, %mul3A_3, %dma_start3A_177] : memref<106x128x512xf32, #tpu.memory_space<hbm>> -> memref<14x8x512xf32, #tpu.memory_space<hbm>>
        %dma_start3A_179 = arith.constant 0 : i32
        %dma_start3A_180 = arith.constant 0 : i32
        %dma_start3A_181 = arith.constant 0 : i32
        %dma_start3A_182 = tpu.memref_slice %arg5[%dma_start3A_169, %dma_start3A_179, %dma_start3A_180, %dma_start3A_181] : memref<2x14x8x512xf32, #tpu.memory_space<vmem>> -> memref<1x14x8x512xf32, #tpu.memory_space<vmem>>
        %dma_start3A_183 = tpu.memref_squeeze %dma_start3A_182 : memref<1x14x8x512xf32, #tpu.memory_space<vmem>> -> memref<14x8x512xf32, #tpu.memory_space<vmem>>
        tpu.enqueue_dma source(%dma_start3A_183 : memref<14x8x512xf32, #tpu.memory_space<vmem>>) target(%dma_start3A_178 : memref<14x8x512xf32, #tpu.memory_space<hbm>>) target_semaphore(%arg8 : memref<!tpu.dma_semaphore, #tpu.memory_space<semaphore_mem>>)
      } else {
      }
      %eq3A_156 = arith.constant 1 : i32
      %eq3A_157 = arith.cmpi eq, %rem3A_135, %eq3A_156 : i32
      %lt3A_158 = arith.constant 3 : i32
      %lt3A_159 = arith.cmpi slt, %scan3A_133, %lt3A_158 : i32
      %and3A_160 = arith.andi %eq3A_157, %lt3A_159 : i1
      %convert_element_type3A_161 = arith.extui %and3A_160 : i1 to i32
      %cond3A_162 = arith.constant 0 : i32
      %cond3A_163 = arith.cmpi ne, %convert_element_type3A_161, %cond3A_162 : i32
      scf.if %cond3A_163 {
        %dma_start3A_169 = arith.constant 1 : i32
        %dma_start3A_170 = arith.constant 0 : i32
        %dma_start3A_171 = arith.constant 0 : i32
        %dma_start3A_172 = arith.constant 0 : i32
        %dma_start3A_173 = tpu.memref_slice %arg5[%dma_start3A_169, %dma_start3A_170, %dma_start3A_171, %dma_start3A_172] : memref<2x14x8x512xf32, #tpu.memory_space<vmem>> -> memref<1x14x8x512xf32, #tpu.memory_space<vmem>>
        %dma_start3A_174 = tpu.memref_squeeze %dma_start3A_173 : memref<1x14x8x512xf32, #tpu.memory_space<vmem>> -> memref<14x8x512xf32, #tpu.memory_space<vmem>>
        %dma_start3A_175 = arith.constant 0 : i32
        %dma_start3A_176 = tpu.memref_slice %arg4[%add3A_149, %mul3A_3, %dma_start3A_175] : memref<106x128x512xf32, #tpu.memory_space<hbm>> -> memref<14x8x512xf32, #tpu.memory_space<hbm>>
        %dma_start3A_177 = arith.constant 0 : i32
        %dma_start3A_178 = tpu.memref_slice %arg4[%add3A_149, %mul3A_3, %dma_start3A_177] : memref<106x128x512xf32, #tpu.memory_space<hbm>> -> memref<14x8x512xf32, #tpu.memory_space<hbm>>
        %dma_start3A_179 = arith.constant 0 : i32
        %dma_start3A_180 = arith.constant 0 : i32
        %dma_start3A_181 = arith.constant 0 : i32
        %dma_start3A_182 = tpu.memref_slice %arg5[%dma_start3A_169, %dma_start3A_179, %dma_start3A_180, %dma_start3A_181] : memref<2x14x8x512xf32, #tpu.memory_space<vmem>> -> memref<1x14x8x512xf32, #tpu.memory_space<vmem>>
        %dma_start3A_183 = tpu.memref_squeeze %dma_start3A_182 : memref<1x14x8x512xf32, #tpu.memory_space<vmem>> -> memref<14x8x512xf32, #tpu.memory_space<vmem>>
        tpu.enqueue_dma source(%dma_start3A_183 : memref<14x8x512xf32, #tpu.memory_space<vmem>>) target(%dma_start3A_178 : memref<14x8x512xf32, #tpu.memory_space<hbm>>) target_semaphore(%arg9 : memref<!tpu.dma_semaphore, #tpu.memory_space<semaphore_mem>>)
      } else {
      }
      %eq3A_164 = arith.constant 3 : i32
      %eq3A_165 = arith.cmpi eq, %scan3A_133, %eq3A_164 : i32
      %convert_element_type3A_166 = arith.extui %eq3A_165 : i1 to i32
      %cond3A_167 = arith.constant 0 : i32
      %cond3A_168 = arith.cmpi ne, %convert_element_type3A_166, %cond3A_167 : i32
      scf.if %cond3A_168 {
        %dma_start3A_169 = arith.constant 1 : i32
        %dma_start3A_170 = arith.constant 0 : i32
        %dma_start3A_171 = arith.constant 0 : i32
        %dma_start3A_172 = arith.constant 0 : i32
        %dma_start3A_173 = tpu.memref_slice %arg5[%dma_start3A_169, %dma_start3A_170, %dma_start3A_171, %dma_start3A_172] : memref<2x14x8x512xf32, #tpu.memory_space<vmem>> -> memref<1x11x8x512xf32, #tpu.memory_space<vmem>>
        %dma_start3A_174 = tpu.memref_squeeze %dma_start3A_173 : memref<1x11x8x512xf32, #tpu.memory_space<vmem>> -> memref<11x8x512xf32, #tpu.memory_space<vmem>>
        %dma_start3A_175 = arith.constant 0 : i32
        %dma_start3A_176 = tpu.memref_slice %arg4[%add3A_149, %mul3A_3, %dma_start3A_175] : memref<106x128x512xf32, #tpu.memory_space<hbm>> -> memref<11x8x512xf32, #tpu.memory_space<hbm>>
        %dma_start3A_177 = arith.constant 0 : i32
        %dma_start3A_178 = tpu.memref_slice %arg4[%add3A_149, %mul3A_3, %dma_start3A_177] : memref<106x128x512xf32, #tpu.memory_space<hbm>> -> memref<11x8x512xf32, #tpu.memory_space<hbm>>
        %dma_start3A_179 = arith.constant 0 : i32
        %dma_start3A_180 = arith.constant 0 : i32
        %dma_start3A_181 = arith.constant 0 : i32
        %dma_start3A_182 = tpu.memref_slice %arg5[%dma_start3A_169, %dma_start3A_179, %dma_start3A_180, %dma_start3A_181] : memref<2x14x8x512xf32, #tpu.memory_space<vmem>> -> memref<1x11x8x512xf32, #tpu.memory_space<vmem>>
        %dma_start3A_183 = tpu.memref_squeeze %dma_start3A_182 : memref<1x11x8x512xf32, #tpu.memory_space<vmem>> -> memref<11x8x512xf32, #tpu.memory_space<vmem>>
        tpu.enqueue_dma source(%dma_start3A_183 : memref<11x8x512xf32, #tpu.memory_space<vmem>>) target(%dma_start3A_178 : memref<11x8x512xf32, #tpu.memory_space<hbm>>) target_semaphore(%arg9 : memref<!tpu.dma_semaphore, #tpu.memory_space<semaphore_mem>>)
      } else {
      }
    }
    %scan3A_95 = arith.constant 3 : i32
    %dma_wait3A = arith.constant 0 : i32
    %dma_wait3A_96 = arith.constant 0 : i32
    %dma_wait3A_97 = arith.constant 0 : i32
    %dma_wait3A_98 = arith.constant 0 : i32
    %dma_wait3A_99 = tpu.memref_slice %arg5[%dma_wait3A, %dma_wait3A_96, %dma_wait3A_97, %dma_wait3A_98] : memref<2x14x8x512xf32, #tpu.memory_space<vmem>> -> memref<1x14x8x512xf32, #tpu.memory_space<vmem>>
    %dma_wait3A_100 = tpu.memref_squeeze %dma_wait3A_99 : memref<1x14x8x512xf32, #tpu.memory_space<vmem>> -> memref<14x8x512xf32, #tpu.memory_space<vmem>>
    %dma_wait3A_101 = arith.constant 0 : i32
    %dma_wait3A_102 = arith.constant 0 : i32
    %dma_wait3A_103 = arith.constant 0 : i32
    %dma_wait3A_104 = tpu.memref_slice %arg4[%dma_wait3A_101, %dma_wait3A_102, %dma_wait3A_103] : memref<106x128x512xf32, #tpu.memory_space<hbm>> -> memref<14x8x512xf32, #tpu.memory_space<hbm>>
    %dma_wait3A_105 = arith.constant 0 : i32
    %dma_wait3A_106 = arith.constant 0 : i32
    %dma_wait3A_107 = arith.constant 0 : i32
    %dma_wait3A_108 = tpu.memref_slice %arg4[%dma_wait3A_105, %dma_wait3A_106, %dma_wait3A_107] : memref<106x128x512xf32, #tpu.memory_space<hbm>> -> memref<14x8x512xf32, #tpu.memory_space<hbm>>
    %dma_wait3A_109 = arith.constant 0 : i32
    %dma_wait3A_110 = arith.constant 0 : i32
    %dma_wait3A_111 = arith.constant 0 : i32
    %dma_wait3A_112 = tpu.memref_slice %arg5[%dma_wait3A, %dma_wait3A_109, %dma_wait3A_110, %dma_wait3A_111] : memref<2x14x8x512xf32, #tpu.memory_space<vmem>> -> memref<1x14x8x512xf32, #tpu.memory_space<vmem>>
    %dma_wait3A_113 = tpu.memref_squeeze %dma_wait3A_112 : memref<1x14x8x512xf32, #tpu.memory_space<vmem>> -> memref<14x8x512xf32, #tpu.memory_space<vmem>>
    tpu.wait_dma2 semaphore(%arg8 : memref<!tpu.dma_semaphore, #tpu.memory_space<semaphore_mem>>) src(%dma_wait3A_113 : memref<14x8x512xf32, #tpu.memory_space<vmem>>) dst(%dma_wait3A_108 : memref<14x8x512xf32, #tpu.memory_space<hbm>>)
    %dma_wait3A_114 = arith.constant 1 : i32
    %dma_wait3A_115 = arith.constant 0 : i32
    %dma_wait3A_116 = arith.constant 0 : i32
    %dma_wait3A_117 = arith.constant 0 : i32
    %dma_wait3A_118 = tpu.memref_slice %arg5[%dma_wait3A_114, %dma_wait3A_115, %dma_wait3A_116, %dma_wait3A_117] : memref<2x14x8x512xf32, #tpu.memory_space<vmem>> -> memref<1x11x8x512xf32, #tpu.memory_space<vmem>>
    %dma_wait3A_119 = tpu.memref_squeeze %dma_wait3A_118 : memref<1x11x8x512xf32, #tpu.memory_space<vmem>> -> memref<11x8x512xf32, #tpu.memory_space<vmem>>
    %dma_wait3A_120 = arith.constant 0 : i32
    %dma_wait3A_121 = arith.constant 0 : i32
    %dma_wait3A_122 = arith.constant 0 : i32
    %dma_wait3A_123 = tpu.memref_slice %arg4[%dma_wait3A_120, %dma_wait3A_121, %dma_wait3A_122] : memref<106x128x512xf32, #tpu.memory_space<hbm>> -> memref<11x8x512xf32, #tpu.memory_space<hbm>>
    %dma_wait3A_124 = arith.constant 0 : i32
    %dma_wait3A_125 = arith.constant 0 : i32
    %dma_wait3A_126 = arith.constant 0 : i32
    %dma_wait3A_127 = tpu.memref_slice %arg4[%dma_wait3A_124, %dma_wait3A_125, %dma_wait3A_126] : memref<106x128x512xf32, #tpu.memory_space<hbm>> -> memref<11x8x512xf32, #tpu.memory_space<hbm>>
    %dma_wait3A_128 = arith.constant 0 : i32
    %dma_wait3A_129 = arith.constant 0 : i32
    %dma_wait3A_130 = arith.constant 0 : i32
    %dma_wait3A_131 = tpu.memref_slice %arg5[%dma_wait3A_114, %dma_wait3A_128, %dma_wait3A_129, %dma_wait3A_130] : memref<2x14x8x512xf32, #tpu.memory_space<vmem>> -> memref<1x11x8x512xf32, #tpu.memory_space<vmem>>
    %dma_wait3A_132 = tpu.memref_squeeze %dma_wait3A_131 : memref<1x11x8x512xf32, #tpu.memory_space<vmem>> -> memref<11x8x512xf32, #tpu.memory_space<vmem>>
    tpu.wait_dma2 semaphore(%arg9 : memref<!tpu.dma_semaphore, #tpu.memory_space<semaphore_mem>>) src(%dma_wait3A_132 : memref<11x8x512xf32, #tpu.memory_space<vmem>>) dst(%dma_wait3A_127 : memref<11x8x512xf32, #tpu.memory_space<hbm>>)
    return
  }
}

module attributes {stable_mosaic.version = 14 : i64} {
  func.func @_tc_dense_y_body(%arg0: i32, %arg1: memref<8x106xf32, #tpu.memory_space<vmem>>, %arg2: memref<8x106xf32, #tpu.memory_space<vmem>>, %arg3: memref<106x8x512xf32, #tpu.memory_space<vmem>>) attributes {dimension_semantics = [#tpu.dimension_semantics<arbitrary>], iteration_bounds = array<i64: 16>, scalar_prefetch = 0 : i64, scratch_operands = 0 : i64, tpu.core_type = #tpu.core_type<tc>, window_params = [{transform_indices = @transform_0, window_bounds = array<i64: 8, 106>}, {transform_indices = @transform_1, window_bounds = array<i64: 8, 106>}, {transform_indices = @transform_2, window_bounds = array<i64: 106, 8, 512>}]} {
    %iota3A = tpu.iota {dimensions = array<i32: 1>} : vector<8x512xi32>
    %convert_element_type3A = arith.sitofp %iota3A : vector<8x512xi32> to vector<8x512xf32>
    %get3A = arith.constant 0 : index
    %get3A_0 = arith.constant 0 : index
    %get3A_1 = vector.load %arg1[%get3A, %get3A_0] : memref<8x106xf32, #tpu.memory_space<vmem>>, vector<8x106xf32>
    %convert_element_type3A_2 = arith.fptosi %get3A_1 : vector<8x106xf32> to vector<8x106xi32>
    %get3A_3 = arith.constant 0 : index
    %get3A_4 = arith.constant 0 : index
    %get3A_5 = vector.load %arg2[%get3A_3, %get3A_4] : memref<8x106xf32, #tpu.memory_space<vmem>>, vector<8x106xf32>
    %convert_element_type3A_6 = arith.fptosi %get3A_5 : vector<8x106xf32> to vector<8x106xi32>
    %sub3A = arith.constant 6 : i32
    %sub3A_7 = vector.broadcast %sub3A : i32 to vector<8x106xi32>
    %sub3A_8 = arith.subi %convert_element_type3A_2, %sub3A_7 : vector<8x106xi32>
    %sub3A_9 = arith.constant 6 : i32
    %sub3A_10 = vector.broadcast %sub3A_9 : i32 to vector<8x106xi32>
    %sub3A_11 = arith.subi %convert_element_type3A_6, %sub3A_10 : vector<8x106xi32>
    %add3A = arith.constant 6 : i32
    %add3A_12 = vector.broadcast %add3A : i32 to vector<8x106xi32>
    %add3A_13 = arith.addi %convert_element_type3A_2, %add3A_12 : vector<8x106xi32>
    %add3A_14 = arith.constant 1 : i32
    %add3A_15 = vector.broadcast %add3A_14 : i32 to vector<8x106xi32>
    %add3A_16 = arith.addi %add3A_13, %add3A_15 : vector<8x106xi32>
    %add3A_17 = arith.constant 6 : i32
    %add3A_18 = vector.broadcast %add3A_17 : i32 to vector<8x106xi32>
    %add3A_19 = arith.addi %convert_element_type3A_6, %add3A_18 : vector<8x106xi32>
    %add3A_20 = arith.constant 1 : i32
    %add3A_21 = vector.broadcast %add3A_20 : i32 to vector<8x106xi32>
    %add3A_22 = arith.addi %add3A_19, %add3A_21 : vector<8x106xi32>
    %ge3A = arith.constant 0 : i32
    %ge3A_23 = vector.broadcast %ge3A : i32 to vector<8x106xi32>
    %ge3A_24 = arith.cmpi sge, %sub3A_8, %ge3A_23 : vector<8x106xi32>
    %le3A = arith.constant 512 : i32
    %le3A_25 = vector.broadcast %le3A : i32 to vector<8x106xi32>
    %le3A_26 = arith.cmpi sle, %sub3A_8, %le3A_25 : vector<8x106xi32>
    %and3A = arith.andi %ge3A_24, %le3A_26 : vector<8x106xi1>
    %ge3A_27 = arith.constant 0 : i32
    %ge3A_28 = vector.broadcast %ge3A_27 : i32 to vector<8x106xi32>
    %ge3A_29 = arith.cmpi sge, %sub3A_11, %ge3A_28 : vector<8x106xi32>
    %and3A_30 = arith.andi %and3A, %ge3A_29 : vector<8x106xi1>
    %le3A_31 = arith.constant 512 : i32
    %le3A_32 = vector.broadcast %le3A_31 : i32 to vector<8x106xi32>
    %le3A_33 = arith.cmpi sle, %sub3A_11, %le3A_32 : vector<8x106xi32>
    %and3A_34 = arith.andi %and3A_30, %le3A_33 : vector<8x106xi1>
    %ge3A_35 = arith.constant 0 : i32
    %ge3A_36 = vector.broadcast %ge3A_35 : i32 to vector<8x106xi32>
    %ge3A_37 = arith.cmpi sge, %add3A_16, %ge3A_36 : vector<8x106xi32>
    %le3A_38 = arith.constant 512 : i32
    %le3A_39 = vector.broadcast %le3A_38 : i32 to vector<8x106xi32>
    %le3A_40 = arith.cmpi sle, %add3A_16, %le3A_39 : vector<8x106xi32>
    %and3A_41 = arith.andi %ge3A_37, %le3A_40 : vector<8x106xi1>
    %ge3A_42 = arith.constant 0 : i32
    %ge3A_43 = vector.broadcast %ge3A_42 : i32 to vector<8x106xi32>
    %ge3A_44 = arith.cmpi sge, %add3A_22, %ge3A_43 : vector<8x106xi32>
    %and3A_45 = arith.andi %and3A_41, %ge3A_44 : vector<8x106xi1>
    %le3A_46 = arith.constant 512 : i32
    %le3A_47 = vector.broadcast %le3A_46 : i32 to vector<8x106xi32>
    %le3A_48 = arith.cmpi sle, %add3A_22, %le3A_47 : vector<8x106xi32>
    %and3A_49 = arith.andi %and3A_45, %le3A_48 : vector<8x106xi1>
    %or3A = arith.ori %and3A_34, %and3A_49 : vector<8x106xi1>
    %jit3A = arith.constant -30000 : i32
    %broadcast_in_dim3A = vector.broadcast %jit3A : i32 to vector<8x106xi32>
    %select_n3A = arith.select %or3A, %convert_element_type3A_6, %broadcast_in_dim3A : vector<8x106xi1>, vector<8x106xi32>
    %convert_element_type3A_50 = arith.sitofp %select_n3A : vector<8x106xi32> to vector<8x106xf32>
    %slice3A = vector.extract_strided_slice %convert_element_type3A_50 {offsets = [0, 0], sizes = [8, 1], strides = [1, 1]} : vector<8x106xf32> to vector<8x1xf32>
    %sub3A_51 = vector.broadcast %slice3A : vector<8x1xf32> to vector<8x512xf32>
    %sub3A_52 = arith.subf %convert_element_type3A, %sub3A_51 : vector<8x512xf32>
    %mul3A = arith.mulf %sub3A_52, %sub3A_52 : vector<8x512xf32>
    %mul3A_53 = arith.constant -1.250000e-01 : f32
    %mul3A_54 = vector.broadcast %mul3A_53 : f32 to vector<8x512xf32>
    %mul3A_55 = arith.mulf %mul3A, %mul3A_54 : vector<8x512xf32>
    %exp3A = math.exp %mul3A_55 : vector<8x512xf32>
    %le3A_56 = arith.constant 3.600000e+01 : f32
    %le3A_57 = vector.broadcast %le3A_56 : f32 to vector<8x512xf32>
    %le3A_58 = arith.cmpf ole, %mul3A, %le3A_57 : vector<8x512xf32>
    %jit3A_59 = arith.constant 0.000000e+00 : f32
    %broadcast_in_dim3A_60 = vector.broadcast %jit3A_59 : f32 to vector<8x512xf32>
    %select_n3A_61 = arith.select %le3A_58, %exp3A, %broadcast_in_dim3A_60 : vector<8x512xi1>, vector<8x512xf32>
    %swap3A = arith.constant 0 : index
    %swap3A_62 = arith.constant 0 : index
    %swap3A_63 = arith.constant 0 : index
    %swap3A_64 = vector.load %arg3[%swap3A, %swap3A_62, %swap3A_63] : memref<106x8x512xf32, #tpu.memory_space<vmem>>, vector<1x8x512xf32>
    %swap3A_65 = vector.shape_cast %swap3A_64 : vector<1x8x512xf32> to vector<8x512xf32>
    %swap3A_66 = vector.shape_cast %select_n3A_61 : vector<8x512xf32> to vector<1x8x512xf32>
    tpu.vector_store %arg3[%swap3A, %swap3A_62, %swap3A_63], %swap3A_66 {strides = array<i32>} : memref<106x8x512xf32, #tpu.memory_space<vmem>>, vector<1x8x512xf32>,
    %slice3A_67 = vector.extract_strided_slice %convert_element_type3A_50 {offsets = [0, 1], sizes = [8, 1], strides = [1, 1]} : vector<8x106xf32> to vector<8x1xf32>
    %sub3A_68 = vector.broadcast %slice3A_67 : vector<8x1xf32> to vector<8x512xf32>
    %sub3A_69 = arith.subf %convert_element_type3A, %sub3A_68 : vector<8x512xf32>
    %mul3A_70 = arith.mulf %sub3A_69, %sub3A_69 : vector<8x512xf32>
    %mul3A_71 = arith.constant -1.250000e-01 : f32
    %mul3A_72 = vector.broadcast %mul3A_71 : f32 to vector<8x512xf32>
    %mul3A_73 = arith.mulf %mul3A_70, %mul3A_72 : vector<8x512xf32>
    %exp3A_74 = math.exp %mul3A_73 : vector<8x512xf32>
    %le3A_75 = arith.constant 3.600000e+01 : f32
    %le3A_76 = vector.broadcast %le3A_75 : f32 to vector<8x512xf32>
    %le3A_77 = arith.cmpf ole, %mul3A_70, %le3A_76 : vector<8x512xf32>
    %jit3A_78 = arith.constant 0.000000e+00 : f32
    %broadcast_in_dim3A_79 = vector.broadcast %jit3A_78 : f32 to vector<8x512xf32>
    %select_n3A_80 = arith.select %le3A_77, %exp3A_74, %broadcast_in_dim3A_79 : vector<8x512xi1>, vector<8x512xf32>
    %swap3A_81 = arith.constant 1 : index
    %swap3A_82 = arith.constant 0 : index
    %swap3A_83 = arith.constant 0 : index
    %swap3A_84 = vector.load %arg3[%swap3A_81, %swap3A_82, %swap3A_83] : memref<106x8x512xf32, #tpu.memory_space<vmem>>, vector<1x8x512xf32>
    %swap3A_85 = vector.shape_cast %swap3A_84 : vector<1x8x512xf32> to vector<8x512xf32>
    %swap3A_86 = vector.shape_cast %select_n3A_80 : vector<8x512xf32> to vector<1x8x512xf32>
    tpu.vector_store %arg3[%swap3A_81, %swap3A_82, %swap3A_83], %swap3A_86 {strides = array<i32>} : memref<106x8x512xf32, #tpu.memory_space<vmem>>, vector<1x8x512xf32>,
    %slice3A_87 = vector.extract_strided_slice %convert_element_type3A_50 {offsets = [0, 2], sizes = [8, 1], strides = [1, 1]} : vector<8x106xf32> to vector<8x1xf32>
    %sub3A_88 = vector.broadcast %slice3A_87 : vector<8x1xf32> to vector<8x512xf32>
    %sub3A_89 = arith.subf %convert_element_type3A, %sub3A_88 : vector<8x512xf32>
    %mul3A_90 = arith.mulf %sub3A_89, %sub3A_89 : vector<8x512xf32>
    %mul3A_91 = arith.constant -1.250000e-01 : f32
    %mul3A_92 = vector.broadcast %mul3A_91 : f32 to vector<8x512xf32>
    %mul3A_93 = arith.mulf %mul3A_90, %mul3A_92 : vector<8x512xf32>
    %exp3A_94 = math.exp %mul3A_93 : vector<8x512xf32>
    %le3A_95 = arith.constant 3.600000e+01 : f32
    %le3A_96 = vector.broadcast %le3A_95 : f32 to vector<8x512xf32>
    %le3A_97 = arith.cmpf ole, %mul3A_90, %le3A_96 : vector<8x512xf32>
    %jit3A_98 = arith.constant 0.000000e+00 : f32
    %broadcast_in_dim3A_99 = vector.broadcast %jit3A_98 : f32 to vector<8x512xf32>
    %select_n3A_100 = arith.select %le3A_97, %exp3A_94, %broadcast_in_dim3A_99 : vector<8x512xi1>, vector<8x512xf32>
    %swap3A_101 = arith.constant 2 : index
    %swap3A_102 = arith.constant 0 : index
    %swap3A_103 = arith.constant 0 : index
    %swap3A_104 = vector.load %arg3[%swap3A_101, %swap3A_102, %swap3A_103] : memref<106x8x512xf32, #tpu.memory_space<vmem>>, vector<1x8x512xf32>
    %swap3A_105 = vector.shape_cast %swap3A_104 : vector<1x8x512xf32> to vector<8x512xf32>
    %swap3A_106 = vector.shape_cast %select_n3A_100 : vector<8x512xf32> to vector<1x8x512xf32>
    tpu.vector_store %arg3[%swap3A_101, %swap3A_102, %swap3A_103], %swap3A_106 {strides = array<i32>} : memref<106x8x512xf32, #tpu.memory_space<vmem>>, vector<1x8x512xf32>,
    %slice3A_107 = vector.extract_strided_slice %convert_element_type3A_50 {offsets = [0, 3], sizes = [8, 1], strides = [1, 1]} : vector<8x106xf32> to vector<8x1xf32>
    %sub3A_108 = vector.broadcast %slice3A_107 : vector<8x1xf32> to vector<8x512xf32>
    %sub3A_109 = arith.subf %convert_element_type3A, %sub3A_108 : vector<8x512xf32>
    %mul3A_110 = arith.mulf %sub3A_109, %sub3A_109 : vector<8x512xf32>
    %mul3A_111 = arith.constant -1.250000e-01 : f32
    %mul3A_112 = vector.broadcast %mul3A_111 : f32 to vector<8x512xf32>
    %mul3A_113 = arith.mulf %mul3A_110, %mul3A_112 : vector<8x512xf32>
    %exp3A_114 = math.exp %mul3A_113 : vector<8x512xf32>
    %le3A_115 = arith.constant 3.600000e+01 : f32
    %le3A_116 = vector.broadcast %le3A_115 : f32 to vector<8x512xf32>
    %le3A_117 = arith.cmpf ole, %mul3A_110, %le3A_116 : vector<8x512xf32>
    %jit3A_118 = arith.constant 0.000000e+00 : f32
    %broadcast_in_dim3A_119 = vector.broadcast %jit3A_118 : f32 to vector<8x512xf32>
    %select_n3A_120 = arith.select %le3A_117, %exp3A_114, %broadcast_in_dim3A_119 : vector<8x512xi1>, vector<8x512xf32>
    %swap3A_121 = arith.constant 3 : index
    %swap3A_122 = arith.constant 0 : index
    %swap3A_123 = arith.constant 0 : index
    %swap3A_124 = vector.load %arg3[%swap3A_121, %swap3A_122, %swap3A_123] : memref<106x8x512xf32, #tpu.memory_space<vmem>>, vector<1x8x512xf32>
    %swap3A_125 = vector.shape_cast %swap3A_124 : vector<1x8x512xf32> to vector<8x512xf32>
    %swap3A_126 = vector.shape_cast %select_n3A_120 : vector<8x512xf32> to vector<1x8x512xf32>
    tpu.vector_store %arg3[%swap3A_121, %swap3A_122, %swap3A_123], %swap3A_126 {strides = array<i32>} : memref<106x8x512xf32, #tpu.memory_space<vmem>>, vector<1x8x512xf32>,
    %slice3A_127 = vector.extract_strided_slice %convert_element_type3A_50 {offsets = [0, 4], sizes = [8, 1], strides = [1, 1]} : vector<8x106xf32> to vector<8x1xf32>
    %sub3A_128 = vector.broadcast %slice3A_127 : vector<8x1xf32> to vector<8x512xf32>
    %sub3A_129 = arith.subf %convert_element_type3A, %sub3A_128 : vector<8x512xf32>
    %mul3A_130 = arith.mulf %sub3A_129, %sub3A_129 : vector<8x512xf32>
    %mul3A_131 = arith.constant -1.250000e-01 : f32
    %mul3A_132 = vector.broadcast %mul3A_131 : f32 to vector<8x512xf32>
    %mul3A_133 = arith.mulf %mul3A_130, %mul3A_132 : vector<8x512xf32>
    %exp3A_134 = math.exp %mul3A_133 : vector<8x512xf32>
    %le3A_135 = arith.constant 3.600000e+01 : f32
    %le3A_136 = vector.broadcast %le3A_135 : f32 to vector<8x512xf32>
    %le3A_137 = arith.cmpf ole, %mul3A_130, %le3A_136 : vector<8x512xf32>
    %jit3A_138 = arith.constant 0.000000e+00 : f32
    %broadcast_in_dim3A_139 = vector.broadcast %jit3A_138 : f32 to vector<8x512xf32>
    %select_n3A_140 = arith.select %le3A_137, %exp3A_134, %broadcast_in_dim3A_139 : vector<8x512xi1>, vector<8x512xf32>
    %swap3A_141 = arith.constant 4 : index
    %swap3A_142 = arith.constant 0 : index
    %swap3A_143 = arith.constant 0 : index
    %swap3A_144 = vector.load %arg3[%swap3A_141, %swap3A_142, %swap3A_143] : memref<106x8x512xf32, #tpu.memory_space<vmem>>, vector<1x8x512xf32>
    %swap3A_145 = vector.shape_cast %swap3A_144 : vector<1x8x512xf32> to vector<8x512xf32>
    %swap3A_146 = vector.shape_cast %select_n3A_140 : vector<8x512xf32> to vector<1x8x512xf32>
    tpu.vector_store %arg3[%swap3A_141, %swap3A_142, %swap3A_143], %swap3A_146 {strides = array<i32>} : memref<106x8x512xf32, #tpu.memory_space<vmem>>, vector<1x8x512xf32>,
    %slice3A_147 = vector.extract_strided_slice %convert_element_type3A_50 {offsets = [0, 5], sizes = [8, 1], strides = [1, 1]} : vector<8x106xf32> to vector<8x1xf32>
    %sub3A_148 = vector.broadcast %slice3A_147 : vector<8x1xf32> to vector<8x512xf32>
    %sub3A_149 = arith.subf %convert_element_type3A, %sub3A_148 : vector<8x512xf32>
    %mul3A_150 = arith.mulf %sub3A_149, %sub3A_149 : vector<8x512xf32>
    %mul3A_151 = arith.constant -1.250000e-01 : f32
    %mul3A_152 = vector.broadcast %mul3A_151 : f32 to vector<8x512xf32>
    %mul3A_153 = arith.mulf %mul3A_150, %mul3A_152 : vector<8x512xf32>
    %exp3A_154 = math.exp %mul3A_153 : vector<8x512xf32>
    %le3A_155 = arith.constant 3.600000e+01 : f32
    %le3A_156 = vector.broadcast %le3A_155 : f32 to vector<8x512xf32>
    %le3A_157 = arith.cmpf ole, %mul3A_150, %le3A_156 : vector<8x512xf32>
    %jit3A_158 = arith.constant 0.000000e+00 : f32
    %broadcast_in_dim3A_159 = vector.broadcast %jit3A_158 : f32 to vector<8x512xf32>
    %select_n3A_160 = arith.select %le3A_157, %exp3A_154, %broadcast_in_dim3A_159 : vector<8x512xi1>, vector<8x512xf32>
    %swap3A_161 = arith.constant 5 : index
    %swap3A_162 = arith.constant 0 : index
    %swap3A_163 = arith.constant 0 : index
    %swap3A_164 = vector.load %arg3[%swap3A_161, %swap3A_162, %swap3A_163] : memref<106x8x512xf32, #tpu.memory_space<vmem>>, vector<1x8x512xf32>
    %swap3A_165 = vector.shape_cast %swap3A_164 : vector<1x8x512xf32> to vector<8x512xf32>
    %swap3A_166 = vector.shape_cast %select_n3A_160 : vector<8x512xf32> to vector<1x8x512xf32>
    tpu.vector_store %arg3[%swap3A_161, %swap3A_162, %swap3A_163], %swap3A_166 {strides = array<i32>} : memref<106x8x512xf32, #tpu.memory_space<vmem>>, vector<1x8x512xf32>,
    %slice3A_167 = vector.extract_strided_slice %convert_element_type3A_50 {offsets = [0, 6], sizes = [8, 1], strides = [1, 1]} : vector<8x106xf32> to vector<8x1xf32>
    %sub3A_168 = vector.broadcast %slice3A_167 : vector<8x1xf32> to vector<8x512xf32>
    %sub3A_169 = arith.subf %convert_element_type3A, %sub3A_168 : vector<8x512xf32>
    %mul3A_170 = arith.mulf %sub3A_169, %sub3A_169 : vector<8x512xf32>
    %mul3A_171 = arith.constant -1.250000e-01 : f32
    %mul3A_172 = vector.broadcast %mul3A_171 : f32 to vector<8x512xf32>
    %mul3A_173 = arith.mulf %mul3A_170, %mul3A_172 : vector<8x512xf32>
    %exp3A_174 = math.exp %mul3A_173 : vector<8x512xf32>
    %le3A_175 = arith.constant 3.600000e+01 : f32
    %le3A_176 = vector.broadcast %le3A_175 : f32 to vector<8x512xf32>
    %le3A_177 = arith.cmpf ole, %mul3A_170, %le3A_176 : vector<8x512xf32>
    %jit3A_178 = arith.constant 0.000000e+00 : f32
    %broadcast_in_dim3A_179 = vector.broadcast %jit3A_178 : f32 to vector<8x512xf32>
    %select_n3A_180 = arith.select %le3A_177, %exp3A_174, %broadcast_in_dim3A_179 : vector<8x512xi1>, vector<8x512xf32>
    %swap3A_181 = arith.constant 6 : index
    %swap3A_182 = arith.constant 0 : index
    %swap3A_183 = arith.constant 0 : index
    %swap3A_184 = vector.load %arg3[%swap3A_181, %swap3A_182, %swap3A_183] : memref<106x8x512xf32, #tpu.memory_space<vmem>>, vector<1x8x512xf32>
    %swap3A_185 = vector.shape_cast %swap3A_184 : vector<1x8x512xf32> to vector<8x512xf32>
    %swap3A_186 = vector.shape_cast %select_n3A_180 : vector<8x512xf32> to vector<1x8x512xf32>
    tpu.vector_store %arg3[%swap3A_181, %swap3A_182, %swap3A_183], %swap3A_186 {strides = array<i32>} : memref<106x8x512xf32, #tpu.memory_space<vmem>>, vector<1x8x512xf32>,
    %slice3A_187 = vector.extract_strided_slice %convert_element_type3A_50 {offsets = [0, 7], sizes = [8, 1], strides = [1, 1]} : vector<8x106xf32> to vector<8x1xf32>
    %sub3A_188 = vector.broadcast %slice3A_187 : vector<8x1xf32> to vector<8x512xf32>
    %sub3A_189 = arith.subf %convert_element_type3A, %sub3A_188 : vector<8x512xf32>
    %mul3A_190 = arith.mulf %sub3A_189, %sub3A_189 : vector<8x512xf32>
    %mul3A_191 = arith.constant -1.250000e-01 : f32
    %mul3A_192 = vector.broadcast %mul3A_191 : f32 to vector<8x512xf32>
    %mul3A_193 = arith.mulf %mul3A_190, %mul3A_192 : vector<8x512xf32>
    %exp3A_194 = math.exp %mul3A_193 : vector<8x512xf32>
    %le3A_195 = arith.constant 3.600000e+01 : f32
    %le3A_196 = vector.broadcast %le3A_195 : f32 to vector<8x512xf32>
    %le3A_197 = arith.cmpf ole, %mul3A_190, %le3A_196 : vector<8x512xf32>
    %jit3A_198 = arith.constant 0.000000e+00 : f32
    %broadcast_in_dim3A_199 = vector.broadcast %jit3A_198 : f32 to vector<8x512xf32>
    %select_n3A_200 = arith.select %le3A_197, %exp3A_194, %broadcast_in_dim3A_199 : vector<8x512xi1>, vector<8x512xf32>
    %swap3A_201 = arith.constant 7 : index
    %swap3A_202 = arith.constant 0 : index
    %swap3A_203 = arith.constant 0 : index
    %swap3A_204 = vector.load %arg3[%swap3A_201, %swap3A_202, %swap3A_203] : memref<106x8x512xf32, #tpu.memory_space<vmem>>, vector<1x8x512xf32>
    %swap3A_205 = vector.shape_cast %swap3A_204 : vector<1x8x512xf32> to vector<8x512xf32>
    %swap3A_206 = vector.shape_cast %select_n3A_200 : vector<8x512xf32> to vector<1x8x512xf32>
    tpu.vector_store %arg3[%swap3A_201, %swap3A_202, %swap3A_203], %swap3A_206 {strides = array<i32>} : memref<106x8x512xf32, #tpu.memory_space<vmem>>, vector<1x8x512xf32>,
    %slice3A_207 = vector.extract_strided_slice %convert_element_type3A_50 {offsets = [0, 8], sizes = [8, 1], strides = [1, 1]} : vector<8x106xf32> to vector<8x1xf32>
    %sub3A_208 = vector.broadcast %slice3A_207 : vector<8x1xf32> to vector<8x512xf32>
    %sub3A_209 = arith.subf %convert_element_type3A, %sub3A_208 : vector<8x512xf32>
    %mul3A_210 = arith.mulf %sub3A_209, %sub3A_209 : vector<8x512xf32>
    %mul3A_211 = arith.constant -1.250000e-01 : f32
    %mul3A_212 = vector.broadcast %mul3A_211 : f32 to vector<8x512xf32>
    %mul3A_213 = arith.mulf %mul3A_210, %mul3A_212 : vector<8x512xf32>
    %exp3A_214 = math.exp %mul3A_213 : vector<8x512xf32>
    %le3A_215 = arith.constant 3.600000e+01 : f32
    %le3A_216 = vector.broadcast %le3A_215 : f32 to vector<8x512xf32>
    %le3A_217 = arith.cmpf ole, %mul3A_210, %le3A_216 : vector<8x512xf32>
    %jit3A_218 = arith.constant 0.000000e+00 : f32
    %broadcast_in_dim3A_219 = vector.broadcast %jit3A_218 : f32 to vector<8x512xf32>
    %select_n3A_220 = arith.select %le3A_217, %exp3A_214, %broadcast_in_dim3A_219 : vector<8x512xi1>, vector<8x512xf32>
    %swap3A_221 = arith.constant 8 : index
    %swap3A_222 = arith.constant 0 : index
    %swap3A_223 = arith.constant 0 : index
    %swap3A_224 = vector.load %arg3[%swap3A_221, %swap3A_222, %swap3A_223] : memref<106x8x512xf32, #tpu.memory_space<vmem>>, vector<1x8x512xf32>
    %swap3A_225 = vector.shape_cast %swap3A_224 : vector<1x8x512xf32> to vector<8x512xf32>
    %swap3A_226 = vector.shape_cast %select_n3A_220 : vector<8x512xf32> to vector<1x8x512xf32>
    tpu.vector_store %arg3[%swap3A_221, %swap3A_222, %swap3A_223], %swap3A_226 {strides = array<i32>} : memref<106x8x512xf32, #tpu.memory_space<vmem>>, vector<1x8x512xf32>,
    %slice3A_227 = vector.extract_strided_slice %convert_element_type3A_50 {offsets = [0, 9], sizes = [8, 1], strides = [1, 1]} : vector<8x106xf32> to vector<8x1xf32>
    %sub3A_228 = vector.broadcast %slice3A_227 : vector<8x1xf32> to vector<8x512xf32>
    %sub3A_229 = arith.subf %convert_element_type3A, %sub3A_228 : vector<8x512xf32>
    %mul3A_230 = arith.mulf %sub3A_229, %sub3A_229 : vector<8x512xf32>
    %mul3A_231 = arith.constant -1.250000e-01 : f32
    %mul3A_232 = vector.broadcast %mul3A_231 : f32 to vector<8x512xf32>
    %mul3A_233 = arith.mulf %mul3A_230, %mul3A_232 : vector<8x512xf32>
    %exp3A_234 = math.exp %mul3A_233 : vector<8x512xf32>
    %le3A_235 = arith.constant 3.600000e+01 : f32
    %le3A_236 = vector.broadcast %le3A_235 : f32 to vector<8x512xf32>
    %le3A_237 = arith.cmpf ole, %mul3A_230, %le3A_236 : vector<8x512xf32>
    %jit3A_238 = arith.constant 0.000000e+00 : f32
    %broadcast_in_dim3A_239 = vector.broadcast %jit3A_238 : f32 to vector<8x512xf32>
    %select_n3A_240 = arith.select %le3A_237, %exp3A_234, %broadcast_in_dim3A_239 : vector<8x512xi1>, vector<8x512xf32>
    %swap3A_241 = arith.constant 9 : index
    %swap3A_242 = arith.constant 0 : index
    %swap3A_243 = arith.constant 0 : index
    %swap3A_244 = vector.load %arg3[%swap3A_241, %swap3A_242, %swap3A_243] : memref<106x8x512xf32, #tpu.memory_space<vmem>>, vector<1x8x512xf32>
    %swap3A_245 = vector.shape_cast %swap3A_244 : vector<1x8x512xf32> to vector<8x512xf32>
    %swap3A_246 = vector.shape_cast %select_n3A_240 : vector<8x512xf32> to vector<1x8x512xf32>
    tpu.vector_store %arg3[%swap3A_241, %swap3A_242, %swap3A_243], %swap3A_246 {strides = array<i32>} : memref<106x8x512xf32, #tpu.memory_space<vmem>>, vector<1x8x512xf32>,
    %slice3A_247 = vector.extract_strided_slice %convert_element_type3A_50 {offsets = [0, 10], sizes = [8, 1], strides = [1, 1]} : vector<8x106xf32> to vector<8x1xf32>
    %sub3A_248 = vector.broadcast %slice3A_247 : vector<8x1xf32> to vector<8x512xf32>
    %sub3A_249 = arith.subf %convert_element_type3A, %sub3A_248 : vector<8x512xf32>
    %mul3A_250 = arith.mulf %sub3A_249, %sub3A_249 : vector<8x512xf32>
    %mul3A_251 = arith.constant -1.250000e-01 : f32
    %mul3A_252 = vector.broadcast %mul3A_251 : f32 to vector<8x512xf32>
    %mul3A_253 = arith.mulf %mul3A_250, %mul3A_252 : vector<8x512xf32>
    %exp3A_254 = math.exp %mul3A_253 : vector<8x512xf32>
    %le3A_255 = arith.constant 3.600000e+01 : f32
    %le3A_256 = vector.broadcast %le3A_255 : f32 to vector<8x512xf32>
    %le3A_257 = arith.cmpf ole, %mul3A_250, %le3A_256 : vector<8x512xf32>
    %jit3A_258 = arith.constant 0.000000e+00 : f32
    %broadcast_in_dim3A_259 = vector.broadcast %jit3A_258 : f32 to vector<8x512xf32>
    %select_n3A_260 = arith.select %le3A_257, %exp3A_254, %broadcast_in_dim3A_259 : vector<8x512xi1>, vector<8x512xf32>
    %swap3A_261 = arith.constant 10 : index
    %swap3A_262 = arith.constant 0 : index
    %swap3A_263 = arith.constant 0 : index
    %swap3A_264 = vector.load %arg3[%swap3A_261, %swap3A_262, %swap3A_263] : memref<106x8x512xf32, #tpu.memory_space<vmem>>, vector<1x8x512xf32>
    %swap3A_265 = vector.shape_cast %swap3A_264 : vector<1x8x512xf32> to vector<8x512xf32>
    %swap3A_266 = vector.shape_cast %select_n3A_260 : vector<8x512xf32> to vector<1x8x512xf32>
    tpu.vector_store %arg3[%swap3A_261, %swap3A_262, %swap3A_263], %swap3A_266 {strides = array<i32>} : memref<106x8x512xf32, #tpu.memory_space<vmem>>, vector<1x8x512xf32>,
    %slice3A_267 = vector.extract_strided_slice %convert_element_type3A_50 {offsets = [0, 11], sizes = [8, 1], strides = [1, 1]} : vector<8x106xf32> to vector<8x1xf32>
    %sub3A_268 = vector.broadcast %slice3A_267 : vector<8x1xf32> to vector<8x512xf32>
    %sub3A_269 = arith.subf %convert_element_type3A, %sub3A_268 : vector<8x512xf32>
    %mul3A_270 = arith.mulf %sub3A_269, %sub3A_269 : vector<8x512xf32>
    %mul3A_271 = arith.constant -1.250000e-01 : f32
    %mul3A_272 = vector.broadcast %mul3A_271 : f32 to vector<8x512xf32>
    %mul3A_273 = arith.mulf %mul3A_270, %mul3A_272 : vector<8x512xf32>
    %exp3A_274 = math.exp %mul3A_273 : vector<8x512xf32>
    %le3A_275 = arith.constant 3.600000e+01 : f32
    %le3A_276 = vector.broadcast %le3A_275 : f32 to vector<8x512xf32>
    %le3A_277 = arith.cmpf ole, %mul3A_270, %le3A_276 : vector<8x512xf32>
    %jit3A_278 = arith.constant 0.000000e+00 : f32
    %broadcast_in_dim3A_279 = vector.broadcast %jit3A_278 : f32 to vector<8x512xf32>
    %select_n3A_280 = arith.select %le3A_277, %exp3A_274, %broadcast_in_dim3A_279 : vector<8x512xi1>, vector<8x512xf32>
    %swap3A_281 = arith.constant 11 : index
    %swap3A_282 = arith.constant 0 : index
    %swap3A_283 = arith.constant 0 : index
    %swap3A_284 = vector.load %arg3[%swap3A_281, %swap3A_282, %swap3A_283] : memref<106x8x512xf32, #tpu.memory_space<vmem>>, vector<1x8x512xf32>
    %swap3A_285 = vector.shape_cast %swap3A_284 : vector<1x8x512xf32> to vector<8x512xf32>
    %swap3A_286 = vector.shape_cast %select_n3A_280 : vector<8x512xf32> to vector<1x8x512xf32>
    tpu.vector_store %arg3[%swap3A_281, %swap3A_282, %swap3A_283], %swap3A_286 {strides = array<i32>} : memref<106x8x512xf32, #tpu.memory_space<vmem>>, vector<1x8x512xf32>,
    %slice3A_287 = vector.extract_strided_slice %convert_element_type3A_50 {offsets = [0, 12], sizes = [8, 1], strides = [1, 1]} : vector<8x106xf32> to vector<8x1xf32>
    %sub3A_288 = vector.broadcast %slice3A_287 : vector<8x1xf32> to vector<8x512xf32>
    %sub3A_289 = arith.subf %convert_element_type3A, %sub3A_288 : vector<8x512xf32>
    %mul3A_290 = arith.mulf %sub3A_289, %sub3A_289 : vector<8x512xf32>
    %mul3A_291 = arith.constant -1.250000e-01 : f32
    %mul3A_292 = vector.broadcast %mul3A_291 : f32 to vector<8x512xf32>
    %mul3A_293 = arith.mulf %mul3A_290, %mul3A_292 : vector<8x512xf32>
    %exp3A_294 = math.exp %mul3A_293 : vector<8x512xf32>
    %le3A_295 = arith.constant 3.600000e+01 : f32
    %le3A_296 = vector.broadcast %le3A_295 : f32 to vector<8x512xf32>
    %le3A_297 = arith.cmpf ole, %mul3A_290, %le3A_296 : vector<8x512xf32>
    %jit3A_298 = arith.constant 0.000000e+00 : f32
    %broadcast_in_dim3A_299 = vector.broadcast %jit3A_298 : f32 to vector<8x512xf32>
    %select_n3A_300 = arith.select %le3A_297, %exp3A_294, %broadcast_in_dim3A_299 : vector<8x512xi1>, vector<8x512xf32>
    %swap3A_301 = arith.constant 12 : index
    %swap3A_302 = arith.constant 0 : index
    %swap3A_303 = arith.constant 0 : index
    %swap3A_304 = vector.load %arg3[%swap3A_301, %swap3A_302, %swap3A_303] : memref<106x8x512xf32, #tpu.memory_space<vmem>>, vector<1x8x512xf32>
    %swap3A_305 = vector.shape_cast %swap3A_304 : vector<1x8x512xf32> to vector<8x512xf32>
    %swap3A_306 = vector.shape_cast %select_n3A_300 : vector<8x512xf32> to vector<1x8x512xf32>
    tpu.vector_store %arg3[%swap3A_301, %swap3A_302, %swap3A_303], %swap3A_306 {strides = array<i32>} : memref<106x8x512xf32, #tpu.memory_space<vmem>>, vector<1x8x512xf32>,
    %slice3A_307 = vector.extract_strided_slice %convert_element_type3A_50 {offsets = [0, 13], sizes = [8, 1], strides = [1, 1]} : vector<8x106xf32> to vector<8x1xf32>
    %sub3A_308 = vector.broadcast %slice3A_307 : vector<8x1xf32> to vector<8x512xf32>
    %sub3A_309 = arith.subf %convert_element_type3A, %sub3A_308 : vector<8x512xf32>
    %mul3A_310 = arith.mulf %sub3A_309, %sub3A_309 : vector<8x512xf32>
    %mul3A_311 = arith.constant -1.250000e-01 : f32
    %mul3A_312 = vector.broadcast %mul3A_311 : f32 to vector<8x512xf32>
    %mul3A_313 = arith.mulf %mul3A_310, %mul3A_312 : vector<8x512xf32>
    %exp3A_314 = math.exp %mul3A_313 : vector<8x512xf32>
    %le3A_315 = arith.constant 3.600000e+01 : f32
    %le3A_316 = vector.broadcast %le3A_315 : f32 to vector<8x512xf32>
    %le3A_317 = arith.cmpf ole, %mul3A_310, %le3A_316 : vector<8x512xf32>
    %jit3A_318 = arith.constant 0.000000e+00 : f32
    %broadcast_in_dim3A_319 = vector.broadcast %jit3A_318 : f32 to vector<8x512xf32>
    %select_n3A_320 = arith.select %le3A_317, %exp3A_314, %broadcast_in_dim3A_319 : vector<8x512xi1>, vector<8x512xf32>
    %swap3A_321 = arith.constant 13 : index
    %swap3A_322 = arith.constant 0 : index
    %swap3A_323 = arith.constant 0 : index
    %swap3A_324 = vector.load %arg3[%swap3A_321, %swap3A_322, %swap3A_323] : memref<106x8x512xf32, #tpu.memory_space<vmem>>, vector<1x8x512xf32>
    %swap3A_325 = vector.shape_cast %swap3A_324 : vector<1x8x512xf32> to vector<8x512xf32>
    %swap3A_326 = vector.shape_cast %select_n3A_320 : vector<8x512xf32> to vector<1x8x512xf32>
    tpu.vector_store %arg3[%swap3A_321, %swap3A_322, %swap3A_323], %swap3A_326 {strides = array<i32>} : memref<106x8x512xf32, #tpu.memory_space<vmem>>, vector<1x8x512xf32>,
    %slice3A_327 = vector.extract_strided_slice %convert_element_type3A_50 {offsets = [0, 14], sizes = [8, 1], strides = [1, 1]} : vector<8x106xf32> to vector<8x1xf32>
    %sub3A_328 = vector.broadcast %slice3A_327 : vector<8x1xf32> to vector<8x512xf32>
    %sub3A_329 = arith.subf %convert_element_type3A, %sub3A_328 : vector<8x512xf32>
    %mul3A_330 = arith.mulf %sub3A_329, %sub3A_329 : vector<8x512xf32>
    %mul3A_331 = arith.constant -1.250000e-01 : f32
    %mul3A_332 = vector.broadcast %mul3A_331 : f32 to vector<8x512xf32>
    %mul3A_333 = arith.mulf %mul3A_330, %mul3A_332 : vector<8x512xf32>
    %exp3A_334 = math.exp %mul3A_333 : vector<8x512xf32>
    %le3A_335 = arith.constant 3.600000e+01 : f32
    %le3A_336 = vector.broadcast %le3A_335 : f32 to vector<8x512xf32>
    %le3A_337 = arith.cmpf ole, %mul3A_330, %le3A_336 : vector<8x512xf32>
    %jit3A_338 = arith.constant 0.000000e+00 : f32
    %broadcast_in_dim3A_339 = vector.broadcast %jit3A_338 : f32 to vector<8x512xf32>
    %select_n3A_340 = arith.select %le3A_337, %exp3A_334, %broadcast_in_dim3A_339 : vector<8x512xi1>, vector<8x512xf32>
    %swap3A_341 = arith.constant 14 : index
    %swap3A_342 = arith.constant 0 : index
    %swap3A_343 = arith.constant 0 : index
    %swap3A_344 = vector.load %arg3[%swap3A_341, %swap3A_342, %swap3A_343] : memref<106x8x512xf32, #tpu.memory_space<vmem>>, vector<1x8x512xf32>
    %swap3A_345 = vector.shape_cast %swap3A_344 : vector<1x8x512xf32> to vector<8x512xf32>
    %swap3A_346 = vector.shape_cast %select_n3A_340 : vector<8x512xf32> to vector<1x8x512xf32>
    tpu.vector_store %arg3[%swap3A_341, %swap3A_342, %swap3A_343], %swap3A_346 {strides = array<i32>} : memref<106x8x512xf32, #tpu.memory_space<vmem>>, vector<1x8x512xf32>,
    %slice3A_347 = vector.extract_strided_slice %convert_element_type3A_50 {offsets = [0, 15], sizes = [8, 1], strides = [1, 1]} : vector<8x106xf32> to vector<8x1xf32>
    %sub3A_348 = vector.broadcast %slice3A_347 : vector<8x1xf32> to vector<8x512xf32>
    %sub3A_349 = arith.subf %convert_element_type3A, %sub3A_348 : vector<8x512xf32>
    %mul3A_350 = arith.mulf %sub3A_349, %sub3A_349 : vector<8x512xf32>
    %mul3A_351 = arith.constant -1.250000e-01 : f32
    %mul3A_352 = vector.broadcast %mul3A_351 : f32 to vector<8x512xf32>
    %mul3A_353 = arith.mulf %mul3A_350, %mul3A_352 : vector<8x512xf32>
    %exp3A_354 = math.exp %mul3A_353 : vector<8x512xf32>
    %le3A_355 = arith.constant 3.600000e+01 : f32
    %le3A_356 = vector.broadcast %le3A_355 : f32 to vector<8x512xf32>
    %le3A_357 = arith.cmpf ole, %mul3A_350, %le3A_356 : vector<8x512xf32>
    %jit3A_358 = arith.constant 0.000000e+00 : f32
    %broadcast_in_dim3A_359 = vector.broadcast %jit3A_358 : f32 to vector<8x512xf32>
    %select_n3A_360 = arith.select %le3A_357, %exp3A_354, %broadcast_in_dim3A_359 : vector<8x512xi1>, vector<8x512xf32>
    %swap3A_361 = arith.constant 15 : index
    %swap3A_362 = arith.constant 0 : index
    %swap3A_363 = arith.constant 0 : index
    %swap3A_364 = vector.load %arg3[%swap3A_361, %swap3A_362, %swap3A_363] : memref<106x8x512xf32, #tpu.memory_space<vmem>>, vector<1x8x512xf32>
    %swap3A_365 = vector.shape_cast %swap3A_364 : vector<1x8x512xf32> to vector<8x512xf32>
    %swap3A_366 = vector.shape_cast %select_n3A_360 : vector<8x512xf32> to vector<1x8x512xf32>
    tpu.vector_store %arg3[%swap3A_361, %swap3A_362, %swap3A_363], %swap3A_366 {strides = array<i32>} : memref<106x8x512xf32, #tpu.memory_space<vmem>>, vector<1x8x512xf32>,
    %slice3A_367 = vector.extract_strided_slice %convert_element_type3A_50 {offsets = [0, 16], sizes = [8, 1], strides = [1, 1]} : vector<8x106xf32> to vector<8x1xf32>
    %sub3A_368 = vector.broadcast %slice3A_367 : vector<8x1xf32> to vector<8x512xf32>
    %sub3A_369 = arith.subf %convert_element_type3A, %sub3A_368 : vector<8x512xf32>
    %mul3A_370 = arith.mulf %sub3A_369, %sub3A_369 : vector<8x512xf32>
    %mul3A_371 = arith.constant -1.250000e-01 : f32
    %mul3A_372 = vector.broadcast %mul3A_371 : f32 to vector<8x512xf32>
    %mul3A_373 = arith.mulf %mul3A_370, %mul3A_372 : vector<8x512xf32>
    %exp3A_374 = math.exp %mul3A_373 : vector<8x512xf32>
    %le3A_375 = arith.constant 3.600000e+01 : f32
    %le3A_376 = vector.broadcast %le3A_375 : f32 to vector<8x512xf32>
    %le3A_377 = arith.cmpf ole, %mul3A_370, %le3A_376 : vector<8x512xf32>
    %jit3A_378 = arith.constant 0.000000e+00 : f32
    %broadcast_in_dim3A_379 = vector.broadcast %jit3A_378 : f32 to vector<8x512xf32>
    %select_n3A_380 = arith.select %le3A_377, %exp3A_374, %broadcast_in_dim3A_379 : vector<8x512xi1>, vector<8x512xf32>
    %swap3A_381 = arith.constant 16 : index
    %swap3A_382 = arith.constant 0 : index
    %swap3A_383 = arith.constant 0 : index
    %swap3A_384 = vector.load %arg3[%swap3A_381, %swap3A_382, %swap3A_383] : memref<106x8x512xf32, #tpu.memory_space<vmem>>, vector<1x8x512xf32>
    %swap3A_385 = vector.shape_cast %swap3A_384 : vector<1x8x512xf32> to vector<8x512xf32>
    %swap3A_386 = vector.shape_cast %select_n3A_380 : vector<8x512xf32> to vector<1x8x512xf32>
    tpu.vector_store %arg3[%swap3A_381, %swap3A_382, %swap3A_383], %swap3A_386 {strides = array<i32>} : memref<106x8x512xf32, #tpu.memory_space<vmem>>, vector<1x8x512xf32>,
    %slice3A_387 = vector.extract_strided_slice %convert_element_type3A_50 {offsets = [0, 17], sizes = [8, 1], strides = [1, 1]} : vector<8x106xf32> to vector<8x1xf32>
    %sub3A_388 = vector.broadcast %slice3A_387 : vector<8x1xf32> to vector<8x512xf32>
    %sub3A_389 = arith.subf %convert_element_type3A, %sub3A_388 : vector<8x512xf32>
    %mul3A_390 = arith.mulf %sub3A_389, %sub3A_389 : vector<8x512xf32>
    %mul3A_391 = arith.constant -1.250000e-01 : f32
    %mul3A_392 = vector.broadcast %mul3A_391 : f32 to vector<8x512xf32>
    %mul3A_393 = arith.mulf %mul3A_390, %mul3A_392 : vector<8x512xf32>
    %exp3A_394 = math.exp %mul3A_393 : vector<8x512xf32>
    %le3A_395 = arith.constant 3.600000e+01 : f32
    %le3A_396 = vector.broadcast %le3A_395 : f32 to vector<8x512xf32>
    %le3A_397 = arith.cmpf ole, %mul3A_390, %le3A_396 : vector<8x512xf32>
    %jit3A_398 = arith.constant 0.000000e+00 : f32
    %broadcast_in_dim3A_399 = vector.broadcast %jit3A_398 : f32 to vector<8x512xf32>
    %select_n3A_400 = arith.select %le3A_397, %exp3A_394, %broadcast_in_dim3A_399 : vector<8x512xi1>, vector<8x512xf32>
    %swap3A_401 = arith.constant 17 : index
    %swap3A_402 = arith.constant 0 : index
    %swap3A_403 = arith.constant 0 : index
    %swap3A_404 = vector.load %arg3[%swap3A_401, %swap3A_402, %swap3A_403] : memref<106x8x512xf32, #tpu.memory_space<vmem>>, vector<1x8x512xf32>
    %swap3A_405 = vector.shape_cast %swap3A_404 : vector<1x8x512xf32> to vector<8x512xf32>
    %swap3A_406 = vector.shape_cast %select_n3A_400 : vector<8x512xf32> to vector<1x8x512xf32>
    tpu.vector_store %arg3[%swap3A_401, %swap3A_402, %swap3A_403], %swap3A_406 {strides = array<i32>} : memref<106x8x512xf32, #tpu.memory_space<vmem>>, vector<1x8x512xf32>,
    %slice3A_407 = vector.extract_strided_slice %convert_element_type3A_50 {offsets = [0, 18], sizes = [8, 1], strides = [1, 1]} : vector<8x106xf32> to vector<8x1xf32>
    %sub3A_408 = vector.broadcast %slice3A_407 : vector<8x1xf32> to vector<8x512xf32>
    %sub3A_409 = arith.subf %convert_element_type3A, %sub3A_408 : vector<8x512xf32>
    %mul3A_410 = arith.mulf %sub3A_409, %sub3A_409 : vector<8x512xf32>
    %mul3A_411 = arith.constant -1.250000e-01 : f32
    %mul3A_412 = vector.broadcast %mul3A_411 : f32 to vector<8x512xf32>
    %mul3A_413 = arith.mulf %mul3A_410, %mul3A_412 : vector<8x512xf32>
    %exp3A_414 = math.exp %mul3A_413 : vector<8x512xf32>
    %le3A_415 = arith.constant 3.600000e+01 : f32
    %le3A_416 = vector.broadcast %le3A_415 : f32 to vector<8x512xf32>
    %le3A_417 = arith.cmpf ole, %mul3A_410, %le3A_416 : vector<8x512xf32>
    %jit3A_418 = arith.constant 0.000000e+00 : f32
    %broadcast_in_dim3A_419 = vector.broadcast %jit3A_418 : f32 to vector<8x512xf32>
    %select_n3A_420 = arith.select %le3A_417, %exp3A_414, %broadcast_in_dim3A_419 : vector<8x512xi1>, vector<8x512xf32>
    %swap3A_421 = arith.constant 18 : index
    %swap3A_422 = arith.constant 0 : index
    %swap3A_423 = arith.constant 0 : index
    %swap3A_424 = vector.load %arg3[%swap3A_421, %swap3A_422, %swap3A_423] : memref<106x8x512xf32, #tpu.memory_space<vmem>>, vector<1x8x512xf32>
    %swap3A_425 = vector.shape_cast %swap3A_424 : vector<1x8x512xf32> to vector<8x512xf32>
    %swap3A_426 = vector.shape_cast %select_n3A_420 : vector<8x512xf32> to vector<1x8x512xf32>
    tpu.vector_store %arg3[%swap3A_421, %swap3A_422, %swap3A_423], %swap3A_426 {strides = array<i32>} : memref<106x8x512xf32, #tpu.memory_space<vmem>>, vector<1x8x512xf32>,
    %slice3A_427 = vector.extract_strided_slice %convert_element_type3A_50 {offsets = [0, 19], sizes = [8, 1], strides = [1, 1]} : vector<8x106xf32> to vector<8x1xf32>
    %sub3A_428 = vector.broadcast %slice3A_427 : vector<8x1xf32> to vector<8x512xf32>
    %sub3A_429 = arith.subf %convert_element_type3A, %sub3A_428 : vector<8x512xf32>
    %mul3A_430 = arith.mulf %sub3A_429, %sub3A_429 : vector<8x512xf32>
    %mul3A_431 = arith.constant -1.250000e-01 : f32
    %mul3A_432 = vector.broadcast %mul3A_431 : f32 to vector<8x512xf32>
    %mul3A_433 = arith.mulf %mul3A_430, %mul3A_432 : vector<8x512xf32>
    %exp3A_434 = math.exp %mul3A_433 : vector<8x512xf32>
    %le3A_435 = arith.constant 3.600000e+01 : f32
    %le3A_436 = vector.broadcast %le3A_435 : f32 to vector<8x512xf32>
    %le3A_437 = arith.cmpf ole, %mul3A_430, %le3A_436 : vector<8x512xf32>
    %jit3A_438 = arith.constant 0.000000e+00 : f32
    %broadcast_in_dim3A_439 = vector.broadcast %jit3A_438 : f32 to vector<8x512xf32>
    %select_n3A_440 = arith.select %le3A_437, %exp3A_434, %broadcast_in_dim3A_439 : vector<8x512xi1>, vector<8x512xf32>
    %swap3A_441 = arith.constant 19 : index
    %swap3A_442 = arith.constant 0 : index
    %swap3A_443 = arith.constant 0 : index
    %swap3A_444 = vector.load %arg3[%swap3A_441, %swap3A_442, %swap3A_443] : memref<106x8x512xf32, #tpu.memory_space<vmem>>, vector<1x8x512xf32>
    %swap3A_445 = vector.shape_cast %swap3A_444 : vector<1x8x512xf32> to vector<8x512xf32>
    %swap3A_446 = vector.shape_cast %select_n3A_440 : vector<8x512xf32> to vector<1x8x512xf32>
    tpu.vector_store %arg3[%swap3A_441, %swap3A_442, %swap3A_443], %swap3A_446 {strides = array<i32>} : memref<106x8x512xf32, #tpu.memory_space<vmem>>, vector<1x8x512xf32>,
    %slice3A_447 = vector.extract_strided_slice %convert_element_type3A_50 {offsets = [0, 20], sizes = [8, 1], strides = [1, 1]} : vector<8x106xf32> to vector<8x1xf32>
    %sub3A_448 = vector.broadcast %slice3A_447 : vector<8x1xf32> to vector<8x512xf32>
    %sub3A_449 = arith.subf %convert_element_type3A, %sub3A_448 : vector<8x512xf32>
    %mul3A_450 = arith.mulf %sub3A_449, %sub3A_449 : vector<8x512xf32>
    %mul3A_451 = arith.constant -1.250000e-01 : f32
    %mul3A_452 = vector.broadcast %mul3A_451 : f32 to vector<8x512xf32>
    %mul3A_453 = arith.mulf %mul3A_450, %mul3A_452 : vector<8x512xf32>
    %exp3A_454 = math.exp %mul3A_453 : vector<8x512xf32>
    %le3A_455 = arith.constant 3.600000e+01 : f32
    %le3A_456 = vector.broadcast %le3A_455 : f32 to vector<8x512xf32>
    %le3A_457 = arith.cmpf ole, %mul3A_450, %le3A_456 : vector<8x512xf32>
    %jit3A_458 = arith.constant 0.000000e+00 : f32
    %broadcast_in_dim3A_459 = vector.broadcast %jit3A_458 : f32 to vector<8x512xf32>
    %select_n3A_460 = arith.select %le3A_457, %exp3A_454, %broadcast_in_dim3A_459 : vector<8x512xi1>, vector<8x512xf32>
    %swap3A_461 = arith.constant 20 : index
    %swap3A_462 = arith.constant 0 : index
    %swap3A_463 = arith.constant 0 : index
    %swap3A_464 = vector.load %arg3[%swap3A_461, %swap3A_462, %swap3A_463] : memref<106x8x512xf32, #tpu.memory_space<vmem>>, vector<1x8x512xf32>
    %swap3A_465 = vector.shape_cast %swap3A_464 : vector<1x8x512xf32> to vector<8x512xf32>
    %swap3A_466 = vector.shape_cast %select_n3A_460 : vector<8x512xf32> to vector<1x8x512xf32>
    tpu.vector_store %arg3[%swap3A_461, %swap3A_462, %swap3A_463], %swap3A_466 {strides = array<i32>} : memref<106x8x512xf32, #tpu.memory_space<vmem>>, vector<1x8x512xf32>,
    %slice3A_467 = vector.extract_strided_slice %convert_element_type3A_50 {offsets = [0, 21], sizes = [8, 1], strides = [1, 1]} : vector<8x106xf32> to vector<8x1xf32>
    %sub3A_468 = vector.broadcast %slice3A_467 : vector<8x1xf32> to vector<8x512xf32>
    %sub3A_469 = arith.subf %convert_element_type3A, %sub3A_468 : vector<8x512xf32>
    %mul3A_470 = arith.mulf %sub3A_469, %sub3A_469 : vector<8x512xf32>
    %mul3A_471 = arith.constant -1.250000e-01 : f32
    %mul3A_472 = vector.broadcast %mul3A_471 : f32 to vector<8x512xf32>
    %mul3A_473 = arith.mulf %mul3A_470, %mul3A_472 : vector<8x512xf32>
    %exp3A_474 = math.exp %mul3A_473 : vector<8x512xf32>
    %le3A_475 = arith.constant 3.600000e+01 : f32
    %le3A_476 = vector.broadcast %le3A_475 : f32 to vector<8x512xf32>
    %le3A_477 = arith.cmpf ole, %mul3A_470, %le3A_476 : vector<8x512xf32>
    %jit3A_478 = arith.constant 0.000000e+00 : f32
    %broadcast_in_dim3A_479 = vector.broadcast %jit3A_478 : f32 to vector<8x512xf32>
    %select_n3A_480 = arith.select %le3A_477, %exp3A_474, %broadcast_in_dim3A_479 : vector<8x512xi1>, vector<8x512xf32>
    %swap3A_481 = arith.constant 21 : index
    %swap3A_482 = arith.constant 0 : index
    %swap3A_483 = arith.constant 0 : index
    %swap3A_484 = vector.load %arg3[%swap3A_481, %swap3A_482, %swap3A_483] : memref<106x8x512xf32, #tpu.memory_space<vmem>>, vector<1x8x512xf32>
    %swap3A_485 = vector.shape_cast %swap3A_484 : vector<1x8x512xf32> to vector<8x512xf32>
    %swap3A_486 = vector.shape_cast %select_n3A_480 : vector<8x512xf32> to vector<1x8x512xf32>
    tpu.vector_store %arg3[%swap3A_481, %swap3A_482, %swap3A_483], %swap3A_486 {strides = array<i32>} : memref<106x8x512xf32, #tpu.memory_space<vmem>>, vector<1x8x512xf32>,
    %slice3A_487 = vector.extract_strided_slice %convert_element_type3A_50 {offsets = [0, 22], sizes = [8, 1], strides = [1, 1]} : vector<8x106xf32> to vector<8x1xf32>
    %sub3A_488 = vector.broadcast %slice3A_487 : vector<8x1xf32> to vector<8x512xf32>
    %sub3A_489 = arith.subf %convert_element_type3A, %sub3A_488 : vector<8x512xf32>
    %mul3A_490 = arith.mulf %sub3A_489, %sub3A_489 : vector<8x512xf32>
    %mul3A_491 = arith.constant -1.250000e-01 : f32
    %mul3A_492 = vector.broadcast %mul3A_491 : f32 to vector<8x512xf32>
    %mul3A_493 = arith.mulf %mul3A_490, %mul3A_492 : vector<8x512xf32>
    %exp3A_494 = math.exp %mul3A_493 : vector<8x512xf32>
    %le3A_495 = arith.constant 3.600000e+01 : f32
    %le3A_496 = vector.broadcast %le3A_495 : f32 to vector<8x512xf32>
    %le3A_497 = arith.cmpf ole, %mul3A_490, %le3A_496 : vector<8x512xf32>
    %jit3A_498 = arith.constant 0.000000e+00 : f32
    %broadcast_in_dim3A_499 = vector.broadcast %jit3A_498 : f32 to vector<8x512xf32>
    %select_n3A_500 = arith.select %le3A_497, %exp3A_494, %broadcast_in_dim3A_499 : vector<8x512xi1>, vector<8x512xf32>
    %swap3A_501 = arith.constant 22 : index
    %swap3A_502 = arith.constant 0 : index
    %swap3A_503 = arith.constant 0 : index
    %swap3A_504 = vector.load %arg3[%swap3A_501, %swap3A_502, %swap3A_503] : memref<106x8x512xf32, #tpu.memory_space<vmem>>, vector<1x8x512xf32>
    %swap3A_505 = vector.shape_cast %swap3A_504 : vector<1x8x512xf32> to vector<8x512xf32>
    %swap3A_506 = vector.shape_cast %select_n3A_500 : vector<8x512xf32> to vector<1x8x512xf32>
    tpu.vector_store %arg3[%swap3A_501, %swap3A_502, %swap3A_503], %swap3A_506 {strides = array<i32>} : memref<106x8x512xf32, #tpu.memory_space<vmem>>, vector<1x8x512xf32>,
    %slice3A_507 = vector.extract_strided_slice %convert_element_type3A_50 {offsets = [0, 23], sizes = [8, 1], strides = [1, 1]} : vector<8x106xf32> to vector<8x1xf32>
    %sub3A_508 = vector.broadcast %slice3A_507 : vector<8x1xf32> to vector<8x512xf32>
    %sub3A_509 = arith.subf %convert_element_type3A, %sub3A_508 : vector<8x512xf32>
    %mul3A_510 = arith.mulf %sub3A_509, %sub3A_509 : vector<8x512xf32>
    %mul3A_511 = arith.constant -1.250000e-01 : f32
    %mul3A_512 = vector.broadcast %mul3A_511 : f32 to vector<8x512xf32>
    %mul3A_513 = arith.mulf %mul3A_510, %mul3A_512 : vector<8x512xf32>
    %exp3A_514 = math.exp %mul3A_513 : vector<8x512xf32>
    %le3A_515 = arith.constant 3.600000e+01 : f32
    %le3A_516 = vector.broadcast %le3A_515 : f32 to vector<8x512xf32>
    %le3A_517 = arith.cmpf ole, %mul3A_510, %le3A_516 : vector<8x512xf32>
    %jit3A_518 = arith.constant 0.000000e+00 : f32
    %broadcast_in_dim3A_519 = vector.broadcast %jit3A_518 : f32 to vector<8x512xf32>
    %select_n3A_520 = arith.select %le3A_517, %exp3A_514, %broadcast_in_dim3A_519 : vector<8x512xi1>, vector<8x512xf32>
    %swap3A_521 = arith.constant 23 : index
    %swap3A_522 = arith.constant 0 : index
    %swap3A_523 = arith.constant 0 : index
    %swap3A_524 = vector.load %arg3[%swap3A_521, %swap3A_522, %swap3A_523] : memref<106x8x512xf32, #tpu.memory_space<vmem>>, vector<1x8x512xf32>
    %swap3A_525 = vector.shape_cast %swap3A_524 : vector<1x8x512xf32> to vector<8x512xf32>
    %swap3A_526 = vector.shape_cast %select_n3A_520 : vector<8x512xf32> to vector<1x8x512xf32>
    tpu.vector_store %arg3[%swap3A_521, %swap3A_522, %swap3A_523], %swap3A_526 {strides = array<i32>} : memref<106x8x512xf32, #tpu.memory_space<vmem>>, vector<1x8x512xf32>,
    %slice3A_527 = vector.extract_strided_slice %convert_element_type3A_50 {offsets = [0, 24], sizes = [8, 1], strides = [1, 1]} : vector<8x106xf32> to vector<8x1xf32>
    %sub3A_528 = vector.broadcast %slice3A_527 : vector<8x1xf32> to vector<8x512xf32>
    %sub3A_529 = arith.subf %convert_element_type3A, %sub3A_528 : vector<8x512xf32>
    %mul3A_530 = arith.mulf %sub3A_529, %sub3A_529 : vector<8x512xf32>
    %mul3A_531 = arith.constant -1.250000e-01 : f32
    %mul3A_532 = vector.broadcast %mul3A_531 : f32 to vector<8x512xf32>
    %mul3A_533 = arith.mulf %mul3A_530, %mul3A_532 : vector<8x512xf32>
    %exp3A_534 = math.exp %mul3A_533 : vector<8x512xf32>
    %le3A_535 = arith.constant 3.600000e+01 : f32
    %le3A_536 = vector.broadcast %le3A_535 : f32 to vector<8x512xf32>
    %le3A_537 = arith.cmpf ole, %mul3A_530, %le3A_536 : vector<8x512xf32>
    %jit3A_538 = arith.constant 0.000000e+00 : f32
    %broadcast_in_dim3A_539 = vector.broadcast %jit3A_538 : f32 to vector<8x512xf32>
    %select_n3A_540 = arith.select %le3A_537, %exp3A_534, %broadcast_in_dim3A_539 : vector<8x512xi1>, vector<8x512xf32>
    %swap3A_541 = arith.constant 24 : index
    %swap3A_542 = arith.constant 0 : index
    %swap3A_543 = arith.constant 0 : index
    %swap3A_544 = vector.load %arg3[%swap3A_541, %swap3A_542, %swap3A_543] : memref<106x8x512xf32, #tpu.memory_space<vmem>>, vector<1x8x512xf32>
    %swap3A_545 = vector.shape_cast %swap3A_544 : vector<1x8x512xf32> to vector<8x512xf32>
    %swap3A_546 = vector.shape_cast %select_n3A_540 : vector<8x512xf32> to vector<1x8x512xf32>
    tpu.vector_store %arg3[%swap3A_541, %swap3A_542, %swap3A_543], %swap3A_546 {strides = array<i32>} : memref<106x8x512xf32, #tpu.memory_space<vmem>>, vector<1x8x512xf32>,
    %slice3A_547 = vector.extract_strided_slice %convert_element_type3A_50 {offsets = [0, 25], sizes = [8, 1], strides = [1, 1]} : vector<8x106xf32> to vector<8x1xf32>
    %sub3A_548 = vector.broadcast %slice3A_547 : vector<8x1xf32> to vector<8x512xf32>
    %sub3A_549 = arith.subf %convert_element_type3A, %sub3A_548 : vector<8x512xf32>
    %mul3A_550 = arith.mulf %sub3A_549, %sub3A_549 : vector<8x512xf32>
    %mul3A_551 = arith.constant -1.250000e-01 : f32
    %mul3A_552 = vector.broadcast %mul3A_551 : f32 to vector<8x512xf32>
    %mul3A_553 = arith.mulf %mul3A_550, %mul3A_552 : vector<8x512xf32>
    %exp3A_554 = math.exp %mul3A_553 : vector<8x512xf32>
    %le3A_555 = arith.constant 3.600000e+01 : f32
    %le3A_556 = vector.broadcast %le3A_555 : f32 to vector<8x512xf32>
    %le3A_557 = arith.cmpf ole, %mul3A_550, %le3A_556 : vector<8x512xf32>
    %jit3A_558 = arith.constant 0.000000e+00 : f32
    %broadcast_in_dim3A_559 = vector.broadcast %jit3A_558 : f32 to vector<8x512xf32>
    %select_n3A_560 = arith.select %le3A_557, %exp3A_554, %broadcast_in_dim3A_559 : vector<8x512xi1>, vector<8x512xf32>
    %swap3A_561 = arith.constant 25 : index
    %swap3A_562 = arith.constant 0 : index
    %swap3A_563 = arith.constant 0 : index
    %swap3A_564 = vector.load %arg3[%swap3A_561, %swap3A_562, %swap3A_563] : memref<106x8x512xf32, #tpu.memory_space<vmem>>, vector<1x8x512xf32>
    %swap3A_565 = vector.shape_cast %swap3A_564 : vector<1x8x512xf32> to vector<8x512xf32>
    %swap3A_566 = vector.shape_cast %select_n3A_560 : vector<8x512xf32> to vector<1x8x512xf32>
    tpu.vector_store %arg3[%swap3A_561, %swap3A_562, %swap3A_563], %swap3A_566 {strides = array<i32>} : memref<106x8x512xf32, #tpu.memory_space<vmem>>, vector<1x8x512xf32>,
    %slice3A_567 = vector.extract_strided_slice %convert_element_type3A_50 {offsets = [0, 26], sizes = [8, 1], strides = [1, 1]} : vector<8x106xf32> to vector<8x1xf32>
    %sub3A_568 = vector.broadcast %slice3A_567 : vector<8x1xf32> to vector<8x512xf32>
    %sub3A_569 = arith.subf %convert_element_type3A, %sub3A_568 : vector<8x512xf32>
    %mul3A_570 = arith.mulf %sub3A_569, %sub3A_569 : vector<8x512xf32>
    %mul3A_571 = arith.constant -1.250000e-01 : f32
    %mul3A_572 = vector.broadcast %mul3A_571 : f32 to vector<8x512xf32>
    %mul3A_573 = arith.mulf %mul3A_570, %mul3A_572 : vector<8x512xf32>
    %exp3A_574 = math.exp %mul3A_573 : vector<8x512xf32>
    %le3A_575 = arith.constant 3.600000e+01 : f32
    %le3A_576 = vector.broadcast %le3A_575 : f32 to vector<8x512xf32>
    %le3A_577 = arith.cmpf ole, %mul3A_570, %le3A_576 : vector<8x512xf32>
    %jit3A_578 = arith.constant 0.000000e+00 : f32
    %broadcast_in_dim3A_579 = vector.broadcast %jit3A_578 : f32 to vector<8x512xf32>
    %select_n3A_580 = arith.select %le3A_577, %exp3A_574, %broadcast_in_dim3A_579 : vector<8x512xi1>, vector<8x512xf32>
    %swap3A_581 = arith.constant 26 : index
    %swap3A_582 = arith.constant 0 : index
    %swap3A_583 = arith.constant 0 : index
    %swap3A_584 = vector.load %arg3[%swap3A_581, %swap3A_582, %swap3A_583] : memref<106x8x512xf32, #tpu.memory_space<vmem>>, vector<1x8x512xf32>
    %swap3A_585 = vector.shape_cast %swap3A_584 : vector<1x8x512xf32> to vector<8x512xf32>
    %swap3A_586 = vector.shape_cast %select_n3A_580 : vector<8x512xf32> to vector<1x8x512xf32>
    tpu.vector_store %arg3[%swap3A_581, %swap3A_582, %swap3A_583], %swap3A_586 {strides = array<i32>} : memref<106x8x512xf32, #tpu.memory_space<vmem>>, vector<1x8x512xf32>,
    %slice3A_587 = vector.extract_strided_slice %convert_element_type3A_50 {offsets = [0, 27], sizes = [8, 1], strides = [1, 1]} : vector<8x106xf32> to vector<8x1xf32>
    %sub3A_588 = vector.broadcast %slice3A_587 : vector<8x1xf32> to vector<8x512xf32>
    %sub3A_589 = arith.subf %convert_element_type3A, %sub3A_588 : vector<8x512xf32>
    %mul3A_590 = arith.mulf %sub3A_589, %sub3A_589 : vector<8x512xf32>
    %mul3A_591 = arith.constant -1.250000e-01 : f32
    %mul3A_592 = vector.broadcast %mul3A_591 : f32 to vector<8x512xf32>
    %mul3A_593 = arith.mulf %mul3A_590, %mul3A_592 : vector<8x512xf32>
    %exp3A_594 = math.exp %mul3A_593 : vector<8x512xf32>
    %le3A_595 = arith.constant 3.600000e+01 : f32
    %le3A_596 = vector.broadcast %le3A_595 : f32 to vector<8x512xf32>
    %le3A_597 = arith.cmpf ole, %mul3A_590, %le3A_596 : vector<8x512xf32>
    %jit3A_598 = arith.constant 0.000000e+00 : f32
    %broadcast_in_dim3A_599 = vector.broadcast %jit3A_598 : f32 to vector<8x512xf32>
    %select_n3A_600 = arith.select %le3A_597, %exp3A_594, %broadcast_in_dim3A_599 : vector<8x512xi1>, vector<8x512xf32>
    %swap3A_601 = arith.constant 27 : index
    %swap3A_602 = arith.constant 0 : index
    %swap3A_603 = arith.constant 0 : index
    %swap3A_604 = vector.load %arg3[%swap3A_601, %swap3A_602, %swap3A_603] : memref<106x8x512xf32, #tpu.memory_space<vmem>>, vector<1x8x512xf32>
    %swap3A_605 = vector.shape_cast %swap3A_604 : vector<1x8x512xf32> to vector<8x512xf32>
    %swap3A_606 = vector.shape_cast %select_n3A_600 : vector<8x512xf32> to vector<1x8x512xf32>
    tpu.vector_store %arg3[%swap3A_601, %swap3A_602, %swap3A_603], %swap3A_606 {strides = array<i32>} : memref<106x8x512xf32, #tpu.memory_space<vmem>>, vector<1x8x512xf32>,
    %slice3A_607 = vector.extract_strided_slice %convert_element_type3A_50 {offsets = [0, 28], sizes = [8, 1], strides = [1, 1]} : vector<8x106xf32> to vector<8x1xf32>
    %sub3A_608 = vector.broadcast %slice3A_607 : vector<8x1xf32> to vector<8x512xf32>
    %sub3A_609 = arith.subf %convert_element_type3A, %sub3A_608 : vector<8x512xf32>
    %mul3A_610 = arith.mulf %sub3A_609, %sub3A_609 : vector<8x512xf32>
    %mul3A_611 = arith.constant -1.250000e-01 : f32
    %mul3A_612 = vector.broadcast %mul3A_611 : f32 to vector<8x512xf32>
    %mul3A_613 = arith.mulf %mul3A_610, %mul3A_612 : vector<8x512xf32>
    %exp3A_614 = math.exp %mul3A_613 : vector<8x512xf32>
    %le3A_615 = arith.constant 3.600000e+01 : f32
    %le3A_616 = vector.broadcast %le3A_615 : f32 to vector<8x512xf32>
    %le3A_617 = arith.cmpf ole, %mul3A_610, %le3A_616 : vector<8x512xf32>
    %jit3A_618 = arith.constant 0.000000e+00 : f32
    %broadcast_in_dim3A_619 = vector.broadcast %jit3A_618 : f32 to vector<8x512xf32>
    %select_n3A_620 = arith.select %le3A_617, %exp3A_614, %broadcast_in_dim3A_619 : vector<8x512xi1>, vector<8x512xf32>
    %swap3A_621 = arith.constant 28 : index
    %swap3A_622 = arith.constant 0 : index
    %swap3A_623 = arith.constant 0 : index
    %swap3A_624 = vector.load %arg3[%swap3A_621, %swap3A_622, %swap3A_623] : memref<106x8x512xf32, #tpu.memory_space<vmem>>, vector<1x8x512xf32>
    %swap3A_625 = vector.shape_cast %swap3A_624 : vector<1x8x512xf32> to vector<8x512xf32>
    %swap3A_626 = vector.shape_cast %select_n3A_620 : vector<8x512xf32> to vector<1x8x512xf32>
    tpu.vector_store %arg3[%swap3A_621, %swap3A_622, %swap3A_623], %swap3A_626 {strides = array<i32>} : memref<106x8x512xf32, #tpu.memory_space<vmem>>, vector<1x8x512xf32>,
    %slice3A_627 = vector.extract_strided_slice %convert_element_type3A_50 {offsets = [0, 29], sizes = [8, 1], strides = [1, 1]} : vector<8x106xf32> to vector<8x1xf32>
    %sub3A_628 = vector.broadcast %slice3A_627 : vector<8x1xf32> to vector<8x512xf32>
    %sub3A_629 = arith.subf %convert_element_type3A, %sub3A_628 : vector<8x512xf32>
    %mul3A_630 = arith.mulf %sub3A_629, %sub3A_629 : vector<8x512xf32>
    %mul3A_631 = arith.constant -1.250000e-01 : f32
    %mul3A_632 = vector.broadcast %mul3A_631 : f32 to vector<8x512xf32>
    %mul3A_633 = arith.mulf %mul3A_630, %mul3A_632 : vector<8x512xf32>
    %exp3A_634 = math.exp %mul3A_633 : vector<8x512xf32>
    %le3A_635 = arith.constant 3.600000e+01 : f32
    %le3A_636 = vector.broadcast %le3A_635 : f32 to vector<8x512xf32>
    %le3A_637 = arith.cmpf ole, %mul3A_630, %le3A_636 : vector<8x512xf32>
    %jit3A_638 = arith.constant 0.000000e+00 : f32
    %broadcast_in_dim3A_639 = vector.broadcast %jit3A_638 : f32 to vector<8x512xf32>
    %select_n3A_640 = arith.select %le3A_637, %exp3A_634, %broadcast_in_dim3A_639 : vector<8x512xi1>, vector<8x512xf32>
    %swap3A_641 = arith.constant 29 : index
    %swap3A_642 = arith.constant 0 : index
    %swap3A_643 = arith.constant 0 : index
    %swap3A_644 = vector.load %arg3[%swap3A_641, %swap3A_642, %swap3A_643] : memref<106x8x512xf32, #tpu.memory_space<vmem>>, vector<1x8x512xf32>
    %swap3A_645 = vector.shape_cast %swap3A_644 : vector<1x8x512xf32> to vector<8x512xf32>
    %swap3A_646 = vector.shape_cast %select_n3A_640 : vector<8x512xf32> to vector<1x8x512xf32>
    tpu.vector_store %arg3[%swap3A_641, %swap3A_642, %swap3A_643], %swap3A_646 {strides = array<i32>} : memref<106x8x512xf32, #tpu.memory_space<vmem>>, vector<1x8x512xf32>,
    %slice3A_647 = vector.extract_strided_slice %convert_element_type3A_50 {offsets = [0, 30], sizes = [8, 1], strides = [1, 1]} : vector<8x106xf32> to vector<8x1xf32>
    %sub3A_648 = vector.broadcast %slice3A_647 : vector<8x1xf32> to vector<8x512xf32>
    %sub3A_649 = arith.subf %convert_element_type3A, %sub3A_648 : vector<8x512xf32>
    %mul3A_650 = arith.mulf %sub3A_649, %sub3A_649 : vector<8x512xf32>
    %mul3A_651 = arith.constant -1.250000e-01 : f32
    %mul3A_652 = vector.broadcast %mul3A_651 : f32 to vector<8x512xf32>
    %mul3A_653 = arith.mulf %mul3A_650, %mul3A_652 : vector<8x512xf32>
    %exp3A_654 = math.exp %mul3A_653 : vector<8x512xf32>
    %le3A_655 = arith.constant 3.600000e+01 : f32
    %le3A_656 = vector.broadcast %le3A_655 : f32 to vector<8x512xf32>
    %le3A_657 = arith.cmpf ole, %mul3A_650, %le3A_656 : vector<8x512xf32>
    %jit3A_658 = arith.constant 0.000000e+00 : f32
    %broadcast_in_dim3A_659 = vector.broadcast %jit3A_658 : f32 to vector<8x512xf32>
    %select_n3A_660 = arith.select %le3A_657, %exp3A_654, %broadcast_in_dim3A_659 : vector<8x512xi1>, vector<8x512xf32>
    %swap3A_661 = arith.constant 30 : index
    %swap3A_662 = arith.constant 0 : index
    %swap3A_663 = arith.constant 0 : index
    %swap3A_664 = vector.load %arg3[%swap3A_661, %swap3A_662, %swap3A_663] : memref<106x8x512xf32, #tpu.memory_space<vmem>>, vector<1x8x512xf32>
    %swap3A_665 = vector.shape_cast %swap3A_664 : vector<1x8x512xf32> to vector<8x512xf32>
    %swap3A_666 = vector.shape_cast %select_n3A_660 : vector<8x512xf32> to vector<1x8x512xf32>
    tpu.vector_store %arg3[%swap3A_661, %swap3A_662, %swap3A_663], %swap3A_666 {strides = array<i32>} : memref<106x8x512xf32, #tpu.memory_space<vmem>>, vector<1x8x512xf32>,
    %slice3A_667 = vector.extract_strided_slice %convert_element_type3A_50 {offsets = [0, 31], sizes = [8, 1], strides = [1, 1]} : vector<8x106xf32> to vector<8x1xf32>
    %sub3A_668 = vector.broadcast %slice3A_667 : vector<8x1xf32> to vector<8x512xf32>
    %sub3A_669 = arith.subf %convert_element_type3A, %sub3A_668 : vector<8x512xf32>
    %mul3A_670 = arith.mulf %sub3A_669, %sub3A_669 : vector<8x512xf32>
    %mul3A_671 = arith.constant -1.250000e-01 : f32
    %mul3A_672 = vector.broadcast %mul3A_671 : f32 to vector<8x512xf32>
    %mul3A_673 = arith.mulf %mul3A_670, %mul3A_672 : vector<8x512xf32>
    %exp3A_674 = math.exp %mul3A_673 : vector<8x512xf32>
    %le3A_675 = arith.constant 3.600000e+01 : f32
    %le3A_676 = vector.broadcast %le3A_675 : f32 to vector<8x512xf32>
    %le3A_677 = arith.cmpf ole, %mul3A_670, %le3A_676 : vector<8x512xf32>
    %jit3A_678 = arith.constant 0.000000e+00 : f32
    %broadcast_in_dim3A_679 = vector.broadcast %jit3A_678 : f32 to vector<8x512xf32>
    %select_n3A_680 = arith.select %le3A_677, %exp3A_674, %broadcast_in_dim3A_679 : vector<8x512xi1>, vector<8x512xf32>
    %swap3A_681 = arith.constant 31 : index
    %swap3A_682 = arith.constant 0 : index
    %swap3A_683 = arith.constant 0 : index
    %swap3A_684 = vector.load %arg3[%swap3A_681, %swap3A_682, %swap3A_683] : memref<106x8x512xf32, #tpu.memory_space<vmem>>, vector<1x8x512xf32>
    %swap3A_685 = vector.shape_cast %swap3A_684 : vector<1x8x512xf32> to vector<8x512xf32>
    %swap3A_686 = vector.shape_cast %select_n3A_680 : vector<8x512xf32> to vector<1x8x512xf32>
    tpu.vector_store %arg3[%swap3A_681, %swap3A_682, %swap3A_683], %swap3A_686 {strides = array<i32>} : memref<106x8x512xf32, #tpu.memory_space<vmem>>, vector<1x8x512xf32>,
    %slice3A_687 = vector.extract_strided_slice %convert_element_type3A_50 {offsets = [0, 32], sizes = [8, 1], strides = [1, 1]} : vector<8x106xf32> to vector<8x1xf32>
    %sub3A_688 = vector.broadcast %slice3A_687 : vector<8x1xf32> to vector<8x512xf32>
    %sub3A_689 = arith.subf %convert_element_type3A, %sub3A_688 : vector<8x512xf32>
    %mul3A_690 = arith.mulf %sub3A_689, %sub3A_689 : vector<8x512xf32>
    %mul3A_691 = arith.constant -1.250000e-01 : f32
    %mul3A_692 = vector.broadcast %mul3A_691 : f32 to vector<8x512xf32>
    %mul3A_693 = arith.mulf %mul3A_690, %mul3A_692 : vector<8x512xf32>
    %exp3A_694 = math.exp %mul3A_693 : vector<8x512xf32>
    %le3A_695 = arith.constant 3.600000e+01 : f32
    %le3A_696 = vector.broadcast %le3A_695 : f32 to vector<8x512xf32>
    %le3A_697 = arith.cmpf ole, %mul3A_690, %le3A_696 : vector<8x512xf32>
    %jit3A_698 = arith.constant 0.000000e+00 : f32
    %broadcast_in_dim3A_699 = vector.broadcast %jit3A_698 : f32 to vector<8x512xf32>
    %select_n3A_700 = arith.select %le3A_697, %exp3A_694, %broadcast_in_dim3A_699 : vector<8x512xi1>, vector<8x512xf32>
    %swap3A_701 = arith.constant 32 : index
    %swap3A_702 = arith.constant 0 : index
    %swap3A_703 = arith.constant 0 : index
    %swap3A_704 = vector.load %arg3[%swap3A_701, %swap3A_702, %swap3A_703] : memref<106x8x512xf32, #tpu.memory_space<vmem>>, vector<1x8x512xf32>
    %swap3A_705 = vector.shape_cast %swap3A_704 : vector<1x8x512xf32> to vector<8x512xf32>
    %swap3A_706 = vector.shape_cast %select_n3A_700 : vector<8x512xf32> to vector<1x8x512xf32>
    tpu.vector_store %arg3[%swap3A_701, %swap3A_702, %swap3A_703], %swap3A_706 {strides = array<i32>} : memref<106x8x512xf32, #tpu.memory_space<vmem>>, vector<1x8x512xf32>,
    %slice3A_707 = vector.extract_strided_slice %convert_element_type3A_50 {offsets = [0, 33], sizes = [8, 1], strides = [1, 1]} : vector<8x106xf32> to vector<8x1xf32>
    %sub3A_708 = vector.broadcast %slice3A_707 : vector<8x1xf32> to vector<8x512xf32>
    %sub3A_709 = arith.subf %convert_element_type3A, %sub3A_708 : vector<8x512xf32>
    %mul3A_710 = arith.mulf %sub3A_709, %sub3A_709 : vector<8x512xf32>
    %mul3A_711 = arith.constant -1.250000e-01 : f32
    %mul3A_712 = vector.broadcast %mul3A_711 : f32 to vector<8x512xf32>
    %mul3A_713 = arith.mulf %mul3A_710, %mul3A_712 : vector<8x512xf32>
    %exp3A_714 = math.exp %mul3A_713 : vector<8x512xf32>
    %le3A_715 = arith.constant 3.600000e+01 : f32
    %le3A_716 = vector.broadcast %le3A_715 : f32 to vector<8x512xf32>
    %le3A_717 = arith.cmpf ole, %mul3A_710, %le3A_716 : vector<8x512xf32>
    %jit3A_718 = arith.constant 0.000000e+00 : f32
    %broadcast_in_dim3A_719 = vector.broadcast %jit3A_718 : f32 to vector<8x512xf32>
    %select_n3A_720 = arith.select %le3A_717, %exp3A_714, %broadcast_in_dim3A_719 : vector<8x512xi1>, vector<8x512xf32>
    %swap3A_721 = arith.constant 33 : index
    %swap3A_722 = arith.constant 0 : index
    %swap3A_723 = arith.constant 0 : index
    %swap3A_724 = vector.load %arg3[%swap3A_721, %swap3A_722, %swap3A_723] : memref<106x8x512xf32, #tpu.memory_space<vmem>>, vector<1x8x512xf32>
    %swap3A_725 = vector.shape_cast %swap3A_724 : vector<1x8x512xf32> to vector<8x512xf32>
    %swap3A_726 = vector.shape_cast %select_n3A_720 : vector<8x512xf32> to vector<1x8x512xf32>
    tpu.vector_store %arg3[%swap3A_721, %swap3A_722, %swap3A_723], %swap3A_726 {strides = array<i32>} : memref<106x8x512xf32, #tpu.memory_space<vmem>>, vector<1x8x512xf32>,
    %slice3A_727 = vector.extract_strided_slice %convert_element_type3A_50 {offsets = [0, 34], sizes = [8, 1], strides = [1, 1]} : vector<8x106xf32> to vector<8x1xf32>
    %sub3A_728 = vector.broadcast %slice3A_727 : vector<8x1xf32> to vector<8x512xf32>
    %sub3A_729 = arith.subf %convert_element_type3A, %sub3A_728 : vector<8x512xf32>
    %mul3A_730 = arith.mulf %sub3A_729, %sub3A_729 : vector<8x512xf32>
    %mul3A_731 = arith.constant -1.250000e-01 : f32
    %mul3A_732 = vector.broadcast %mul3A_731 : f32 to vector<8x512xf32>
    %mul3A_733 = arith.mulf %mul3A_730, %mul3A_732 : vector<8x512xf32>
    %exp3A_734 = math.exp %mul3A_733 : vector<8x512xf32>
    %le3A_735 = arith.constant 3.600000e+01 : f32
    %le3A_736 = vector.broadcast %le3A_735 : f32 to vector<8x512xf32>
    %le3A_737 = arith.cmpf ole, %mul3A_730, %le3A_736 : vector<8x512xf32>
    %jit3A_738 = arith.constant 0.000000e+00 : f32
    %broadcast_in_dim3A_739 = vector.broadcast %jit3A_738 : f32 to vector<8x512xf32>
    %select_n3A_740 = arith.select %le3A_737, %exp3A_734, %broadcast_in_dim3A_739 : vector<8x512xi1>, vector<8x512xf32>
    %swap3A_741 = arith.constant 34 : index
    %swap3A_742 = arith.constant 0 : index
    %swap3A_743 = arith.constant 0 : index
    %swap3A_744 = vector.load %arg3[%swap3A_741, %swap3A_742, %swap3A_743] : memref<106x8x512xf32, #tpu.memory_space<vmem>>, vector<1x8x512xf32>
    %swap3A_745 = vector.shape_cast %swap3A_744 : vector<1x8x512xf32> to vector<8x512xf32>
    %swap3A_746 = vector.shape_cast %select_n3A_740 : vector<8x512xf32> to vector<1x8x512xf32>
    tpu.vector_store %arg3[%swap3A_741, %swap3A_742, %swap3A_743], %swap3A_746 {strides = array<i32>} : memref<106x8x512xf32, #tpu.memory_space<vmem>>, vector<1x8x512xf32>,
    %slice3A_747 = vector.extract_strided_slice %convert_element_type3A_50 {offsets = [0, 35], sizes = [8, 1], strides = [1, 1]} : vector<8x106xf32> to vector<8x1xf32>
    %sub3A_748 = vector.broadcast %slice3A_747 : vector<8x1xf32> to vector<8x512xf32>
    %sub3A_749 = arith.subf %convert_element_type3A, %sub3A_748 : vector<8x512xf32>
    %mul3A_750 = arith.mulf %sub3A_749, %sub3A_749 : vector<8x512xf32>
    %mul3A_751 = arith.constant -1.250000e-01 : f32
    %mul3A_752 = vector.broadcast %mul3A_751 : f32 to vector<8x512xf32>
    %mul3A_753 = arith.mulf %mul3A_750, %mul3A_752 : vector<8x512xf32>
    %exp3A_754 = math.exp %mul3A_753 : vector<8x512xf32>
    %le3A_755 = arith.constant 3.600000e+01 : f32
    %le3A_756 = vector.broadcast %le3A_755 : f32 to vector<8x512xf32>
    %le3A_757 = arith.cmpf ole, %mul3A_750, %le3A_756 : vector<8x512xf32>
    %jit3A_758 = arith.constant 0.000000e+00 : f32
    %broadcast_in_dim3A_759 = vector.broadcast %jit3A_758 : f32 to vector<8x512xf32>
    %select_n3A_760 = arith.select %le3A_757, %exp3A_754, %broadcast_in_dim3A_759 : vector<8x512xi1>, vector<8x512xf32>
    %swap3A_761 = arith.constant 35 : index
    %swap3A_762 = arith.constant 0 : index
    %swap3A_763 = arith.constant 0 : index
    %swap3A_764 = vector.load %arg3[%swap3A_761, %swap3A_762, %swap3A_763] : memref<106x8x512xf32, #tpu.memory_space<vmem>>, vector<1x8x512xf32>
    %swap3A_765 = vector.shape_cast %swap3A_764 : vector<1x8x512xf32> to vector<8x512xf32>
    %swap3A_766 = vector.shape_cast %select_n3A_760 : vector<8x512xf32> to vector<1x8x512xf32>
    tpu.vector_store %arg3[%swap3A_761, %swap3A_762, %swap3A_763], %swap3A_766 {strides = array<i32>} : memref<106x8x512xf32, #tpu.memory_space<vmem>>, vector<1x8x512xf32>,
    %slice3A_767 = vector.extract_strided_slice %convert_element_type3A_50 {offsets = [0, 36], sizes = [8, 1], strides = [1, 1]} : vector<8x106xf32> to vector<8x1xf32>
    %sub3A_768 = vector.broadcast %slice3A_767 : vector<8x1xf32> to vector<8x512xf32>
    %sub3A_769 = arith.subf %convert_element_type3A, %sub3A_768 : vector<8x512xf32>
    %mul3A_770 = arith.mulf %sub3A_769, %sub3A_769 : vector<8x512xf32>
    %mul3A_771 = arith.constant -1.250000e-01 : f32
    %mul3A_772 = vector.broadcast %mul3A_771 : f32 to vector<8x512xf32>
    %mul3A_773 = arith.mulf %mul3A_770, %mul3A_772 : vector<8x512xf32>
    %exp3A_774 = math.exp %mul3A_773 : vector<8x512xf32>
    %le3A_775 = arith.constant 3.600000e+01 : f32
    %le3A_776 = vector.broadcast %le3A_775 : f32 to vector<8x512xf32>
    %le3A_777 = arith.cmpf ole, %mul3A_770, %le3A_776 : vector<8x512xf32>
    %jit3A_778 = arith.constant 0.000000e+00 : f32
    %broadcast_in_dim3A_779 = vector.broadcast %jit3A_778 : f32 to vector<8x512xf32>
    %select_n3A_780 = arith.select %le3A_777, %exp3A_774, %broadcast_in_dim3A_779 : vector<8x512xi1>, vector<8x512xf32>
    %swap3A_781 = arith.constant 36 : index
    %swap3A_782 = arith.constant 0 : index
    %swap3A_783 = arith.constant 0 : index
    %swap3A_784 = vector.load %arg3[%swap3A_781, %swap3A_782, %swap3A_783] : memref<106x8x512xf32, #tpu.memory_space<vmem>>, vector<1x8x512xf32>
    %swap3A_785 = vector.shape_cast %swap3A_784 : vector<1x8x512xf32> to vector<8x512xf32>
    %swap3A_786 = vector.shape_cast %select_n3A_780 : vector<8x512xf32> to vector<1x8x512xf32>
    tpu.vector_store %arg3[%swap3A_781, %swap3A_782, %swap3A_783], %swap3A_786 {strides = array<i32>} : memref<106x8x512xf32, #tpu.memory_space<vmem>>, vector<1x8x512xf32>,
    %slice3A_787 = vector.extract_strided_slice %convert_element_type3A_50 {offsets = [0, 37], sizes = [8, 1], strides = [1, 1]} : vector<8x106xf32> to vector<8x1xf32>
    %sub3A_788 = vector.broadcast %slice3A_787 : vector<8x1xf32> to vector<8x512xf32>
    %sub3A_789 = arith.subf %convert_element_type3A, %sub3A_788 : vector<8x512xf32>
    %mul3A_790 = arith.mulf %sub3A_789, %sub3A_789 : vector<8x512xf32>
    %mul3A_791 = arith.constant -1.250000e-01 : f32
    %mul3A_792 = vector.broadcast %mul3A_791 : f32 to vector<8x512xf32>
    %mul3A_793 = arith.mulf %mul3A_790, %mul3A_792 : vector<8x512xf32>
    %exp3A_794 = math.exp %mul3A_793 : vector<8x512xf32>
    %le3A_795 = arith.constant 3.600000e+01 : f32
    %le3A_796 = vector.broadcast %le3A_795 : f32 to vector<8x512xf32>
    %le3A_797 = arith.cmpf ole, %mul3A_790, %le3A_796 : vector<8x512xf32>
    %jit3A_798 = arith.constant 0.000000e+00 : f32
    %broadcast_in_dim3A_799 = vector.broadcast %jit3A_798 : f32 to vector<8x512xf32>
    %select_n3A_800 = arith.select %le3A_797, %exp3A_794, %broadcast_in_dim3A_799 : vector<8x512xi1>, vector<8x512xf32>
    %swap3A_801 = arith.constant 37 : index
    %swap3A_802 = arith.constant 0 : index
    %swap3A_803 = arith.constant 0 : index
    %swap3A_804 = vector.load %arg3[%swap3A_801, %swap3A_802, %swap3A_803] : memref<106x8x512xf32, #tpu.memory_space<vmem>>, vector<1x8x512xf32>
    %swap3A_805 = vector.shape_cast %swap3A_804 : vector<1x8x512xf32> to vector<8x512xf32>
    %swap3A_806 = vector.shape_cast %select_n3A_800 : vector<8x512xf32> to vector<1x8x512xf32>
    tpu.vector_store %arg3[%swap3A_801, %swap3A_802, %swap3A_803], %swap3A_806 {strides = array<i32>} : memref<106x8x512xf32, #tpu.memory_space<vmem>>, vector<1x8x512xf32>,
    %slice3A_807 = vector.extract_strided_slice %convert_element_type3A_50 {offsets = [0, 38], sizes = [8, 1], strides = [1, 1]} : vector<8x106xf32> to vector<8x1xf32>
    %sub3A_808 = vector.broadcast %slice3A_807 : vector<8x1xf32> to vector<8x512xf32>
    %sub3A_809 = arith.subf %convert_element_type3A, %sub3A_808 : vector<8x512xf32>
    %mul3A_810 = arith.mulf %sub3A_809, %sub3A_809 : vector<8x512xf32>
    %mul3A_811 = arith.constant -1.250000e-01 : f32
    %mul3A_812 = vector.broadcast %mul3A_811 : f32 to vector<8x512xf32>
    %mul3A_813 = arith.mulf %mul3A_810, %mul3A_812 : vector<8x512xf32>
    %exp3A_814 = math.exp %mul3A_813 : vector<8x512xf32>
    %le3A_815 = arith.constant 3.600000e+01 : f32
    %le3A_816 = vector.broadcast %le3A_815 : f32 to vector<8x512xf32>
    %le3A_817 = arith.cmpf ole, %mul3A_810, %le3A_816 : vector<8x512xf32>
    %jit3A_818 = arith.constant 0.000000e+00 : f32
    %broadcast_in_dim3A_819 = vector.broadcast %jit3A_818 : f32 to vector<8x512xf32>
    %select_n3A_820 = arith.select %le3A_817, %exp3A_814, %broadcast_in_dim3A_819 : vector<8x512xi1>, vector<8x512xf32>
    %swap3A_821 = arith.constant 38 : index
    %swap3A_822 = arith.constant 0 : index
    %swap3A_823 = arith.constant 0 : index
    %swap3A_824 = vector.load %arg3[%swap3A_821, %swap3A_822, %swap3A_823] : memref<106x8x512xf32, #tpu.memory_space<vmem>>, vector<1x8x512xf32>
    %swap3A_825 = vector.shape_cast %swap3A_824 : vector<1x8x512xf32> to vector<8x512xf32>
    %swap3A_826 = vector.shape_cast %select_n3A_820 : vector<8x512xf32> to vector<1x8x512xf32>
    tpu.vector_store %arg3[%swap3A_821, %swap3A_822, %swap3A_823], %swap3A_826 {strides = array<i32>} : memref<106x8x512xf32, #tpu.memory_space<vmem>>, vector<1x8x512xf32>,
    %slice3A_827 = vector.extract_strided_slice %convert_element_type3A_50 {offsets = [0, 39], sizes = [8, 1], strides = [1, 1]} : vector<8x106xf32> to vector<8x1xf32>
    %sub3A_828 = vector.broadcast %slice3A_827 : vector<8x1xf32> to vector<8x512xf32>
    %sub3A_829 = arith.subf %convert_element_type3A, %sub3A_828 : vector<8x512xf32>
    %mul3A_830 = arith.mulf %sub3A_829, %sub3A_829 : vector<8x512xf32>
    %mul3A_831 = arith.constant -1.250000e-01 : f32
    %mul3A_832 = vector.broadcast %mul3A_831 : f32 to vector<8x512xf32>
    %mul3A_833 = arith.mulf %mul3A_830, %mul3A_832 : vector<8x512xf32>
    %exp3A_834 = math.exp %mul3A_833 : vector<8x512xf32>
    %le3A_835 = arith.constant 3.600000e+01 : f32
    %le3A_836 = vector.broadcast %le3A_835 : f32 to vector<8x512xf32>
    %le3A_837 = arith.cmpf ole, %mul3A_830, %le3A_836 : vector<8x512xf32>
    %jit3A_838 = arith.constant 0.000000e+00 : f32
    %broadcast_in_dim3A_839 = vector.broadcast %jit3A_838 : f32 to vector<8x512xf32>
    %select_n3A_840 = arith.select %le3A_837, %exp3A_834, %broadcast_in_dim3A_839 : vector<8x512xi1>, vector<8x512xf32>
    %swap3A_841 = arith.constant 39 : index
    %swap3A_842 = arith.constant 0 : index
    %swap3A_843 = arith.constant 0 : index
    %swap3A_844 = vector.load %arg3[%swap3A_841, %swap3A_842, %swap3A_843] : memref<106x8x512xf32, #tpu.memory_space<vmem>>, vector<1x8x512xf32>
    %swap3A_845 = vector.shape_cast %swap3A_844 : vector<1x8x512xf32> to vector<8x512xf32>
    %swap3A_846 = vector.shape_cast %select_n3A_840 : vector<8x512xf32> to vector<1x8x512xf32>
    tpu.vector_store %arg3[%swap3A_841, %swap3A_842, %swap3A_843], %swap3A_846 {strides = array<i32>} : memref<106x8x512xf32, #tpu.memory_space<vmem>>, vector<1x8x512xf32>,
    %slice3A_847 = vector.extract_strided_slice %convert_element_type3A_50 {offsets = [0, 40], sizes = [8, 1], strides = [1, 1]} : vector<8x106xf32> to vector<8x1xf32>
    %sub3A_848 = vector.broadcast %slice3A_847 : vector<8x1xf32> to vector<8x512xf32>
    %sub3A_849 = arith.subf %convert_element_type3A, %sub3A_848 : vector<8x512xf32>
    %mul3A_850 = arith.mulf %sub3A_849, %sub3A_849 : vector<8x512xf32>
    %mul3A_851 = arith.constant -1.250000e-01 : f32
    %mul3A_852 = vector.broadcast %mul3A_851 : f32 to vector<8x512xf32>
    %mul3A_853 = arith.mulf %mul3A_850, %mul3A_852 : vector<8x512xf32>
    %exp3A_854 = math.exp %mul3A_853 : vector<8x512xf32>
    %le3A_855 = arith.constant 3.600000e+01 : f32
    %le3A_856 = vector.broadcast %le3A_855 : f32 to vector<8x512xf32>
    %le3A_857 = arith.cmpf ole, %mul3A_850, %le3A_856 : vector<8x512xf32>
    %jit3A_858 = arith.constant 0.000000e+00 : f32
    %broadcast_in_dim3A_859 = vector.broadcast %jit3A_858 : f32 to vector<8x512xf32>
    %select_n3A_860 = arith.select %le3A_857, %exp3A_854, %broadcast_in_dim3A_859 : vector<8x512xi1>, vector<8x512xf32>
    %swap3A_861 = arith.constant 40 : index
    %swap3A_862 = arith.constant 0 : index
    %swap3A_863 = arith.constant 0 : index
    %swap3A_864 = vector.load %arg3[%swap3A_861, %swap3A_862, %swap3A_863] : memref<106x8x512xf32, #tpu.memory_space<vmem>>, vector<1x8x512xf32>
    %swap3A_865 = vector.shape_cast %swap3A_864 : vector<1x8x512xf32> to vector<8x512xf32>
    %swap3A_866 = vector.shape_cast %select_n3A_860 : vector<8x512xf32> to vector<1x8x512xf32>
    tpu.vector_store %arg3[%swap3A_861, %swap3A_862, %swap3A_863], %swap3A_866 {strides = array<i32>} : memref<106x8x512xf32, #tpu.memory_space<vmem>>, vector<1x8x512xf32>,
    %slice3A_867 = vector.extract_strided_slice %convert_element_type3A_50 {offsets = [0, 41], sizes = [8, 1], strides = [1, 1]} : vector<8x106xf32> to vector<8x1xf32>
    %sub3A_868 = vector.broadcast %slice3A_867 : vector<8x1xf32> to vector<8x512xf32>
    %sub3A_869 = arith.subf %convert_element_type3A, %sub3A_868 : vector<8x512xf32>
    %mul3A_870 = arith.mulf %sub3A_869, %sub3A_869 : vector<8x512xf32>
    %mul3A_871 = arith.constant -1.250000e-01 : f32
    %mul3A_872 = vector.broadcast %mul3A_871 : f32 to vector<8x512xf32>
    %mul3A_873 = arith.mulf %mul3A_870, %mul3A_872 : vector<8x512xf32>
    %exp3A_874 = math.exp %mul3A_873 : vector<8x512xf32>
    %le3A_875 = arith.constant 3.600000e+01 : f32
    %le3A_876 = vector.broadcast %le3A_875 : f32 to vector<8x512xf32>
    %le3A_877 = arith.cmpf ole, %mul3A_870, %le3A_876 : vector<8x512xf32>
    %jit3A_878 = arith.constant 0.000000e+00 : f32
    %broadcast_in_dim3A_879 = vector.broadcast %jit3A_878 : f32 to vector<8x512xf32>
    %select_n3A_880 = arith.select %le3A_877, %exp3A_874, %broadcast_in_dim3A_879 : vector<8x512xi1>, vector<8x512xf32>
    %swap3A_881 = arith.constant 41 : index
    %swap3A_882 = arith.constant 0 : index
    %swap3A_883 = arith.constant 0 : index
    %swap3A_884 = vector.load %arg3[%swap3A_881, %swap3A_882, %swap3A_883] : memref<106x8x512xf32, #tpu.memory_space<vmem>>, vector<1x8x512xf32>
    %swap3A_885 = vector.shape_cast %swap3A_884 : vector<1x8x512xf32> to vector<8x512xf32>
    %swap3A_886 = vector.shape_cast %select_n3A_880 : vector<8x512xf32> to vector<1x8x512xf32>
    tpu.vector_store %arg3[%swap3A_881, %swap3A_882, %swap3A_883], %swap3A_886 {strides = array<i32>} : memref<106x8x512xf32, #tpu.memory_space<vmem>>, vector<1x8x512xf32>,
    %slice3A_887 = vector.extract_strided_slice %convert_element_type3A_50 {offsets = [0, 42], sizes = [8, 1], strides = [1, 1]} : vector<8x106xf32> to vector<8x1xf32>
    %sub3A_888 = vector.broadcast %slice3A_887 : vector<8x1xf32> to vector<8x512xf32>
    %sub3A_889 = arith.subf %convert_element_type3A, %sub3A_888 : vector<8x512xf32>
    %mul3A_890 = arith.mulf %sub3A_889, %sub3A_889 : vector<8x512xf32>
    %mul3A_891 = arith.constant -1.250000e-01 : f32
    %mul3A_892 = vector.broadcast %mul3A_891 : f32 to vector<8x512xf32>
    %mul3A_893 = arith.mulf %mul3A_890, %mul3A_892 : vector<8x512xf32>
    %exp3A_894 = math.exp %mul3A_893 : vector<8x512xf32>
    %le3A_895 = arith.constant 3.600000e+01 : f32
    %le3A_896 = vector.broadcast %le3A_895 : f32 to vector<8x512xf32>
    %le3A_897 = arith.cmpf ole, %mul3A_890, %le3A_896 : vector<8x512xf32>
    %jit3A_898 = arith.constant 0.000000e+00 : f32
    %broadcast_in_dim3A_899 = vector.broadcast %jit3A_898 : f32 to vector<8x512xf32>
    %select_n3A_900 = arith.select %le3A_897, %exp3A_894, %broadcast_in_dim3A_899 : vector<8x512xi1>, vector<8x512xf32>
    %swap3A_901 = arith.constant 42 : index
    %swap3A_902 = arith.constant 0 : index
    %swap3A_903 = arith.constant 0 : index
    %swap3A_904 = vector.load %arg3[%swap3A_901, %swap3A_902, %swap3A_903] : memref<106x8x512xf32, #tpu.memory_space<vmem>>, vector<1x8x512xf32>
    %swap3A_905 = vector.shape_cast %swap3A_904 : vector<1x8x512xf32> to vector<8x512xf32>
    %swap3A_906 = vector.shape_cast %select_n3A_900 : vector<8x512xf32> to vector<1x8x512xf32>
    tpu.vector_store %arg3[%swap3A_901, %swap3A_902, %swap3A_903], %swap3A_906 {strides = array<i32>} : memref<106x8x512xf32, #tpu.memory_space<vmem>>, vector<1x8x512xf32>,
    %slice3A_907 = vector.extract_strided_slice %convert_element_type3A_50 {offsets = [0, 43], sizes = [8, 1], strides = [1, 1]} : vector<8x106xf32> to vector<8x1xf32>
    %sub3A_908 = vector.broadcast %slice3A_907 : vector<8x1xf32> to vector<8x512xf32>
    %sub3A_909 = arith.subf %convert_element_type3A, %sub3A_908 : vector<8x512xf32>
    %mul3A_910 = arith.mulf %sub3A_909, %sub3A_909 : vector<8x512xf32>
    %mul3A_911 = arith.constant -1.250000e-01 : f32
    %mul3A_912 = vector.broadcast %mul3A_911 : f32 to vector<8x512xf32>
    %mul3A_913 = arith.mulf %mul3A_910, %mul3A_912 : vector<8x512xf32>
    %exp3A_914 = math.exp %mul3A_913 : vector<8x512xf32>
    %le3A_915 = arith.constant 3.600000e+01 : f32
    %le3A_916 = vector.broadcast %le3A_915 : f32 to vector<8x512xf32>
    %le3A_917 = arith.cmpf ole, %mul3A_910, %le3A_916 : vector<8x512xf32>
    %jit3A_918 = arith.constant 0.000000e+00 : f32
    %broadcast_in_dim3A_919 = vector.broadcast %jit3A_918 : f32 to vector<8x512xf32>
    %select_n3A_920 = arith.select %le3A_917, %exp3A_914, %broadcast_in_dim3A_919 : vector<8x512xi1>, vector<8x512xf32>
    %swap3A_921 = arith.constant 43 : index
    %swap3A_922 = arith.constant 0 : index
    %swap3A_923 = arith.constant 0 : index
    %swap3A_924 = vector.load %arg3[%swap3A_921, %swap3A_922, %swap3A_923] : memref<106x8x512xf32, #tpu.memory_space<vmem>>, vector<1x8x512xf32>
    %swap3A_925 = vector.shape_cast %swap3A_924 : vector<1x8x512xf32> to vector<8x512xf32>
    %swap3A_926 = vector.shape_cast %select_n3A_920 : vector<8x512xf32> to vector<1x8x512xf32>
    tpu.vector_store %arg3[%swap3A_921, %swap3A_922, %swap3A_923], %swap3A_926 {strides = array<i32>} : memref<106x8x512xf32, #tpu.memory_space<vmem>>, vector<1x8x512xf32>,
    %slice3A_927 = vector.extract_strided_slice %convert_element_type3A_50 {offsets = [0, 44], sizes = [8, 1], strides = [1, 1]} : vector<8x106xf32> to vector<8x1xf32>
    %sub3A_928 = vector.broadcast %slice3A_927 : vector<8x1xf32> to vector<8x512xf32>
    %sub3A_929 = arith.subf %convert_element_type3A, %sub3A_928 : vector<8x512xf32>
    %mul3A_930 = arith.mulf %sub3A_929, %sub3A_929 : vector<8x512xf32>
    %mul3A_931 = arith.constant -1.250000e-01 : f32
    %mul3A_932 = vector.broadcast %mul3A_931 : f32 to vector<8x512xf32>
    %mul3A_933 = arith.mulf %mul3A_930, %mul3A_932 : vector<8x512xf32>
    %exp3A_934 = math.exp %mul3A_933 : vector<8x512xf32>
    %le3A_935 = arith.constant 3.600000e+01 : f32
    %le3A_936 = vector.broadcast %le3A_935 : f32 to vector<8x512xf32>
    %le3A_937 = arith.cmpf ole, %mul3A_930, %le3A_936 : vector<8x512xf32>
    %jit3A_938 = arith.constant 0.000000e+00 : f32
    %broadcast_in_dim3A_939 = vector.broadcast %jit3A_938 : f32 to vector<8x512xf32>
    %select_n3A_940 = arith.select %le3A_937, %exp3A_934, %broadcast_in_dim3A_939 : vector<8x512xi1>, vector<8x512xf32>
    %swap3A_941 = arith.constant 44 : index
    %swap3A_942 = arith.constant 0 : index
    %swap3A_943 = arith.constant 0 : index
    %swap3A_944 = vector.load %arg3[%swap3A_941, %swap3A_942, %swap3A_943] : memref<106x8x512xf32, #tpu.memory_space<vmem>>, vector<1x8x512xf32>
    %swap3A_945 = vector.shape_cast %swap3A_944 : vector<1x8x512xf32> to vector<8x512xf32>
    %swap3A_946 = vector.shape_cast %select_n3A_940 : vector<8x512xf32> to vector<1x8x512xf32>
    tpu.vector_store %arg3[%swap3A_941, %swap3A_942, %swap3A_943], %swap3A_946 {strides = array<i32>} : memref<106x8x512xf32, #tpu.memory_space<vmem>>, vector<1x8x512xf32>,
    %slice3A_947 = vector.extract_strided_slice %convert_element_type3A_50 {offsets = [0, 45], sizes = [8, 1], strides = [1, 1]} : vector<8x106xf32> to vector<8x1xf32>
    %sub3A_948 = vector.broadcast %slice3A_947 : vector<8x1xf32> to vector<8x512xf32>
    %sub3A_949 = arith.subf %convert_element_type3A, %sub3A_948 : vector<8x512xf32>
    %mul3A_950 = arith.mulf %sub3A_949, %sub3A_949 : vector<8x512xf32>
    %mul3A_951 = arith.constant -1.250000e-01 : f32
    %mul3A_952 = vector.broadcast %mul3A_951 : f32 to vector<8x512xf32>
    %mul3A_953 = arith.mulf %mul3A_950, %mul3A_952 : vector<8x512xf32>
    %exp3A_954 = math.exp %mul3A_953 : vector<8x512xf32>
    %le3A_955 = arith.constant 3.600000e+01 : f32
    %le3A_956 = vector.broadcast %le3A_955 : f32 to vector<8x512xf32>
    %le3A_957 = arith.cmpf ole, %mul3A_950, %le3A_956 : vector<8x512xf32>
    %jit3A_958 = arith.constant 0.000000e+00 : f32
    %broadcast_in_dim3A_959 = vector.broadcast %jit3A_958 : f32 to vector<8x512xf32>
    %select_n3A_960 = arith.select %le3A_957, %exp3A_954, %broadcast_in_dim3A_959 : vector<8x512xi1>, vector<8x512xf32>
    %swap3A_961 = arith.constant 45 : index
    %swap3A_962 = arith.constant 0 : index
    %swap3A_963 = arith.constant 0 : index
    %swap3A_964 = vector.load %arg3[%swap3A_961, %swap3A_962, %swap3A_963] : memref<106x8x512xf32, #tpu.memory_space<vmem>>, vector<1x8x512xf32>
    %swap3A_965 = vector.shape_cast %swap3A_964 : vector<1x8x512xf32> to vector<8x512xf32>
    %swap3A_966 = vector.shape_cast %select_n3A_960 : vector<8x512xf32> to vector<1x8x512xf32>
    tpu.vector_store %arg3[%swap3A_961, %swap3A_962, %swap3A_963], %swap3A_966 {strides = array<i32>} : memref<106x8x512xf32, #tpu.memory_space<vmem>>, vector<1x8x512xf32>,
    %slice3A_967 = vector.extract_strided_slice %convert_element_type3A_50 {offsets = [0, 46], sizes = [8, 1], strides = [1, 1]} : vector<8x106xf32> to vector<8x1xf32>
    %sub3A_968 = vector.broadcast %slice3A_967 : vector<8x1xf32> to vector<8x512xf32>
    %sub3A_969 = arith.subf %convert_element_type3A, %sub3A_968 : vector<8x512xf32>
    %mul3A_970 = arith.mulf %sub3A_969, %sub3A_969 : vector<8x512xf32>
    %mul3A_971 = arith.constant -1.250000e-01 : f32
    %mul3A_972 = vector.broadcast %mul3A_971 : f32 to vector<8x512xf32>
    %mul3A_973 = arith.mulf %mul3A_970, %mul3A_972 : vector<8x512xf32>
    %exp3A_974 = math.exp %mul3A_973 : vector<8x512xf32>
    %le3A_975 = arith.constant 3.600000e+01 : f32
    %le3A_976 = vector.broadcast %le3A_975 : f32 to vector<8x512xf32>
    %le3A_977 = arith.cmpf ole, %mul3A_970, %le3A_976 : vector<8x512xf32>
    %jit3A_978 = arith.constant 0.000000e+00 : f32
    %broadcast_in_dim3A_979 = vector.broadcast %jit3A_978 : f32 to vector<8x512xf32>
    %select_n3A_980 = arith.select %le3A_977, %exp3A_974, %broadcast_in_dim3A_979 : vector<8x512xi1>, vector<8x512xf32>
    %swap3A_981 = arith.constant 46 : index
    %swap3A_982 = arith.constant 0 : index
    %swap3A_983 = arith.constant 0 : index
    %swap3A_984 = vector.load %arg3[%swap3A_981, %swap3A_982, %swap3A_983] : memref<106x8x512xf32, #tpu.memory_space<vmem>>, vector<1x8x512xf32>
    %swap3A_985 = vector.shape_cast %swap3A_984 : vector<1x8x512xf32> to vector<8x512xf32>
    %swap3A_986 = vector.shape_cast %select_n3A_980 : vector<8x512xf32> to vector<1x8x512xf32>
    tpu.vector_store %arg3[%swap3A_981, %swap3A_982, %swap3A_983], %swap3A_986 {strides = array<i32>} : memref<106x8x512xf32, #tpu.memory_space<vmem>>, vector<1x8x512xf32>,
    %slice3A_987 = vector.extract_strided_slice %convert_element_type3A_50 {offsets = [0, 47], sizes = [8, 1], strides = [1, 1]} : vector<8x106xf32> to vector<8x1xf32>
    %sub3A_988 = vector.broadcast %slice3A_987 : vector<8x1xf32> to vector<8x512xf32>
    %sub3A_989 = arith.subf %convert_element_type3A, %sub3A_988 : vector<8x512xf32>
    %mul3A_990 = arith.mulf %sub3A_989, %sub3A_989 : vector<8x512xf32>
    %mul3A_991 = arith.constant -1.250000e-01 : f32
    %mul3A_992 = vector.broadcast %mul3A_991 : f32 to vector<8x512xf32>
    %mul3A_993 = arith.mulf %mul3A_990, %mul3A_992 : vector<8x512xf32>
    %exp3A_994 = math.exp %mul3A_993 : vector<8x512xf32>
    %le3A_995 = arith.constant 3.600000e+01 : f32
    %le3A_996 = vector.broadcast %le3A_995 : f32 to vector<8x512xf32>
    %le3A_997 = arith.cmpf ole, %mul3A_990, %le3A_996 : vector<8x512xf32>
    %jit3A_998 = arith.constant 0.000000e+00 : f32
    %broadcast_in_dim3A_999 = vector.broadcast %jit3A_998 : f32 to vector<8x512xf32>
    %select_n3A_1000 = arith.select %le3A_997, %exp3A_994, %broadcast_in_dim3A_999 : vector<8x512xi1>, vector<8x512xf32>
    %swap3A_1001 = arith.constant 47 : index
    %swap3A_1002 = arith.constant 0 : index
    %swap3A_1003 = arith.constant 0 : index
    %swap3A_1004 = vector.load %arg3[%swap3A_1001, %swap3A_1002, %swap3A_1003] : memref<106x8x512xf32, #tpu.memory_space<vmem>>, vector<1x8x512xf32>
    %swap3A_1005 = vector.shape_cast %swap3A_1004 : vector<1x8x512xf32> to vector<8x512xf32>
    %swap3A_1006 = vector.shape_cast %select_n3A_1000 : vector<8x512xf32> to vector<1x8x512xf32>
    tpu.vector_store %arg3[%swap3A_1001, %swap3A_1002, %swap3A_1003], %swap3A_1006 {strides = array<i32>} : memref<106x8x512xf32, #tpu.memory_space<vmem>>, vector<1x8x512xf32>,
    %slice3A_1007 = vector.extract_strided_slice %convert_element_type3A_50 {offsets = [0, 48], sizes = [8, 1], strides = [1, 1]} : vector<8x106xf32> to vector<8x1xf32>
    %sub3A_1008 = vector.broadcast %slice3A_1007 : vector<8x1xf32> to vector<8x512xf32>
    %sub3A_1009 = arith.subf %convert_element_type3A, %sub3A_1008 : vector<8x512xf32>
    %mul3A_1010 = arith.mulf %sub3A_1009, %sub3A_1009 : vector<8x512xf32>
    %mul3A_1011 = arith.constant -1.250000e-01 : f32
    %mul3A_1012 = vector.broadcast %mul3A_1011 : f32 to vector<8x512xf32>
    %mul3A_1013 = arith.mulf %mul3A_1010, %mul3A_1012 : vector<8x512xf32>
    %exp3A_1014 = math.exp %mul3A_1013 : vector<8x512xf32>
    %le3A_1015 = arith.constant 3.600000e+01 : f32
    %le3A_1016 = vector.broadcast %le3A_1015 : f32 to vector<8x512xf32>
    %le3A_1017 = arith.cmpf ole, %mul3A_1010, %le3A_1016 : vector<8x512xf32>
    %jit3A_1018 = arith.constant 0.000000e+00 : f32
    %broadcast_in_dim3A_1019 = vector.broadcast %jit3A_1018 : f32 to vector<8x512xf32>
    %select_n3A_1020 = arith.select %le3A_1017, %exp3A_1014, %broadcast_in_dim3A_1019 : vector<8x512xi1>, vector<8x512xf32>
    %swap3A_1021 = arith.constant 48 : index
    %swap3A_1022 = arith.constant 0 : index
    %swap3A_1023 = arith.constant 0 : index
    %swap3A_1024 = vector.load %arg3[%swap3A_1021, %swap3A_1022, %swap3A_1023] : memref<106x8x512xf32, #tpu.memory_space<vmem>>, vector<1x8x512xf32>
    %swap3A_1025 = vector.shape_cast %swap3A_1024 : vector<1x8x512xf32> to vector<8x512xf32>
    %swap3A_1026 = vector.shape_cast %select_n3A_1020 : vector<8x512xf32> to vector<1x8x512xf32>
    tpu.vector_store %arg3[%swap3A_1021, %swap3A_1022, %swap3A_1023], %swap3A_1026 {strides = array<i32>} : memref<106x8x512xf32, #tpu.memory_space<vmem>>, vector<1x8x512xf32>,
    %slice3A_1027 = vector.extract_strided_slice %convert_element_type3A_50 {offsets = [0, 49], sizes = [8, 1], strides = [1, 1]} : vector<8x106xf32> to vector<8x1xf32>
    %sub3A_1028 = vector.broadcast %slice3A_1027 : vector<8x1xf32> to vector<8x512xf32>
    %sub3A_1029 = arith.subf %convert_element_type3A, %sub3A_1028 : vector<8x512xf32>
    %mul3A_1030 = arith.mulf %sub3A_1029, %sub3A_1029 : vector<8x512xf32>
    %mul3A_1031 = arith.constant -1.250000e-01 : f32
    %mul3A_1032 = vector.broadcast %mul3A_1031 : f32 to vector<8x512xf32>
    %mul3A_1033 = arith.mulf %mul3A_1030, %mul3A_1032 : vector<8x512xf32>
    %exp3A_1034 = math.exp %mul3A_1033 : vector<8x512xf32>
    %le3A_1035 = arith.constant 3.600000e+01 : f32
    %le3A_1036 = vector.broadcast %le3A_1035 : f32 to vector<8x512xf32>
    %le3A_1037 = arith.cmpf ole, %mul3A_1030, %le3A_1036 : vector<8x512xf32>
    %jit3A_1038 = arith.constant 0.000000e+00 : f32
    %broadcast_in_dim3A_1039 = vector.broadcast %jit3A_1038 : f32 to vector<8x512xf32>
    %select_n3A_1040 = arith.select %le3A_1037, %exp3A_1034, %broadcast_in_dim3A_1039 : vector<8x512xi1>, vector<8x512xf32>
    %swap3A_1041 = arith.constant 49 : index
    %swap3A_1042 = arith.constant 0 : index
    %swap3A_1043 = arith.constant 0 : index
    %swap3A_1044 = vector.load %arg3[%swap3A_1041, %swap3A_1042, %swap3A_1043] : memref<106x8x512xf32, #tpu.memory_space<vmem>>, vector<1x8x512xf32>
    %swap3A_1045 = vector.shape_cast %swap3A_1044 : vector<1x8x512xf32> to vector<8x512xf32>
    %swap3A_1046 = vector.shape_cast %select_n3A_1040 : vector<8x512xf32> to vector<1x8x512xf32>
    tpu.vector_store %arg3[%swap3A_1041, %swap3A_1042, %swap3A_1043], %swap3A_1046 {strides = array<i32>} : memref<106x8x512xf32, #tpu.memory_space<vmem>>, vector<1x8x512xf32>,
    %slice3A_1047 = vector.extract_strided_slice %convert_element_type3A_50 {offsets = [0, 50], sizes = [8, 1], strides = [1, 1]} : vector<8x106xf32> to vector<8x1xf32>
    %sub3A_1048 = vector.broadcast %slice3A_1047 : vector<8x1xf32> to vector<8x512xf32>
    %sub3A_1049 = arith.subf %convert_element_type3A, %sub3A_1048 : vector<8x512xf32>
    %mul3A_1050 = arith.mulf %sub3A_1049, %sub3A_1049 : vector<8x512xf32>
    %mul3A_1051 = arith.constant -1.250000e-01 : f32
    %mul3A_1052 = vector.broadcast %mul3A_1051 : f32 to vector<8x512xf32>
    %mul3A_1053 = arith.mulf %mul3A_1050, %mul3A_1052 : vector<8x512xf32>
    %exp3A_1054 = math.exp %mul3A_1053 : vector<8x512xf32>
    %le3A_1055 = arith.constant 3.600000e+01 : f32
    %le3A_1056 = vector.broadcast %le3A_1055 : f32 to vector<8x512xf32>
    %le3A_1057 = arith.cmpf ole, %mul3A_1050, %le3A_1056 : vector<8x512xf32>
    %jit3A_1058 = arith.constant 0.000000e+00 : f32
    %broadcast_in_dim3A_1059 = vector.broadcast %jit3A_1058 : f32 to vector<8x512xf32>
    %select_n3A_1060 = arith.select %le3A_1057, %exp3A_1054, %broadcast_in_dim3A_1059 : vector<8x512xi1>, vector<8x512xf32>
    %swap3A_1061 = arith.constant 50 : index
    %swap3A_1062 = arith.constant 0 : index
    %swap3A_1063 = arith.constant 0 : index
    %swap3A_1064 = vector.load %arg3[%swap3A_1061, %swap3A_1062, %swap3A_1063] : memref<106x8x512xf32, #tpu.memory_space<vmem>>, vector<1x8x512xf32>
    %swap3A_1065 = vector.shape_cast %swap3A_1064 : vector<1x8x512xf32> to vector<8x512xf32>
    %swap3A_1066 = vector.shape_cast %select_n3A_1060 : vector<8x512xf32> to vector<1x8x512xf32>
    tpu.vector_store %arg3[%swap3A_1061, %swap3A_1062, %swap3A_1063], %swap3A_1066 {strides = array<i32>} : memref<106x8x512xf32, #tpu.memory_space<vmem>>, vector<1x8x512xf32>,
    %slice3A_1067 = vector.extract_strided_slice %convert_element_type3A_50 {offsets = [0, 51], sizes = [8, 1], strides = [1, 1]} : vector<8x106xf32> to vector<8x1xf32>
    %sub3A_1068 = vector.broadcast %slice3A_1067 : vector<8x1xf32> to vector<8x512xf32>
    %sub3A_1069 = arith.subf %convert_element_type3A, %sub3A_1068 : vector<8x512xf32>
    %mul3A_1070 = arith.mulf %sub3A_1069, %sub3A_1069 : vector<8x512xf32>
    %mul3A_1071 = arith.constant -1.250000e-01 : f32
    %mul3A_1072 = vector.broadcast %mul3A_1071 : f32 to vector<8x512xf32>
    %mul3A_1073 = arith.mulf %mul3A_1070, %mul3A_1072 : vector<8x512xf32>
    %exp3A_1074 = math.exp %mul3A_1073 : vector<8x512xf32>
    %le3A_1075 = arith.constant 3.600000e+01 : f32
    %le3A_1076 = vector.broadcast %le3A_1075 : f32 to vector<8x512xf32>
    %le3A_1077 = arith.cmpf ole, %mul3A_1070, %le3A_1076 : vector<8x512xf32>
    %jit3A_1078 = arith.constant 0.000000e+00 : f32
    %broadcast_in_dim3A_1079 = vector.broadcast %jit3A_1078 : f32 to vector<8x512xf32>
    %select_n3A_1080 = arith.select %le3A_1077, %exp3A_1074, %broadcast_in_dim3A_1079 : vector<8x512xi1>, vector<8x512xf32>
    %swap3A_1081 = arith.constant 51 : index
    %swap3A_1082 = arith.constant 0 : index
    %swap3A_1083 = arith.constant 0 : index
    %swap3A_1084 = vector.load %arg3[%swap3A_1081, %swap3A_1082, %swap3A_1083] : memref<106x8x512xf32, #tpu.memory_space<vmem>>, vector<1x8x512xf32>
    %swap3A_1085 = vector.shape_cast %swap3A_1084 : vector<1x8x512xf32> to vector<8x512xf32>
    %swap3A_1086 = vector.shape_cast %select_n3A_1080 : vector<8x512xf32> to vector<1x8x512xf32>
    tpu.vector_store %arg3[%swap3A_1081, %swap3A_1082, %swap3A_1083], %swap3A_1086 {strides = array<i32>} : memref<106x8x512xf32, #tpu.memory_space<vmem>>, vector<1x8x512xf32>,
    %slice3A_1087 = vector.extract_strided_slice %convert_element_type3A_50 {offsets = [0, 52], sizes = [8, 1], strides = [1, 1]} : vector<8x106xf32> to vector<8x1xf32>
    %sub3A_1088 = vector.broadcast %slice3A_1087 : vector<8x1xf32> to vector<8x512xf32>
    %sub3A_1089 = arith.subf %convert_element_type3A, %sub3A_1088 : vector<8x512xf32>
    %mul3A_1090 = arith.mulf %sub3A_1089, %sub3A_1089 : vector<8x512xf32>
    %mul3A_1091 = arith.constant -1.250000e-01 : f32
    %mul3A_1092 = vector.broadcast %mul3A_1091 : f32 to vector<8x512xf32>
    %mul3A_1093 = arith.mulf %mul3A_1090, %mul3A_1092 : vector<8x512xf32>
    %exp3A_1094 = math.exp %mul3A_1093 : vector<8x512xf32>
    %le3A_1095 = arith.constant 3.600000e+01 : f32
    %le3A_1096 = vector.broadcast %le3A_1095 : f32 to vector<8x512xf32>
    %le3A_1097 = arith.cmpf ole, %mul3A_1090, %le3A_1096 : vector<8x512xf32>
    %jit3A_1098 = arith.constant 0.000000e+00 : f32
    %broadcast_in_dim3A_1099 = vector.broadcast %jit3A_1098 : f32 to vector<8x512xf32>
    %select_n3A_1100 = arith.select %le3A_1097, %exp3A_1094, %broadcast_in_dim3A_1099 : vector<8x512xi1>, vector<8x512xf32>
    %swap3A_1101 = arith.constant 52 : index
    %swap3A_1102 = arith.constant 0 : index
    %swap3A_1103 = arith.constant 0 : index
    %swap3A_1104 = vector.load %arg3[%swap3A_1101, %swap3A_1102, %swap3A_1103] : memref<106x8x512xf32, #tpu.memory_space<vmem>>, vector<1x8x512xf32>
    %swap3A_1105 = vector.shape_cast %swap3A_1104 : vector<1x8x512xf32> to vector<8x512xf32>
    %swap3A_1106 = vector.shape_cast %select_n3A_1100 : vector<8x512xf32> to vector<1x8x512xf32>
    tpu.vector_store %arg3[%swap3A_1101, %swap3A_1102, %swap3A_1103], %swap3A_1106 {strides = array<i32>} : memref<106x8x512xf32, #tpu.memory_space<vmem>>, vector<1x8x512xf32>,
    %slice3A_1107 = vector.extract_strided_slice %convert_element_type3A_50 {offsets = [0, 53], sizes = [8, 1], strides = [1, 1]} : vector<8x106xf32> to vector<8x1xf32>
    %sub3A_1108 = vector.broadcast %slice3A_1107 : vector<8x1xf32> to vector<8x512xf32>
    %sub3A_1109 = arith.subf %convert_element_type3A, %sub3A_1108 : vector<8x512xf32>
    %mul3A_1110 = arith.mulf %sub3A_1109, %sub3A_1109 : vector<8x512xf32>
    %mul3A_1111 = arith.constant -1.250000e-01 : f32
    %mul3A_1112 = vector.broadcast %mul3A_1111 : f32 to vector<8x512xf32>
    %mul3A_1113 = arith.mulf %mul3A_1110, %mul3A_1112 : vector<8x512xf32>
    %exp3A_1114 = math.exp %mul3A_1113 : vector<8x512xf32>
    %le3A_1115 = arith.constant 3.600000e+01 : f32
    %le3A_1116 = vector.broadcast %le3A_1115 : f32 to vector<8x512xf32>
    %le3A_1117 = arith.cmpf ole, %mul3A_1110, %le3A_1116 : vector<8x512xf32>
    %jit3A_1118 = arith.constant 0.000000e+00 : f32
    %broadcast_in_dim3A_1119 = vector.broadcast %jit3A_1118 : f32 to vector<8x512xf32>
    %select_n3A_1120 = arith.select %le3A_1117, %exp3A_1114, %broadcast_in_dim3A_1119 : vector<8x512xi1>, vector<8x512xf32>
    %swap3A_1121 = arith.constant 53 : index
    %swap3A_1122 = arith.constant 0 : index
    %swap3A_1123 = arith.constant 0 : index
    %swap3A_1124 = vector.load %arg3[%swap3A_1121, %swap3A_1122, %swap3A_1123] : memref<106x8x512xf32, #tpu.memory_space<vmem>>, vector<1x8x512xf32>
    %swap3A_1125 = vector.shape_cast %swap3A_1124 : vector<1x8x512xf32> to vector<8x512xf32>
    %swap3A_1126 = vector.shape_cast %select_n3A_1120 : vector<8x512xf32> to vector<1x8x512xf32>
    tpu.vector_store %arg3[%swap3A_1121, %swap3A_1122, %swap3A_1123], %swap3A_1126 {strides = array<i32>} : memref<106x8x512xf32, #tpu.memory_space<vmem>>, vector<1x8x512xf32>,
    %slice3A_1127 = vector.extract_strided_slice %convert_element_type3A_50 {offsets = [0, 54], sizes = [8, 1], strides = [1, 1]} : vector<8x106xf32> to vector<8x1xf32>
    %sub3A_1128 = vector.broadcast %slice3A_1127 : vector<8x1xf32> to vector<8x512xf32>
    %sub3A_1129 = arith.subf %convert_element_type3A, %sub3A_1128 : vector<8x512xf32>
    %mul3A_1130 = arith.mulf %sub3A_1129, %sub3A_1129 : vector<8x512xf32>
    %mul3A_1131 = arith.constant -1.250000e-01 : f32
    %mul3A_1132 = vector.broadcast %mul3A_1131 : f32 to vector<8x512xf32>
    %mul3A_1133 = arith.mulf %mul3A_1130, %mul3A_1132 : vector<8x512xf32>
    %exp3A_1134 = math.exp %mul3A_1133 : vector<8x512xf32>
    %le3A_1135 = arith.constant 3.600000e+01 : f32
    %le3A_1136 = vector.broadcast %le3A_1135 : f32 to vector<8x512xf32>
    %le3A_1137 = arith.cmpf ole, %mul3A_1130, %le3A_1136 : vector<8x512xf32>
    %jit3A_1138 = arith.constant 0.000000e+00 : f32
    %broadcast_in_dim3A_1139 = vector.broadcast %jit3A_1138 : f32 to vector<8x512xf32>
    %select_n3A_1140 = arith.select %le3A_1137, %exp3A_1134, %broadcast_in_dim3A_1139 : vector<8x512xi1>, vector<8x512xf32>
    %swap3A_1141 = arith.constant 54 : index
    %swap3A_1142 = arith.constant 0 : index
    %swap3A_1143 = arith.constant 0 : index
    %swap3A_1144 = vector.load %arg3[%swap3A_1141, %swap3A_1142, %swap3A_1143] : memref<106x8x512xf32, #tpu.memory_space<vmem>>, vector<1x8x512xf32>
    %swap3A_1145 = vector.shape_cast %swap3A_1144 : vector<1x8x512xf32> to vector<8x512xf32>
    %swap3A_1146 = vector.shape_cast %select_n3A_1140 : vector<8x512xf32> to vector<1x8x512xf32>
    tpu.vector_store %arg3[%swap3A_1141, %swap3A_1142, %swap3A_1143], %swap3A_1146 {strides = array<i32>} : memref<106x8x512xf32, #tpu.memory_space<vmem>>, vector<1x8x512xf32>,
    %slice3A_1147 = vector.extract_strided_slice %convert_element_type3A_50 {offsets = [0, 55], sizes = [8, 1], strides = [1, 1]} : vector<8x106xf32> to vector<8x1xf32>
    %sub3A_1148 = vector.broadcast %slice3A_1147 : vector<8x1xf32> to vector<8x512xf32>
    %sub3A_1149 = arith.subf %convert_element_type3A, %sub3A_1148 : vector<8x512xf32>
    %mul3A_1150 = arith.mulf %sub3A_1149, %sub3A_1149 : vector<8x512xf32>
    %mul3A_1151 = arith.constant -1.250000e-01 : f32
    %mul3A_1152 = vector.broadcast %mul3A_1151 : f32 to vector<8x512xf32>
    %mul3A_1153 = arith.mulf %mul3A_1150, %mul3A_1152 : vector<8x512xf32>
    %exp3A_1154 = math.exp %mul3A_1153 : vector<8x512xf32>
    %le3A_1155 = arith.constant 3.600000e+01 : f32
    %le3A_1156 = vector.broadcast %le3A_1155 : f32 to vector<8x512xf32>
    %le3A_1157 = arith.cmpf ole, %mul3A_1150, %le3A_1156 : vector<8x512xf32>
    %jit3A_1158 = arith.constant 0.000000e+00 : f32
    %broadcast_in_dim3A_1159 = vector.broadcast %jit3A_1158 : f32 to vector<8x512xf32>
    %select_n3A_1160 = arith.select %le3A_1157, %exp3A_1154, %broadcast_in_dim3A_1159 : vector<8x512xi1>, vector<8x512xf32>
    %swap3A_1161 = arith.constant 55 : index
    %swap3A_1162 = arith.constant 0 : index
    %swap3A_1163 = arith.constant 0 : index
    %swap3A_1164 = vector.load %arg3[%swap3A_1161, %swap3A_1162, %swap3A_1163] : memref<106x8x512xf32, #tpu.memory_space<vmem>>, vector<1x8x512xf32>
    %swap3A_1165 = vector.shape_cast %swap3A_1164 : vector<1x8x512xf32> to vector<8x512xf32>
    %swap3A_1166 = vector.shape_cast %select_n3A_1160 : vector<8x512xf32> to vector<1x8x512xf32>
    tpu.vector_store %arg3[%swap3A_1161, %swap3A_1162, %swap3A_1163], %swap3A_1166 {strides = array<i32>} : memref<106x8x512xf32, #tpu.memory_space<vmem>>, vector<1x8x512xf32>,
    %slice3A_1167 = vector.extract_strided_slice %convert_element_type3A_50 {offsets = [0, 56], sizes = [8, 1], strides = [1, 1]} : vector<8x106xf32> to vector<8x1xf32>
    %sub3A_1168 = vector.broadcast %slice3A_1167 : vector<8x1xf32> to vector<8x512xf32>
    %sub3A_1169 = arith.subf %convert_element_type3A, %sub3A_1168 : vector<8x512xf32>
    %mul3A_1170 = arith.mulf %sub3A_1169, %sub3A_1169 : vector<8x512xf32>
    %mul3A_1171 = arith.constant -1.250000e-01 : f32
    %mul3A_1172 = vector.broadcast %mul3A_1171 : f32 to vector<8x512xf32>
    %mul3A_1173 = arith.mulf %mul3A_1170, %mul3A_1172 : vector<8x512xf32>
    %exp3A_1174 = math.exp %mul3A_1173 : vector<8x512xf32>
    %le3A_1175 = arith.constant 3.600000e+01 : f32
    %le3A_1176 = vector.broadcast %le3A_1175 : f32 to vector<8x512xf32>
    %le3A_1177 = arith.cmpf ole, %mul3A_1170, %le3A_1176 : vector<8x512xf32>
    %jit3A_1178 = arith.constant 0.000000e+00 : f32
    %broadcast_in_dim3A_1179 = vector.broadcast %jit3A_1178 : f32 to vector<8x512xf32>
    %select_n3A_1180 = arith.select %le3A_1177, %exp3A_1174, %broadcast_in_dim3A_1179 : vector<8x512xi1>, vector<8x512xf32>
    %swap3A_1181 = arith.constant 56 : index
    %swap3A_1182 = arith.constant 0 : index
    %swap3A_1183 = arith.constant 0 : index
    %swap3A_1184 = vector.load %arg3[%swap3A_1181, %swap3A_1182, %swap3A_1183] : memref<106x8x512xf32, #tpu.memory_space<vmem>>, vector<1x8x512xf32>
    %swap3A_1185 = vector.shape_cast %swap3A_1184 : vector<1x8x512xf32> to vector<8x512xf32>
    %swap3A_1186 = vector.shape_cast %select_n3A_1180 : vector<8x512xf32> to vector<1x8x512xf32>
    tpu.vector_store %arg3[%swap3A_1181, %swap3A_1182, %swap3A_1183], %swap3A_1186 {strides = array<i32>} : memref<106x8x512xf32, #tpu.memory_space<vmem>>, vector<1x8x512xf32>,
    %slice3A_1187 = vector.extract_strided_slice %convert_element_type3A_50 {offsets = [0, 57], sizes = [8, 1], strides = [1, 1]} : vector<8x106xf32> to vector<8x1xf32>
    %sub3A_1188 = vector.broadcast %slice3A_1187 : vector<8x1xf32> to vector<8x512xf32>
    %sub3A_1189 = arith.subf %convert_element_type3A, %sub3A_1188 : vector<8x512xf32>
    %mul3A_1190 = arith.mulf %sub3A_1189, %sub3A_1189 : vector<8x512xf32>
    %mul3A_1191 = arith.constant -1.250000e-01 : f32
    %mul3A_1192 = vector.broadcast %mul3A_1191 : f32 to vector<8x512xf32>
    %mul3A_1193 = arith.mulf %mul3A_1190, %mul3A_1192 : vector<8x512xf32>
    %exp3A_1194 = math.exp %mul3A_1193 : vector<8x512xf32>
    %le3A_1195 = arith.constant 3.600000e+01 : f32
    %le3A_1196 = vector.broadcast %le3A_1195 : f32 to vector<8x512xf32>
    %le3A_1197 = arith.cmpf ole, %mul3A_1190, %le3A_1196 : vector<8x512xf32>
    %jit3A_1198 = arith.constant 0.000000e+00 : f32
    %broadcast_in_dim3A_1199 = vector.broadcast %jit3A_1198 : f32 to vector<8x512xf32>
    %select_n3A_1200 = arith.select %le3A_1197, %exp3A_1194, %broadcast_in_dim3A_1199 : vector<8x512xi1>, vector<8x512xf32>
    %swap3A_1201 = arith.constant 57 : index
    %swap3A_1202 = arith.constant 0 : index
    %swap3A_1203 = arith.constant 0 : index
    %swap3A_1204 = vector.load %arg3[%swap3A_1201, %swap3A_1202, %swap3A_1203] : memref<106x8x512xf32, #tpu.memory_space<vmem>>, vector<1x8x512xf32>
    %swap3A_1205 = vector.shape_cast %swap3A_1204 : vector<1x8x512xf32> to vector<8x512xf32>
    %swap3A_1206 = vector.shape_cast %select_n3A_1200 : vector<8x512xf32> to vector<1x8x512xf32>
    tpu.vector_store %arg3[%swap3A_1201, %swap3A_1202, %swap3A_1203], %swap3A_1206 {strides = array<i32>} : memref<106x8x512xf32, #tpu.memory_space<vmem>>, vector<1x8x512xf32>,
    %slice3A_1207 = vector.extract_strided_slice %convert_element_type3A_50 {offsets = [0, 58], sizes = [8, 1], strides = [1, 1]} : vector<8x106xf32> to vector<8x1xf32>
    %sub3A_1208 = vector.broadcast %slice3A_1207 : vector<8x1xf32> to vector<8x512xf32>
    %sub3A_1209 = arith.subf %convert_element_type3A, %sub3A_1208 : vector<8x512xf32>
    %mul3A_1210 = arith.mulf %sub3A_1209, %sub3A_1209 : vector<8x512xf32>
    %mul3A_1211 = arith.constant -1.250000e-01 : f32
    %mul3A_1212 = vector.broadcast %mul3A_1211 : f32 to vector<8x512xf32>
    %mul3A_1213 = arith.mulf %mul3A_1210, %mul3A_1212 : vector<8x512xf32>
    %exp3A_1214 = math.exp %mul3A_1213 : vector<8x512xf32>
    %le3A_1215 = arith.constant 3.600000e+01 : f32
    %le3A_1216 = vector.broadcast %le3A_1215 : f32 to vector<8x512xf32>
    %le3A_1217 = arith.cmpf ole, %mul3A_1210, %le3A_1216 : vector<8x512xf32>
    %jit3A_1218 = arith.constant 0.000000e+00 : f32
    %broadcast_in_dim3A_1219 = vector.broadcast %jit3A_1218 : f32 to vector<8x512xf32>
    %select_n3A_1220 = arith.select %le3A_1217, %exp3A_1214, %broadcast_in_dim3A_1219 : vector<8x512xi1>, vector<8x512xf32>
    %swap3A_1221 = arith.constant 58 : index
    %swap3A_1222 = arith.constant 0 : index
    %swap3A_1223 = arith.constant 0 : index
    %swap3A_1224 = vector.load %arg3[%swap3A_1221, %swap3A_1222, %swap3A_1223] : memref<106x8x512xf32, #tpu.memory_space<vmem>>, vector<1x8x512xf32>
    %swap3A_1225 = vector.shape_cast %swap3A_1224 : vector<1x8x512xf32> to vector<8x512xf32>
    %swap3A_1226 = vector.shape_cast %select_n3A_1220 : vector<8x512xf32> to vector<1x8x512xf32>
    tpu.vector_store %arg3[%swap3A_1221, %swap3A_1222, %swap3A_1223], %swap3A_1226 {strides = array<i32>} : memref<106x8x512xf32, #tpu.memory_space<vmem>>, vector<1x8x512xf32>,
    %slice3A_1227 = vector.extract_strided_slice %convert_element_type3A_50 {offsets = [0, 59], sizes = [8, 1], strides = [1, 1]} : vector<8x106xf32> to vector<8x1xf32>
    %sub3A_1228 = vector.broadcast %slice3A_1227 : vector<8x1xf32> to vector<8x512xf32>
    %sub3A_1229 = arith.subf %convert_element_type3A, %sub3A_1228 : vector<8x512xf32>
    %mul3A_1230 = arith.mulf %sub3A_1229, %sub3A_1229 : vector<8x512xf32>
    %mul3A_1231 = arith.constant -1.250000e-01 : f32
    %mul3A_1232 = vector.broadcast %mul3A_1231 : f32 to vector<8x512xf32>
    %mul3A_1233 = arith.mulf %mul3A_1230, %mul3A_1232 : vector<8x512xf32>
    %exp3A_1234 = math.exp %mul3A_1233 : vector<8x512xf32>
    %le3A_1235 = arith.constant 3.600000e+01 : f32
    %le3A_1236 = vector.broadcast %le3A_1235 : f32 to vector<8x512xf32>
    %le3A_1237 = arith.cmpf ole, %mul3A_1230, %le3A_1236 : vector<8x512xf32>
    %jit3A_1238 = arith.constant 0.000000e+00 : f32
    %broadcast_in_dim3A_1239 = vector.broadcast %jit3A_1238 : f32 to vector<8x512xf32>
    %select_n3A_1240 = arith.select %le3A_1237, %exp3A_1234, %broadcast_in_dim3A_1239 : vector<8x512xi1>, vector<8x512xf32>
    %swap3A_1241 = arith.constant 59 : index
    %swap3A_1242 = arith.constant 0 : index
    %swap3A_1243 = arith.constant 0 : index
    %swap3A_1244 = vector.load %arg3[%swap3A_1241, %swap3A_1242, %swap3A_1243] : memref<106x8x512xf32, #tpu.memory_space<vmem>>, vector<1x8x512xf32>
    %swap3A_1245 = vector.shape_cast %swap3A_1244 : vector<1x8x512xf32> to vector<8x512xf32>
    %swap3A_1246 = vector.shape_cast %select_n3A_1240 : vector<8x512xf32> to vector<1x8x512xf32>
    tpu.vector_store %arg3[%swap3A_1241, %swap3A_1242, %swap3A_1243], %swap3A_1246 {strides = array<i32>} : memref<106x8x512xf32, #tpu.memory_space<vmem>>, vector<1x8x512xf32>,
    %slice3A_1247 = vector.extract_strided_slice %convert_element_type3A_50 {offsets = [0, 60], sizes = [8, 1], strides = [1, 1]} : vector<8x106xf32> to vector<8x1xf32>
    %sub3A_1248 = vector.broadcast %slice3A_1247 : vector<8x1xf32> to vector<8x512xf32>
    %sub3A_1249 = arith.subf %convert_element_type3A, %sub3A_1248 : vector<8x512xf32>
    %mul3A_1250 = arith.mulf %sub3A_1249, %sub3A_1249 : vector<8x512xf32>
    %mul3A_1251 = arith.constant -1.250000e-01 : f32
    %mul3A_1252 = vector.broadcast %mul3A_1251 : f32 to vector<8x512xf32>
    %mul3A_1253 = arith.mulf %mul3A_1250, %mul3A_1252 : vector<8x512xf32>
    %exp3A_1254 = math.exp %mul3A_1253 : vector<8x512xf32>
    %le3A_1255 = arith.constant 3.600000e+01 : f32
    %le3A_1256 = vector.broadcast %le3A_1255 : f32 to vector<8x512xf32>
    %le3A_1257 = arith.cmpf ole, %mul3A_1250, %le3A_1256 : vector<8x512xf32>
    %jit3A_1258 = arith.constant 0.000000e+00 : f32
    %broadcast_in_dim3A_1259 = vector.broadcast %jit3A_1258 : f32 to vector<8x512xf32>
    %select_n3A_1260 = arith.select %le3A_1257, %exp3A_1254, %broadcast_in_dim3A_1259 : vector<8x512xi1>, vector<8x512xf32>
    %swap3A_1261 = arith.constant 60 : index
    %swap3A_1262 = arith.constant 0 : index
    %swap3A_1263 = arith.constant 0 : index
    %swap3A_1264 = vector.load %arg3[%swap3A_1261, %swap3A_1262, %swap3A_1263] : memref<106x8x512xf32, #tpu.memory_space<vmem>>, vector<1x8x512xf32>
    %swap3A_1265 = vector.shape_cast %swap3A_1264 : vector<1x8x512xf32> to vector<8x512xf32>
    %swap3A_1266 = vector.shape_cast %select_n3A_1260 : vector<8x512xf32> to vector<1x8x512xf32>
    tpu.vector_store %arg3[%swap3A_1261, %swap3A_1262, %swap3A_1263], %swap3A_1266 {strides = array<i32>} : memref<106x8x512xf32, #tpu.memory_space<vmem>>, vector<1x8x512xf32>,
    %slice3A_1267 = vector.extract_strided_slice %convert_element_type3A_50 {offsets = [0, 61], sizes = [8, 1], strides = [1, 1]} : vector<8x106xf32> to vector<8x1xf32>
    %sub3A_1268 = vector.broadcast %slice3A_1267 : vector<8x1xf32> to vector<8x512xf32>
    %sub3A_1269 = arith.subf %convert_element_type3A, %sub3A_1268 : vector<8x512xf32>
    %mul3A_1270 = arith.mulf %sub3A_1269, %sub3A_1269 : vector<8x512xf32>
    %mul3A_1271 = arith.constant -1.250000e-01 : f32
    %mul3A_1272 = vector.broadcast %mul3A_1271 : f32 to vector<8x512xf32>
    %mul3A_1273 = arith.mulf %mul3A_1270, %mul3A_1272 : vector<8x512xf32>
    %exp3A_1274 = math.exp %mul3A_1273 : vector<8x512xf32>
    %le3A_1275 = arith.constant 3.600000e+01 : f32
    %le3A_1276 = vector.broadcast %le3A_1275 : f32 to vector<8x512xf32>
    %le3A_1277 = arith.cmpf ole, %mul3A_1270, %le3A_1276 : vector<8x512xf32>
    %jit3A_1278 = arith.constant 0.000000e+00 : f32
    %broadcast_in_dim3A_1279 = vector.broadcast %jit3A_1278 : f32 to vector<8x512xf32>
    %select_n3A_1280 = arith.select %le3A_1277, %exp3A_1274, %broadcast_in_dim3A_1279 : vector<8x512xi1>, vector<8x512xf32>
    %swap3A_1281 = arith.constant 61 : index
    %swap3A_1282 = arith.constant 0 : index
    %swap3A_1283 = arith.constant 0 : index
    %swap3A_1284 = vector.load %arg3[%swap3A_1281, %swap3A_1282, %swap3A_1283] : memref<106x8x512xf32, #tpu.memory_space<vmem>>, vector<1x8x512xf32>
    %swap3A_1285 = vector.shape_cast %swap3A_1284 : vector<1x8x512xf32> to vector<8x512xf32>
    %swap3A_1286 = vector.shape_cast %select_n3A_1280 : vector<8x512xf32> to vector<1x8x512xf32>
    tpu.vector_store %arg3[%swap3A_1281, %swap3A_1282, %swap3A_1283], %swap3A_1286 {strides = array<i32>} : memref<106x8x512xf32, #tpu.memory_space<vmem>>, vector<1x8x512xf32>,
    %slice3A_1287 = vector.extract_strided_slice %convert_element_type3A_50 {offsets = [0, 62], sizes = [8, 1], strides = [1, 1]} : vector<8x106xf32> to vector<8x1xf32>
    %sub3A_1288 = vector.broadcast %slice3A_1287 : vector<8x1xf32> to vector<8x512xf32>
    %sub3A_1289 = arith.subf %convert_element_type3A, %sub3A_1288 : vector<8x512xf32>
    %mul3A_1290 = arith.mulf %sub3A_1289, %sub3A_1289 : vector<8x512xf32>
    %mul3A_1291 = arith.constant -1.250000e-01 : f32
    %mul3A_1292 = vector.broadcast %mul3A_1291 : f32 to vector<8x512xf32>
    %mul3A_1293 = arith.mulf %mul3A_1290, %mul3A_1292 : vector<8x512xf32>
    %exp3A_1294 = math.exp %mul3A_1293 : vector<8x512xf32>
    %le3A_1295 = arith.constant 3.600000e+01 : f32
    %le3A_1296 = vector.broadcast %le3A_1295 : f32 to vector<8x512xf32>
    %le3A_1297 = arith.cmpf ole, %mul3A_1290, %le3A_1296 : vector<8x512xf32>
    %jit3A_1298 = arith.constant 0.000000e+00 : f32
    %broadcast_in_dim3A_1299 = vector.broadcast %jit3A_1298 : f32 to vector<8x512xf32>
    %select_n3A_1300 = arith.select %le3A_1297, %exp3A_1294, %broadcast_in_dim3A_1299 : vector<8x512xi1>, vector<8x512xf32>
    %swap3A_1301 = arith.constant 62 : index
    %swap3A_1302 = arith.constant 0 : index
    %swap3A_1303 = arith.constant 0 : index
    %swap3A_1304 = vector.load %arg3[%swap3A_1301, %swap3A_1302, %swap3A_1303] : memref<106x8x512xf32, #tpu.memory_space<vmem>>, vector<1x8x512xf32>
    %swap3A_1305 = vector.shape_cast %swap3A_1304 : vector<1x8x512xf32> to vector<8x512xf32>
    %swap3A_1306 = vector.shape_cast %select_n3A_1300 : vector<8x512xf32> to vector<1x8x512xf32>
    tpu.vector_store %arg3[%swap3A_1301, %swap3A_1302, %swap3A_1303], %swap3A_1306 {strides = array<i32>} : memref<106x8x512xf32, #tpu.memory_space<vmem>>, vector<1x8x512xf32>,
    %slice3A_1307 = vector.extract_strided_slice %convert_element_type3A_50 {offsets = [0, 63], sizes = [8, 1], strides = [1, 1]} : vector<8x106xf32> to vector<8x1xf32>
    %sub3A_1308 = vector.broadcast %slice3A_1307 : vector<8x1xf32> to vector<8x512xf32>
    %sub3A_1309 = arith.subf %convert_element_type3A, %sub3A_1308 : vector<8x512xf32>
    %mul3A_1310 = arith.mulf %sub3A_1309, %sub3A_1309 : vector<8x512xf32>
    %mul3A_1311 = arith.constant -1.250000e-01 : f32
    %mul3A_1312 = vector.broadcast %mul3A_1311 : f32 to vector<8x512xf32>
    %mul3A_1313 = arith.mulf %mul3A_1310, %mul3A_1312 : vector<8x512xf32>
    %exp3A_1314 = math.exp %mul3A_1313 : vector<8x512xf32>
    %le3A_1315 = arith.constant 3.600000e+01 : f32
    %le3A_1316 = vector.broadcast %le3A_1315 : f32 to vector<8x512xf32>
    %le3A_1317 = arith.cmpf ole, %mul3A_1310, %le3A_1316 : vector<8x512xf32>
    %jit3A_1318 = arith.constant 0.000000e+00 : f32
    %broadcast_in_dim3A_1319 = vector.broadcast %jit3A_1318 : f32 to vector<8x512xf32>
    %select_n3A_1320 = arith.select %le3A_1317, %exp3A_1314, %broadcast_in_dim3A_1319 : vector<8x512xi1>, vector<8x512xf32>
    %swap3A_1321 = arith.constant 63 : index
    %swap3A_1322 = arith.constant 0 : index
    %swap3A_1323 = arith.constant 0 : index
    %swap3A_1324 = vector.load %arg3[%swap3A_1321, %swap3A_1322, %swap3A_1323] : memref<106x8x512xf32, #tpu.memory_space<vmem>>, vector<1x8x512xf32>
    %swap3A_1325 = vector.shape_cast %swap3A_1324 : vector<1x8x512xf32> to vector<8x512xf32>
    %swap3A_1326 = vector.shape_cast %select_n3A_1320 : vector<8x512xf32> to vector<1x8x512xf32>
    tpu.vector_store %arg3[%swap3A_1321, %swap3A_1322, %swap3A_1323], %swap3A_1326 {strides = array<i32>} : memref<106x8x512xf32, #tpu.memory_space<vmem>>, vector<1x8x512xf32>,
    %slice3A_1327 = vector.extract_strided_slice %convert_element_type3A_50 {offsets = [0, 64], sizes = [8, 1], strides = [1, 1]} : vector<8x106xf32> to vector<8x1xf32>
    %sub3A_1328 = vector.broadcast %slice3A_1327 : vector<8x1xf32> to vector<8x512xf32>
    %sub3A_1329 = arith.subf %convert_element_type3A, %sub3A_1328 : vector<8x512xf32>
    %mul3A_1330 = arith.mulf %sub3A_1329, %sub3A_1329 : vector<8x512xf32>
    %mul3A_1331 = arith.constant -1.250000e-01 : f32
    %mul3A_1332 = vector.broadcast %mul3A_1331 : f32 to vector<8x512xf32>
    %mul3A_1333 = arith.mulf %mul3A_1330, %mul3A_1332 : vector<8x512xf32>
    %exp3A_1334 = math.exp %mul3A_1333 : vector<8x512xf32>
    %le3A_1335 = arith.constant 3.600000e+01 : f32
    %le3A_1336 = vector.broadcast %le3A_1335 : f32 to vector<8x512xf32>
    %le3A_1337 = arith.cmpf ole, %mul3A_1330, %le3A_1336 : vector<8x512xf32>
    %jit3A_1338 = arith.constant 0.000000e+00 : f32
    %broadcast_in_dim3A_1339 = vector.broadcast %jit3A_1338 : f32 to vector<8x512xf32>
    %select_n3A_1340 = arith.select %le3A_1337, %exp3A_1334, %broadcast_in_dim3A_1339 : vector<8x512xi1>, vector<8x512xf32>
    %swap3A_1341 = arith.constant 64 : index
    %swap3A_1342 = arith.constant 0 : index
    %swap3A_1343 = arith.constant 0 : index
    %swap3A_1344 = vector.load %arg3[%swap3A_1341, %swap3A_1342, %swap3A_1343] : memref<106x8x512xf32, #tpu.memory_space<vmem>>, vector<1x8x512xf32>
    %swap3A_1345 = vector.shape_cast %swap3A_1344 : vector<1x8x512xf32> to vector<8x512xf32>
    %swap3A_1346 = vector.shape_cast %select_n3A_1340 : vector<8x512xf32> to vector<1x8x512xf32>
    tpu.vector_store %arg3[%swap3A_1341, %swap3A_1342, %swap3A_1343], %swap3A_1346 {strides = array<i32>} : memref<106x8x512xf32, #tpu.memory_space<vmem>>, vector<1x8x512xf32>,
    %slice3A_1347 = vector.extract_strided_slice %convert_element_type3A_50 {offsets = [0, 65], sizes = [8, 1], strides = [1, 1]} : vector<8x106xf32> to vector<8x1xf32>
    %sub3A_1348 = vector.broadcast %slice3A_1347 : vector<8x1xf32> to vector<8x512xf32>
    %sub3A_1349 = arith.subf %convert_element_type3A, %sub3A_1348 : vector<8x512xf32>
    %mul3A_1350 = arith.mulf %sub3A_1349, %sub3A_1349 : vector<8x512xf32>
    %mul3A_1351 = arith.constant -1.250000e-01 : f32
    %mul3A_1352 = vector.broadcast %mul3A_1351 : f32 to vector<8x512xf32>
    %mul3A_1353 = arith.mulf %mul3A_1350, %mul3A_1352 : vector<8x512xf32>
    %exp3A_1354 = math.exp %mul3A_1353 : vector<8x512xf32>
    %le3A_1355 = arith.constant 3.600000e+01 : f32
    %le3A_1356 = vector.broadcast %le3A_1355 : f32 to vector<8x512xf32>
    %le3A_1357 = arith.cmpf ole, %mul3A_1350, %le3A_1356 : vector<8x512xf32>
    %jit3A_1358 = arith.constant 0.000000e+00 : f32
    %broadcast_in_dim3A_1359 = vector.broadcast %jit3A_1358 : f32 to vector<8x512xf32>
    %select_n3A_1360 = arith.select %le3A_1357, %exp3A_1354, %broadcast_in_dim3A_1359 : vector<8x512xi1>, vector<8x512xf32>
    %swap3A_1361 = arith.constant 65 : index
    %swap3A_1362 = arith.constant 0 : index
    %swap3A_1363 = arith.constant 0 : index
    %swap3A_1364 = vector.load %arg3[%swap3A_1361, %swap3A_1362, %swap3A_1363] : memref<106x8x512xf32, #tpu.memory_space<vmem>>, vector<1x8x512xf32>
    %swap3A_1365 = vector.shape_cast %swap3A_1364 : vector<1x8x512xf32> to vector<8x512xf32>
    %swap3A_1366 = vector.shape_cast %select_n3A_1360 : vector<8x512xf32> to vector<1x8x512xf32>
    tpu.vector_store %arg3[%swap3A_1361, %swap3A_1362, %swap3A_1363], %swap3A_1366 {strides = array<i32>} : memref<106x8x512xf32, #tpu.memory_space<vmem>>, vector<1x8x512xf32>,
    %slice3A_1367 = vector.extract_strided_slice %convert_element_type3A_50 {offsets = [0, 66], sizes = [8, 1], strides = [1, 1]} : vector<8x106xf32> to vector<8x1xf32>
    %sub3A_1368 = vector.broadcast %slice3A_1367 : vector<8x1xf32> to vector<8x512xf32>
    %sub3A_1369 = arith.subf %convert_element_type3A, %sub3A_1368 : vector<8x512xf32>
    %mul3A_1370 = arith.mulf %sub3A_1369, %sub3A_1369 : vector<8x512xf32>
    %mul3A_1371 = arith.constant -1.250000e-01 : f32
    %mul3A_1372 = vector.broadcast %mul3A_1371 : f32 to vector<8x512xf32>
    %mul3A_1373 = arith.mulf %mul3A_1370, %mul3A_1372 : vector<8x512xf32>
    %exp3A_1374 = math.exp %mul3A_1373 : vector<8x512xf32>
    %le3A_1375 = arith.constant 3.600000e+01 : f32
    %le3A_1376 = vector.broadcast %le3A_1375 : f32 to vector<8x512xf32>
    %le3A_1377 = arith.cmpf ole, %mul3A_1370, %le3A_1376 : vector<8x512xf32>
    %jit3A_1378 = arith.constant 0.000000e+00 : f32
    %broadcast_in_dim3A_1379 = vector.broadcast %jit3A_1378 : f32 to vector<8x512xf32>
    %select_n3A_1380 = arith.select %le3A_1377, %exp3A_1374, %broadcast_in_dim3A_1379 : vector<8x512xi1>, vector<8x512xf32>
    %swap3A_1381 = arith.constant 66 : index
    %swap3A_1382 = arith.constant 0 : index
    %swap3A_1383 = arith.constant 0 : index
    %swap3A_1384 = vector.load %arg3[%swap3A_1381, %swap3A_1382, %swap3A_1383] : memref<106x8x512xf32, #tpu.memory_space<vmem>>, vector<1x8x512xf32>
    %swap3A_1385 = vector.shape_cast %swap3A_1384 : vector<1x8x512xf32> to vector<8x512xf32>
    %swap3A_1386 = vector.shape_cast %select_n3A_1380 : vector<8x512xf32> to vector<1x8x512xf32>
    tpu.vector_store %arg3[%swap3A_1381, %swap3A_1382, %swap3A_1383], %swap3A_1386 {strides = array<i32>} : memref<106x8x512xf32, #tpu.memory_space<vmem>>, vector<1x8x512xf32>,
    %slice3A_1387 = vector.extract_strided_slice %convert_element_type3A_50 {offsets = [0, 67], sizes = [8, 1], strides = [1, 1]} : vector<8x106xf32> to vector<8x1xf32>
    %sub3A_1388 = vector.broadcast %slice3A_1387 : vector<8x1xf32> to vector<8x512xf32>
    %sub3A_1389 = arith.subf %convert_element_type3A, %sub3A_1388 : vector<8x512xf32>
    %mul3A_1390 = arith.mulf %sub3A_1389, %sub3A_1389 : vector<8x512xf32>
    %mul3A_1391 = arith.constant -1.250000e-01 : f32
    %mul3A_1392 = vector.broadcast %mul3A_1391 : f32 to vector<8x512xf32>
    %mul3A_1393 = arith.mulf %mul3A_1390, %mul3A_1392 : vector<8x512xf32>
    %exp3A_1394 = math.exp %mul3A_1393 : vector<8x512xf32>
    %le3A_1395 = arith.constant 3.600000e+01 : f32
    %le3A_1396 = vector.broadcast %le3A_1395 : f32 to vector<8x512xf32>
    %le3A_1397 = arith.cmpf ole, %mul3A_1390, %le3A_1396 : vector<8x512xf32>
    %jit3A_1398 = arith.constant 0.000000e+00 : f32
    %broadcast_in_dim3A_1399 = vector.broadcast %jit3A_1398 : f32 to vector<8x512xf32>
    %select_n3A_1400 = arith.select %le3A_1397, %exp3A_1394, %broadcast_in_dim3A_1399 : vector<8x512xi1>, vector<8x512xf32>
    %swap3A_1401 = arith.constant 67 : index
    %swap3A_1402 = arith.constant 0 : index
    %swap3A_1403 = arith.constant 0 : index
    %swap3A_1404 = vector.load %arg3[%swap3A_1401, %swap3A_1402, %swap3A_1403] : memref<106x8x512xf32, #tpu.memory_space<vmem>>, vector<1x8x512xf32>
    %swap3A_1405 = vector.shape_cast %swap3A_1404 : vector<1x8x512xf32> to vector<8x512xf32>
    %swap3A_1406 = vector.shape_cast %select_n3A_1400 : vector<8x512xf32> to vector<1x8x512xf32>
    tpu.vector_store %arg3[%swap3A_1401, %swap3A_1402, %swap3A_1403], %swap3A_1406 {strides = array<i32>} : memref<106x8x512xf32, #tpu.memory_space<vmem>>, vector<1x8x512xf32>,
    %slice3A_1407 = vector.extract_strided_slice %convert_element_type3A_50 {offsets = [0, 68], sizes = [8, 1], strides = [1, 1]} : vector<8x106xf32> to vector<8x1xf32>
    %sub3A_1408 = vector.broadcast %slice3A_1407 : vector<8x1xf32> to vector<8x512xf32>
    %sub3A_1409 = arith.subf %convert_element_type3A, %sub3A_1408 : vector<8x512xf32>
    %mul3A_1410 = arith.mulf %sub3A_1409, %sub3A_1409 : vector<8x512xf32>
    %mul3A_1411 = arith.constant -1.250000e-01 : f32
    %mul3A_1412 = vector.broadcast %mul3A_1411 : f32 to vector<8x512xf32>
    %mul3A_1413 = arith.mulf %mul3A_1410, %mul3A_1412 : vector<8x512xf32>
    %exp3A_1414 = math.exp %mul3A_1413 : vector<8x512xf32>
    %le3A_1415 = arith.constant 3.600000e+01 : f32
    %le3A_1416 = vector.broadcast %le3A_1415 : f32 to vector<8x512xf32>
    %le3A_1417 = arith.cmpf ole, %mul3A_1410, %le3A_1416 : vector<8x512xf32>
    %jit3A_1418 = arith.constant 0.000000e+00 : f32
    %broadcast_in_dim3A_1419 = vector.broadcast %jit3A_1418 : f32 to vector<8x512xf32>
    %select_n3A_1420 = arith.select %le3A_1417, %exp3A_1414, %broadcast_in_dim3A_1419 : vector<8x512xi1>, vector<8x512xf32>
    %swap3A_1421 = arith.constant 68 : index
    %swap3A_1422 = arith.constant 0 : index
    %swap3A_1423 = arith.constant 0 : index
    %swap3A_1424 = vector.load %arg3[%swap3A_1421, %swap3A_1422, %swap3A_1423] : memref<106x8x512xf32, #tpu.memory_space<vmem>>, vector<1x8x512xf32>
    %swap3A_1425 = vector.shape_cast %swap3A_1424 : vector<1x8x512xf32> to vector<8x512xf32>
    %swap3A_1426 = vector.shape_cast %select_n3A_1420 : vector<8x512xf32> to vector<1x8x512xf32>
    tpu.vector_store %arg3[%swap3A_1421, %swap3A_1422, %swap3A_1423], %swap3A_1426 {strides = array<i32>} : memref<106x8x512xf32, #tpu.memory_space<vmem>>, vector<1x8x512xf32>,
    %slice3A_1427 = vector.extract_strided_slice %convert_element_type3A_50 {offsets = [0, 69], sizes = [8, 1], strides = [1, 1]} : vector<8x106xf32> to vector<8x1xf32>
    %sub3A_1428 = vector.broadcast %slice3A_1427 : vector<8x1xf32> to vector<8x512xf32>
    %sub3A_1429 = arith.subf %convert_element_type3A, %sub3A_1428 : vector<8x512xf32>
    %mul3A_1430 = arith.mulf %sub3A_1429, %sub3A_1429 : vector<8x512xf32>
    %mul3A_1431 = arith.constant -1.250000e-01 : f32
    %mul3A_1432 = vector.broadcast %mul3A_1431 : f32 to vector<8x512xf32>
    %mul3A_1433 = arith.mulf %mul3A_1430, %mul3A_1432 : vector<8x512xf32>
    %exp3A_1434 = math.exp %mul3A_1433 : vector<8x512xf32>
    %le3A_1435 = arith.constant 3.600000e+01 : f32
    %le3A_1436 = vector.broadcast %le3A_1435 : f32 to vector<8x512xf32>
    %le3A_1437 = arith.cmpf ole, %mul3A_1430, %le3A_1436 : vector<8x512xf32>
    %jit3A_1438 = arith.constant 0.000000e+00 : f32
    %broadcast_in_dim3A_1439 = vector.broadcast %jit3A_1438 : f32 to vector<8x512xf32>
    %select_n3A_1440 = arith.select %le3A_1437, %exp3A_1434, %broadcast_in_dim3A_1439 : vector<8x512xi1>, vector<8x512xf32>
    %swap3A_1441 = arith.constant 69 : index
    %swap3A_1442 = arith.constant 0 : index
    %swap3A_1443 = arith.constant 0 : index
    %swap3A_1444 = vector.load %arg3[%swap3A_1441, %swap3A_1442, %swap3A_1443] : memref<106x8x512xf32, #tpu.memory_space<vmem>>, vector<1x8x512xf32>
    %swap3A_1445 = vector.shape_cast %swap3A_1444 : vector<1x8x512xf32> to vector<8x512xf32>
    %swap3A_1446 = vector.shape_cast %select_n3A_1440 : vector<8x512xf32> to vector<1x8x512xf32>
    tpu.vector_store %arg3[%swap3A_1441, %swap3A_1442, %swap3A_1443], %swap3A_1446 {strides = array<i32>} : memref<106x8x512xf32, #tpu.memory_space<vmem>>, vector<1x8x512xf32>,
    %slice3A_1447 = vector.extract_strided_slice %convert_element_type3A_50 {offsets = [0, 70], sizes = [8, 1], strides = [1, 1]} : vector<8x106xf32> to vector<8x1xf32>
    %sub3A_1448 = vector.broadcast %slice3A_1447 : vector<8x1xf32> to vector<8x512xf32>
    %sub3A_1449 = arith.subf %convert_element_type3A, %sub3A_1448 : vector<8x512xf32>
    %mul3A_1450 = arith.mulf %sub3A_1449, %sub3A_1449 : vector<8x512xf32>
    %mul3A_1451 = arith.constant -1.250000e-01 : f32
    %mul3A_1452 = vector.broadcast %mul3A_1451 : f32 to vector<8x512xf32>
    %mul3A_1453 = arith.mulf %mul3A_1450, %mul3A_1452 : vector<8x512xf32>
    %exp3A_1454 = math.exp %mul3A_1453 : vector<8x512xf32>
    %le3A_1455 = arith.constant 3.600000e+01 : f32
    %le3A_1456 = vector.broadcast %le3A_1455 : f32 to vector<8x512xf32>
    %le3A_1457 = arith.cmpf ole, %mul3A_1450, %le3A_1456 : vector<8x512xf32>
    %jit3A_1458 = arith.constant 0.000000e+00 : f32
    %broadcast_in_dim3A_1459 = vector.broadcast %jit3A_1458 : f32 to vector<8x512xf32>
    %select_n3A_1460 = arith.select %le3A_1457, %exp3A_1454, %broadcast_in_dim3A_1459 : vector<8x512xi1>, vector<8x512xf32>
    %swap3A_1461 = arith.constant 70 : index
    %swap3A_1462 = arith.constant 0 : index
    %swap3A_1463 = arith.constant 0 : index
    %swap3A_1464 = vector.load %arg3[%swap3A_1461, %swap3A_1462, %swap3A_1463] : memref<106x8x512xf32, #tpu.memory_space<vmem>>, vector<1x8x512xf32>
    %swap3A_1465 = vector.shape_cast %swap3A_1464 : vector<1x8x512xf32> to vector<8x512xf32>
    %swap3A_1466 = vector.shape_cast %select_n3A_1460 : vector<8x512xf32> to vector<1x8x512xf32>
    tpu.vector_store %arg3[%swap3A_1461, %swap3A_1462, %swap3A_1463], %swap3A_1466 {strides = array<i32>} : memref<106x8x512xf32, #tpu.memory_space<vmem>>, vector<1x8x512xf32>,
    %slice3A_1467 = vector.extract_strided_slice %convert_element_type3A_50 {offsets = [0, 71], sizes = [8, 1], strides = [1, 1]} : vector<8x106xf32> to vector<8x1xf32>
    %sub3A_1468 = vector.broadcast %slice3A_1467 : vector<8x1xf32> to vector<8x512xf32>
    %sub3A_1469 = arith.subf %convert_element_type3A, %sub3A_1468 : vector<8x512xf32>
    %mul3A_1470 = arith.mulf %sub3A_1469, %sub3A_1469 : vector<8x512xf32>
    %mul3A_1471 = arith.constant -1.250000e-01 : f32
    %mul3A_1472 = vector.broadcast %mul3A_1471 : f32 to vector<8x512xf32>
    %mul3A_1473 = arith.mulf %mul3A_1470, %mul3A_1472 : vector<8x512xf32>
    %exp3A_1474 = math.exp %mul3A_1473 : vector<8x512xf32>
    %le3A_1475 = arith.constant 3.600000e+01 : f32
    %le3A_1476 = vector.broadcast %le3A_1475 : f32 to vector<8x512xf32>
    %le3A_1477 = arith.cmpf ole, %mul3A_1470, %le3A_1476 : vector<8x512xf32>
    %jit3A_1478 = arith.constant 0.000000e+00 : f32
    %broadcast_in_dim3A_1479 = vector.broadcast %jit3A_1478 : f32 to vector<8x512xf32>
    %select_n3A_1480 = arith.select %le3A_1477, %exp3A_1474, %broadcast_in_dim3A_1479 : vector<8x512xi1>, vector<8x512xf32>
    %swap3A_1481 = arith.constant 71 : index
    %swap3A_1482 = arith.constant 0 : index
    %swap3A_1483 = arith.constant 0 : index
    %swap3A_1484 = vector.load %arg3[%swap3A_1481, %swap3A_1482, %swap3A_1483] : memref<106x8x512xf32, #tpu.memory_space<vmem>>, vector<1x8x512xf32>
    %swap3A_1485 = vector.shape_cast %swap3A_1484 : vector<1x8x512xf32> to vector<8x512xf32>
    %swap3A_1486 = vector.shape_cast %select_n3A_1480 : vector<8x512xf32> to vector<1x8x512xf32>
    tpu.vector_store %arg3[%swap3A_1481, %swap3A_1482, %swap3A_1483], %swap3A_1486 {strides = array<i32>} : memref<106x8x512xf32, #tpu.memory_space<vmem>>, vector<1x8x512xf32>,
    %slice3A_1487 = vector.extract_strided_slice %convert_element_type3A_50 {offsets = [0, 72], sizes = [8, 1], strides = [1, 1]} : vector<8x106xf32> to vector<8x1xf32>
    %sub3A_1488 = vector.broadcast %slice3A_1487 : vector<8x1xf32> to vector<8x512xf32>
    %sub3A_1489 = arith.subf %convert_element_type3A, %sub3A_1488 : vector<8x512xf32>
    %mul3A_1490 = arith.mulf %sub3A_1489, %sub3A_1489 : vector<8x512xf32>
    %mul3A_1491 = arith.constant -1.250000e-01 : f32
    %mul3A_1492 = vector.broadcast %mul3A_1491 : f32 to vector<8x512xf32>
    %mul3A_1493 = arith.mulf %mul3A_1490, %mul3A_1492 : vector<8x512xf32>
    %exp3A_1494 = math.exp %mul3A_1493 : vector<8x512xf32>
    %le3A_1495 = arith.constant 3.600000e+01 : f32
    %le3A_1496 = vector.broadcast %le3A_1495 : f32 to vector<8x512xf32>
    %le3A_1497 = arith.cmpf ole, %mul3A_1490, %le3A_1496 : vector<8x512xf32>
    %jit3A_1498 = arith.constant 0.000000e+00 : f32
    %broadcast_in_dim3A_1499 = vector.broadcast %jit3A_1498 : f32 to vector<8x512xf32>
    %select_n3A_1500 = arith.select %le3A_1497, %exp3A_1494, %broadcast_in_dim3A_1499 : vector<8x512xi1>, vector<8x512xf32>
    %swap3A_1501 = arith.constant 72 : index
    %swap3A_1502 = arith.constant 0 : index
    %swap3A_1503 = arith.constant 0 : index
    %swap3A_1504 = vector.load %arg3[%swap3A_1501, %swap3A_1502, %swap3A_1503] : memref<106x8x512xf32, #tpu.memory_space<vmem>>, vector<1x8x512xf32>
    %swap3A_1505 = vector.shape_cast %swap3A_1504 : vector<1x8x512xf32> to vector<8x512xf32>
    %swap3A_1506 = vector.shape_cast %select_n3A_1500 : vector<8x512xf32> to vector<1x8x512xf32>
    tpu.vector_store %arg3[%swap3A_1501, %swap3A_1502, %swap3A_1503], %swap3A_1506 {strides = array<i32>} : memref<106x8x512xf32, #tpu.memory_space<vmem>>, vector<1x8x512xf32>,
    %slice3A_1507 = vector.extract_strided_slice %convert_element_type3A_50 {offsets = [0, 73], sizes = [8, 1], strides = [1, 1]} : vector<8x106xf32> to vector<8x1xf32>
    %sub3A_1508 = vector.broadcast %slice3A_1507 : vector<8x1xf32> to vector<8x512xf32>
    %sub3A_1509 = arith.subf %convert_element_type3A, %sub3A_1508 : vector<8x512xf32>
    %mul3A_1510 = arith.mulf %sub3A_1509, %sub3A_1509 : vector<8x512xf32>
    %mul3A_1511 = arith.constant -1.250000e-01 : f32
    %mul3A_1512 = vector.broadcast %mul3A_1511 : f32 to vector<8x512xf32>
    %mul3A_1513 = arith.mulf %mul3A_1510, %mul3A_1512 : vector<8x512xf32>
    %exp3A_1514 = math.exp %mul3A_1513 : vector<8x512xf32>
    %le3A_1515 = arith.constant 3.600000e+01 : f32
    %le3A_1516 = vector.broadcast %le3A_1515 : f32 to vector<8x512xf32>
    %le3A_1517 = arith.cmpf ole, %mul3A_1510, %le3A_1516 : vector<8x512xf32>
    %jit3A_1518 = arith.constant 0.000000e+00 : f32
    %broadcast_in_dim3A_1519 = vector.broadcast %jit3A_1518 : f32 to vector<8x512xf32>
    %select_n3A_1520 = arith.select %le3A_1517, %exp3A_1514, %broadcast_in_dim3A_1519 : vector<8x512xi1>, vector<8x512xf32>
    %swap3A_1521 = arith.constant 73 : index
    %swap3A_1522 = arith.constant 0 : index
    %swap3A_1523 = arith.constant 0 : index
    %swap3A_1524 = vector.load %arg3[%swap3A_1521, %swap3A_1522, %swap3A_1523] : memref<106x8x512xf32, #tpu.memory_space<vmem>>, vector<1x8x512xf32>
    %swap3A_1525 = vector.shape_cast %swap3A_1524 : vector<1x8x512xf32> to vector<8x512xf32>
    %swap3A_1526 = vector.shape_cast %select_n3A_1520 : vector<8x512xf32> to vector<1x8x512xf32>
    tpu.vector_store %arg3[%swap3A_1521, %swap3A_1522, %swap3A_1523], %swap3A_1526 {strides = array<i32>} : memref<106x8x512xf32, #tpu.memory_space<vmem>>, vector<1x8x512xf32>,
    %slice3A_1527 = vector.extract_strided_slice %convert_element_type3A_50 {offsets = [0, 74], sizes = [8, 1], strides = [1, 1]} : vector<8x106xf32> to vector<8x1xf32>
    %sub3A_1528 = vector.broadcast %slice3A_1527 : vector<8x1xf32> to vector<8x512xf32>
    %sub3A_1529 = arith.subf %convert_element_type3A, %sub3A_1528 : vector<8x512xf32>
    %mul3A_1530 = arith.mulf %sub3A_1529, %sub3A_1529 : vector<8x512xf32>
    %mul3A_1531 = arith.constant -1.250000e-01 : f32
    %mul3A_1532 = vector.broadcast %mul3A_1531 : f32 to vector<8x512xf32>
    %mul3A_1533 = arith.mulf %mul3A_1530, %mul3A_1532 : vector<8x512xf32>
    %exp3A_1534 = math.exp %mul3A_1533 : vector<8x512xf32>
    %le3A_1535 = arith.constant 3.600000e+01 : f32
    %le3A_1536 = vector.broadcast %le3A_1535 : f32 to vector<8x512xf32>
    %le3A_1537 = arith.cmpf ole, %mul3A_1530, %le3A_1536 : vector<8x512xf32>
    %jit3A_1538 = arith.constant 0.000000e+00 : f32
    %broadcast_in_dim3A_1539 = vector.broadcast %jit3A_1538 : f32 to vector<8x512xf32>
    %select_n3A_1540 = arith.select %le3A_1537, %exp3A_1534, %broadcast_in_dim3A_1539 : vector<8x512xi1>, vector<8x512xf32>
    %swap3A_1541 = arith.constant 74 : index
    %swap3A_1542 = arith.constant 0 : index
    %swap3A_1543 = arith.constant 0 : index
    %swap3A_1544 = vector.load %arg3[%swap3A_1541, %swap3A_1542, %swap3A_1543] : memref<106x8x512xf32, #tpu.memory_space<vmem>>, vector<1x8x512xf32>
    %swap3A_1545 = vector.shape_cast %swap3A_1544 : vector<1x8x512xf32> to vector<8x512xf32>
    %swap3A_1546 = vector.shape_cast %select_n3A_1540 : vector<8x512xf32> to vector<1x8x512xf32>
    tpu.vector_store %arg3[%swap3A_1541, %swap3A_1542, %swap3A_1543], %swap3A_1546 {strides = array<i32>} : memref<106x8x512xf32, #tpu.memory_space<vmem>>, vector<1x8x512xf32>,
    %slice3A_1547 = vector.extract_strided_slice %convert_element_type3A_50 {offsets = [0, 75], sizes = [8, 1], strides = [1, 1]} : vector<8x106xf32> to vector<8x1xf32>
    %sub3A_1548 = vector.broadcast %slice3A_1547 : vector<8x1xf32> to vector<8x512xf32>
    %sub3A_1549 = arith.subf %convert_element_type3A, %sub3A_1548 : vector<8x512xf32>
    %mul3A_1550 = arith.mulf %sub3A_1549, %sub3A_1549 : vector<8x512xf32>
    %mul3A_1551 = arith.constant -1.250000e-01 : f32
    %mul3A_1552 = vector.broadcast %mul3A_1551 : f32 to vector<8x512xf32>
    %mul3A_1553 = arith.mulf %mul3A_1550, %mul3A_1552 : vector<8x512xf32>
    %exp3A_1554 = math.exp %mul3A_1553 : vector<8x512xf32>
    %le3A_1555 = arith.constant 3.600000e+01 : f32
    %le3A_1556 = vector.broadcast %le3A_1555 : f32 to vector<8x512xf32>
    %le3A_1557 = arith.cmpf ole, %mul3A_1550, %le3A_1556 : vector<8x512xf32>
    %jit3A_1558 = arith.constant 0.000000e+00 : f32
    %broadcast_in_dim3A_1559 = vector.broadcast %jit3A_1558 : f32 to vector<8x512xf32>
    %select_n3A_1560 = arith.select %le3A_1557, %exp3A_1554, %broadcast_in_dim3A_1559 : vector<8x512xi1>, vector<8x512xf32>
    %swap3A_1561 = arith.constant 75 : index
    %swap3A_1562 = arith.constant 0 : index
    %swap3A_1563 = arith.constant 0 : index
    %swap3A_1564 = vector.load %arg3[%swap3A_1561, %swap3A_1562, %swap3A_1563] : memref<106x8x512xf32, #tpu.memory_space<vmem>>, vector<1x8x512xf32>
    %swap3A_1565 = vector.shape_cast %swap3A_1564 : vector<1x8x512xf32> to vector<8x512xf32>
    %swap3A_1566 = vector.shape_cast %select_n3A_1560 : vector<8x512xf32> to vector<1x8x512xf32>
    tpu.vector_store %arg3[%swap3A_1561, %swap3A_1562, %swap3A_1563], %swap3A_1566 {strides = array<i32>} : memref<106x8x512xf32, #tpu.memory_space<vmem>>, vector<1x8x512xf32>,
    %slice3A_1567 = vector.extract_strided_slice %convert_element_type3A_50 {offsets = [0, 76], sizes = [8, 1], strides = [1, 1]} : vector<8x106xf32> to vector<8x1xf32>
    %sub3A_1568 = vector.broadcast %slice3A_1567 : vector<8x1xf32> to vector<8x512xf32>
    %sub3A_1569 = arith.subf %convert_element_type3A, %sub3A_1568 : vector<8x512xf32>
    %mul3A_1570 = arith.mulf %sub3A_1569, %sub3A_1569 : vector<8x512xf32>
    %mul3A_1571 = arith.constant -1.250000e-01 : f32
    %mul3A_1572 = vector.broadcast %mul3A_1571 : f32 to vector<8x512xf32>
    %mul3A_1573 = arith.mulf %mul3A_1570, %mul3A_1572 : vector<8x512xf32>
    %exp3A_1574 = math.exp %mul3A_1573 : vector<8x512xf32>
    %le3A_1575 = arith.constant 3.600000e+01 : f32
    %le3A_1576 = vector.broadcast %le3A_1575 : f32 to vector<8x512xf32>
    %le3A_1577 = arith.cmpf ole, %mul3A_1570, %le3A_1576 : vector<8x512xf32>
    %jit3A_1578 = arith.constant 0.000000e+00 : f32
    %broadcast_in_dim3A_1579 = vector.broadcast %jit3A_1578 : f32 to vector<8x512xf32>
    %select_n3A_1580 = arith.select %le3A_1577, %exp3A_1574, %broadcast_in_dim3A_1579 : vector<8x512xi1>, vector<8x512xf32>
    %swap3A_1581 = arith.constant 76 : index
    %swap3A_1582 = arith.constant 0 : index
    %swap3A_1583 = arith.constant 0 : index
    %swap3A_1584 = vector.load %arg3[%swap3A_1581, %swap3A_1582, %swap3A_1583] : memref<106x8x512xf32, #tpu.memory_space<vmem>>, vector<1x8x512xf32>
    %swap3A_1585 = vector.shape_cast %swap3A_1584 : vector<1x8x512xf32> to vector<8x512xf32>
    %swap3A_1586 = vector.shape_cast %select_n3A_1580 : vector<8x512xf32> to vector<1x8x512xf32>
    tpu.vector_store %arg3[%swap3A_1581, %swap3A_1582, %swap3A_1583], %swap3A_1586 {strides = array<i32>} : memref<106x8x512xf32, #tpu.memory_space<vmem>>, vector<1x8x512xf32>,
    %slice3A_1587 = vector.extract_strided_slice %convert_element_type3A_50 {offsets = [0, 77], sizes = [8, 1], strides = [1, 1]} : vector<8x106xf32> to vector<8x1xf32>
    %sub3A_1588 = vector.broadcast %slice3A_1587 : vector<8x1xf32> to vector<8x512xf32>
    %sub3A_1589 = arith.subf %convert_element_type3A, %sub3A_1588 : vector<8x512xf32>
    %mul3A_1590 = arith.mulf %sub3A_1589, %sub3A_1589 : vector<8x512xf32>
    %mul3A_1591 = arith.constant -1.250000e-01 : f32
    %mul3A_1592 = vector.broadcast %mul3A_1591 : f32 to vector<8x512xf32>
    %mul3A_1593 = arith.mulf %mul3A_1590, %mul3A_1592 : vector<8x512xf32>
    %exp3A_1594 = math.exp %mul3A_1593 : vector<8x512xf32>
    %le3A_1595 = arith.constant 3.600000e+01 : f32
    %le3A_1596 = vector.broadcast %le3A_1595 : f32 to vector<8x512xf32>
    %le3A_1597 = arith.cmpf ole, %mul3A_1590, %le3A_1596 : vector<8x512xf32>
    %jit3A_1598 = arith.constant 0.000000e+00 : f32
    %broadcast_in_dim3A_1599 = vector.broadcast %jit3A_1598 : f32 to vector<8x512xf32>
    %select_n3A_1600 = arith.select %le3A_1597, %exp3A_1594, %broadcast_in_dim3A_1599 : vector<8x512xi1>, vector<8x512xf32>
    %swap3A_1601 = arith.constant 77 : index
    %swap3A_1602 = arith.constant 0 : index
    %swap3A_1603 = arith.constant 0 : index
    %swap3A_1604 = vector.load %arg3[%swap3A_1601, %swap3A_1602, %swap3A_1603] : memref<106x8x512xf32, #tpu.memory_space<vmem>>, vector<1x8x512xf32>
    %swap3A_1605 = vector.shape_cast %swap3A_1604 : vector<1x8x512xf32> to vector<8x512xf32>
    %swap3A_1606 = vector.shape_cast %select_n3A_1600 : vector<8x512xf32> to vector<1x8x512xf32>
    tpu.vector_store %arg3[%swap3A_1601, %swap3A_1602, %swap3A_1603], %swap3A_1606 {strides = array<i32>} : memref<106x8x512xf32, #tpu.memory_space<vmem>>, vector<1x8x512xf32>,
    %slice3A_1607 = vector.extract_strided_slice %convert_element_type3A_50 {offsets = [0, 78], sizes = [8, 1], strides = [1, 1]} : vector<8x106xf32> to vector<8x1xf32>
    %sub3A_1608 = vector.broadcast %slice3A_1607 : vector<8x1xf32> to vector<8x512xf32>
    %sub3A_1609 = arith.subf %convert_element_type3A, %sub3A_1608 : vector<8x512xf32>
    %mul3A_1610 = arith.mulf %sub3A_1609, %sub3A_1609 : vector<8x512xf32>
    %mul3A_1611 = arith.constant -1.250000e-01 : f32
    %mul3A_1612 = vector.broadcast %mul3A_1611 : f32 to vector<8x512xf32>
    %mul3A_1613 = arith.mulf %mul3A_1610, %mul3A_1612 : vector<8x512xf32>
    %exp3A_1614 = math.exp %mul3A_1613 : vector<8x512xf32>
    %le3A_1615 = arith.constant 3.600000e+01 : f32
    %le3A_1616 = vector.broadcast %le3A_1615 : f32 to vector<8x512xf32>
    %le3A_1617 = arith.cmpf ole, %mul3A_1610, %le3A_1616 : vector<8x512xf32>
    %jit3A_1618 = arith.constant 0.000000e+00 : f32
    %broadcast_in_dim3A_1619 = vector.broadcast %jit3A_1618 : f32 to vector<8x512xf32>
    %select_n3A_1620 = arith.select %le3A_1617, %exp3A_1614, %broadcast_in_dim3A_1619 : vector<8x512xi1>, vector<8x512xf32>
    %swap3A_1621 = arith.constant 78 : index
    %swap3A_1622 = arith.constant 0 : index
    %swap3A_1623 = arith.constant 0 : index
    %swap3A_1624 = vector.load %arg3[%swap3A_1621, %swap3A_1622, %swap3A_1623] : memref<106x8x512xf32, #tpu.memory_space<vmem>>, vector<1x8x512xf32>
    %swap3A_1625 = vector.shape_cast %swap3A_1624 : vector<1x8x512xf32> to vector<8x512xf32>
    %swap3A_1626 = vector.shape_cast %select_n3A_1620 : vector<8x512xf32> to vector<1x8x512xf32>
    tpu.vector_store %arg3[%swap3A_1621, %swap3A_1622, %swap3A_1623], %swap3A_1626 {strides = array<i32>} : memref<106x8x512xf32, #tpu.memory_space<vmem>>, vector<1x8x512xf32>,
    %slice3A_1627 = vector.extract_strided_slice %convert_element_type3A_50 {offsets = [0, 79], sizes = [8, 1], strides = [1, 1]} : vector<8x106xf32> to vector<8x1xf32>
    %sub3A_1628 = vector.broadcast %slice3A_1627 : vector<8x1xf32> to vector<8x512xf32>
    %sub3A_1629 = arith.subf %convert_element_type3A, %sub3A_1628 : vector<8x512xf32>
    %mul3A_1630 = arith.mulf %sub3A_1629, %sub3A_1629 : vector<8x512xf32>
    %mul3A_1631 = arith.constant -1.250000e-01 : f32
    %mul3A_1632 = vector.broadcast %mul3A_1631 : f32 to vector<8x512xf32>
    %mul3A_1633 = arith.mulf %mul3A_1630, %mul3A_1632 : vector<8x512xf32>
    %exp3A_1634 = math.exp %mul3A_1633 : vector<8x512xf32>
    %le3A_1635 = arith.constant 3.600000e+01 : f32
    %le3A_1636 = vector.broadcast %le3A_1635 : f32 to vector<8x512xf32>
    %le3A_1637 = arith.cmpf ole, %mul3A_1630, %le3A_1636 : vector<8x512xf32>
    %jit3A_1638 = arith.constant 0.000000e+00 : f32
    %broadcast_in_dim3A_1639 = vector.broadcast %jit3A_1638 : f32 to vector<8x512xf32>
    %select_n3A_1640 = arith.select %le3A_1637, %exp3A_1634, %broadcast_in_dim3A_1639 : vector<8x512xi1>, vector<8x512xf32>
    %swap3A_1641 = arith.constant 79 : index
    %swap3A_1642 = arith.constant 0 : index
    %swap3A_1643 = arith.constant 0 : index
    %swap3A_1644 = vector.load %arg3[%swap3A_1641, %swap3A_1642, %swap3A_1643] : memref<106x8x512xf32, #tpu.memory_space<vmem>>, vector<1x8x512xf32>
    %swap3A_1645 = vector.shape_cast %swap3A_1644 : vector<1x8x512xf32> to vector<8x512xf32>
    %swap3A_1646 = vector.shape_cast %select_n3A_1640 : vector<8x512xf32> to vector<1x8x512xf32>
    tpu.vector_store %arg3[%swap3A_1641, %swap3A_1642, %swap3A_1643], %swap3A_1646 {strides = array<i32>} : memref<106x8x512xf32, #tpu.memory_space<vmem>>, vector<1x8x512xf32>,
    %slice3A_1647 = vector.extract_strided_slice %convert_element_type3A_50 {offsets = [0, 80], sizes = [8, 1], strides = [1, 1]} : vector<8x106xf32> to vector<8x1xf32>
    %sub3A_1648 = vector.broadcast %slice3A_1647 : vector<8x1xf32> to vector<8x512xf32>
    %sub3A_1649 = arith.subf %convert_element_type3A, %sub3A_1648 : vector<8x512xf32>
    %mul3A_1650 = arith.mulf %sub3A_1649, %sub3A_1649 : vector<8x512xf32>
    %mul3A_1651 = arith.constant -1.250000e-01 : f32
    %mul3A_1652 = vector.broadcast %mul3A_1651 : f32 to vector<8x512xf32>
    %mul3A_1653 = arith.mulf %mul3A_1650, %mul3A_1652 : vector<8x512xf32>
    %exp3A_1654 = math.exp %mul3A_1653 : vector<8x512xf32>
    %le3A_1655 = arith.constant 3.600000e+01 : f32
    %le3A_1656 = vector.broadcast %le3A_1655 : f32 to vector<8x512xf32>
    %le3A_1657 = arith.cmpf ole, %mul3A_1650, %le3A_1656 : vector<8x512xf32>
    %jit3A_1658 = arith.constant 0.000000e+00 : f32
    %broadcast_in_dim3A_1659 = vector.broadcast %jit3A_1658 : f32 to vector<8x512xf32>
    %select_n3A_1660 = arith.select %le3A_1657, %exp3A_1654, %broadcast_in_dim3A_1659 : vector<8x512xi1>, vector<8x512xf32>
    %swap3A_1661 = arith.constant 80 : index
    %swap3A_1662 = arith.constant 0 : index
    %swap3A_1663 = arith.constant 0 : index
    %swap3A_1664 = vector.load %arg3[%swap3A_1661, %swap3A_1662, %swap3A_1663] : memref<106x8x512xf32, #tpu.memory_space<vmem>>, vector<1x8x512xf32>
    %swap3A_1665 = vector.shape_cast %swap3A_1664 : vector<1x8x512xf32> to vector<8x512xf32>
    %swap3A_1666 = vector.shape_cast %select_n3A_1660 : vector<8x512xf32> to vector<1x8x512xf32>
    tpu.vector_store %arg3[%swap3A_1661, %swap3A_1662, %swap3A_1663], %swap3A_1666 {strides = array<i32>} : memref<106x8x512xf32, #tpu.memory_space<vmem>>, vector<1x8x512xf32>,
    %slice3A_1667 = vector.extract_strided_slice %convert_element_type3A_50 {offsets = [0, 81], sizes = [8, 1], strides = [1, 1]} : vector<8x106xf32> to vector<8x1xf32>
    %sub3A_1668 = vector.broadcast %slice3A_1667 : vector<8x1xf32> to vector<8x512xf32>
    %sub3A_1669 = arith.subf %convert_element_type3A, %sub3A_1668 : vector<8x512xf32>
    %mul3A_1670 = arith.mulf %sub3A_1669, %sub3A_1669 : vector<8x512xf32>
    %mul3A_1671 = arith.constant -1.250000e-01 : f32
    %mul3A_1672 = vector.broadcast %mul3A_1671 : f32 to vector<8x512xf32>
    %mul3A_1673 = arith.mulf %mul3A_1670, %mul3A_1672 : vector<8x512xf32>
    %exp3A_1674 = math.exp %mul3A_1673 : vector<8x512xf32>
    %le3A_1675 = arith.constant 3.600000e+01 : f32
    %le3A_1676 = vector.broadcast %le3A_1675 : f32 to vector<8x512xf32>
    %le3A_1677 = arith.cmpf ole, %mul3A_1670, %le3A_1676 : vector<8x512xf32>
    %jit3A_1678 = arith.constant 0.000000e+00 : f32
    %broadcast_in_dim3A_1679 = vector.broadcast %jit3A_1678 : f32 to vector<8x512xf32>
    %select_n3A_1680 = arith.select %le3A_1677, %exp3A_1674, %broadcast_in_dim3A_1679 : vector<8x512xi1>, vector<8x512xf32>
    %swap3A_1681 = arith.constant 81 : index
    %swap3A_1682 = arith.constant 0 : index
    %swap3A_1683 = arith.constant 0 : index
    %swap3A_1684 = vector.load %arg3[%swap3A_1681, %swap3A_1682, %swap3A_1683] : memref<106x8x512xf32, #tpu.memory_space<vmem>>, vector<1x8x512xf32>
    %swap3A_1685 = vector.shape_cast %swap3A_1684 : vector<1x8x512xf32> to vector<8x512xf32>
    %swap3A_1686 = vector.shape_cast %select_n3A_1680 : vector<8x512xf32> to vector<1x8x512xf32>
    tpu.vector_store %arg3[%swap3A_1681, %swap3A_1682, %swap3A_1683], %swap3A_1686 {strides = array<i32>} : memref<106x8x512xf32, #tpu.memory_space<vmem>>, vector<1x8x512xf32>,
    %slice3A_1687 = vector.extract_strided_slice %convert_element_type3A_50 {offsets = [0, 82], sizes = [8, 1], strides = [1, 1]} : vector<8x106xf32> to vector<8x1xf32>
    %sub3A_1688 = vector.broadcast %slice3A_1687 : vector<8x1xf32> to vector<8x512xf32>
    %sub3A_1689 = arith.subf %convert_element_type3A, %sub3A_1688 : vector<8x512xf32>
    %mul3A_1690 = arith.mulf %sub3A_1689, %sub3A_1689 : vector<8x512xf32>
    %mul3A_1691 = arith.constant -1.250000e-01 : f32
    %mul3A_1692 = vector.broadcast %mul3A_1691 : f32 to vector<8x512xf32>
    %mul3A_1693 = arith.mulf %mul3A_1690, %mul3A_1692 : vector<8x512xf32>
    %exp3A_1694 = math.exp %mul3A_1693 : vector<8x512xf32>
    %le3A_1695 = arith.constant 3.600000e+01 : f32
    %le3A_1696 = vector.broadcast %le3A_1695 : f32 to vector<8x512xf32>
    %le3A_1697 = arith.cmpf ole, %mul3A_1690, %le3A_1696 : vector<8x512xf32>
    %jit3A_1698 = arith.constant 0.000000e+00 : f32
    %broadcast_in_dim3A_1699 = vector.broadcast %jit3A_1698 : f32 to vector<8x512xf32>
    %select_n3A_1700 = arith.select %le3A_1697, %exp3A_1694, %broadcast_in_dim3A_1699 : vector<8x512xi1>, vector<8x512xf32>
    %swap3A_1701 = arith.constant 82 : index
    %swap3A_1702 = arith.constant 0 : index
    %swap3A_1703 = arith.constant 0 : index
    %swap3A_1704 = vector.load %arg3[%swap3A_1701, %swap3A_1702, %swap3A_1703] : memref<106x8x512xf32, #tpu.memory_space<vmem>>, vector<1x8x512xf32>
    %swap3A_1705 = vector.shape_cast %swap3A_1704 : vector<1x8x512xf32> to vector<8x512xf32>
    %swap3A_1706 = vector.shape_cast %select_n3A_1700 : vector<8x512xf32> to vector<1x8x512xf32>
    tpu.vector_store %arg3[%swap3A_1701, %swap3A_1702, %swap3A_1703], %swap3A_1706 {strides = array<i32>} : memref<106x8x512xf32, #tpu.memory_space<vmem>>, vector<1x8x512xf32>,
    %slice3A_1707 = vector.extract_strided_slice %convert_element_type3A_50 {offsets = [0, 83], sizes = [8, 1], strides = [1, 1]} : vector<8x106xf32> to vector<8x1xf32>
    %sub3A_1708 = vector.broadcast %slice3A_1707 : vector<8x1xf32> to vector<8x512xf32>
    %sub3A_1709 = arith.subf %convert_element_type3A, %sub3A_1708 : vector<8x512xf32>
    %mul3A_1710 = arith.mulf %sub3A_1709, %sub3A_1709 : vector<8x512xf32>
    %mul3A_1711 = arith.constant -1.250000e-01 : f32
    %mul3A_1712 = vector.broadcast %mul3A_1711 : f32 to vector<8x512xf32>
    %mul3A_1713 = arith.mulf %mul3A_1710, %mul3A_1712 : vector<8x512xf32>
    %exp3A_1714 = math.exp %mul3A_1713 : vector<8x512xf32>
    %le3A_1715 = arith.constant 3.600000e+01 : f32
    %le3A_1716 = vector.broadcast %le3A_1715 : f32 to vector<8x512xf32>
    %le3A_1717 = arith.cmpf ole, %mul3A_1710, %le3A_1716 : vector<8x512xf32>
    %jit3A_1718 = arith.constant 0.000000e+00 : f32
    %broadcast_in_dim3A_1719 = vector.broadcast %jit3A_1718 : f32 to vector<8x512xf32>
    %select_n3A_1720 = arith.select %le3A_1717, %exp3A_1714, %broadcast_in_dim3A_1719 : vector<8x512xi1>, vector<8x512xf32>
    %swap3A_1721 = arith.constant 83 : index
    %swap3A_1722 = arith.constant 0 : index
    %swap3A_1723 = arith.constant 0 : index
    %swap3A_1724 = vector.load %arg3[%swap3A_1721, %swap3A_1722, %swap3A_1723] : memref<106x8x512xf32, #tpu.memory_space<vmem>>, vector<1x8x512xf32>
    %swap3A_1725 = vector.shape_cast %swap3A_1724 : vector<1x8x512xf32> to vector<8x512xf32>
    %swap3A_1726 = vector.shape_cast %select_n3A_1720 : vector<8x512xf32> to vector<1x8x512xf32>
    tpu.vector_store %arg3[%swap3A_1721, %swap3A_1722, %swap3A_1723], %swap3A_1726 {strides = array<i32>} : memref<106x8x512xf32, #tpu.memory_space<vmem>>, vector<1x8x512xf32>,
    %slice3A_1727 = vector.extract_strided_slice %convert_element_type3A_50 {offsets = [0, 84], sizes = [8, 1], strides = [1, 1]} : vector<8x106xf32> to vector<8x1xf32>
    %sub3A_1728 = vector.broadcast %slice3A_1727 : vector<8x1xf32> to vector<8x512xf32>
    %sub3A_1729 = arith.subf %convert_element_type3A, %sub3A_1728 : vector<8x512xf32>
    %mul3A_1730 = arith.mulf %sub3A_1729, %sub3A_1729 : vector<8x512xf32>
    %mul3A_1731 = arith.constant -1.250000e-01 : f32
    %mul3A_1732 = vector.broadcast %mul3A_1731 : f32 to vector<8x512xf32>
    %mul3A_1733 = arith.mulf %mul3A_1730, %mul3A_1732 : vector<8x512xf32>
    %exp3A_1734 = math.exp %mul3A_1733 : vector<8x512xf32>
    %le3A_1735 = arith.constant 3.600000e+01 : f32
    %le3A_1736 = vector.broadcast %le3A_1735 : f32 to vector<8x512xf32>
    %le3A_1737 = arith.cmpf ole, %mul3A_1730, %le3A_1736 : vector<8x512xf32>
    %jit3A_1738 = arith.constant 0.000000e+00 : f32
    %broadcast_in_dim3A_1739 = vector.broadcast %jit3A_1738 : f32 to vector<8x512xf32>
    %select_n3A_1740 = arith.select %le3A_1737, %exp3A_1734, %broadcast_in_dim3A_1739 : vector<8x512xi1>, vector<8x512xf32>
    %swap3A_1741 = arith.constant 84 : index
    %swap3A_1742 = arith.constant 0 : index
    %swap3A_1743 = arith.constant 0 : index
    %swap3A_1744 = vector.load %arg3[%swap3A_1741, %swap3A_1742, %swap3A_1743] : memref<106x8x512xf32, #tpu.memory_space<vmem>>, vector<1x8x512xf32>
    %swap3A_1745 = vector.shape_cast %swap3A_1744 : vector<1x8x512xf32> to vector<8x512xf32>
    %swap3A_1746 = vector.shape_cast %select_n3A_1740 : vector<8x512xf32> to vector<1x8x512xf32>
    tpu.vector_store %arg3[%swap3A_1741, %swap3A_1742, %swap3A_1743], %swap3A_1746 {strides = array<i32>} : memref<106x8x512xf32, #tpu.memory_space<vmem>>, vector<1x8x512xf32>,
    %slice3A_1747 = vector.extract_strided_slice %convert_element_type3A_50 {offsets = [0, 85], sizes = [8, 1], strides = [1, 1]} : vector<8x106xf32> to vector<8x1xf32>
    %sub3A_1748 = vector.broadcast %slice3A_1747 : vector<8x1xf32> to vector<8x512xf32>
    %sub3A_1749 = arith.subf %convert_element_type3A, %sub3A_1748 : vector<8x512xf32>
    %mul3A_1750 = arith.mulf %sub3A_1749, %sub3A_1749 : vector<8x512xf32>
    %mul3A_1751 = arith.constant -1.250000e-01 : f32
    %mul3A_1752 = vector.broadcast %mul3A_1751 : f32 to vector<8x512xf32>
    %mul3A_1753 = arith.mulf %mul3A_1750, %mul3A_1752 : vector<8x512xf32>
    %exp3A_1754 = math.exp %mul3A_1753 : vector<8x512xf32>
    %le3A_1755 = arith.constant 3.600000e+01 : f32
    %le3A_1756 = vector.broadcast %le3A_1755 : f32 to vector<8x512xf32>
    %le3A_1757 = arith.cmpf ole, %mul3A_1750, %le3A_1756 : vector<8x512xf32>
    %jit3A_1758 = arith.constant 0.000000e+00 : f32
    %broadcast_in_dim3A_1759 = vector.broadcast %jit3A_1758 : f32 to vector<8x512xf32>
    %select_n3A_1760 = arith.select %le3A_1757, %exp3A_1754, %broadcast_in_dim3A_1759 : vector<8x512xi1>, vector<8x512xf32>
    %swap3A_1761 = arith.constant 85 : index
    %swap3A_1762 = arith.constant 0 : index
    %swap3A_1763 = arith.constant 0 : index
    %swap3A_1764 = vector.load %arg3[%swap3A_1761, %swap3A_1762, %swap3A_1763] : memref<106x8x512xf32, #tpu.memory_space<vmem>>, vector<1x8x512xf32>
    %swap3A_1765 = vector.shape_cast %swap3A_1764 : vector<1x8x512xf32> to vector<8x512xf32>
    %swap3A_1766 = vector.shape_cast %select_n3A_1760 : vector<8x512xf32> to vector<1x8x512xf32>
    tpu.vector_store %arg3[%swap3A_1761, %swap3A_1762, %swap3A_1763], %swap3A_1766 {strides = array<i32>} : memref<106x8x512xf32, #tpu.memory_space<vmem>>, vector<1x8x512xf32>,
    %slice3A_1767 = vector.extract_strided_slice %convert_element_type3A_50 {offsets = [0, 86], sizes = [8, 1], strides = [1, 1]} : vector<8x106xf32> to vector<8x1xf32>
    %sub3A_1768 = vector.broadcast %slice3A_1767 : vector<8x1xf32> to vector<8x512xf32>
    %sub3A_1769 = arith.subf %convert_element_type3A, %sub3A_1768 : vector<8x512xf32>
    %mul3A_1770 = arith.mulf %sub3A_1769, %sub3A_1769 : vector<8x512xf32>
    %mul3A_1771 = arith.constant -1.250000e-01 : f32
    %mul3A_1772 = vector.broadcast %mul3A_1771 : f32 to vector<8x512xf32>
    %mul3A_1773 = arith.mulf %mul3A_1770, %mul3A_1772 : vector<8x512xf32>
    %exp3A_1774 = math.exp %mul3A_1773 : vector<8x512xf32>
    %le3A_1775 = arith.constant 3.600000e+01 : f32
    %le3A_1776 = vector.broadcast %le3A_1775 : f32 to vector<8x512xf32>
    %le3A_1777 = arith.cmpf ole, %mul3A_1770, %le3A_1776 : vector<8x512xf32>
    %jit3A_1778 = arith.constant 0.000000e+00 : f32
    %broadcast_in_dim3A_1779 = vector.broadcast %jit3A_1778 : f32 to vector<8x512xf32>
    %select_n3A_1780 = arith.select %le3A_1777, %exp3A_1774, %broadcast_in_dim3A_1779 : vector<8x512xi1>, vector<8x512xf32>
    %swap3A_1781 = arith.constant 86 : index
    %swap3A_1782 = arith.constant 0 : index
    %swap3A_1783 = arith.constant 0 : index
    %swap3A_1784 = vector.load %arg3[%swap3A_1781, %swap3A_1782, %swap3A_1783] : memref<106x8x512xf32, #tpu.memory_space<vmem>>, vector<1x8x512xf32>
    %swap3A_1785 = vector.shape_cast %swap3A_1784 : vector<1x8x512xf32> to vector<8x512xf32>
    %swap3A_1786 = vector.shape_cast %select_n3A_1780 : vector<8x512xf32> to vector<1x8x512xf32>
    tpu.vector_store %arg3[%swap3A_1781, %swap3A_1782, %swap3A_1783], %swap3A_1786 {strides = array<i32>} : memref<106x8x512xf32, #tpu.memory_space<vmem>>, vector<1x8x512xf32>,
    %slice3A_1787 = vector.extract_strided_slice %convert_element_type3A_50 {offsets = [0, 87], sizes = [8, 1], strides = [1, 1]} : vector<8x106xf32> to vector<8x1xf32>
    %sub3A_1788 = vector.broadcast %slice3A_1787 : vector<8x1xf32> to vector<8x512xf32>
    %sub3A_1789 = arith.subf %convert_element_type3A, %sub3A_1788 : vector<8x512xf32>
    %mul3A_1790 = arith.mulf %sub3A_1789, %sub3A_1789 : vector<8x512xf32>
    %mul3A_1791 = arith.constant -1.250000e-01 : f32
    %mul3A_1792 = vector.broadcast %mul3A_1791 : f32 to vector<8x512xf32>
    %mul3A_1793 = arith.mulf %mul3A_1790, %mul3A_1792 : vector<8x512xf32>
    %exp3A_1794 = math.exp %mul3A_1793 : vector<8x512xf32>
    %le3A_1795 = arith.constant 3.600000e+01 : f32
    %le3A_1796 = vector.broadcast %le3A_1795 : f32 to vector<8x512xf32>
    %le3A_1797 = arith.cmpf ole, %mul3A_1790, %le3A_1796 : vector<8x512xf32>
    %jit3A_1798 = arith.constant 0.000000e+00 : f32
    %broadcast_in_dim3A_1799 = vector.broadcast %jit3A_1798 : f32 to vector<8x512xf32>
    %select_n3A_1800 = arith.select %le3A_1797, %exp3A_1794, %broadcast_in_dim3A_1799 : vector<8x512xi1>, vector<8x512xf32>
    %swap3A_1801 = arith.constant 87 : index
    %swap3A_1802 = arith.constant 0 : index
    %swap3A_1803 = arith.constant 0 : index
    %swap3A_1804 = vector.load %arg3[%swap3A_1801, %swap3A_1802, %swap3A_1803] : memref<106x8x512xf32, #tpu.memory_space<vmem>>, vector<1x8x512xf32>
    %swap3A_1805 = vector.shape_cast %swap3A_1804 : vector<1x8x512xf32> to vector<8x512xf32>
    %swap3A_1806 = vector.shape_cast %select_n3A_1800 : vector<8x512xf32> to vector<1x8x512xf32>
    tpu.vector_store %arg3[%swap3A_1801, %swap3A_1802, %swap3A_1803], %swap3A_1806 {strides = array<i32>} : memref<106x8x512xf32, #tpu.memory_space<vmem>>, vector<1x8x512xf32>,
    %slice3A_1807 = vector.extract_strided_slice %convert_element_type3A_50 {offsets = [0, 88], sizes = [8, 1], strides = [1, 1]} : vector<8x106xf32> to vector<8x1xf32>
    %sub3A_1808 = vector.broadcast %slice3A_1807 : vector<8x1xf32> to vector<8x512xf32>
    %sub3A_1809 = arith.subf %convert_element_type3A, %sub3A_1808 : vector<8x512xf32>
    %mul3A_1810 = arith.mulf %sub3A_1809, %sub3A_1809 : vector<8x512xf32>
    %mul3A_1811 = arith.constant -1.250000e-01 : f32
    %mul3A_1812 = vector.broadcast %mul3A_1811 : f32 to vector<8x512xf32>
    %mul3A_1813 = arith.mulf %mul3A_1810, %mul3A_1812 : vector<8x512xf32>
    %exp3A_1814 = math.exp %mul3A_1813 : vector<8x512xf32>
    %le3A_1815 = arith.constant 3.600000e+01 : f32
    %le3A_1816 = vector.broadcast %le3A_1815 : f32 to vector<8x512xf32>
    %le3A_1817 = arith.cmpf ole, %mul3A_1810, %le3A_1816 : vector<8x512xf32>
    %jit3A_1818 = arith.constant 0.000000e+00 : f32
    %broadcast_in_dim3A_1819 = vector.broadcast %jit3A_1818 : f32 to vector<8x512xf32>
    %select_n3A_1820 = arith.select %le3A_1817, %exp3A_1814, %broadcast_in_dim3A_1819 : vector<8x512xi1>, vector<8x512xf32>
    %swap3A_1821 = arith.constant 88 : index
    %swap3A_1822 = arith.constant 0 : index
    %swap3A_1823 = arith.constant 0 : index
    %swap3A_1824 = vector.load %arg3[%swap3A_1821, %swap3A_1822, %swap3A_1823] : memref<106x8x512xf32, #tpu.memory_space<vmem>>, vector<1x8x512xf32>
    %swap3A_1825 = vector.shape_cast %swap3A_1824 : vector<1x8x512xf32> to vector<8x512xf32>
    %swap3A_1826 = vector.shape_cast %select_n3A_1820 : vector<8x512xf32> to vector<1x8x512xf32>
    tpu.vector_store %arg3[%swap3A_1821, %swap3A_1822, %swap3A_1823], %swap3A_1826 {strides = array<i32>} : memref<106x8x512xf32, #tpu.memory_space<vmem>>, vector<1x8x512xf32>,
    %slice3A_1827 = vector.extract_strided_slice %convert_element_type3A_50 {offsets = [0, 89], sizes = [8, 1], strides = [1, 1]} : vector<8x106xf32> to vector<8x1xf32>
    %sub3A_1828 = vector.broadcast %slice3A_1827 : vector<8x1xf32> to vector<8x512xf32>
    %sub3A_1829 = arith.subf %convert_element_type3A, %sub3A_1828 : vector<8x512xf32>
    %mul3A_1830 = arith.mulf %sub3A_1829, %sub3A_1829 : vector<8x512xf32>
    %mul3A_1831 = arith.constant -1.250000e-01 : f32
    %mul3A_1832 = vector.broadcast %mul3A_1831 : f32 to vector<8x512xf32>
    %mul3A_1833 = arith.mulf %mul3A_1830, %mul3A_1832 : vector<8x512xf32>
    %exp3A_1834 = math.exp %mul3A_1833 : vector<8x512xf32>
    %le3A_1835 = arith.constant 3.600000e+01 : f32
    %le3A_1836 = vector.broadcast %le3A_1835 : f32 to vector<8x512xf32>
    %le3A_1837 = arith.cmpf ole, %mul3A_1830, %le3A_1836 : vector<8x512xf32>
    %jit3A_1838 = arith.constant 0.000000e+00 : f32
    %broadcast_in_dim3A_1839 = vector.broadcast %jit3A_1838 : f32 to vector<8x512xf32>
    %select_n3A_1840 = arith.select %le3A_1837, %exp3A_1834, %broadcast_in_dim3A_1839 : vector<8x512xi1>, vector<8x512xf32>
    %swap3A_1841 = arith.constant 89 : index
    %swap3A_1842 = arith.constant 0 : index
    %swap3A_1843 = arith.constant 0 : index
    %swap3A_1844 = vector.load %arg3[%swap3A_1841, %swap3A_1842, %swap3A_1843] : memref<106x8x512xf32, #tpu.memory_space<vmem>>, vector<1x8x512xf32>
    %swap3A_1845 = vector.shape_cast %swap3A_1844 : vector<1x8x512xf32> to vector<8x512xf32>
    %swap3A_1846 = vector.shape_cast %select_n3A_1840 : vector<8x512xf32> to vector<1x8x512xf32>
    tpu.vector_store %arg3[%swap3A_1841, %swap3A_1842, %swap3A_1843], %swap3A_1846 {strides = array<i32>} : memref<106x8x512xf32, #tpu.memory_space<vmem>>, vector<1x8x512xf32>,
    %slice3A_1847 = vector.extract_strided_slice %convert_element_type3A_50 {offsets = [0, 90], sizes = [8, 1], strides = [1, 1]} : vector<8x106xf32> to vector<8x1xf32>
    %sub3A_1848 = vector.broadcast %slice3A_1847 : vector<8x1xf32> to vector<8x512xf32>
    %sub3A_1849 = arith.subf %convert_element_type3A, %sub3A_1848 : vector<8x512xf32>
    %mul3A_1850 = arith.mulf %sub3A_1849, %sub3A_1849 : vector<8x512xf32>
    %mul3A_1851 = arith.constant -1.250000e-01 : f32
    %mul3A_1852 = vector.broadcast %mul3A_1851 : f32 to vector<8x512xf32>
    %mul3A_1853 = arith.mulf %mul3A_1850, %mul3A_1852 : vector<8x512xf32>
    %exp3A_1854 = math.exp %mul3A_1853 : vector<8x512xf32>
    %le3A_1855 = arith.constant 3.600000e+01 : f32
    %le3A_1856 = vector.broadcast %le3A_1855 : f32 to vector<8x512xf32>
    %le3A_1857 = arith.cmpf ole, %mul3A_1850, %le3A_1856 : vector<8x512xf32>
    %jit3A_1858 = arith.constant 0.000000e+00 : f32
    %broadcast_in_dim3A_1859 = vector.broadcast %jit3A_1858 : f32 to vector<8x512xf32>
    %select_n3A_1860 = arith.select %le3A_1857, %exp3A_1854, %broadcast_in_dim3A_1859 : vector<8x512xi1>, vector<8x512xf32>
    %swap3A_1861 = arith.constant 90 : index
    %swap3A_1862 = arith.constant 0 : index
    %swap3A_1863 = arith.constant 0 : index
    %swap3A_1864 = vector.load %arg3[%swap3A_1861, %swap3A_1862, %swap3A_1863] : memref<106x8x512xf32, #tpu.memory_space<vmem>>, vector<1x8x512xf32>
    %swap3A_1865 = vector.shape_cast %swap3A_1864 : vector<1x8x512xf32> to vector<8x512xf32>
    %swap3A_1866 = vector.shape_cast %select_n3A_1860 : vector<8x512xf32> to vector<1x8x512xf32>
    tpu.vector_store %arg3[%swap3A_1861, %swap3A_1862, %swap3A_1863], %swap3A_1866 {strides = array<i32>} : memref<106x8x512xf32, #tpu.memory_space<vmem>>, vector<1x8x512xf32>,
    %slice3A_1867 = vector.extract_strided_slice %convert_element_type3A_50 {offsets = [0, 91], sizes = [8, 1], strides = [1, 1]} : vector<8x106xf32> to vector<8x1xf32>
    %sub3A_1868 = vector.broadcast %slice3A_1867 : vector<8x1xf32> to vector<8x512xf32>
    %sub3A_1869 = arith.subf %convert_element_type3A, %sub3A_1868 : vector<8x512xf32>
    %mul3A_1870 = arith.mulf %sub3A_1869, %sub3A_1869 : vector<8x512xf32>
    %mul3A_1871 = arith.constant -1.250000e-01 : f32
    %mul3A_1872 = vector.broadcast %mul3A_1871 : f32 to vector<8x512xf32>
    %mul3A_1873 = arith.mulf %mul3A_1870, %mul3A_1872 : vector<8x512xf32>
    %exp3A_1874 = math.exp %mul3A_1873 : vector<8x512xf32>
    %le3A_1875 = arith.constant 3.600000e+01 : f32
    %le3A_1876 = vector.broadcast %le3A_1875 : f32 to vector<8x512xf32>
    %le3A_1877 = arith.cmpf ole, %mul3A_1870, %le3A_1876 : vector<8x512xf32>
    %jit3A_1878 = arith.constant 0.000000e+00 : f32
    %broadcast_in_dim3A_1879 = vector.broadcast %jit3A_1878 : f32 to vector<8x512xf32>
    %select_n3A_1880 = arith.select %le3A_1877, %exp3A_1874, %broadcast_in_dim3A_1879 : vector<8x512xi1>, vector<8x512xf32>
    %swap3A_1881 = arith.constant 91 : index
    %swap3A_1882 = arith.constant 0 : index
    %swap3A_1883 = arith.constant 0 : index
    %swap3A_1884 = vector.load %arg3[%swap3A_1881, %swap3A_1882, %swap3A_1883] : memref<106x8x512xf32, #tpu.memory_space<vmem>>, vector<1x8x512xf32>
    %swap3A_1885 = vector.shape_cast %swap3A_1884 : vector<1x8x512xf32> to vector<8x512xf32>
    %swap3A_1886 = vector.shape_cast %select_n3A_1880 : vector<8x512xf32> to vector<1x8x512xf32>
    tpu.vector_store %arg3[%swap3A_1881, %swap3A_1882, %swap3A_1883], %swap3A_1886 {strides = array<i32>} : memref<106x8x512xf32, #tpu.memory_space<vmem>>, vector<1x8x512xf32>,
    %slice3A_1887 = vector.extract_strided_slice %convert_element_type3A_50 {offsets = [0, 92], sizes = [8, 1], strides = [1, 1]} : vector<8x106xf32> to vector<8x1xf32>
    %sub3A_1888 = vector.broadcast %slice3A_1887 : vector<8x1xf32> to vector<8x512xf32>
    %sub3A_1889 = arith.subf %convert_element_type3A, %sub3A_1888 : vector<8x512xf32>
    %mul3A_1890 = arith.mulf %sub3A_1889, %sub3A_1889 : vector<8x512xf32>
    %mul3A_1891 = arith.constant -1.250000e-01 : f32
    %mul3A_1892 = vector.broadcast %mul3A_1891 : f32 to vector<8x512xf32>
    %mul3A_1893 = arith.mulf %mul3A_1890, %mul3A_1892 : vector<8x512xf32>
    %exp3A_1894 = math.exp %mul3A_1893 : vector<8x512xf32>
    %le3A_1895 = arith.constant 3.600000e+01 : f32
    %le3A_1896 = vector.broadcast %le3A_1895 : f32 to vector<8x512xf32>
    %le3A_1897 = arith.cmpf ole, %mul3A_1890, %le3A_1896 : vector<8x512xf32>
    %jit3A_1898 = arith.constant 0.000000e+00 : f32
    %broadcast_in_dim3A_1899 = vector.broadcast %jit3A_1898 : f32 to vector<8x512xf32>
    %select_n3A_1900 = arith.select %le3A_1897, %exp3A_1894, %broadcast_in_dim3A_1899 : vector<8x512xi1>, vector<8x512xf32>
    %swap3A_1901 = arith.constant 92 : index
    %swap3A_1902 = arith.constant 0 : index
    %swap3A_1903 = arith.constant 0 : index
    %swap3A_1904 = vector.load %arg3[%swap3A_1901, %swap3A_1902, %swap3A_1903] : memref<106x8x512xf32, #tpu.memory_space<vmem>>, vector<1x8x512xf32>
    %swap3A_1905 = vector.shape_cast %swap3A_1904 : vector<1x8x512xf32> to vector<8x512xf32>
    %swap3A_1906 = vector.shape_cast %select_n3A_1900 : vector<8x512xf32> to vector<1x8x512xf32>
    tpu.vector_store %arg3[%swap3A_1901, %swap3A_1902, %swap3A_1903], %swap3A_1906 {strides = array<i32>} : memref<106x8x512xf32, #tpu.memory_space<vmem>>, vector<1x8x512xf32>,
    %slice3A_1907 = vector.extract_strided_slice %convert_element_type3A_50 {offsets = [0, 93], sizes = [8, 1], strides = [1, 1]} : vector<8x106xf32> to vector<8x1xf32>
    %sub3A_1908 = vector.broadcast %slice3A_1907 : vector<8x1xf32> to vector<8x512xf32>
    %sub3A_1909 = arith.subf %convert_element_type3A, %sub3A_1908 : vector<8x512xf32>
    %mul3A_1910 = arith.mulf %sub3A_1909, %sub3A_1909 : vector<8x512xf32>
    %mul3A_1911 = arith.constant -1.250000e-01 : f32
    %mul3A_1912 = vector.broadcast %mul3A_1911 : f32 to vector<8x512xf32>
    %mul3A_1913 = arith.mulf %mul3A_1910, %mul3A_1912 : vector<8x512xf32>
    %exp3A_1914 = math.exp %mul3A_1913 : vector<8x512xf32>
    %le3A_1915 = arith.constant 3.600000e+01 : f32
    %le3A_1916 = vector.broadcast %le3A_1915 : f32 to vector<8x512xf32>
    %le3A_1917 = arith.cmpf ole, %mul3A_1910, %le3A_1916 : vector<8x512xf32>
    %jit3A_1918 = arith.constant 0.000000e+00 : f32
    %broadcast_in_dim3A_1919 = vector.broadcast %jit3A_1918 : f32 to vector<8x512xf32>
    %select_n3A_1920 = arith.select %le3A_1917, %exp3A_1914, %broadcast_in_dim3A_1919 : vector<8x512xi1>, vector<8x512xf32>
    %swap3A_1921 = arith.constant 93 : index
    %swap3A_1922 = arith.constant 0 : index
    %swap3A_1923 = arith.constant 0 : index
    %swap3A_1924 = vector.load %arg3[%swap3A_1921, %swap3A_1922, %swap3A_1923] : memref<106x8x512xf32, #tpu.memory_space<vmem>>, vector<1x8x512xf32>
    %swap3A_1925 = vector.shape_cast %swap3A_1924 : vector<1x8x512xf32> to vector<8x512xf32>
    %swap3A_1926 = vector.shape_cast %select_n3A_1920 : vector<8x512xf32> to vector<1x8x512xf32>
    tpu.vector_store %arg3[%swap3A_1921, %swap3A_1922, %swap3A_1923], %swap3A_1926 {strides = array<i32>} : memref<106x8x512xf32, #tpu.memory_space<vmem>>, vector<1x8x512xf32>,
    %slice3A_1927 = vector.extract_strided_slice %convert_element_type3A_50 {offsets = [0, 94], sizes = [8, 1], strides = [1, 1]} : vector<8x106xf32> to vector<8x1xf32>
    %sub3A_1928 = vector.broadcast %slice3A_1927 : vector<8x1xf32> to vector<8x512xf32>
    %sub3A_1929 = arith.subf %convert_element_type3A, %sub3A_1928 : vector<8x512xf32>
    %mul3A_1930 = arith.mulf %sub3A_1929, %sub3A_1929 : vector<8x512xf32>
    %mul3A_1931 = arith.constant -1.250000e-01 : f32
    %mul3A_1932 = vector.broadcast %mul3A_1931 : f32 to vector<8x512xf32>
    %mul3A_1933 = arith.mulf %mul3A_1930, %mul3A_1932 : vector<8x512xf32>
    %exp3A_1934 = math.exp %mul3A_1933 : vector<8x512xf32>
    %le3A_1935 = arith.constant 3.600000e+01 : f32
    %le3A_1936 = vector.broadcast %le3A_1935 : f32 to vector<8x512xf32>
    %le3A_1937 = arith.cmpf ole, %mul3A_1930, %le3A_1936 : vector<8x512xf32>
    %jit3A_1938 = arith.constant 0.000000e+00 : f32
    %broadcast_in_dim3A_1939 = vector.broadcast %jit3A_1938 : f32 to vector<8x512xf32>
    %select_n3A_1940 = arith.select %le3A_1937, %exp3A_1934, %broadcast_in_dim3A_1939 : vector<8x512xi1>, vector<8x512xf32>
    %swap3A_1941 = arith.constant 94 : index
    %swap3A_1942 = arith.constant 0 : index
    %swap3A_1943 = arith.constant 0 : index
    %swap3A_1944 = vector.load %arg3[%swap3A_1941, %swap3A_1942, %swap3A_1943] : memref<106x8x512xf32, #tpu.memory_space<vmem>>, vector<1x8x512xf32>
    %swap3A_1945 = vector.shape_cast %swap3A_1944 : vector<1x8x512xf32> to vector<8x512xf32>
    %swap3A_1946 = vector.shape_cast %select_n3A_1940 : vector<8x512xf32> to vector<1x8x512xf32>
    tpu.vector_store %arg3[%swap3A_1941, %swap3A_1942, %swap3A_1943], %swap3A_1946 {strides = array<i32>} : memref<106x8x512xf32, #tpu.memory_space<vmem>>, vector<1x8x512xf32>,
    %slice3A_1947 = vector.extract_strided_slice %convert_element_type3A_50 {offsets = [0, 95], sizes = [8, 1], strides = [1, 1]} : vector<8x106xf32> to vector<8x1xf32>
    %sub3A_1948 = vector.broadcast %slice3A_1947 : vector<8x1xf32> to vector<8x512xf32>
    %sub3A_1949 = arith.subf %convert_element_type3A, %sub3A_1948 : vector<8x512xf32>
    %mul3A_1950 = arith.mulf %sub3A_1949, %sub3A_1949 : vector<8x512xf32>
    %mul3A_1951 = arith.constant -1.250000e-01 : f32
    %mul3A_1952 = vector.broadcast %mul3A_1951 : f32 to vector<8x512xf32>
    %mul3A_1953 = arith.mulf %mul3A_1950, %mul3A_1952 : vector<8x512xf32>
    %exp3A_1954 = math.exp %mul3A_1953 : vector<8x512xf32>
    %le3A_1955 = arith.constant 3.600000e+01 : f32
    %le3A_1956 = vector.broadcast %le3A_1955 : f32 to vector<8x512xf32>
    %le3A_1957 = arith.cmpf ole, %mul3A_1950, %le3A_1956 : vector<8x512xf32>
    %jit3A_1958 = arith.constant 0.000000e+00 : f32
    %broadcast_in_dim3A_1959 = vector.broadcast %jit3A_1958 : f32 to vector<8x512xf32>
    %select_n3A_1960 = arith.select %le3A_1957, %exp3A_1954, %broadcast_in_dim3A_1959 : vector<8x512xi1>, vector<8x512xf32>
    %swap3A_1961 = arith.constant 95 : index
    %swap3A_1962 = arith.constant 0 : index
    %swap3A_1963 = arith.constant 0 : index
    %swap3A_1964 = vector.load %arg3[%swap3A_1961, %swap3A_1962, %swap3A_1963] : memref<106x8x512xf32, #tpu.memory_space<vmem>>, vector<1x8x512xf32>
    %swap3A_1965 = vector.shape_cast %swap3A_1964 : vector<1x8x512xf32> to vector<8x512xf32>
    %swap3A_1966 = vector.shape_cast %select_n3A_1960 : vector<8x512xf32> to vector<1x8x512xf32>
    tpu.vector_store %arg3[%swap3A_1961, %swap3A_1962, %swap3A_1963], %swap3A_1966 {strides = array<i32>} : memref<106x8x512xf32, #tpu.memory_space<vmem>>, vector<1x8x512xf32>,
    %slice3A_1967 = vector.extract_strided_slice %convert_element_type3A_50 {offsets = [0, 96], sizes = [8, 1], strides = [1, 1]} : vector<8x106xf32> to vector<8x1xf32>
    %sub3A_1968 = vector.broadcast %slice3A_1967 : vector<8x1xf32> to vector<8x512xf32>
    %sub3A_1969 = arith.subf %convert_element_type3A, %sub3A_1968 : vector<8x512xf32>
    %mul3A_1970 = arith.mulf %sub3A_1969, %sub3A_1969 : vector<8x512xf32>
    %mul3A_1971 = arith.constant -1.250000e-01 : f32
    %mul3A_1972 = vector.broadcast %mul3A_1971 : f32 to vector<8x512xf32>
    %mul3A_1973 = arith.mulf %mul3A_1970, %mul3A_1972 : vector<8x512xf32>
    %exp3A_1974 = math.exp %mul3A_1973 : vector<8x512xf32>
    %le3A_1975 = arith.constant 3.600000e+01 : f32
    %le3A_1976 = vector.broadcast %le3A_1975 : f32 to vector<8x512xf32>
    %le3A_1977 = arith.cmpf ole, %mul3A_1970, %le3A_1976 : vector<8x512xf32>
    %jit3A_1978 = arith.constant 0.000000e+00 : f32
    %broadcast_in_dim3A_1979 = vector.broadcast %jit3A_1978 : f32 to vector<8x512xf32>
    %select_n3A_1980 = arith.select %le3A_1977, %exp3A_1974, %broadcast_in_dim3A_1979 : vector<8x512xi1>, vector<8x512xf32>
    %swap3A_1981 = arith.constant 96 : index
    %swap3A_1982 = arith.constant 0 : index
    %swap3A_1983 = arith.constant 0 : index
    %swap3A_1984 = vector.load %arg3[%swap3A_1981, %swap3A_1982, %swap3A_1983] : memref<106x8x512xf32, #tpu.memory_space<vmem>>, vector<1x8x512xf32>
    %swap3A_1985 = vector.shape_cast %swap3A_1984 : vector<1x8x512xf32> to vector<8x512xf32>
    %swap3A_1986 = vector.shape_cast %select_n3A_1980 : vector<8x512xf32> to vector<1x8x512xf32>
    tpu.vector_store %arg3[%swap3A_1981, %swap3A_1982, %swap3A_1983], %swap3A_1986 {strides = array<i32>} : memref<106x8x512xf32, #tpu.memory_space<vmem>>, vector<1x8x512xf32>,
    %slice3A_1987 = vector.extract_strided_slice %convert_element_type3A_50 {offsets = [0, 97], sizes = [8, 1], strides = [1, 1]} : vector<8x106xf32> to vector<8x1xf32>
    %sub3A_1988 = vector.broadcast %slice3A_1987 : vector<8x1xf32> to vector<8x512xf32>
    %sub3A_1989 = arith.subf %convert_element_type3A, %sub3A_1988 : vector<8x512xf32>
    %mul3A_1990 = arith.mulf %sub3A_1989, %sub3A_1989 : vector<8x512xf32>
    %mul3A_1991 = arith.constant -1.250000e-01 : f32
    %mul3A_1992 = vector.broadcast %mul3A_1991 : f32 to vector<8x512xf32>
    %mul3A_1993 = arith.mulf %mul3A_1990, %mul3A_1992 : vector<8x512xf32>
    %exp3A_1994 = math.exp %mul3A_1993 : vector<8x512xf32>
    %le3A_1995 = arith.constant 3.600000e+01 : f32
    %le3A_1996 = vector.broadcast %le3A_1995 : f32 to vector<8x512xf32>
    %le3A_1997 = arith.cmpf ole, %mul3A_1990, %le3A_1996 : vector<8x512xf32>
    %jit3A_1998 = arith.constant 0.000000e+00 : f32
    %broadcast_in_dim3A_1999 = vector.broadcast %jit3A_1998 : f32 to vector<8x512xf32>
    %select_n3A_2000 = arith.select %le3A_1997, %exp3A_1994, %broadcast_in_dim3A_1999 : vector<8x512xi1>, vector<8x512xf32>
    %swap3A_2001 = arith.constant 97 : index
    %swap3A_2002 = arith.constant 0 : index
    %swap3A_2003 = arith.constant 0 : index
    %swap3A_2004 = vector.load %arg3[%swap3A_2001, %swap3A_2002, %swap3A_2003] : memref<106x8x512xf32, #tpu.memory_space<vmem>>, vector<1x8x512xf32>
    %swap3A_2005 = vector.shape_cast %swap3A_2004 : vector<1x8x512xf32> to vector<8x512xf32>
    %swap3A_2006 = vector.shape_cast %select_n3A_2000 : vector<8x512xf32> to vector<1x8x512xf32>
    tpu.vector_store %arg3[%swap3A_2001, %swap3A_2002, %swap3A_2003], %swap3A_2006 {strides = array<i32>} : memref<106x8x512xf32, #tpu.memory_space<vmem>>, vector<1x8x512xf32>,
    %slice3A_2007 = vector.extract_strided_slice %convert_element_type3A_50 {offsets = [0, 98], sizes = [8, 1], strides = [1, 1]} : vector<8x106xf32> to vector<8x1xf32>
    %sub3A_2008 = vector.broadcast %slice3A_2007 : vector<8x1xf32> to vector<8x512xf32>
    %sub3A_2009 = arith.subf %convert_element_type3A, %sub3A_2008 : vector<8x512xf32>
    %mul3A_2010 = arith.mulf %sub3A_2009, %sub3A_2009 : vector<8x512xf32>
    %mul3A_2011 = arith.constant -1.250000e-01 : f32
    %mul3A_2012 = vector.broadcast %mul3A_2011 : f32 to vector<8x512xf32>
    %mul3A_2013 = arith.mulf %mul3A_2010, %mul3A_2012 : vector<8x512xf32>
    %exp3A_2014 = math.exp %mul3A_2013 : vector<8x512xf32>
    %le3A_2015 = arith.constant 3.600000e+01 : f32
    %le3A_2016 = vector.broadcast %le3A_2015 : f32 to vector<8x512xf32>
    %le3A_2017 = arith.cmpf ole, %mul3A_2010, %le3A_2016 : vector<8x512xf32>
    %jit3A_2018 = arith.constant 0.000000e+00 : f32
    %broadcast_in_dim3A_2019 = vector.broadcast %jit3A_2018 : f32 to vector<8x512xf32>
    %select_n3A_2020 = arith.select %le3A_2017, %exp3A_2014, %broadcast_in_dim3A_2019 : vector<8x512xi1>, vector<8x512xf32>
    %swap3A_2021 = arith.constant 98 : index
    %swap3A_2022 = arith.constant 0 : index
    %swap3A_2023 = arith.constant 0 : index
    %swap3A_2024 = vector.load %arg3[%swap3A_2021, %swap3A_2022, %swap3A_2023] : memref<106x8x512xf32, #tpu.memory_space<vmem>>, vector<1x8x512xf32>
    %swap3A_2025 = vector.shape_cast %swap3A_2024 : vector<1x8x512xf32> to vector<8x512xf32>
    %swap3A_2026 = vector.shape_cast %select_n3A_2020 : vector<8x512xf32> to vector<1x8x512xf32>
    tpu.vector_store %arg3[%swap3A_2021, %swap3A_2022, %swap3A_2023], %swap3A_2026 {strides = array<i32>} : memref<106x8x512xf32, #tpu.memory_space<vmem>>, vector<1x8x512xf32>,
    %slice3A_2027 = vector.extract_strided_slice %convert_element_type3A_50 {offsets = [0, 99], sizes = [8, 1], strides = [1, 1]} : vector<8x106xf32> to vector<8x1xf32>
    %sub3A_2028 = vector.broadcast %slice3A_2027 : vector<8x1xf32> to vector<8x512xf32>
    %sub3A_2029 = arith.subf %convert_element_type3A, %sub3A_2028 : vector<8x512xf32>
    %mul3A_2030 = arith.mulf %sub3A_2029, %sub3A_2029 : vector<8x512xf32>
    %mul3A_2031 = arith.constant -1.250000e-01 : f32
    %mul3A_2032 = vector.broadcast %mul3A_2031 : f32 to vector<8x512xf32>
    %mul3A_2033 = arith.mulf %mul3A_2030, %mul3A_2032 : vector<8x512xf32>
    %exp3A_2034 = math.exp %mul3A_2033 : vector<8x512xf32>
    %le3A_2035 = arith.constant 3.600000e+01 : f32
    %le3A_2036 = vector.broadcast %le3A_2035 : f32 to vector<8x512xf32>
    %le3A_2037 = arith.cmpf ole, %mul3A_2030, %le3A_2036 : vector<8x512xf32>
    %jit3A_2038 = arith.constant 0.000000e+00 : f32
    %broadcast_in_dim3A_2039 = vector.broadcast %jit3A_2038 : f32 to vector<8x512xf32>
    %select_n3A_2040 = arith.select %le3A_2037, %exp3A_2034, %broadcast_in_dim3A_2039 : vector<8x512xi1>, vector<8x512xf32>
    %swap3A_2041 = arith.constant 99 : index
    %swap3A_2042 = arith.constant 0 : index
    %swap3A_2043 = arith.constant 0 : index
    %swap3A_2044 = vector.load %arg3[%swap3A_2041, %swap3A_2042, %swap3A_2043] : memref<106x8x512xf32, #tpu.memory_space<vmem>>, vector<1x8x512xf32>
    %swap3A_2045 = vector.shape_cast %swap3A_2044 : vector<1x8x512xf32> to vector<8x512xf32>
    %swap3A_2046 = vector.shape_cast %select_n3A_2040 : vector<8x512xf32> to vector<1x8x512xf32>
    tpu.vector_store %arg3[%swap3A_2041, %swap3A_2042, %swap3A_2043], %swap3A_2046 {strides = array<i32>} : memref<106x8x512xf32, #tpu.memory_space<vmem>>, vector<1x8x512xf32>,
    %slice3A_2047 = vector.extract_strided_slice %convert_element_type3A_50 {offsets = [0, 100], sizes = [8, 1], strides = [1, 1]} : vector<8x106xf32> to vector<8x1xf32>
    %sub3A_2048 = vector.broadcast %slice3A_2047 : vector<8x1xf32> to vector<8x512xf32>
    %sub3A_2049 = arith.subf %convert_element_type3A, %sub3A_2048 : vector<8x512xf32>
    %mul3A_2050 = arith.mulf %sub3A_2049, %sub3A_2049 : vector<8x512xf32>
    %mul3A_2051 = arith.constant -1.250000e-01 : f32
    %mul3A_2052 = vector.broadcast %mul3A_2051 : f32 to vector<8x512xf32>
    %mul3A_2053 = arith.mulf %mul3A_2050, %mul3A_2052 : vector<8x512xf32>
    %exp3A_2054 = math.exp %mul3A_2053 : vector<8x512xf32>
    %le3A_2055 = arith.constant 3.600000e+01 : f32
    %le3A_2056 = vector.broadcast %le3A_2055 : f32 to vector<8x512xf32>
    %le3A_2057 = arith.cmpf ole, %mul3A_2050, %le3A_2056 : vector<8x512xf32>
    %jit3A_2058 = arith.constant 0.000000e+00 : f32
    %broadcast_in_dim3A_2059 = vector.broadcast %jit3A_2058 : f32 to vector<8x512xf32>
    %select_n3A_2060 = arith.select %le3A_2057, %exp3A_2054, %broadcast_in_dim3A_2059 : vector<8x512xi1>, vector<8x512xf32>
    %swap3A_2061 = arith.constant 100 : index
    %swap3A_2062 = arith.constant 0 : index
    %swap3A_2063 = arith.constant 0 : index
    %swap3A_2064 = vector.load %arg3[%swap3A_2061, %swap3A_2062, %swap3A_2063] : memref<106x8x512xf32, #tpu.memory_space<vmem>>, vector<1x8x512xf32>
    %swap3A_2065 = vector.shape_cast %swap3A_2064 : vector<1x8x512xf32> to vector<8x512xf32>
    %swap3A_2066 = vector.shape_cast %select_n3A_2060 : vector<8x512xf32> to vector<1x8x512xf32>
    tpu.vector_store %arg3[%swap3A_2061, %swap3A_2062, %swap3A_2063], %swap3A_2066 {strides = array<i32>} : memref<106x8x512xf32, #tpu.memory_space<vmem>>, vector<1x8x512xf32>,
    %slice3A_2067 = vector.extract_strided_slice %convert_element_type3A_50 {offsets = [0, 101], sizes = [8, 1], strides = [1, 1]} : vector<8x106xf32> to vector<8x1xf32>
    %sub3A_2068 = vector.broadcast %slice3A_2067 : vector<8x1xf32> to vector<8x512xf32>
    %sub3A_2069 = arith.subf %convert_element_type3A, %sub3A_2068 : vector<8x512xf32>
    %mul3A_2070 = arith.mulf %sub3A_2069, %sub3A_2069 : vector<8x512xf32>
    %mul3A_2071 = arith.constant -1.250000e-01 : f32
    %mul3A_2072 = vector.broadcast %mul3A_2071 : f32 to vector<8x512xf32>
    %mul3A_2073 = arith.mulf %mul3A_2070, %mul3A_2072 : vector<8x512xf32>
    %exp3A_2074 = math.exp %mul3A_2073 : vector<8x512xf32>
    %le3A_2075 = arith.constant 3.600000e+01 : f32
    %le3A_2076 = vector.broadcast %le3A_2075 : f32 to vector<8x512xf32>
    %le3A_2077 = arith.cmpf ole, %mul3A_2070, %le3A_2076 : vector<8x512xf32>
    %jit3A_2078 = arith.constant 0.000000e+00 : f32
    %broadcast_in_dim3A_2079 = vector.broadcast %jit3A_2078 : f32 to vector<8x512xf32>
    %select_n3A_2080 = arith.select %le3A_2077, %exp3A_2074, %broadcast_in_dim3A_2079 : vector<8x512xi1>, vector<8x512xf32>
    %swap3A_2081 = arith.constant 101 : index
    %swap3A_2082 = arith.constant 0 : index
    %swap3A_2083 = arith.constant 0 : index
    %swap3A_2084 = vector.load %arg3[%swap3A_2081, %swap3A_2082, %swap3A_2083] : memref<106x8x512xf32, #tpu.memory_space<vmem>>, vector<1x8x512xf32>
    %swap3A_2085 = vector.shape_cast %swap3A_2084 : vector<1x8x512xf32> to vector<8x512xf32>
    %swap3A_2086 = vector.shape_cast %select_n3A_2080 : vector<8x512xf32> to vector<1x8x512xf32>
    tpu.vector_store %arg3[%swap3A_2081, %swap3A_2082, %swap3A_2083], %swap3A_2086 {strides = array<i32>} : memref<106x8x512xf32, #tpu.memory_space<vmem>>, vector<1x8x512xf32>,
    %slice3A_2087 = vector.extract_strided_slice %convert_element_type3A_50 {offsets = [0, 102], sizes = [8, 1], strides = [1, 1]} : vector<8x106xf32> to vector<8x1xf32>
    %sub3A_2088 = vector.broadcast %slice3A_2087 : vector<8x1xf32> to vector<8x512xf32>
    %sub3A_2089 = arith.subf %convert_element_type3A, %sub3A_2088 : vector<8x512xf32>
    %mul3A_2090 = arith.mulf %sub3A_2089, %sub3A_2089 : vector<8x512xf32>
    %mul3A_2091 = arith.constant -1.250000e-01 : f32
    %mul3A_2092 = vector.broadcast %mul3A_2091 : f32 to vector<8x512xf32>
    %mul3A_2093 = arith.mulf %mul3A_2090, %mul3A_2092 : vector<8x512xf32>
    %exp3A_2094 = math.exp %mul3A_2093 : vector<8x512xf32>
    %le3A_2095 = arith.constant 3.600000e+01 : f32
    %le3A_2096 = vector.broadcast %le3A_2095 : f32 to vector<8x512xf32>
    %le3A_2097 = arith.cmpf ole, %mul3A_2090, %le3A_2096 : vector<8x512xf32>
    %jit3A_2098 = arith.constant 0.000000e+00 : f32
    %broadcast_in_dim3A_2099 = vector.broadcast %jit3A_2098 : f32 to vector<8x512xf32>
    %select_n3A_2100 = arith.select %le3A_2097, %exp3A_2094, %broadcast_in_dim3A_2099 : vector<8x512xi1>, vector<8x512xf32>
    %swap3A_2101 = arith.constant 102 : index
    %swap3A_2102 = arith.constant 0 : index
    %swap3A_2103 = arith.constant 0 : index
    %swap3A_2104 = vector.load %arg3[%swap3A_2101, %swap3A_2102, %swap3A_2103] : memref<106x8x512xf32, #tpu.memory_space<vmem>>, vector<1x8x512xf32>
    %swap3A_2105 = vector.shape_cast %swap3A_2104 : vector<1x8x512xf32> to vector<8x512xf32>
    %swap3A_2106 = vector.shape_cast %select_n3A_2100 : vector<8x512xf32> to vector<1x8x512xf32>
    tpu.vector_store %arg3[%swap3A_2101, %swap3A_2102, %swap3A_2103], %swap3A_2106 {strides = array<i32>} : memref<106x8x512xf32, #tpu.memory_space<vmem>>, vector<1x8x512xf32>,
    %slice3A_2107 = vector.extract_strided_slice %convert_element_type3A_50 {offsets = [0, 103], sizes = [8, 1], strides = [1, 1]} : vector<8x106xf32> to vector<8x1xf32>
    %sub3A_2108 = vector.broadcast %slice3A_2107 : vector<8x1xf32> to vector<8x512xf32>
    %sub3A_2109 = arith.subf %convert_element_type3A, %sub3A_2108 : vector<8x512xf32>
    %mul3A_2110 = arith.mulf %sub3A_2109, %sub3A_2109 : vector<8x512xf32>
    %mul3A_2111 = arith.constant -1.250000e-01 : f32
    %mul3A_2112 = vector.broadcast %mul3A_2111 : f32 to vector<8x512xf32>
    %mul3A_2113 = arith.mulf %mul3A_2110, %mul3A_2112 : vector<8x512xf32>
    %exp3A_2114 = math.exp %mul3A_2113 : vector<8x512xf32>
    %le3A_2115 = arith.constant 3.600000e+01 : f32
    %le3A_2116 = vector.broadcast %le3A_2115 : f32 to vector<8x512xf32>
    %le3A_2117 = arith.cmpf ole, %mul3A_2110, %le3A_2116 : vector<8x512xf32>
    %jit3A_2118 = arith.constant 0.000000e+00 : f32
    %broadcast_in_dim3A_2119 = vector.broadcast %jit3A_2118 : f32 to vector<8x512xf32>
    %select_n3A_2120 = arith.select %le3A_2117, %exp3A_2114, %broadcast_in_dim3A_2119 : vector<8x512xi1>, vector<8x512xf32>
    %swap3A_2121 = arith.constant 103 : index
    %swap3A_2122 = arith.constant 0 : index
    %swap3A_2123 = arith.constant 0 : index
    %swap3A_2124 = vector.load %arg3[%swap3A_2121, %swap3A_2122, %swap3A_2123] : memref<106x8x512xf32, #tpu.memory_space<vmem>>, vector<1x8x512xf32>
    %swap3A_2125 = vector.shape_cast %swap3A_2124 : vector<1x8x512xf32> to vector<8x512xf32>
    %swap3A_2126 = vector.shape_cast %select_n3A_2120 : vector<8x512xf32> to vector<1x8x512xf32>
    tpu.vector_store %arg3[%swap3A_2121, %swap3A_2122, %swap3A_2123], %swap3A_2126 {strides = array<i32>} : memref<106x8x512xf32, #tpu.memory_space<vmem>>, vector<1x8x512xf32>,
    %slice3A_2127 = vector.extract_strided_slice %convert_element_type3A_50 {offsets = [0, 104], sizes = [8, 1], strides = [1, 1]} : vector<8x106xf32> to vector<8x1xf32>
    %sub3A_2128 = vector.broadcast %slice3A_2127 : vector<8x1xf32> to vector<8x512xf32>
    %sub3A_2129 = arith.subf %convert_element_type3A, %sub3A_2128 : vector<8x512xf32>
    %mul3A_2130 = arith.mulf %sub3A_2129, %sub3A_2129 : vector<8x512xf32>
    %mul3A_2131 = arith.constant -1.250000e-01 : f32
    %mul3A_2132 = vector.broadcast %mul3A_2131 : f32 to vector<8x512xf32>
    %mul3A_2133 = arith.mulf %mul3A_2130, %mul3A_2132 : vector<8x512xf32>
    %exp3A_2134 = math.exp %mul3A_2133 : vector<8x512xf32>
    %le3A_2135 = arith.constant 3.600000e+01 : f32
    %le3A_2136 = vector.broadcast %le3A_2135 : f32 to vector<8x512xf32>
    %le3A_2137 = arith.cmpf ole, %mul3A_2130, %le3A_2136 : vector<8x512xf32>
    %jit3A_2138 = arith.constant 0.000000e+00 : f32
    %broadcast_in_dim3A_2139 = vector.broadcast %jit3A_2138 : f32 to vector<8x512xf32>
    %select_n3A_2140 = arith.select %le3A_2137, %exp3A_2134, %broadcast_in_dim3A_2139 : vector<8x512xi1>, vector<8x512xf32>
    %swap3A_2141 = arith.constant 104 : index
    %swap3A_2142 = arith.constant 0 : index
    %swap3A_2143 = arith.constant 0 : index
    %swap3A_2144 = vector.load %arg3[%swap3A_2141, %swap3A_2142, %swap3A_2143] : memref<106x8x512xf32, #tpu.memory_space<vmem>>, vector<1x8x512xf32>
    %swap3A_2145 = vector.shape_cast %swap3A_2144 : vector<1x8x512xf32> to vector<8x512xf32>
    %swap3A_2146 = vector.shape_cast %select_n3A_2140 : vector<8x512xf32> to vector<1x8x512xf32>
    tpu.vector_store %arg3[%swap3A_2141, %swap3A_2142, %swap3A_2143], %swap3A_2146 {strides = array<i32>} : memref<106x8x512xf32, #tpu.memory_space<vmem>>, vector<1x8x512xf32>,
    %slice3A_2147 = vector.extract_strided_slice %convert_element_type3A_50 {offsets = [0, 105], sizes = [8, 1], strides = [1, 1]} : vector<8x106xf32> to vector<8x1xf32>
    %sub3A_2148 = vector.broadcast %slice3A_2147 : vector<8x1xf32> to vector<8x512xf32>
    %sub3A_2149 = arith.subf %convert_element_type3A, %sub3A_2148 : vector<8x512xf32>
    %mul3A_2150 = arith.mulf %sub3A_2149, %sub3A_2149 : vector<8x512xf32>
    %mul3A_2151 = arith.constant -1.250000e-01 : f32
    %mul3A_2152 = vector.broadcast %mul3A_2151 : f32 to vector<8x512xf32>
    %mul3A_2153 = arith.mulf %mul3A_2150, %mul3A_2152 : vector<8x512xf32>
    %exp3A_2154 = math.exp %mul3A_2153 : vector<8x512xf32>
    %le3A_2155 = arith.constant 3.600000e+01 : f32
    %le3A_2156 = vector.broadcast %le3A_2155 : f32 to vector<8x512xf32>
    %le3A_2157 = arith.cmpf ole, %mul3A_2150, %le3A_2156 : vector<8x512xf32>
    %jit3A_2158 = arith.constant 0.000000e+00 : f32
    %broadcast_in_dim3A_2159 = vector.broadcast %jit3A_2158 : f32 to vector<8x512xf32>
    %select_n3A_2160 = arith.select %le3A_2157, %exp3A_2154, %broadcast_in_dim3A_2159 : vector<8x512xi1>, vector<8x512xf32>
    %swap3A_2161 = arith.constant 105 : index
    %swap3A_2162 = arith.constant 0 : index
    %swap3A_2163 = arith.constant 0 : index
    %swap3A_2164 = vector.load %arg3[%swap3A_2161, %swap3A_2162, %swap3A_2163] : memref<106x8x512xf32, #tpu.memory_space<vmem>>, vector<1x8x512xf32>
    %swap3A_2165 = vector.shape_cast %swap3A_2164 : vector<1x8x512xf32> to vector<8x512xf32>
    %swap3A_2166 = vector.shape_cast %select_n3A_2160 : vector<8x512xf32> to vector<1x8x512xf32>
    tpu.vector_store %arg3[%swap3A_2161, %swap3A_2162, %swap3A_2163], %swap3A_2166 {strides = array<i32>} : memref<106x8x512xf32, #tpu.memory_space<vmem>>, vector<1x8x512xf32>,
    return
  }
  func.func @transform_0(%arg0: i32) -> (i32, i32) {
    %c0_i32 = arith.constant 0 : i32
    %c0_i32_0 = arith.constant 0 : i32
    return %arg0, %c0_i32 : i32, i32
  }
  func.func @transform_1(%arg0: i32) -> (i32, i32) {
    %c0_i32 = arith.constant 0 : i32
    %c0_i32_0 = arith.constant 0 : i32
    return %arg0, %c0_i32 : i32, i32
  }
  func.func @transform_2(%arg0: i32) -> (i32, i32, i32) {
    %c0_i32 = arith.constant 0 : i32
    %c0_i32_0 = arith.constant 0 : i32
    %c0_i32_1 = arith.constant 0 : i32
    return %c0_i32, %arg0, %c0_i32_0 : i32, i32, i32
  }
}

</mosaic_0001>

<sc_bundles>
// kernel: kernel.4.cloned.1.call-start
scs
__scs_entry_jumppad:
0x0: {  	(pc) =	sbr.rel $0x88, $3  }
0x1: {  	(tag) =	ssettag $0x0;
	lr =	simm.s32 $0x1  }
0x2: {  	[smem:$0x3FA0] =	sst lr;
	_ =	strace $0xD0000000  }
0x3: {  	_ = 	snop  }
0x4: {  	_ = 	snop  }
0x5: {  	_ = 	snop  }
0x6: {  	_ = 	snop  }
0x7: {  	_ = 	snop  }
__scs_overlays_trampoline_lowered:
0x8: {  	[smem:$0x3FAF] =	sst s0  }
0x9: {  	[smem:$0x3FB0] =	sst s1  }
0xa: {  	[smem:$0x3FB1] =	sst s2  }
0xb: {  	[smem:$0x3FB2] =	sst s3  }
0xc: {  	[smem:$0x3FB3] =	sst s4  }
0xd: {  	[smem:$0x3FB4] =	sst s5  }
0xe: {  	[smem:$0x3FB5] =	sst s6  }
0xf: {  	[smem:$0x3FB6] =	sst s7  }
0x10: {  	[smem:$0x3FB7] =	sst s8  }
0x11: {  	[smem:$0x3FB8] =	sst s9;
	s0 =	simm.s32 @!p0 $0x0  }
0x12: {  	s1 =	sld [smem:$0x3F9E];
	s0 =	simm.s32 @p0 $0x1  }
0x13: {  	[smem:$0x3FB9] =	sst s0;
	s0 =	simm.s32 @!p1 $0x0  }
0x14: {  	s2 =	sld [smem:$0x3F9D];
	s0 =	simm.s32 @p1 $0x1  }
0x15: {  	[smem:$0x3FBA] =	sst s0;
	s0 =	simm.s32 @!p2 $0x0  }
0x16: {  	s3 =	sld [smem:$0x3FDB];
	s0 =	simm.s32 @p2 $0x1  }
0x17: {  	s4 =	simm.s32 $0x1BF5;
	[smem:$0x3FBC] =	sst s0  }
0x18: {  	s0 =	sld [smem:$0x3F9F];
	_ =	swait.ge [sflag:s4], $0x0  }
0x19: {  	s7 =	sld [smem:$0x3FA0]  }
0x1a: {  	s8 =	sadd.s32 $0xFFFFE003, lr  }
0x1b: {  	s9 =	sadd.s32 $0xFFFFFEF7, lr;
	s5 =	simm.s32 $0xFFFFFFFF;
	p2 =	slt.u32 s8, $0xFFFFF086  }
0x1c: {  	p1 =	slt.u32 s9, $0xF7A;
	s5 =	simm.s32 @!p2 $0x0  }
0x1d: {  	s5 =	simm.s32 @p1 $0x1;
	p0 =	seq.s32 s7, s2  }
0x1e: {  	s7 =	smul.u32 @!p0 $0xF7A, s2;
	p2 =	seq.s32 @!p0 s5, $0x0  }
0x1f: {  	s9 =	smul.u32 $0xF7A, s1;
	s8 =	simm.s32 @!p0 $0x1BF5;
	p2 =	por !p2, p0  }
0x20: {  	[sflag:s8] =	ssyncset.s32 @!p0 $0xFFFFF086;
	s6 =	sadd.s32 @!p0 s3, s7;
	s7 =	simm.s32 @!p0 $0x108  }
0x21: {  	s3 =	sadd.s32 s3, s9;
	s6 =	sadd.s32 @!p0 $0x88, s6;
	s7 =	simm.s32 @p2 $0x1082  }
0x22: {  	[simem:s7], [sflag:s8] =	dma.local @!p0 [hbm:s6], $0xF7A  }
0x23: {  	s9 =	sor.u32 $0xD0000000, s2;
	s6 =	simm.s32 $0x108;
	_ =	swait.ge @!p0 [sflag:s8], $0x0  }
0x24: {  	s3 =	sadd.s32 $0x88, s3;
	s6 =	simm.s32 @!p1 $0x1082;
	[sflag:s4] =	ssyncset.s32 $0xFFFFF086  }
0x25: {  	[simem:s6], [sflag:s4] =	dma.local [hbm:s3], $0xF7A  }
0x26: {  	[smem:$0x3FA0] =	sst s1;
	(tag) =	ssettag s2;
	_ =	strace s9  }
0x27: {  	s1 =	sld [smem:$0x3FB0]  }
0x28: {  	s2 =	sld [smem:$0x3FB1]  }
0x29: {  	s4 =	sld [smem:$0x3FB3]  }
0x2a: {  	p0 =	seq.s32 s5, $0x0;
	s5 =	sld [smem:$0x3FB4]  }
0x2b: {  	s6 =	sld [smem:$0x3FB5]  }
0x2c: {  	s7 =	sld [smem:$0x3FB6]  }
0x2d: {  	s3 =	simm.s32 $0x108;
	s8 =	sld [smem:$0x3FB7]  }
0x2e: {  	s3 =	simm.s32 @!p0 $0x1082;
	s9 =	sld [smem:$0x3FB8]  }
0x2f: {  	lr =	sadd.s32 s0, s3;
	s0 =	sld [smem:$0x3FAF]  }
0x30: {  	s3 =	sld [smem:$0x3FB2]  }
0x31: {  	[smem:$0x3FBB] =	sst s10  }
0x32: {  	s10 =	sld [smem:$0x3FB9];
	_ =	sdelay $0x3  }
0x33: {  	p0 =	seq.s32 s10, $0x1;
	s10 =	sld [smem:$0x3FBB];
	_ =	sdelay $0x3  }
0x34: {  	[smem:$0x3FBB] =	sst s10  }
0x35: {  	s10 =	sld [smem:$0x3FBA];
	_ =	sdelay $0x3  }
0x36: {  	p1 =	seq.s32 s10, $0x1;
	s10 =	sld [smem:$0x3FBB];
	_ =	sdelay $0x3  }
0x37: {  	[smem:$0x3FBB] =	sst s10  }
0x38: {  	s10 =	sld [smem:$0x3FBC]  }
0x39: {  	_ = 	snop;
	(pc) =	sbr.ind lr, $3  }
0x3a: {  	_ = 	snop  }
0x3b: {  	_ = 	snop  }
0x3c: {  	p2 =	seq.s32 s10, $0x1;
	s10 =	sld [smem:$0x3FBB]  }
0x3d: {  	_ =	shalt  }
0x3e: {  	_ =	shalt  }
0x3f: {  	_ =	shalt  }
0x40: {  	_ =	shalt  }
0x41: {  	_ =	shalt  }
0x42: {  	_ =	shalt  }
0x43: {  	_ =	shalt  }
0x44: {  	_ =	shalt  }
0x45: {  	_ =	shalt  }
0x46: {  	_ =	shalt  }
0x47: {  	_ =	shalt  }
0x48: {  	_ =	shalt  }
0x49: {  	_ =	shalt  }
0x4a: {  	_ =	shalt  }
0x4b: {  	_ =	shalt  }
0x4c: {  	_ =	shalt  }
0x4d: {  	_ =	shalt  }
0x4e: {  	_ =	shalt  }
0x4f: {  	_ =	shalt  }
0x50: {  	_ =	shalt  }
0x51: {  	_ =	shalt  }
0x52: {  	_ =	shalt  }
0x53: {  	_ =	shalt  }
0x54: {  	_ =	shalt  }
0x55: {  	_ =	shalt  }
0x56: {  	_ =	shalt  }
0x57: {  	_ =	shalt  }
0x58: {  	_ =	shalt  }
0x59: {  	_ =	shalt  }
0x5a: {  	_ =	shalt  }
0x5b: {  	_ =	shalt  }
0x5c: {  	_ =	shalt  }
0x5d: {  	_ =	shalt  }
0x5e: {  	_ =	shalt  }
0x5f: {  	_ =	shalt  }
0x60: {  	_ =	shalt  }
0x61: {  	_ =	shalt  }
0x62: {  	_ =	shalt  }
0x63: {  	_ =	shalt  }
0x64: {  	_ =	shalt  }
0x65: {  	_ =	shalt  }
0x66: {  	_ =	shalt  }
0x67: {  	_ =	shalt  }
0x68: {  	_ =	shalt  }
0x69: {  	_ =	shalt  }
0x6a: {  	_ =	shalt  }
0x6b: {  	_ =	shalt  }
0x6c: {  	_ =	shalt  }
0x6d: {  	_ =	shalt  }
0x6e: {  	_ =	shalt  }
0x6f: {  	_ =	shalt  }
0x70: {  	_ =	shalt  }
0x71: {  	_ =	shalt  }
0x72: {  	_ =	shalt  }
0x73: {  	_ =	shalt  }
0x74: {  	_ =	shalt  }
0x75: {  	_ =	shalt  }
0x76: {  	_ =	shalt  }
0x77: {  	_ =	shalt  }
0x78: {  	_ =	shalt  }
0x79: {  	_ =	shalt  }
0x7a: {  	_ =	shalt  }
0x7b: {  	_ =	shalt  }
0x7c: {  	_ =	shalt  }
0x7d: {  	_ =	shalt  }
0x7e: {  	_ =	shalt  }
0x7f: {  	_ =	shalt  }
0x80: {  	_ =	shalt  }
0x81: {  	_ =	shalt  }
0x82: {  	_ =	shalt  }
0x83: {  	_ =	shalt  }
0x84: {  	_ =	shalt  }
0x85: {  	_ =	shalt  }
0x86: {  	_ =	shalt  }
0x87: {  	_ =	shalt  }
.Lfunc_end0:
.L_simem_size_0:
called_computation_lowered:
.L_overlay_start_0:
0x88: {  	s2 =	sld [smem:$0x3FD9]  }
0x89: {  	s3 =	sld [smem:$0x3FFE];
	_ =	sdelay $0x1  }
0x8a: {  	s1 =	srdreg.scid  }
0x8b: {  	s0 =	sand.u32 $0x1, s1  }
0x8c: {  	s14 =	sshll.u32 s0, $0xA;
	s2 =	sadd.s32 s3, s2  }
0x8d: {  	s2 =	sadd.s32 s2, s14  }
0x8e: {  	[smem:$0x3FC7] =	sst s2  }
0x8f: {  	_ = 	snop  }
0x90: {  	s2 =	sld [smem:$0x3FD0];
	_ =	sdelay $0x2  }
0x91: {  	s15 =	simm.s32 $0xA;
	s4 =	simm.s32 $0x10  }
0x92: {  	[smem:s4], [sflag:s15] =	dma.local [hbm:s2], $0x1  }
0x93: {  	_ =	swait.eq [sflag:s15], $0x1  }
0x94: {  	[sflag:s15] =	ssyncset.done $0x0  }
0x95: {  	[sflag:s15] =	ssyncadd.s32 $0xFFFFFFFF  }
0x96: {  	s16 =	sld [smem:$0x10];
	(tm) =	ssettm $0x1  }
0x97: {  	s17 =	sld [smem:$0x3FFB];
	_ =	sdelay $0x3  }
0x98: {  	_ =	strace s17  }
0x99: {  	s3 =	sld [smem:$0x3FFC];
	_ =	sdelay $0x3  }
0x9a: {  	_ =	strace s3  }
0x9b: {  	s3 =	sld [smem:$0x3FFD];
	_ =	sdelay $0x3  }
0x9c: {  	_ =	strace s3  }
0x9d: {  	_ =	strace $0x8FFFFFFF  }
0x9e: {  	s18 =	sld [smem:$0x3FDB];
	_ =	sdelay $0x1  }
0x9f: {  	s19 =	simm.s32 $_scs_section_size  }
0xa0: {  	s5 =	simm.s32 $_size__tile_overlayer_lowered;
	s6 =	simm.s32 $_tile_overlayer_lowered  }
0xa1: {  	s22 =	simm.s32 $0x1BFF;
	s21 =	sshll.u32 s6, $0x1;
	s3 =	sadd.s32 s19, s18  }
0xa2: {  	s7 =	simm.s32 $0x0;
	s20 =	sshll.u32 s5, $0x1;
	s5 =	sadd.s32 s21, s3  }
0xa3: {  	[timem:s7], [sflag:s22] =	dma.local [hbm:s5], s20  }
0xa4: {  	_ =	swait.ge [sflag:s22], s20  }
0xa5: {  	s4 =	ssub.s32 $0x0, s20;
	[sflag:s22] =	ssyncset.done $0x0  }
0xa6: {  	[sflag:s22] =	ssyncadd.s32 s4;
	_ =	sdelay $0x1  }
0xa7: {  	s23 =	simm.s32 $0x1B8B  }
0xa8: {  	_ =	swait.ge [sflag:s23], $0x1  }
0xa9: {  	[sflag:s23] =	ssyncset.done $0x0  }
0xaa: {  	s25 =	simm.s32 $0x1B8E;
	s24 =	sld [smem:$0x3FFE];
	[sflag:s23] =	ssyncadd.s32 $0xFFFFFFFF  }
0xab: {  	s26 =	simm.s32 $execute0_lowered;
	[smem:$0x3FD2] =	sst s25  }
0xac: {  	s5 =	sshll.u32 s26, $0x1;
	_ =	strace $0x80000046;
	[dreg:$0x1] =	wrdreg $0xFFFFFFFF  }
0xad: {  	s28 =	simm.s32 $_size_execute0_lowered;
	s3 =	sadd.s32 s3, s5;
	[dreg:$0x0] =	wrdreg $0x0  }
0xae: {  	s5 =	sshll.u32 s28, $0x1;
	[dreg:$0x2] =	wrdreg s3  }
0xaf: {  	[dreg:$0x3] =	wrdreg s5  }
0xb0: {  	[dreg:$0x4] =	wrdreg $0xC0  }
0xb1: {  	_ =	task [dreg:s7], $0x5FFFF  }
0xb2: {  	[dreg:$0x1] =	wrdreg $0xFFFFFFFF  }
0xb3: {  	[dreg:$0x0] =	wrdreg $0x60  }
0xb4: {  	[dreg:$0x2] =	wrdreg s24  }
0xb5: {  	[dreg:$0x3] =	wrdreg s16  }
0xb6: {  	[dreg:$0x4] =	wrdreg $0x9  }
0xb7: {  	_ =	task.clear_ibuf [dreg:s7], $0x5FFFF;
	_ =	strace $0x90000046  }
0xb8: {  	s29 =	simm.s32 $0x9;
	_ =	strace $0x80000048  }
0xb9: {  	_ =	swait.ge [sflag:s29], $0x1  }
0xba: {  	[sflag:s29] =	ssyncadd.s32 $0xFFFFFFFF  }
0xbb: {  	_ =	strace $0x90000048  }
0xbc: {  	_ =	sfence  }
0xbd: {  	s30 =	sld [smem:$0x0];
	_ =	sdelay $0x2  }
0xbe: {  	s31 =	sshll.u32 s1, $0xD;
	s1 =	sshrl.u32 s1, $0x2  }
0xbf: {  	s3 =	sand.u32 $0x4000, s31;
	s1 =	sadd.s32 s1, s30  }
0xc0: {  	s0 =	sor.u32 s3, s0;
	s1 =	sshll.u32 s1, $0x11  }
0xc1: {  	s0 =	sor.u32 s1, s0  }
0xc2: {  	s0 =	sadd.s32 $0x8F2B, s0  }
0xc3: {  	[sflag:s0] =	ssyncadd.remote.s32 $0x1  }
0xc4: {  	_ =	sfence.sel $0xFFFF  }
0xc5: {  	[dreg:$0x0] =	wrdreg $0xFFFFFFFF;
	(pc) =	sbr.abs _section_cstart, $3  }
0xc6: {  	[dreg:$0x1] =	wrdreg $0xFFFFFFFF  }
0xc7: {  	_ =	task.clear_ibuf [dreg:s7], $0x2FFFF;
	_ =	strace $0x9FFFFFFF  }
0xc8: {  	(tm) =	ssettm $0x7FFFFFFF  }
0xc9: {  	_ =	shalt  }
tec
execute0_lowered:
.L_overlay_start_1:
0x0: {  	(tag) =	ssettag $0x1  }
0x1: {  	s4 =	rddreg [dreg:$0x0]  }
0x2: {  	s2 =	rddreg [dreg:$0x1];
	s1 =	stileid.u32  }
0x3: {  	s0 =	rddreg [dreg:$0x2];
	s5 =	srdreg.scid;
	s3 =	simm.s32 $0x0  }
0x4: {  	s11 =	simm.s32 $0x3;
	s12 =	simm.s32 $0x1C400;
	s13 =	simm.s32 $0x1000  }
0x5: {  	s14 =	simm.s32 $0x10000;
	s15 =	simm.s32 $0x2;
	s16 =	simm.s32 $0xE000  }
0x6: {  	s17 =	simm.s32 $0x1;
	s18 =	simm.s32 $0x0;
	s6 =	sshll.u32 s1, $0x1  }
0x7: {  	s5 =	sand.u32 $0x1, s5;
	[smem:$0x7FF] =	sst s3;
	s6 =	sand.u32 $0xE, s6  }
0x8: {  	s7 =	sshrl.u32 s1, $0x3;
	_ =	strace $0x80000047;
	s6 =	sor.u32 s5, s6  }
0x9: {  	v3 =	vimm.f32 $1.110899630e-02;
	s9 =	smul.u32 $0x350000, s7;
	s10 =	ssub.s32 $0x2, s5;
	s8 =	sshll.u32 s6, $0x7  }
0xa: {  	v5 =	vlaneseq.u32;
	v4 =	vimm.f32 $4.393693430e-02;
	v6 =	vimm.f32 $1.353352810e-01;
	s30 =	sshrl.u32 s10, $0x1;
	s8 =	sadd.s32 s8, s4;
	s4 =	sshll.u32 s6, $0xC  }
0xb: {  	v1 =	vimm.f32 $0.0e+00;
	v7 =	vimm.f32 $3.246524630e-01;
	v8 =	vimm.f32 $6.065306660e-01;
	s5 =	smul.u32 $0x35, s7;
	s10 =	ssub.s32 s10, s30;
	s31 =	sor.u32 s9, s4  }
0xc: {  	v9 =	vimm.f32 $8.824968930e-01;
	v10 =	vimm.f32 $1.000000000e+00;
	v2 =	vand.u32 $0x7, v5;
	s10 =	smax.u32 s10, $0x1;
	s6 =	sadd.s32 $0xA00, s8;
	s9 =	sshrl.u32 s31, $0x3  }
0xd: {  	v5 =	vshrl.u32 v5, $0x3;
	v2 =	vmul.u32 $0x80, v2;
	v0 =	vmov s5;
	s7 =	sadd.s32 $0x1200, s8;
	s8 =	sadd.s32 s2, s9;
	s9 =	simm.s32 $0x1C000  }
.LBB2_1:
0xe: {  	[tilespmem:s9], [sflag:$0x3] =	stream.linear.gather [hbm4b:s6+s3], $0x400, $0x38;
	[tilespmem:$0x1C800] =	vst v63  }
0xf: {  	_ =	swait.ge [sflag:s11], $0x400  }
0x10: {  	[sflag:s11] =	ssyncset.done $0x0  }
0x11: {  	[sflag:s11] =	ssyncadd.s32 $0xFFFFFC00  }
0x12: {  	[tilespmem:s12], [sflag:$0x3] =	stream.linear.gather [hbm4b:s7+s3], $0x400, $0x38;
	[tilespmem:$0x1C800] =	vst v63  }
0x13: {  	_ =	swait.ge [sflag:s11], $0x400  }
0x14: {  	s19 =	sand.u32 $0x380, s3;
	s20 =	sand.u32 $0x7FFFF000, s3;
	[sflag:s11] =	ssyncset.done $0x0  }
0x15: {  	s19 =	sor.u32 s19, s20;
	[sflag:s11] =	ssyncadd.s32 $0xFFFFFC00  }
0x16: {  	[tilespmem:s19+$0xC70] =	vst v1  }
0x17: {  	[tilespmem:s19+$0x0] =	vst v1  }
0x18: {  	[tilespmem:s19+$0x10] =	vst v1  }
0x19: {  	[tilespmem:s19+$0x20] =	vst v1  }
0x1a: {  	[tilespmem:s19+$0x30] =	vst v1  }
0x1b: {  	[tilespmem:s19+$0x40] =	vst v1  }
0x1c: {  	[tilespmem:s19+$0x50] =	vst v1  }
0x1d: {  	[tilespmem:s19+$0x60] =	vst v1  }
0x1e: {  	[tilespmem:s19+$0x70] =	vst v1  }
0x1f: {  	[tilespmem:s19+$0x400] =	vst v1  }
0x20: {  	[tilespmem:s19+$0x410] =	vst v1  }
0x21: {  	[tilespmem:s19+$0x420] =	vst v1  }
0x22: {  	[tilespmem:s19+$0x430] =	vst v1  }
0x23: {  	[tilespmem:s19+$0x440] =	vst v1  }
0x24: {  	[tilespmem:s19+$0x450] =	vst v1  }
0x25: {  	[tilespmem:s19+$0x460] =	vst v1  }
0x26: {  	[tilespmem:s19+$0x470] =	vst v1  }
0x27: {  	[tilespmem:s19+$0x800] =	vst v1  }
0x28: {  	[tilespmem:s19+$0x810] =	vst v1  }
0x29: {  	[tilespmem:s19+$0x820] =	vst v1  }
0x2a: {  	[tilespmem:s19+$0x830] =	vst v1  }
0x2b: {  	[tilespmem:s19+$0x840] =	vst v1  }
0x2c: {  	[tilespmem:s19+$0x850] =	vst v1  }
0x2d: {  	[tilespmem:s19+$0x860] =	vst v1  }
0x2e: {  	[tilespmem:s19+$0x870] =	vst v1  }
0x2f: {  	[tilespmem:s19+$0xC00] =	vst v1  }
0x30: {  	[tilespmem:s19+$0xC10] =	vst v1  }
0x31: {  	[tilespmem:s19+$0xC20] =	vst v1  }
0x32: {  	[tilespmem:s19+$0xC30] =	vst v1  }
0x33: {  	s21 =	simm.s32 $0x200;
	s20 =	simm.s32 $0x80;
	[tilespmem:s19+$0xC40] =	vst v1  }
0x34: {  	s23 =	sand.u32 $0x7FFFF000, s21;
	s21 =	simm.s32 $0x400;
	s22 =	sand.u32 $0x380, s20;
	[tilespmem:s19+$0xC50] =	vst v1  }
.LBB2_2:
0x35: {  	p0 =	sne.s32 s21, $0xDE00;
	[tilespmem:s19+$0xC60] =	vst v1;
	s19 =	sor.u32 s22, s23  }
0x36: {  	[tilespmem:s19+$0xC70] =	vst v1  }
0x37: {  	[tilespmem:s19+$0x0] =	vst v1  }
0x38: {  	[tilespmem:s19+$0x10] =	vst v1  }
0x39: {  	[tilespmem:s19+$0x20] =	vst v1  }
0x3a: {  	[tilespmem:s19+$0x30] =	vst v1  }
0x3b: {  	[tilespmem:s19+$0x40] =	vst v1  }
0x3c: {  	[tilespmem:s19+$0x50] =	vst v1  }
0x3d: {  	[tilespmem:s19+$0x60] =	vst v1  }
0x3e: {  	[tilespmem:s19+$0x70] =	vst v1  }
0x3f: {  	[tilespmem:s19+$0x400] =	vst v1  }
0x40: {  	[tilespmem:s19+$0x410] =	vst v1  }
0x41: {  	[tilespmem:s19+$0x420] =	vst v1  }
0x42: {  	[tilespmem:s19+$0x430] =	vst v1  }
0x43: {  	[tilespmem:s19+$0x440] =	vst v1  }
0x44: {  	[tilespmem:s19+$0x450] =	vst v1  }
0x45: {  	[tilespmem:s19+$0x460] =	vst v1  }
0x46: {  	[tilespmem:s19+$0x470] =	vst v1  }
0x47: {  	[tilespmem:s19+$0x800] =	vst v1  }
0x48: {  	[tilespmem:s19+$0x810] =	vst v1  }
0x49: {  	[tilespmem:s19+$0x820] =	vst v1  }
0x4a: {  	[tilespmem:s19+$0x830] =	vst v1  }
0x4b: {  	[tilespmem:s19+$0x840] =	vst v1  }
0x4c: {  	[tilespmem:s19+$0x850] =	vst v1  }
0x4d: {  	[tilespmem:s19+$0x860] =	vst v1  }
0x4e: {  	[tilespmem:s19+$0x870] =	vst v1  }
0x4f: {  	[tilespmem:s19+$0xC00] =	vst v1  }
.Ltmp0:
0x50: {  	[tilespmem:s19+$0xC10] =	vst v1;
	(pc) =	sbr.rel @p0 .LBB2_2-.Ltmp0, $4  }
0x51: {  	[tilespmem:s19+$0xC20] =	vst v1  }
0x52: {  	[tilespmem:s19+$0xC30] =	vst v1  }
0x53: {  	s20 =	sadd.s32 $0x80, s20;
	[tilespmem:s19+$0xC40] =	vst v1  }
0x54: {  	s23 =	sand.u32 $0x7FFFF000, s21;
	s21 =	sadd.s32 $0x200, s21;
	s22 =	sand.u32 $0x380, s20;
	[tilespmem:s19+$0xC50] =	vst v1  }
0x55: {  	s20 =	sor.u32 s22, s23;
	[tilespmem:s19+$0xC60] =	vst v1  }
0x56: {  	[tilespmem:s20+$0xC70] =	vst v1  }
0x57: {  	[tilespmem:s20+$0x0] =	vst v1  }
0x58: {  	[tilespmem:s20+$0x10] =	vst v1  }
0x59: {  	[tilespmem:s20+$0x20] =	vst v1  }
0x5a: {  	[tilespmem:s20+$0x30] =	vst v1  }
0x5b: {  	[tilespmem:s20+$0x40] =	vst v1  }
0x5c: {  	[tilespmem:s20+$0x50] =	vst v1  }
0x5d: {  	[tilespmem:s20+$0x60] =	vst v1  }
0x5e: {  	[tilespmem:s20+$0x70] =	vst v1  }
0x5f: {  	[tilespmem:s20+$0x400] =	vst v1  }
0x60: {  	[tilespmem:s20+$0x410] =	vst v1  }
0x61: {  	[tilespmem:s20+$0x420] =	vst v1  }
0x62: {  	[tilespmem:s20+$0x430] =	vst v1  }
0x63: {  	[tilespmem:s20+$0x440] =	vst v1  }
0x64: {  	[tilespmem:s20+$0x450] =	vst v1  }
0x65: {  	[tilespmem:s20+$0x460] =	vst v1  }
0x66: {  	[tilespmem:s20+$0x470] =	vst v1  }
0x67: {  	[tilespmem:s20+$0x800] =	vst v1  }
0x68: {  	[tilespmem:s20+$0x810] =	vst v1  }
0x69: {  	[tilespmem:s20+$0x820] =	vst v1  }
0x6a: {  	[tilespmem:s20+$0x830] =	vst v1  }
0x6b: {  	[tilespmem:s20+$0x840] =	vst v1  }
0x6c: {  	[tilespmem:s20+$0x850] =	vst v1  }
0x6d: {  	s31 =	simm.s32 $0x0;
	[tilespmem:s20+$0x860] =	vst v1  }
0x6e: {  	[tilespmem:s20+$0x870] =	vst v1;
	v11 =	vor.u32 s31, v5  }
0x6f: {  	[tilespmem:s20+$0xC00] =	vst v1;
	v12 =	vadd.s32 v0, v11  }
0x70: {  	[tilespmem:s20+$0xC10] =	vst v1;
	vm0 =	vlt.u32 v12, $0x6A  }
0x71: {  	[tilespmem:s20+$0xC20] =	vst v1;
	v12 =	vor.u32 v2, v12  }
0x72: {  	[tilespmem:s20+$0xC30] =	vst v1  }
0x73: {  	[tilespmem:s20+$0xC40] =	vst v1  }
0x74: {  	[tilespmem:s20+$0xC50] =	vst v1  }
0x75: {  	[tilespmem:s20+$0xC60] =	vst v1  }
0x76: {  	v13 =	vld.idx.msk [tilespmem:v12+s9+$0x0], vm0  }
0x77: {  	v12 =	vld.idx.msk [tilespmem:v12+s12+$0x0], vm0;
	_ =	sdelay $0x3  }
0x78: {  	v13 =	vtrunc.f32 v13  }
0x79: {  	v12 =	vtrunc.f32 v12;
	v14 =	vcvt.f32.s32 v13  }
0x7a: {  	vm1 =	vlt.u32 v11, $0x35;
	v11 =	vshll.u32 v11, $0xC;
	v13 =	vcvt.f32.s32 v12  }
0x7b: {  	v15 =	vadd.s32 $0xFFFFFFFA, v14;
	v16 =	vadd.s32 $0x7, v14;
	v12 =	vadd.s32 $0x6, v14  }
0x7c: {  	v17 =	vadd.s32 $0xFFFFFFFA, v13;
	v13 =	vadd.s32 $0x7, v13;
	v19 =	vshll.u32 v14, $0x3  }
0x7d: {  	v23 =	vadd.s32 $0xFFFFFFFC, v14;
	v29 =	vadd.s32 $0xFFFFFFFE, v14;
	v25 =	vadd.s32 $0xFFFFFFFB, v14  }
0x7e: {  	v30 =	vadd.s32 $0xFFFFFFFD, v14;
	vm2 =	vlt.u32 v15, $0x201;
	vm0 =	vlt.u32 v12, $0x200  }
0x7f: {  	vm3 =	vlt.u32 v17, $0x201;
	v17 =	vand.u32 $0x7F, v14;
	vm4 =	vlt.u32 v16, $0x201  }
0x80: {  	v20 =	vand.u32 $0x7F, v15;
	vm5 =	vlt.u32 v15, $0x200;
	v15 =	vshll.u32 v15, $0x3  }
0x81: {  	v24 =	vshll.u32 v23, $0x3;
	v26 =	vshll.u32 v29, $0x3;
	vm8 =	vlt.u32 v25, $0x200  }
0x82: {  	v31 =	vshll.u32 v30, $0x3;
	v19 =	vand.u32 $0xFFFFFC00, v19;
	v27 =	vand.u32 $0x7F, v25  }
0x83: {  	v25 =	vshll.u32 v25, $0x3;
	vm2 =	vmand vm2, vm3;
	vm3 =	vlt.u32 v13, $0x201  }
0x84: {  	v13 =	vadd.s32 $0x2, v14;
	v15 =	vand.u32 $0xFFFFFC00, v15;
	v24 =	vand.u32 $0xFFFFFC00, v24  }
0x85: {  	v32 =	vadd.s32 v11, v19;
	v26 =	vand.u32 $0xFFFFFC00, v26;
	v16 =	vand.u32 $0x7F, v13  }
0x86: {  	vm3 =	vmand vm4, vm3;
	v18 =	vshll.u32 v13, $0x3;
	v21 =	vadd.s32 v11, v15  }
0x87: {  	v15 =	vadd.s32 $0x1, v14;
	vm4 =	vlt.u32 v30, $0x200;
	v24 =	vadd.s32 v11, v24  }
0x88: {  	v17 =	vor.u32 v17, v32;
	v26 =	vadd.s32 v11, v26;
	vm2 =	vmor vm2, vm3  }
0x89: {  	v20 =	vor.u32 v20, v21;
	v21 =	vshll.u32 v15, $0x3;
	v22 =	vand.u32 $0x7F, v15  }
0x8a: {  	v17 =	vor.u32 v2, v17;
	vm1 =	vmand vm1, vm2;
	v28 =	vor.u32 v2, v20  }
0x8b: {  	v20 =	vand.u32 $0xFFFFFC00, v21;
	v21 =	vadd.s32 $0xFFFFFFFF, v14;
	vm7 =	vmand vm5, vm1  }
0x8c: {  	vm2 =	vlt.u32 v23, $0x200;
	v23 =	vand.u32 $0x7F, v23;
	v20 =	vadd.s32 v11, v20  }
0x8d: {  	vm5 =	vlt.u32 v14, $0x200;
	vm3 =	vmand vm2, vm1;
	vm6 =	vlt.u32 v21, $0x200  }
0x8e: {  	v24 =	vor.u32 v23, v24;
	v23 =	vand.u32 $0x7F, v30;
	v30 =	vand.u32 $0xFFFFFC00, v31  }
0x8f: {  	v31 =	vand.u32 $0xFFFFFC00, v25;
	vm2 =	vmand vm5, vm1;
	v19 =	vor.u32 v2, v24  }
0x90: {  	v24 =	vand.u32 $0x7F, v29;
	vm5 =	vmand vm8, vm1;
	v25 =	vadd.s32 v11, v30  }
0x91: {  	s19 =	simm.s32 $0x2;
	vm8 =	vlt.u32 v29, $0x200;
	v29 =	vshll.u32 v21, $0x3;
	[tilespmem:v28+s3+$0x0] =	vst.idx.msk vm7, v3;
	v28 =	vadd.s32 v11, v31  }
.LBB2_4:
0x92: {  	p0 =	sne.s32 s19, $0xC;
	v27 =	vor.u32 v27, v28;
	v28 =	vand.u32 $0xFFFFFC00, v29;
	v29 =	vadd.s32 $0x3, v14;
	s20 =	smov.u32 s19;
	s19 =	sadd.s32 $0x2, s19  }
0x93: {  	vm6 =	vmand vm6, vm1;
	v27 =	vor.u32 v2, v27;
	v30 =	vand.u32 $0x7F, v29  }
0x94: {  	vm8 =	vmand vm8, vm1;
	v18 =	vand.u32 $0xFFFFFC00, v18;
	vm7 =	vlt.u32 v29, $0x200  }
0x95: {  	v21 =	vand.u32 $0x7F, v21;
	v20 =	vor.u32 v22, v20;
	v22 =	vadd.s32 $0x4, v14  }
0x96: {  	v24 =	vor.u32 v24, v26;
	v18 =	vadd.s32 v11, v18;
	vm7 =	vmand vm7, vm1  }
0x97: {  	v24 =	vor.u32 v2, v24;
	vm9 =	vlt.u32 v22, $0x200;
	v16 =	vor.u32 v16, v18  }
0x98: {  	v14 =	vadd.s32 $0x5, v14;
	v18 =	vor.u32 v23, v25;
	v23 =	vshll.u32 v29, $0x3  }
0x99: {  	v26 =	vshll.u32 v14, $0x3;
	v25 =	vadd.s32 v11, v28;
	v23 =	vand.u32 $0xFFFFFC00, v23  }
0x9a: {  	vm0 =	vmand vm0, vm1;
	v26 =	vand.u32 $0xFFFFFC00, v26;
	v23 =	vadd.s32 v11, v23  }
0x9b: {  	v28 =	vshll.u32 v22, $0x3;
	v29 =	vand.u32 $0x7F, v14;
	v23 =	vor.u32 v30, v23  }
0x9c: {  	v18 =	vor.u32 v2, v18;
	[tilespmem:v27+s3+$0x0] =	vst.idx.msk vm5, v4;
	vm5 =	vmand vm9, vm1;
	v27 =	vand.u32 $0xFFFFFC00, v28  }
0x9d: {  	[tilespmem:v19+s3+$0x0] =	vst.idx.msk vm3, v6;
	v19 =	vor.u32 v21, v25;
	v21 =	vand.u32 $0x7F, v22;
	v22 =	vadd.s32 v11, v27  }
0x9e: {  	v23 =	vor.u32 v2, v23;
	vm3 =	vmand vm4, vm1;
	v21 =	vor.u32 v21, v22  }
0x9f: {  	vm4 =	vlt.u32 v15, $0x200;
	v15 =	vor.u32 v2, v21;
	v21 =	vadd.s32 v11, v26  }
0xa0: {  	vm9 =	vlt.u32 v13, $0x200;
	vm4 =	vmand vm4, vm1;
	v13 =	vor.u32 v29, v21  }
0xa1: {  	v20 =	vor.u32 v2, v20;
	vm9 =	vmand vm9, vm1;
	v19 =	vor.u32 v2, v19  }
0xa2: {  	v16 =	vor.u32 v2, v16;
	v21 =	vshll.u32 v12, $0x3  }
0xa3: {  	vm10 =	vlt.u32 v14, $0x200;
	v14 =	vand.u32 $0xFFFFFC00, v21  }
0xa4: {  	vm1 =	vmand vm10, vm1;
	v12 =	vand.u32 $0x7F, v12;
	v11 =	vadd.s32 v11, v14;
	[tilespmem:v18+s3+$0x0] =	vst.idx.msk vm3, v7  }
0xa5: {  	v13 =	vor.u32 v2, v13;
	v11 =	vor.u32 v12, v11;
	[tilespmem:v24+s3+$0x0] =	vst.idx.msk vm8, v8  }
0xa6: {  	v12 =	vor.u32 s20, v5;
	[tilespmem:v19+s3+$0x0] =	vst.idx.msk vm6, v9  }
0xa7: {  	v14 =	vadd.s32 v0, v12;
	[tilespmem:v17+s3+$0x0] =	vst.idx.msk vm2, v10  }
0xa8: {  	v11 =	vor.u32 v2, v11;
	vm2 =	vlt.u32 v14, $0x6A;
	[tilespmem:v20+s3+$0x0] =	vst.idx.msk vm4, v9  }
0xa9: {  	v14 =	vor.u32 v2, v14;
	[tilespmem:v16+s3+$0x0] =	vst.idx.msk vm9, v8  }
0xaa: {  	[tilespmem:v23+s3+$0x0] =	vst.idx.msk vm7, v7  }
0xab: {  	[tilespmem:v15+s3+$0x0] =	vst.idx.msk vm5, v6  }
0xac: {  	[tilespmem:v13+s3+$0x0] =	vst.idx.msk vm1, v4  }
0xad: {  	[tilespmem:v11+s3+$0x0] =	vst.idx.msk vm0, v3  }
0xae: {  	v11 =	vld.idx.msk [tilespmem:v14+s9+$0x0], vm2  }
0xaf: {  	v13 =	vld.idx.msk [tilespmem:v14+s12+$0x0], vm2;
	_ =	sdelay $0x4  }
0xb0: {  	v11 =	vtrunc.f32 v11  }
0xb1: {  	v14 =	vcvt.f32.s32 v11;
	v11 =	vtrunc.f32 v13  }
0xb2: {  	vm1 =	vlt.u32 v12, $0x35;
	v13 =	vcvt.f32.s32 v11;
	v11 =	vshll.u32 v12, $0xC  }
0xb3: {  	v15 =	vadd.s32 $0xFFFFFFFA, v14;
	v16 =	vadd.s32 $0x7, v14;
	v12 =	vadd.s32 $0x6, v14  }
0xb4: {  	vm2 =	vlt.u32 v15, $0x201;
	v17 =	vadd.s32 $0xFFFFFFFA, v13;
	vm0 =	vlt.u32 v12, $0x200  }
0xb5: {  	v13 =	vadd.s32 $0x7, v13;
	vm3 =	vlt.u32 v17, $0x201;
	v17 =	vand.u32 $0x7F, v14  }
0xb6: {  	v19 =	vshll.u32 v14, $0x3;
	vm2 =	vmand vm2, vm3;
	vm3 =	vlt.u32 v13, $0x201  }
0xb7: {  	vm4 =	vlt.u32 v16, $0x201;
	v20 =	vand.u32 $0x7F, v15;
	v13 =	vadd.s32 $0x2, v14  }
0xb8: {  	vm5 =	vlt.u32 v15, $0x200;
	v15 =	vshll.u32 v15, $0x3;
	v16 =	vand.u32 $0x7F, v13  }
0xb9: {  	v15 =	vand.u32 $0xFFFFFC00, v15;
	vm3 =	vmand vm4, vm3;
	v18 =	vshll.u32 v13, $0x3  }
0xba: {  	v21 =	vadd.s32 v11, v15;
	v15 =	vadd.s32 $0x1, v14;
	vm2 =	vmor vm2, vm3  }
0xbb: {  	v23 =	vadd.s32 $0xFFFFFFFC, v14;
	v20 =	vor.u32 v20, v21;
	v21 =	vshll.u32 v15, $0x3  }
0xbc: {  	v24 =	vor.u32 v2, v20;
	v20 =	vand.u32 $0xFFFFFC00, v21;
	vm1 =	vmand vm1, vm2  }
0xbd: {  	v28 =	vadd.s32 $0xFFFFFFFE, v14;
	v20 =	vadd.s32 v11, v20;
	vm5 =	vmand vm5, vm1  }
0xbe: {  	v25 =	vshll.u32 v23, $0x3;
	v22 =	vand.u32 $0x7F, v15;
	v21 =	vadd.s32 $0xFFFFFFFF, v14  }
0xbf: {  	v26 =	vadd.s32 $0xFFFFFFFB, v14;
	v29 =	vshll.u32 v28, $0x3;
	v25 =	vand.u32 $0xFFFFFC00, v25  }
0xc0: {  	v30 =	vadd.s32 $0xFFFFFFFD, v14;
	vm6 =	vlt.u32 v14, $0x200;
	vm2 =	vlt.u32 v23, $0x200  }
0xc1: {  	vm7 =	vlt.u32 v26, $0x200;
	v31 =	vshll.u32 v30, $0x3;
	v23 =	vand.u32 $0x7F, v23  }
0xc2: {  	vm4 =	vlt.u32 v30, $0x200;
	vm3 =	vmand vm2, vm1;
	vm2 =	vmand vm6, vm1  }
0xc3: {  	vm6 =	vlt.u32 v21, $0x200;
	[tilespmem:v24+s3+$0x0] =	vst.idx.msk vm5, v3;
	v24 =	vadd.s32 v11, v25;
	v25 =	vand.u32 $0xFFFFFC00, v19  }
0xc4: {  	v27 =	vand.u32 $0x7F, v26;
	v19 =	vor.u32 v23, v24;
	v23 =	vand.u32 $0x7F, v30  }
.Ltmp1:
0xc5: {  	v24 =	vand.u32 $0x7F, v28;
	v25 =	vadd.s32 v11, v25;
	v19 =	vor.u32 v2, v19;
	(pc) =	sbr.rel @p0 .LBB2_4-.Ltmp1, $4  }
0xc6: {  	v29 =	vand.u32 $0xFFFFFC00, v29;
	v30 =	vand.u32 $0xFFFFFC00, v31;
	v17 =	vor.u32 v17, v25  }
0xc7: {  	vm5 =	vmand vm7, vm1;
	v25 =	vshll.u32 v26, $0x3;
	v26 =	vadd.s32 v11, v29  }
0xc8: {  	vm8 =	vlt.u32 v28, $0x200;
	v29 =	vand.u32 $0xFFFFFC00, v25;
	v25 =	vadd.s32 v11, v30  }
0xc9: {  	v17 =	vor.u32 v2, v17;
	v28 =	vadd.s32 v11, v29;
	v29 =	vshll.u32 v21, $0x3  }
0xca: {  	v27 =	vor.u32 v27, v28;
	v45 =	vand.u32 $0xFFFFFC00, v29;
	v46 =	vadd.s32 $0x3, v14  }
0xcb: {  	vm6 =	vmand vm6, vm1;
	vm8 =	vmand vm8, vm1;
	v18 =	vand.u32 $0xFFFFFC00, v18  }
0xcc: {  	v21 =	vand.u32 $0x7F, v21;
	v20 =	vor.u32 v22, v20;
	v47 =	vadd.s32 $0x4, v14  }
0xcd: {  	v24 =	vor.u32 v24, v26;
	v49 =	vadd.s32 $0x5, v14;
	v23 =	vor.u32 v23, v25  }
0xce: {  	vm10 =	vmand vm4, vm1;
	vm15 =	vlt.u32 v15, $0x200;
	vm12 =	vlt.u32 v13, $0x200  }
0xcf: {  	v60 =	vshll.u32 v12, $0x3;
	v62 =	vand.u32 $0x7F, v12;
	v27 =	vor.u32 v2, v27  }
0xd0: {  	v30 =	vand.u32 $0x7F, v46;
	vm7 =	vlt.u32 v46, $0x200;
	v18 =	vadd.s32 v11, v18  }
0xd1: {  	v24 =	vor.u32 v2, v24;
	v48 =	vshll.u32 v46, $0x3;
	vm9 =	vlt.u32 v47, $0x200  }
0xd2: {  	v50 =	vshll.u32 v49, $0x3;
	v51 =	vadd.s32 v11, v45;
	v52 =	vshll.u32 v47, $0x3  }
0xd3: {  	v53 =	vand.u32 $0x7F, v49;
	v23 =	vor.u32 v2, v23;
	v22 =	vand.u32 $0x7F, v47  }
0xd4: {  	v58 =	vor.u32 v2, v20;
	vm13 =	vmand vm12, vm1;
	vm14 =	vlt.u32 v49, $0x200  }
0xd5: {  	v16 =	vor.u32 v16, v18;
	v18 =	vand.u32 $0xFFFFFC00, v48;
	v21 =	vor.u32 v21, v51  }
0xd6: {  	v25 =	vand.u32 $0xFFFFFC00, v50;
	v28 =	vand.u32 $0xFFFFFC00, v52;
	v55 =	vor.u32 v2, v21  }
0xd7: {  	v18 =	vadd.s32 v11, v18;
	v54 =	vadd.s32 v11, v28;
	[tilespmem:v27+s3+$0x0] =	vst.idx.msk vm5, v4;
	vm5 =	vmand vm15, vm1  }
0xd8: {  	v61 =	vand.u32 $0xFFFFFC00, v60;
	v59 =	vadd.s32 v11, v25;
	v16 =	vor.u32 v2, v16;
	[tilespmem:v19+s3+$0x0] =	vst.idx.msk vm3, v6  }
0xd9: {  	vm7 =	vmand vm7, vm1;
	v11 =	vadd.s32 v11, v61;
	v18 =	vor.u32 v30, v18;
	[tilespmem:v23+s3+$0x0] =	vst.idx.msk vm10, v7  }
0xda: {  	vm4 =	vmand vm9, vm1;
	v56 =	vor.u32 v22, v54;
	v18 =	vor.u32 v2, v18;
	[tilespmem:v24+s3+$0x0] =	vst.idx.msk vm8, v8  }
0xdb: {  	v20 =	vor.u32 v53, v59;
	v57 =	vor.u32 v2, v56;
	vm15 =	vmand vm14, vm1;
	[tilespmem:v55+s3+$0x0] =	vst.idx.msk vm6, v9  }
0xdc: {  	vm0 =	vmand vm0, vm1;
	v11 =	vor.u32 v62, v11;
	v63 =	vor.u32 v2, v20;
	[tilespmem:v17+s3+$0x0] =	vst.idx.msk vm2, v10  }
0xdd: {  	v11 =	vor.u32 v2, v11;
	[tilespmem:v58+s3+$0x0] =	vst.idx.msk vm5, v9  }
0xde: {  	[tilespmem:v16+s3+$0x0] =	vst.idx.msk vm13, v8  }
0xdf: {  	[tilespmem:v18+s3+$0x0] =	vst.idx.msk vm7, v7  }
0xe0: {  	[tilespmem:v57+s3+$0x0] =	vst.idx.msk vm4, v6  }
0xe1: {  	[tilespmem:v63+s3+$0x0] =	vst.idx.msk vm15, v4  }
0xe2: {  	s19 =	simm.s32 $0x0;
	[tilespmem:v11+s3+$0x0] =	vst.idx.msk vm0, v3  }
0xe3: {  	[hbm4b:s8+s13] =	stream.strided.scatter [tilespmem:s19], [sflag:$0x1], $0xE000, s14, s13, $0x38;
	[tilespmem:$0x1C800] =	vst v63  }
0xe4: {  	s20 =	sand.u32 $0x380, s19;
	s19 =	sand.u32 $0x7FFFF000, s19  }
0xe5: {  	s19 =	sor.u32 s20, s19  }
0xe6: {  	[tilespmem:s19+$0xEC70] =	vst v1  }
0xe7: {  	[tilespmem:s19+$0xE000] =	vst v1  }
0xe8: {  	[tilespmem:s19+$0xE010] =	vst v1  }
0xe9: {  	[tilespmem:s19+$0xE020] =	vst v1  }
0xea: {  	[tilespmem:s19+$0xE030] =	vst v1  }
0xeb: {  	[tilespmem:s19+$0xE040] =	vst v1  }
0xec: {  	[tilespmem:s19+$0xE050] =	vst v1  }
0xed: {  	[tilespmem:s19+$0xE060] =	vst v1  }
0xee: {  	[tilespmem:s19+$0xE070] =	vst v1  }
0xef: {  	[tilespmem:s19+$0xE400] =	vst v1  }
0xf0: {  	[tilespmem:s19+$0xE410] =	vst v1  }
0xf1: {  	[tilespmem:s19+$0xE420] =	vst v1  }
0xf2: {  	[tilespmem:s19+$0xE430] =	vst v1  }
0xf3: {  	[tilespmem:s19+$0xE440] =	vst v1  }
0xf4: {  	[tilespmem:s19+$0xE450] =	vst v1  }
0xf5: {  	[tilespmem:s19+$0xE460] =	vst v1  }
0xf6: {  	[tilespmem:s19+$0xE470] =	vst v1  }
0xf7: {  	[tilespmem:s19+$0xE800] =	vst v1  }
0xf8: {  	[tilespmem:s19+$0xE810] =	vst v1  }
0xf9: {  	[tilespmem:s19+$0xE820] =	vst v1  }
0xfa: {  	[tilespmem:s19+$0xE830] =	vst v1  }
0xfb: {  	[tilespmem:s19+$0xE840] =	vst v1  }
0xfc: {  	[tilespmem:s19+$0xE850] =	vst v1  }
0xfd: {  	[tilespmem:s19+$0xE860] =	vst v1  }
0xfe: {  	[tilespmem:s19+$0xE870] =	vst v1  }
0xff: {  	[tilespmem:s19+$0xEC00] =	vst v1  }
0x100: {  	[tilespmem:s19+$0xEC10] =	vst v1  }
0x101: {  	[tilespmem:s19+$0xEC20] =	vst v1  }
0x102: {  	[tilespmem:s19+$0xEC30] =	vst v1  }
0x103: {  	s21 =	simm.s32 $0x200;
	s20 =	simm.s32 $0x80;
	[tilespmem:s19+$0xEC40] =	vst v1  }
0x104: {  	s23 =	sand.u32 $0x7FFFF000, s21;
	s21 =	simm.s32 $0x400;
	s22 =	sand.u32 $0x380, s20;
	[tilespmem:s19+$0xEC50] =	vst v1  }
.LBB2_6:
0x105: {  	p0 =	sne.s32 s21, $0xDE00;
	[tilespmem:s19+$0xEC60] =	vst v1;
	s19 =	sor.u32 s22, s23  }
0x106: {  	[tilespmem:s19+$0xEC70] =	vst v1  }
0x107: {  	[tilespmem:s19+$0xE000] =	vst v1  }
0x108: {  	[tilespmem:s19+$0xE010] =	vst v1  }
0x109: {  	[tilespmem:s19+$0xE020] =	vst v1  }
0x10a: {  	[tilespmem:s19+$0xE030] =	vst v1  }
0x10b: {  	[tilespmem:s19+$0xE040] =	vst v1  }
0x10c: {  	[tilespmem:s19+$0xE050] =	vst v1  }
0x10d: {  	[tilespmem:s19+$0xE060] =	vst v1  }
0x10e: {  	[tilespmem:s19+$0xE070] =	vst v1  }
0x10f: {  	[tilespmem:s19+$0xE400] =	vst v1  }
0x110: {  	[tilespmem:s19+$0xE410] =	vst v1  }
0x111: {  	[tilespmem:s19+$0xE420] =	vst v1  }
0x112: {  	[tilespmem:s19+$0xE430] =	vst v1  }
0x113: {  	[tilespmem:s19+$0xE440] =	vst v1  }
0x114: {  	[tilespmem:s19+$0xE450] =	vst v1  }
0x115: {  	[tilespmem:s19+$0xE460] =	vst v1  }
0x116: {  	[tilespmem:s19+$0xE470] =	vst v1  }
0x117: {  	[tilespmem:s19+$0xE800] =	vst v1  }
0x118: {  	[tilespmem:s19+$0xE810] =	vst v1  }
0x119: {  	[tilespmem:s19+$0xE820] =	vst v1  }
0x11a: {  	[tilespmem:s19+$0xE830] =	vst v1  }
0x11b: {  	[tilespmem:s19+$0xE840] =	vst v1  }
0x11c: {  	[tilespmem:s19+$0xE850] =	vst v1  }
0x11d: {  	[tilespmem:s19+$0xE860] =	vst v1  }
0x11e: {  	[tilespmem:s19+$0xE870] =	vst v1  }
0x11f: {  	[tilespmem:s19+$0xEC00] =	vst v1  }
.Ltmp2:
0x120: {  	[tilespmem:s19+$0xEC10] =	vst v1;
	(pc) =	sbr.rel @p0 .LBB2_6-.Ltmp2, $4  }
0x121: {  	[tilespmem:s19+$0xEC20] =	vst v1  }
0x122: {  	[tilespmem:s19+$0xEC30] =	vst v1  }
0x123: {  	s20 =	sadd.s32 $0x80, s20;
	[tilespmem:s19+$0xEC40] =	vst v1  }
0x124: {  	s23 =	sand.u32 $0x7FFFF000, s21;
	s21 =	sadd.s32 $0x200, s21;
	s22 =	sand.u32 $0x380, s20;
	[tilespmem:s19+$0xEC50] =	vst v1  }
0x125: {  	s20 =	sor.u32 s22, s23;
	[tilespmem:s19+$0xEC60] =	vst v1  }
0x126: {  	[tilespmem:s20+$0xEC70] =	vst v1  }
0x127: {  	[tilespmem:s20+$0xE000] =	vst v1  }
0x128: {  	[tilespmem:s20+$0xE010] =	vst v1  }
0x129: {  	[tilespmem:s20+$0xE020] =	vst v1  }
0x12a: {  	[tilespmem:s20+$0xE030] =	vst v1  }
0x12b: {  	[tilespmem:s20+$0xE040] =	vst v1  }
0x12c: {  	[tilespmem:s20+$0xE050] =	vst v1  }
0x12d: {  	[tilespmem:s20+$0xE060] =	vst v1  }
0x12e: {  	[tilespmem:s20+$0xE070] =	vst v1  }
0x12f: {  	[tilespmem:s20+$0xE400] =	vst v1  }
0x130: {  	[tilespmem:s20+$0xE410] =	vst v1  }
0x131: {  	[tilespmem:s20+$0xE420] =	vst v1  }
0x132: {  	[tilespmem:s20+$0xE430] =	vst v1  }
0x133: {  	[tilespmem:s20+$0xE440] =	vst v1  }
0x134: {  	[tilespmem:s20+$0xE450] =	vst v1  }
0x135: {  	[tilespmem:s20+$0xE460] =	vst v1  }
0x136: {  	[tilespmem:s20+$0xE470] =	vst v1  }
0x137: {  	[tilespmem:s20+$0xE800] =	vst v1  }
0x138: {  	[tilespmem:s20+$0xE810] =	vst v1  }
0x139: {  	[tilespmem:s20+$0xE820] =	vst v1  }
0x13a: {  	[tilespmem:s20+$0xE830] =	vst v1  }
0x13b: {  	[tilespmem:s20+$0xE840] =	vst v1  }
0x13c: {  	[tilespmem:s20+$0xE850] =	vst v1  }
0x13d: {  	[tilespmem:s20+$0xE860] =	vst v1  }
0x13e: {  	[tilespmem:s20+$0xE870] =	vst v1  }
0x13f: {  	[tilespmem:s20+$0xEC00] =	vst v1  }
0x140: {  	[tilespmem:s20+$0xEC10] =	vst v1  }
0x141: {  	[tilespmem:s20+$0xEC20] =	vst v1  }
0x142: {  	[tilespmem:s20+$0xEC30] =	vst v1  }
0x143: {  	[tilespmem:s20+$0xEC40] =	vst v1  }
0x144: {  	[tilespmem:s20+$0xEC50] =	vst v1  }
0x145: {  	s19 =	simm.s32 $0x1;
	[tilespmem:s20+$0xEC60] =	vst v1  }
.LBB2_8:
0x146: {  	p1 =	sgt.u32 s19, $0x1  }
.Ltmp3:
0x147: {  	_ = 	snop;
	(pc) =	sbr.rel @!p1 .LBB2_9-.Ltmp3, $3  }
0x148: {  	_ =	sdelay $0x1  }
0x149: {  	s20 =	sand.u32 $0x1, s19  }
0x14a: {  	p0 =	seq.s32 s20, $0x1  }
0x14b: {  	s22 =	smul.u32 $0xE, s19;
	_ =	sdelay $0x1  }
0x14c: {  	s21 =	sadd.s32 $0xFFFFFFE4, s22  }
0x14d: {  	s24 =	simm.s32 $0x0;
	s23 =	sadd.s32 s5, s21  }
0x14e: {  	v13 =	vor.u32 s24, v5;
	v12 =	vmov s23  }
0x14f: {  	v11 =	vadd.s32 v12, v13  }
0x150: {  	vm0 =	vlt.s32 v11, $0x6A  }
0x151: {  	s23 =	simm.s32 $0x2;
	v11 =	vadd.s32 v2, v11  }
0x152: {  	s23 =	simm.s32 @!p0 $0x1  }
0x153: {  	_ =	swait.ge [sflag:s23], $0xE000  }
0x154: {  	[sflag:s23] =	ssyncset.done $0x0  }
0x155: {  	[sflag:s23] =	ssyncadd.s32 $0xFFFF2000  }
0x156: {  	v15 =	vld.idx.msk [tilespmem:v11+s9+$0x0], vm0  }
0x157: {  	v16 =	vld.idx.msk [tilespmem:v11+s12+$0x0], vm0  }
0x158: {  	v11 =	vmov s20  }
0x159: {  	v11 =	vmul.u32 $0xE000, v11  }
0x15a: {  	v14 =	vmov s21  }
0x15b: {  	v18 =	vadd.s32 v14, v13;
	v11 =	vbroadcast v11, $0x0;
	v15 =	vtrunc.f32 v15  }
0x15c: {  	v13 =	vshll.u32 v13, $0xC;
	v17 =	vcvt.f32.s32 v15;
	v15 =	vtrunc.f32 v16  }
0x15d: {  	vm1 =	vlt.s32 v18, $0x35;
	v13 =	vadd.s32 v11, v13;
	v16 =	vcvt.f32.s32 v15  }
0x15e: {  	v18 =	vadd.s32 $0xFFFFFFFA, v17;
	v19 =	vadd.s32 $0x7, v17;
	v15 =	vadd.s32 $0x6, v17  }
0x15f: {  	v22 =	vshll.u32 v17, $0x3;
	v26 =	vadd.s32 $0xFFFFFFFC, v17;
	v32 =	vadd.s32 $0xFFFFFFFE, v17  }
0x160: {  	v28 =	vadd.s32 $0xFFFFFFFB, v17;
	v33 =	vadd.s32 $0xFFFFFFFD, v17;
	vm2 =	vlt.u32 v18, $0x201  }
0x161: {  	v20 =	vadd.s32 $0xFFFFFFFA, v16;
	vm0 =	vlt.u32 v15, $0x200;
	v16 =	vadd.s32 $0x7, v16  }
0x162: {  	vm4 =	vlt.u32 v19, $0x201;
	v23 =	vand.u32 $0x7F, v18;
	vm5 =	vlt.u32 v18, $0x200  }
0x163: {  	v18 =	vshll.u32 v18, $0x3;
	v27 =	vshll.u32 v26, $0x3;
	v29 =	vshll.u32 v32, $0x3  }
0x164: {  	vm8 =	vlt.u32 v28, $0x200;
	v34 =	vshll.u32 v33, $0x3;
	v22 =	vand.u32 $0xFFFFFC00, v22  }
0x165: {  	v30 =	vand.u32 $0x7F, v28;
	v28 =	vshll.u32 v28, $0x3;
	vm3 =	vlt.u32 v20, $0x201  }
0x166: {  	v20 =	vand.u32 $0x7F, v17;
	v18 =	vand.u32 $0xFFFFFC00, v18;
	v27 =	vand.u32 $0xFFFFFC00, v27  }
0x167: {  	v35 =	vadd.s32 v13, v22;
	v62 =	vand.u32 $0xFFFFFC00, v34;
	v29 =	vand.u32 $0xFFFFFC00, v29  }
0x168: {  	v63 =	vand.u32 $0xFFFFFC00, v28;
	vm2 =	vmand vm2, vm3;
	vm3 =	vlt.u32 v16, $0x201  }
0x169: {  	v16 =	vadd.s32 $0x2, v17;
	v24 =	vadd.s32 v13, v18;
	v18 =	vadd.s32 $0x1, v17  }
0x16a: {  	v27 =	vadd.s32 v13, v27;
	v20 =	vor.u32 v20, v35;
	v29 =	vadd.s32 v13, v29  }
0x16b: {  	v28 =	vadd.s32 v13, v62;
	v19 =	vand.u32 $0x7F, v16;
	vm3 =	vmand vm4, vm3  }
0x16c: {  	v21 =	vshll.u32 v16, $0x3;
	v23 =	vor.u32 v23, v24;
	vm2 =	vmor vm2, vm3  }
0x16d: {  	v24 =	vshll.u32 v18, $0x3;
	v25 =	vand.u32 $0x7F, v18;
	vm1 =	vmand vm1, vm2  }
0x16e: {  	vm4 =	vlt.u32 v33, $0x200;
	v20 =	vor.u32 v2, v20;
	vm7 =	vmand vm5, vm1  }
0x16f: {  	v31 =	vor.u32 v2, v23;
	v23 =	vand.u32 $0xFFFFFC00, v24;
	v24 =	vadd.s32 $0xFFFFFFFF, v17  }
0x170: {  	v23 =	vadd.s32 v13, v23;
	vm2 =	vlt.u32 v26, $0x200;
	v26 =	vand.u32 $0x7F, v26  }
0x171: {  	vm6 =	vlt.u32 v24, $0x200;
	vm5 =	vlt.u32 v17, $0x200;
	vm3 =	vmand vm2, vm1  }
0x172: {  	v27 =	vor.u32 v26, v27;
	v26 =	vand.u32 $0x7F, v33;
	vm2 =	vmand vm5, vm1  }
0x173: {  	v22 =	vor.u32 v2, v27;
	v27 =	vand.u32 $0x7F, v32;
	vm5 =	vmand vm8, vm1  }
0x174: {  	s21 =	simm.s32 $0x2;
	vm8 =	vlt.u32 v32, $0x200;
	v32 =	vshll.u32 v24, $0x3;
	[tilespmem:v31+s3+$0x0] =	vst.idx.msk vm7, v1;
	v31 =	vadd.s32 v13, v63  }
.LBB2_11:
0x175: {  	p1 =	sne.s32 s21, $0xC;
	v30 =	vor.u32 v30, v31;
	v31 =	vand.u32 $0xFFFFFC00, v32;
	v32 =	vadd.s32 $0x3, v17;
	s23 =	smov.u32 s21;
	s21 =	sadd.s32 $0x2, s21  }
0x176: {  	vm7 =	vmand vm6, vm1;
	v30 =	vor.u32 v2, v30;
	v33 =	vand.u32 $0x7F, v32  }
0x177: {  	vm8 =	vmand vm8, vm1;
	v21 =	vand.u32 $0xFFFFFC00, v21;
	vm6 =	vlt.u32 v32, $0x200  }
0x178: {  	v24 =	vand.u32 $0x7F, v24;
	v23 =	vor.u32 v25, v23;
	v25 =	vadd.s32 $0x4, v17  }
0x179: {  	v27 =	vor.u32 v27, v29;
	v21 =	vadd.s32 v13, v21;
	vm6 =	vmand vm6, vm1  }
0x17a: {  	v27 =	vor.u32 v2, v27;
	vm9 =	vlt.u32 v25, $0x200;
	v19 =	vor.u32 v19, v21  }
0x17b: {  	v17 =	vadd.s32 $0x5, v17;
	v21 =	vor.u32 v26, v28;
	v26 =	vshll.u32 v32, $0x3  }
0x17c: {  	v29 =	vshll.u32 v17, $0x3;
	v28 =	vadd.s32 v13, v31;
	v26 =	vand.u32 $0xFFFFFC00, v26  }
0x17d: {  	vm0 =	vmand vm0, vm1;
	v29 =	vand.u32 $0xFFFFFC00, v29;
	v26 =	vadd.s32 v13, v26  }
0x17e: {  	v31 =	vshll.u32 v25, $0x3;
	v32 =	vand.u32 $0x7F, v17;
	v26 =	vor.u32 v33, v26  }
0x17f: {  	v21 =	vor.u32 v2, v21;
	[tilespmem:v30+s3+$0x0] =	vst.idx.msk vm5, v1;
	vm5 =	vmand vm9, vm1;
	v30 =	vand.u32 $0xFFFFFC00, v31  }
0x180: {  	[tilespmem:v22+s3+$0x0] =	vst.idx.msk vm3, v1;
	v22 =	vor.u32 v24, v28;
	v24 =	vand.u32 $0x7F, v25;
	v25 =	vadd.s32 v13, v30  }
0x181: {  	v26 =	vor.u32 v2, v26;
	vm3 =	vmand vm4, vm1;
	v24 =	vor.u32 v24, v25  }
0x182: {  	vm4 =	vlt.u32 v18, $0x200;
	v18 =	vor.u32 v2, v24;
	v24 =	vadd.s32 v13, v29  }
0x183: {  	vm9 =	vlt.u32 v16, $0x200;
	vm4 =	vmand vm4, vm1;
	v16 =	vor.u32 v32, v24  }
0x184: {  	v23 =	vor.u32 v2, v23;
	vm9 =	vmand vm9, vm1;
	v22 =	vor.u32 v2, v22  }
0x185: {  	v19 =	vor.u32 v2, v19;
	v24 =	vshll.u32 v15, $0x3  }
0x186: {  	vm10 =	vlt.u32 v17, $0x200;
	v17 =	vand.u32 $0xFFFFFC00, v24  }
0x187: {  	vm1 =	vmand vm10, vm1;
	v15 =	vand.u32 $0x7F, v15;
	v13 =	vadd.s32 v13, v17;
	[tilespmem:v21+s3+$0x0] =	vst.idx.msk vm3, v1  }
0x188: {  	v16 =	vor.u32 v2, v16;
	v13 =	vor.u32 v15, v13;
	[tilespmem:v27+s3+$0x0] =	vst.idx.msk vm8, v1  }
0x189: {  	v15 =	vor.u32 s23, v5;
	[tilespmem:v22+s3+$0x0] =	vst.idx.msk vm7, v1  }
0x18a: {  	v21 =	vadd.s32 v14, v15;
	v17 =	vadd.s32 v12, v15;
	v15 =	vshll.u32 v15, $0xC;
	[tilespmem:v20+s3+$0x0] =	vst.idx.msk vm2, v1  }
0x18b: {  	v13 =	vor.u32 v2, v13;
	vm2 =	vlt.s32 v17, $0x6A;
	[tilespmem:v23+s3+$0x0] =	vst.idx.msk vm4, v1  }
0x18c: {  	v17 =	vadd.s32 v2, v17;
	[tilespmem:v19+s3+$0x0] =	vst.idx.msk vm9, v1  }
0x18d: {  	[tilespmem:v26+s3+$0x0] =	vst.idx.msk vm6, v1  }
0x18e: {  	[tilespmem:v18+s3+$0x0] =	vst.idx.msk vm5, v1  }
0x18f: {  	[tilespmem:v16+s3+$0x0] =	vst.idx.msk vm1, v1  }
0x190: {  	[tilespmem:v13+s3+$0x0] =	vst.idx.msk vm0, v1  }
0x191: {  	v13 =	vld.idx.msk [tilespmem:v17+s9+$0x0], vm2  }
0x192: {  	v16 =	vld.idx.msk [tilespmem:v17+s12+$0x0], vm2;
	_ =	sdelay $0x4  }
0x193: {  	v13 =	vtrunc.f32 v13  }
0x194: {  	v17 =	vcvt.f32.s32 v13;
	v13 =	vtrunc.f32 v16  }
0x195: {  	vm1 =	vlt.s32 v21, $0x35;
	v16 =	vcvt.f32.s32 v13;
	v13 =	vadd.s32 v11, v15  }
0x196: {  	v18 =	vadd.s32 $0xFFFFFFFA, v17;
	v19 =	vadd.s32 $0x7, v17;
	v15 =	vadd.s32 $0x6, v17  }
0x197: {  	vm2 =	vlt.u32 v18, $0x201;
	v20 =	vadd.s32 $0xFFFFFFFA, v16;
	vm0 =	vlt.u32 v15, $0x200  }
0x198: {  	v16 =	vadd.s32 $0x7, v16;
	vm3 =	vlt.u32 v20, $0x201;
	v20 =	vand.u32 $0x7F, v17  }
0x199: {  	v22 =	vshll.u32 v17, $0x3;
	vm2 =	vmand vm2, vm3;
	vm3 =	vlt.u32 v16, $0x201  }
0x19a: {  	vm4 =	vlt.u32 v19, $0x201;
	v23 =	vand.u32 $0x7F, v18;
	v16 =	vadd.s32 $0x2, v17  }
0x19b: {  	vm5 =	vlt.u32 v18, $0x200;
	v18 =	vshll.u32 v18, $0x3;
	v19 =	vand.u32 $0x7F, v16  }
0x19c: {  	v18 =	vand.u32 $0xFFFFFC00, v18;
	vm3 =	vmand vm4, vm3;
	v21 =	vshll.u32 v16, $0x3  }
0x19d: {  	v24 =	vadd.s32 v13, v18;
	v18 =	vadd.s32 $0x1, v17;
	vm2 =	vmor vm2, vm3  }
0x19e: {  	v26 =	vadd.s32 $0xFFFFFFFC, v17;
	v23 =	vor.u32 v23, v24;
	v24 =	vshll.u32 v18, $0x3  }
0x19f: {  	v27 =	vor.u32 v2, v23;
	v23 =	vand.u32 $0xFFFFFC00, v24;
	vm1 =	vmand vm1, vm2  }
0x1a0: {  	v31 =	vadd.s32 $0xFFFFFFFE, v17;
	v23 =	vadd.s32 v13, v23;
	vm5 =	vmand vm5, vm1  }
0x1a1: {  	v28 =	vshll.u32 v26, $0x3;
	v25 =	vand.u32 $0x7F, v18;
	v24 =	vadd.s32 $0xFFFFFFFF, v17  }
0x1a2: {  	v29 =	vadd.s32 $0xFFFFFFFB, v17;
	v32 =	vshll.u32 v31, $0x3;
	v28 =	vand.u32 $0xFFFFFC00, v28  }
0x1a3: {  	v33 =	vadd.s32 $0xFFFFFFFD, v17;
	vm6 =	vlt.u32 v17, $0x200;
	vm2 =	vlt.u32 v26, $0x200  }
0x1a4: {  	vm7 =	vlt.u32 v29, $0x200;
	v34 =	vshll.u32 v33, $0x3;
	v26 =	vand.u32 $0x7F, v26  }
0x1a5: {  	vm4 =	vlt.u32 v33, $0x200;
	vm3 =	vmand vm2, vm1;
	vm2 =	vmand vm6, vm1  }
0x1a6: {  	vm6 =	vlt.u32 v24, $0x200;
	[tilespmem:v27+s3+$0x0] =	vst.idx.msk vm5, v1;
	v27 =	vadd.s32 v13, v28;
	v28 =	vand.u32 $0xFFFFFC00, v22  }
0x1a7: {  	v30 =	vand.u32 $0x7F, v29;
	v22 =	vor.u32 v26, v27;
	v26 =	vand.u32 $0x7F, v33  }
.Ltmp4:
0x1a8: {  	v27 =	vand.u32 $0x7F, v31;
	v28 =	vadd.s32 v13, v28;
	v22 =	vor.u32 v2, v22;
	(pc) =	sbr.rel @p1 .LBB2_11-.Ltmp4, $4  }
0x1a9: {  	v32 =	vand.u32 $0xFFFFFC00, v32;
	v33 =	vand.u32 $0xFFFFFC00, v34;
	v20 =	vor.u32 v20, v28  }
0x1aa: {  	vm5 =	vmand vm7, vm1;
	v28 =	vshll.u32 v29, $0x3;
	v29 =	vadd.s32 v13, v32  }
0x1ab: {  	vm8 =	vlt.u32 v31, $0x200;
	v32 =	vand.u32 $0xFFFFFC00, v28;
	v28 =	vadd.s32 v13, v33  }
0x1ac: {  	v20 =	vor.u32 v2, v20;
	v31 =	vadd.s32 v13, v32;
	v32 =	vshll.u32 v24, $0x3  }
0x1ad: {  	v12 =	vor.u32 v30, v31;
	v14 =	vand.u32 $0xFFFFFC00, v32;
	v46 =	vadd.s32 $0x3, v17  }
0x1ae: {  	vm6 =	vmand vm6, vm1;
	vm8 =	vmand vm8, vm1;
	v21 =	vand.u32 $0xFFFFFC00, v21  }
0x1af: {  	v24 =	vand.u32 $0x7F, v24;
	v23 =	vor.u32 v25, v23;
	v48 =	vadd.s32 $0x4, v17  }
0x1b0: {  	v27 =	vor.u32 v27, v29;
	v50 =	vadd.s32 $0x5, v17;
	v26 =	vor.u32 v26, v28  }
0x1b1: {  	vm10 =	vmand vm4, vm1;
	vm15 =	vlt.u32 v18, $0x200;
	vm12 =	vlt.u32 v16, $0x200  }
0x1b2: {  	v59 =	vshll.u32 v15, $0x3;
	v61 =	vand.u32 $0x7F, v15;
	v12 =	vor.u32 v2, v12  }
0x1b3: {  	v47 =	vand.u32 $0x7F, v46;
	vm7 =	vlt.u32 v46, $0x200;
	v21 =	vadd.s32 v13, v21  }
0x1b4: {  	v27 =	vor.u32 v2, v27;
	v49 =	vshll.u32 v46, $0x3;
	vm9 =	vlt.u32 v48, $0x200  }
0x1b5: {  	v51 =	vshll.u32 v50, $0x3;
	v14 =	vadd.s32 v13, v14;
	v52 =	vshll.u32 v48, $0x3  }
0x1b6: {  	v53 =	vand.u32 $0x7F, v50;
	v26 =	vor.u32 v2, v26;
	v54 =	vand.u32 $0x7F, v48  }
0x1b7: {  	v57 =	vor.u32 v2, v23;
	vm13 =	vmand vm12, vm1;
	v60 =	vand.u32 $0xFFFFFC00, v59  }
0x1b8: {  	v19 =	vor.u32 v19, v21;
	v21 =	vand.u32 $0xFFFFFC00, v49;
	v14 =	vor.u32 v24, v14  }
0x1b9: {  	v28 =	vand.u32 $0xFFFFFC00, v51;
	v29 =	vand.u32 $0xFFFFFC00, v52;
	v14 =	vor.u32 v2, v14  }
0x1ba: {  	v62 =	vadd.s32 v13, v60;
	v21 =	vadd.s32 v13, v21;
	[tilespmem:v12+s3+$0x0] =	vst.idx.msk vm5, v1;
	vm5 =	vmand vm15, vm1  }
0x1bb: {  	vm14 =	vlt.u32 v50, $0x200;
	v55 =	vadd.s32 v13, v29;
	v58 =	vadd.s32 v13, v28;
	[tilespmem:v22+s3+$0x0] =	vst.idx.msk vm3, v1  }
0x1bc: {  	vm7 =	vmand vm7, vm1;
	v19 =	vor.u32 v2, v19;
	v21 =	vor.u32 v47, v21;
	[tilespmem:v26+s3+$0x0] =	vst.idx.msk vm10, v1  }
0x1bd: {  	vm4 =	vmand vm9, vm1;
	v56 =	vor.u32 v54, v55;
	v21 =	vor.u32 v2, v21;
	[tilespmem:v27+s3+$0x0] =	vst.idx.msk vm8, v1  }
0x1be: {  	v18 =	vor.u32 v53, v58;
	v12 =	vor.u32 v2, v56;
	vm15 =	vmand vm14, vm1;
	[tilespmem:v14+s3+$0x0] =	vst.idx.msk vm6, v1  }
0x1bf: {  	vm0 =	vmand vm0, vm1;
	v13 =	vor.u32 v61, v62;
	v63 =	vor.u32 v2, v18;
	[tilespmem:v20+s3+$0x0] =	vst.idx.msk vm2, v1  }
0x1c0: {  	v13 =	vor.u32 v2, v13;
	[tilespmem:v57+s3+$0x0] =	vst.idx.msk vm5, v1  }
.Ltmp5:
0x1c1: {  	[tilespmem:v19+s3+$0x0] =	vst.idx.msk vm13, v1;
	(pc) =	sbr.rel .LBB2_13-.Ltmp5, $4  }
0x1c2: {  	[tilespmem:v21+s3+$0x0] =	vst.idx.msk vm7, v1  }
0x1c3: {  	[tilespmem:v12+s3+$0x0] =	vst.idx.msk vm4, v1  }
0x1c4: {  	[tilespmem:v63+s3+$0x0] =	vst.idx.msk vm15, v1  }
0x1c5: {  	[tilespmem:v13+s3+$0x0] =	vst.idx.msk vm0, v1  }
.LBB2_9:
0x1c6: {  	v11 =	vmov s20  }
0x1c7: {  	v11 =	vmul.u32 $0xE000, v11;
	_ =	sdelay $0x1  }
0x1c8: {  	s22 =	simm.s32 $0xE;
	v11 =	vbroadcast v11, $0x0  }
.LBB2_13:
0x1c9: {  	s21 =	sadd.s32 s5, s22;
	s23 =	simm.s32 $0x0  }
0x1ca: {  	v12 =	vmov s21;
	v13 =	vor.u32 s23, v5  }
0x1cb: {  	v14 =	vadd.s32 v12, v13  }
0x1cc: {  	vm0 =	vlt.u32 v14, $0x6A;
	v14 =	vand.u32 $0x7FFFFFFF, v14  }
0x1cd: {  	v14 =	vadd.s32 v2, v14;
	_ =	sdelay $0x4  }
0x1ce: {  	v15 =	vld.idx.msk [tilespmem:v14+s9+$0x0], vm0  }
0x1cf: {  	v16 =	vld.idx.msk [tilespmem:v14+s12+$0x0], vm0;
	_ =	sdelay $0x2  }
0x1d0: {  	v14 =	vmov s22  }
0x1d1: {  	v18 =	vadd.s32 v14, v13;
	v15 =	vtrunc.f32 v15  }
0x1d2: {  	v13 =	vshll.u32 v13, $0xC;
	v17 =	vcvt.f32.s32 v15;
	v15 =	vtrunc.f32 v16  }
0x1d3: {  	vm1 =	vlt.u32 v18, $0x35;
	v13 =	vadd.s32 v11, v13;
	v16 =	vcvt.f32.s32 v15  }
0x1d4: {  	v18 =	vadd.s32 $0xFFFFFFFA, v17;
	v19 =	vadd.s32 $0x7, v17;
	v15 =	vadd.s32 $0x6, v17  }
0x1d5: {  	v22 =	vshll.u32 v17, $0x3;
	v26 =	vadd.s32 $0xFFFFFFFC, v17;
	v32 =	vadd.s32 $0xFFFFFFFE, v17  }
0x1d6: {  	v28 =	vadd.s32 $0xFFFFFFFB, v17;
	v33 =	vadd.s32 $0xFFFFFFFD, v17;
	vm2 =	vlt.u32 v18, $0x201  }
0x1d7: {  	v20 =	vadd.s32 $0xFFFFFFFA, v16;
	vm0 =	vlt.u32 v15, $0x200;
	v16 =	vadd.s32 $0x7, v16  }
0x1d8: {  	vm4 =	vlt.u32 v19, $0x201;
	v23 =	vand.u32 $0x7F, v18;
	vm5 =	vlt.u32 v18, $0x200  }
0x1d9: {  	v18 =	vshll.u32 v18, $0x3;
	v27 =	vshll.u32 v26, $0x3;
	v29 =	vshll.u32 v32, $0x3  }
0x1da: {  	vm8 =	vlt.u32 v28, $0x200;
	v34 =	vshll.u32 v33, $0x3;
	v22 =	vand.u32 $0xFFFFFC00, v22  }
0x1db: {  	v30 =	vand.u32 $0x7F, v28;
	v28 =	vshll.u32 v28, $0x3;
	vm3 =	vlt.u32 v20, $0x201  }
0x1dc: {  	v20 =	vand.u32 $0x7F, v17;
	v18 =	vand.u32 $0xFFFFFC00, v18;
	v27 =	vand.u32 $0xFFFFFC00, v27  }
0x1dd: {  	v35 =	vadd.s32 v13, v22;
	v62 =	vand.u32 $0xFFFFFC00, v34;
	v29 =	vand.u32 $0xFFFFFC00, v29  }
0x1de: {  	v63 =	vand.u32 $0xFFFFFC00, v28;
	vm2 =	vmand vm2, vm3;
	vm3 =	vlt.u32 v16, $0x201  }
0x1df: {  	v16 =	vadd.s32 $0x2, v17;
	v24 =	vadd.s32 v13, v18;
	v18 =	vadd.s32 $0x1, v17  }
0x1e0: {  	v27 =	vadd.s32 v13, v27;
	v20 =	vor.u32 v20, v35;
	v29 =	vadd.s32 v13, v29  }
0x1e1: {  	v28 =	vadd.s32 v13, v62;
	v19 =	vand.u32 $0x7F, v16;
	vm3 =	vmand vm4, vm3  }
0x1e2: {  	v21 =	vshll.u32 v16, $0x3;
	v23 =	vor.u32 v23, v24;
	vm2 =	vmor vm2, vm3  }
0x1e3: {  	v24 =	vshll.u32 v18, $0x3;
	v25 =	vand.u32 $0x7F, v18;
	vm1 =	vmand vm1, vm2  }
0x1e4: {  	vm4 =	vlt.u32 v33, $0x200;
	v20 =	vor.u32 v2, v20;
	vm7 =	vmand vm5, vm1  }
0x1e5: {  	v31 =	vor.u32 v2, v23;
	v23 =	vand.u32 $0xFFFFFC00, v24;
	v24 =	vadd.s32 $0xFFFFFFFF, v17  }
0x1e6: {  	v23 =	vadd.s32 v13, v23;
	vm2 =	vlt.u32 v26, $0x200;
	v26 =	vand.u32 $0x7F, v26  }
0x1e7: {  	vm6 =	vlt.u32 v24, $0x200;
	vm5 =	vlt.u32 v17, $0x200;
	vm3 =	vmand vm2, vm1  }
0x1e8: {  	v27 =	vor.u32 v26, v27;
	v26 =	vand.u32 $0x7F, v33;
	vm2 =	vmand vm5, vm1  }
0x1e9: {  	v22 =	vor.u32 v2, v27;
	v27 =	vand.u32 $0x7F, v32;
	vm5 =	vmand vm8, vm1  }
0x1ea: {  	s22 =	simm.s32 $0x2;
	vm8 =	vlt.u32 v32, $0x200;
	v32 =	vshll.u32 v24, $0x3;
	[tilespmem:v31+s3+$0x0] =	vst.idx.msk vm7, v3;
	v31 =	vadd.s32 v13, v63  }
.LBB2_14:
0x1eb: {  	p1 =	sne.s32 s22, $0xC;
	v30 =	vor.u32 v30, v31;
	v31 =	vand.u32 $0xFFFFFC00, v32;
	v32 =	vadd.s32 $0x3, v17;
	s23 =	smov.u32 s22;
	s22 =	sadd.s32 $0x2, s22  }
0x1ec: {  	vm7 =	vmand vm6, vm1;
	v30 =	vor.u32 v2, v30;
	v33 =	vand.u32 $0x7F, v32  }
0x1ed: {  	vm8 =	vmand vm8, vm1;
	v21 =	vand.u32 $0xFFFFFC00, v21;
	vm6 =	vlt.u32 v32, $0x200  }
0x1ee: {  	v24 =	vand.u32 $0x7F, v24;
	v23 =	vor.u32 v25, v23;
	v25 =	vadd.s32 $0x4, v17  }
0x1ef: {  	v27 =	vor.u32 v27, v29;
	v21 =	vadd.s32 v13, v21;
	vm6 =	vmand vm6, vm1  }
0x1f0: {  	v27 =	vor.u32 v2, v27;
	vm9 =	vlt.u32 v25, $0x200;
	v19 =	vor.u32 v19, v21  }
0x1f1: {  	v17 =	vadd.s32 $0x5, v17;
	v21 =	vor.u32 v26, v28;
	v26 =	vshll.u32 v32, $0x3  }
0x1f2: {  	v29 =	vshll.u32 v17, $0x3;
	v28 =	vadd.s32 v13, v31;
	v26 =	vand.u32 $0xFFFFFC00, v26  }
0x1f3: {  	vm0 =	vmand vm0, vm1;
	v29 =	vand.u32 $0xFFFFFC00, v29;
	v26 =	vadd.s32 v13, v26  }
0x1f4: {  	v31 =	vshll.u32 v25, $0x3;
	v32 =	vand.u32 $0x7F, v17;
	v26 =	vor.u32 v33, v26  }
0x1f5: {  	v21 =	vor.u32 v2, v21;
	[tilespmem:v30+s3+$0x0] =	vst.idx.msk vm5, v4;
	vm5 =	vmand vm9, vm1;
	v30 =	vand.u32 $0xFFFFFC00, v31  }
0x1f6: {  	[tilespmem:v22+s3+$0x0] =	vst.idx.msk vm3, v6;
	v22 =	vor.u32 v24, v28;
	v24 =	vand.u32 $0x7F, v25;
	v25 =	vadd.s32 v13, v30  }
0x1f7: {  	vm4 =	vmand vm4, vm1;
	v26 =	vor.u32 v2, v26;
	v24 =	vor.u32 v24, v25  }
0x1f8: {  	vm3 =	vlt.u32 v18, $0x200;
	v18 =	vor.u32 v2, v24;
	v24 =	vadd.s32 v13, v29  }
0x1f9: {  	vm9 =	vlt.u32 v16, $0x200;
	vm3 =	vmand vm3, vm1;
	v16 =	vor.u32 v32, v24  }
0x1fa: {  	v23 =	vor.u32 v2, v23;
	vm9 =	vmand vm9, vm1;
	v22 =	vor.u32 v2, v22  }
0x1fb: {  	v19 =	vor.u32 v2, v19;
	v24 =	vshll.u32 v15, $0x3  }
0x1fc: {  	vm10 =	vlt.u32 v17, $0x200;
	v17 =	vand.u32 $0xFFFFFC00, v24  }
0x1fd: {  	vm1 =	vmand vm10, vm1;
	v15 =	vand.u32 $0x7F, v15;
	v13 =	vadd.s32 v13, v17;
	[tilespmem:v21+s3+$0x0] =	vst.idx.msk vm4, v7  }
0x1fe: {  	v16 =	vor.u32 v2, v16;
	v13 =	vor.u32 v15, v13;
	[tilespmem:v27+s3+$0x0] =	vst.idx.msk vm8, v8  }
0x1ff: {  	v15 =	vor.u32 s23, v5;
	[tilespmem:v22+s3+$0x0] =	vst.idx.msk vm7, v9  }
0x200: {  	v21 =	vadd.s32 v14, v15;
	v17 =	vadd.s32 v12, v15;
	v15 =	vshll.u32 v15, $0xC;
	[tilespmem:v20+s3+$0x0] =	vst.idx.msk vm2, v10  }
0x201: {  	v13 =	vor.u32 v2, v13;
	vm2 =	vlt.u32 v17, $0x6A;
	v17 =	vand.u32 $0x7FFFFFFF, v17;
	[tilespmem:v23+s3+$0x0] =	vst.idx.msk vm3, v9  }
0x202: {  	v17 =	vadd.s32 v2, v17;
	[tilespmem:v19+s3+$0x0] =	vst.idx.msk vm9, v8  }
0x203: {  	[tilespmem:v26+s3+$0x0] =	vst.idx.msk vm6, v7  }
0x204: {  	[tilespmem:v18+s3+$0x0] =	vst.idx.msk vm5, v6  }
0x205: {  	[tilespmem:v16+s3+$0x0] =	vst.idx.msk vm1, v4  }
0x206: {  	[tilespmem:v13+s3+$0x0] =	vst.idx.msk vm0, v3  }
0x207: {  	v13 =	vld.idx.msk [tilespmem:v17+s9+$0x0], vm2  }
0x208: {  	v16 =	vld.idx.msk [tilespmem:v17+s12+$0x0], vm2;
	_ =	sdelay $0x4  }
0x209: {  	v13 =	vtrunc.f32 v13  }
0x20a: {  	v17 =	vcvt.f32.s32 v13;
	v13 =	vtrunc.f32 v16  }
0x20b: {  	vm1 =	vlt.u32 v21, $0x35;
	v16 =	vcvt.f32.s32 v13;
	v13 =	vadd.s32 v11, v15  }
0x20c: {  	v18 =	vadd.s32 $0xFFFFFFFA, v17;
	v19 =	vadd.s32 $0x7, v17;
	v15 =	vadd.s32 $0x6, v17  }
0x20d: {  	vm2 =	vlt.u32 v18, $0x201;
	v20 =	vadd.s32 $0xFFFFFFFA, v16;
	vm0 =	vlt.u32 v15, $0x200  }
0x20e: {  	v16 =	vadd.s32 $0x7, v16;
	vm3 =	vlt.u32 v20, $0x201;
	v20 =	vand.u32 $0x7F, v17  }
0x20f: {  	v22 =	vshll.u32 v17, $0x3;
	vm2 =	vmand vm2, vm3;
	vm3 =	vlt.u32 v16, $0x201  }
0x210: {  	vm4 =	vlt.u32 v19, $0x201;
	v23 =	vand.u32 $0x7F, v18;
	v16 =	vadd.s32 $0x2, v17  }
0x211: {  	vm5 =	vlt.u32 v18, $0x200;
	v18 =	vshll.u32 v18, $0x3;
	v19 =	vand.u32 $0x7F, v16  }
0x212: {  	v18 =	vand.u32 $0xFFFFFC00, v18;
	vm3 =	vmand vm4, vm3;
	v21 =	vshll.u32 v16, $0x3  }
0x213: {  	v24 =	vadd.s32 v13, v18;
	v18 =	vadd.s32 $0x1, v17;
	vm2 =	vmor vm2, vm3  }
0x214: {  	v26 =	vadd.s32 $0xFFFFFFFC, v17;
	v23 =	vor.u32 v23, v24;
	v24 =	vshll.u32 v18, $0x3  }
0x215: {  	v27 =	vor.u32 v2, v23;
	v23 =	vand.u32 $0xFFFFFC00, v24;
	vm1 =	vmand vm1, vm2  }
0x216: {  	v31 =	vadd.s32 $0xFFFFFFFE, v17;
	v23 =	vadd.s32 v13, v23;
	vm5 =	vmand vm5, vm1  }
0x217: {  	v28 =	vshll.u32 v26, $0x3;
	v25 =	vand.u32 $0x7F, v18;
	v24 =	vadd.s32 $0xFFFFFFFF, v17  }
0x218: {  	v29 =	vadd.s32 $0xFFFFFFFB, v17;
	v32 =	vshll.u32 v31, $0x3;
	v28 =	vand.u32 $0xFFFFFC00, v28  }
0x219: {  	v33 =	vadd.s32 $0xFFFFFFFD, v17;
	vm6 =	vlt.u32 v17, $0x200;
	vm2 =	vlt.u32 v26, $0x200  }
0x21a: {  	vm7 =	vlt.u32 v29, $0x200;
	v34 =	vshll.u32 v33, $0x3;
	v26 =	vand.u32 $0x7F, v26  }
0x21b: {  	vm4 =	vlt.u32 v33, $0x200;
	vm3 =	vmand vm2, vm1;
	vm2 =	vmand vm6, vm1  }
0x21c: {  	vm6 =	vlt.u32 v24, $0x200;
	[tilespmem:v27+s3+$0x0] =	vst.idx.msk vm5, v3;
	v27 =	vadd.s32 v13, v28;
	v28 =	vand.u32 $0xFFFFFC00, v22  }
0x21d: {  	v30 =	vand.u32 $0x7F, v29;
	v22 =	vor.u32 v26, v27;
	v26 =	vand.u32 $0x7F, v33  }
.Ltmp6:
0x21e: {  	v27 =	vand.u32 $0x7F, v31;
	v28 =	vadd.s32 v13, v28;
	v22 =	vor.u32 v2, v22;
	(pc) =	sbr.rel @p1 .LBB2_14-.Ltmp6, $4  }
0x21f: {  	v32 =	vand.u32 $0xFFFFFC00, v32;
	v33 =	vand.u32 $0xFFFFFC00, v34;
	v20 =	vor.u32 v20, v28  }
0x220: {  	vm5 =	vmand vm7, vm1;
	v28 =	vshll.u32 v29, $0x3;
	v29 =	vadd.s32 v13, v32  }
0x221: {  	vm8 =	vlt.u32 v31, $0x200;
	v32 =	vand.u32 $0xFFFFFC00, v28;
	v28 =	vadd.s32 v13, v33  }
0x222: {  	v20 =	vor.u32 v2, v20;
	v31 =	vadd.s32 v13, v32;
	v32 =	vshll.u32 v24, $0x3  }
0x223: {  	v11 =	vor.u32 v30, v31;
	v12 =	vand.u32 $0xFFFFFC00, v32;
	v14 =	vadd.s32 $0x3, v17  }
0x224: {  	vm6 =	vmand vm6, vm1;
	vm8 =	vmand vm8, vm1;
	v21 =	vand.u32 $0xFFFFFC00, v21  }
0x225: {  	v24 =	vand.u32 $0x7F, v24;
	v23 =	vor.u32 v25, v23;
	v49 =	vadd.s32 $0x4, v17  }
0x226: {  	v27 =	vor.u32 v27, v29;
	v50 =	vadd.s32 $0x5, v17;
	v51 =	vor.u32 v26, v28  }
0x227: {  	vm10 =	vmand vm4, vm1;
	vm15 =	vlt.u32 v18, $0x200;
	vm12 =	vlt.u32 v16, $0x200  }
0x228: {  	v59 =	vshll.u32 v15, $0x3;
	v61 =	vand.u32 $0x7F, v15;
	v11 =	vor.u32 v2, v11  }
0x229: {  	v48 =	vand.u32 $0x7F, v14;
	vm7 =	vlt.u32 v14, $0x200;
	v21 =	vadd.s32 v13, v21  }
0x22a: {  	v27 =	vor.u32 v2, v27;
	v14 =	vshll.u32 v14, $0x3;
	vm9 =	vlt.u32 v49, $0x200  }
0x22b: {  	v52 =	vshll.u32 v50, $0x3;
	v12 =	vadd.s32 v13, v12;
	v53 =	vshll.u32 v49, $0x3  }
0x22c: {  	v54 =	vand.u32 $0x7F, v50;
	v55 =	vand.u32 $0x7F, v49;
	v57 =	vor.u32 v2, v23  }
0x22d: {  	vm13 =	vmand vm12, vm1;
	v19 =	vor.u32 v19, v21;
	v21 =	vor.u32 v2, v51  }
0x22e: {  	v60 =	vand.u32 $0xFFFFFC00, v59;
	v14 =	vand.u32 $0xFFFFFC00, v14;
	v12 =	vor.u32 v24, v12  }
0x22f: {  	v26 =	vand.u32 $0xFFFFFC00, v52;
	v28 =	vand.u32 $0xFFFFFC00, v53;
	v12 =	vor.u32 v2, v12  }
0x230: {  	v62 =	vadd.s32 v13, v60;
	v14 =	vadd.s32 v13, v14;
	[tilespmem:v11+s3+$0x0] =	vst.idx.msk vm5, v4;
	vm5 =	vmand vm15, vm1  }
0x231: {  	vm14 =	vlt.u32 v50, $0x200;
	v56 =	vadd.s32 v13, v28;
	v58 =	vadd.s32 v13, v26;
	[tilespmem:v22+s3+$0x0] =	vst.idx.msk vm3, v6  }
0x232: {  	vm7 =	vmand vm7, vm1;
	v19 =	vor.u32 v2, v19;
	v14 =	vor.u32 v48, v14;
	[tilespmem:v21+s3+$0x0] =	vst.idx.msk vm10, v7  }
0x233: {  	vm4 =	vmand vm9, vm1;
	v14 =	vor.u32 v2, v14;
	v11 =	vor.u32 v55, v56;
	[tilespmem:v27+s3+$0x0] =	vst.idx.msk vm8, v8  }
0x234: {  	v18 =	vor.u32 v54, v58;
	vm15 =	vmand vm14, vm1;
	v11 =	vor.u32 v2, v11;
	[tilespmem:v12+s3+$0x0] =	vst.idx.msk vm6, v9  }
0x235: {  	vm0 =	vmand vm0, vm1;
	v13 =	vor.u32 v61, v62;
	v63 =	vor.u32 v2, v18;
	[tilespmem:v20+s3+$0x0] =	vst.idx.msk vm2, v10  }
0x236: {  	v13 =	vor.u32 v2, v13;
	[tilespmem:v57+s3+$0x0] =	vst.idx.msk vm5, v9  }
0x237: {  	p1 =	sne.s32 s20, $0x0;
	[tilespmem:v19+s3+$0x0] =	vst.idx.msk vm13, v8  }
0x238: {  	s20 =	sshll.u32 @!p1 s21, $0x10;
	[tilespmem:v14+s3+$0x0] =	vst.idx.msk vm7, v7  }
0x239: {  	p6 =	seq.s32 s19, $0x3;
	s20 =	sor.u32 @!p1 s4, s20;
	[tilespmem:v11+s3+$0x0] =	vst.idx.msk vm4, v6  }
0x23a: {  	s22 =	simm.s32 @!p1 $0x1000;
	s23 =	simm.s32 @!p1 $0x10000;
	s20 =	sshrl.u32 @!p1 s20, $0x3;
	[tilespmem:v63+s3+$0x0] =	vst.idx.msk vm15, v4  }
0x23b: {  	s24 =	simm.s32 @!p1 $0x0;
	p0 =	por !p0, p6;
	s20 =	sadd.s32 @!p1 s2, s20;
	[tilespmem:v13+s3+$0x0] =	vst.idx.msk vm0, v3  }
0x23c: {  	[hbm4b:s20+s22] =	stream.strided.scatter @!p1 [tilespmem:s24], [sflag:$0x1], $0xE000, s23, s22, $0x38;
	[tilespmem:$0x1C800] =	vst v63  }
0x23d: {  	s20 =	sshll.u32 @!p0 s21, $0x10  }
0x23e: {  	s20 =	sor.u32 @!p0 s4, s20  }
0x23f: {  	s22 =	simm.s32 @!p0 $0x1000;
	s20 =	sshrl.u32 @!p0 s20, $0x3  }
0x240: {  	s23 =	simm.s32 @!p0 $0x10000;
	s24 =	simm.s32 @!p0 $0xE000;
	s20 =	sadd.s32 @!p0 s2, s20  }
0x241: {  	[hbm4b:s20+s22] =	stream.strided.scatter @!p0 [tilespmem:s24], [sflag:$0x2], $0xE000, s23, s22, $0x38;
	[tilespmem:$0x1C800] =	vst v63  }
0x242: {  	p0 =	sne.s32 s19, $0x3  }
.Ltmp7:
0x243: {  	_ = 	snop;
	(pc) =	sbr.rel @p0 .LBB2_8-.Ltmp7, $3  }
0x244: {  	_ =	sdelay $0x1  }
0x245: {  	s31 =	sadd.s32 $0x1, s19  }
0x246: {  	s19 =	smov.u32 s31  }
0x247: {  	s19 =	sshll.u32 s21, $0x10  }
0x248: {  	s19 =	sor.u32 s4, s19  }
0x249: {  	s19 =	sshrl.u32 s19, $0x3  }
0x24a: {  	s18 =	sadd.s32 $0x1, s18;
	s19 =	sadd.s32 s2, s19  }
0x24b: {  	[hbm4b:s19+s13] =	stream.strided.scatter [tilespmem:s16], [sflag:$0x2], $0xB000, s14, s13, $0x38;
	[tilespmem:$0x1C800] =	vst v63  }
0x24c: {  	p0 =	sne.s32 s18, s10;
	_ =	swait.ge [sflag:s17], $0xE000  }
.Ltmp8:
0x24d: {  	[sflag:s17] =	ssyncset.done $0x0;
	(pc) =	sbr.rel @p0 .LBB2_1-.Ltmp8, $4  }
0x24e: {  	[sflag:s17] =	ssyncadd.s32 $0xFFFF2000  }
0x24f: {  	_ =	swait.ge [sflag:s15], $0xB000  }
0x250: {  	[sflag:s15] =	ssyncset.done $0x0  }
0x251: {  	[sflag:s15] =	ssyncadd.s32 $0xFFFF5000  }
0x252: {  	_ =	sfence.sel $0x180000  }
0x253: {  	[bflag:$0x0] =	sbarrier.arrive $0xFFFF  }
0x254: {  	p0 =	sne.s32 s1, $0x0;
	_ =	strace $0x90000047  }
0x255: {  	s0 =	sadd.s32 @!p0 $0x100000, s0;
	[bflag:$0x2] =	sbarrier.arrive $0xFFFF  }
0x256: {  	[sflag:s0] =	ssyncadd.tile.s32 @!p0 $0x1;
	_ =	shalt  }
.Lfunc_end2:
_tile_overlayer_lowered:
.L_overlay_start_2:
0x257: {  	(tag) =	ssettag $0x2  }
0x258: {  	s0 =	rddreg [dreg:$0x0];
	s2 =	stileid.u32  }
0x259: {  	s1 =	rddreg [dreg:$0x1];
	p0 =	sne.s32 s2, $0x0  }
0x25a: {  	s3 =	rddreg [dreg:$0x2];
	[bflag:$0x3] =	sbarrier.arrive $0xFFFF;
	s2 =	simm.s32 @!p0 $0x1C03  }
0x25b: {  	[timem:s3], [sflag:s2] =	dma.local @!p0 [hbm:s0], s1  }
0x25c: {  	s0 =	simm.s32 @!p0 $0x3  }
0x25d: {  	_ =	swait.ge @!p0 [sflag:s0], s1  }
0x25e: {  	s1 =	ssub.s32 @!p0 $0x0, s1;
	[sflag:s0] =	ssyncset.done @!p0 $0x0  }
0x25f: {  	[sflag:s0] =	ssyncadd.s32 @!p0 s1  }
0x260: {  	[bflag:$0x3] =	sbarrier.arrive $0xFFFF  }
0x261: {  	_ =	shalt  }

</sc_bundles>
